<compile_context>
chip_gen: v7x
topology: tpu7x:2x2x1
jax: 0.10.2.dev20260603
libtpu: 0.0.44.dev20260713+nightly
codegen_flags: <defaults>
</compile_context>

<pallas_src>
import functools

import jax
import jax.numpy as jnp
from jax import lax
from jax.experimental import pallas as pl
from jax.experimental.pallas import tpu as pltpu
from jax.experimental.pallas import tpu_sc as plsc

N = 100000
E = 1600000
D = 16

CH = 128
SUP = 8
NSUP = 49
NW = 32
EPW = CH * SUP * NSUP
E_PAD = EPW * NW
G2 = E_PAD // CH

BE = 4096
GE = E_PAD // BE
BN = 4000
GN = N // BN

SP_ROWS = 100224
ZR = SP_ROWS // 16
NPR = N // 16

_mesh = plsc.VectorSubcoreMesh(core_axis_name="c", subcore_axis_name="s")
_sc_params = pltpu.CompilerParams(use_tc_tiling_on_sc=False, needs_layout_passes=False)



def _gather_body(table, srcr, dstr, ea4, xs3, xd3, eapk, sidx, didx, gs, gd, eabuf, pk1, sem):
    c = lax.axis_index("c")
    s = lax.axis_index("s")
    wid = s * 2 + c
    r0 = wid * (SUP * NSUP)

    def step(i, carry):
        row = r0 + i * SUP
        base = row * CH
        pltpu.sync_copy(srcr.at[pl.ds(row, SUP)], sidx)
        pltpu.sync_copy(dstr.at[pl.ds(row, SUP)], didx)
        pltpu.sync_copy(ea4.at[:, pl.ds(base, SUP * CH)], eabuf)
        cps = []
        for j in range(SUP):
            cps.append(pltpu.async_copy(table.at[sidx.at[j]], gs.at[j], sem))
            cps.append(pltpu.async_copy(table.at[didx.at[j]], gd.at[j], sem))
        lanes = lax.iota(jnp.int32, 16)
        for f in range(4):
            for v in range(SUP * CH // 16):
                vec = eabuf[f, pl.ds(16 * v, 16)]
                idx = lanes * 16 + (256 * v + f)
                plsc.store_scatter(pk1, [idx], vec)
        for cp in cps:
            cp.wait()
        pltpu.sync_copy(gs, xs3.at[pl.ds(row, SUP)])
        pltpu.sync_copy(gd, xd3.at[pl.ds(row, SUP)])
        pltpu.sync_copy(pk1, eapk.at[pl.ds(base * 16, SUP * CH * 16)])
        return carry

    lax.fori_loop(0, NSUP, step, 0)


_gather_call = pl.kernel(
    _gather_body,
    out_type=(
        jax.ShapeDtypeStruct((G2, CH, D), jnp.float32),
        jax.ShapeDtypeStruct((G2, CH, D), jnp.float32),
        jax.ShapeDtypeStruct((E_PAD * 16,), jnp.float32),
    ),
    mesh=_mesh,
    scratch_types=[
        pltpu.VMEM((SUP, CH), jnp.int32),
        pltpu.VMEM((SUP, CH), jnp.int32),
        pltpu.VMEM((SUP, CH, D), jnp.float32),
        pltpu.VMEM((SUP, CH, D), jnp.float32),
        pltpu.VMEM((4, SUP * CH), jnp.float32),
        pltpu.VMEM((SUP * CH * 16,), jnp.float32),
        pltpu.SemaphoreType.DMA,
    ],
    compiler_params=_sc_params,
)



def _scatter_body(mr, dstr, zer, agg2, idxb, vbuf, shared, sem):
    c = lax.axis_index("c")
    s = lax.axis_index("s")
    wid = s * 2 + c
    r0 = wid * (SUP * NSUP)

    pltpu.sync_copy(zer.at[pl.ds(s * ZR, ZR)], shared.at[pl.ds(s * ZR, ZR)])
    plsc.subcore_barrier()

    def step(i, carry):
        row = r0 + i * SUP
        pltpu.sync_copy(dstr.at[pl.ds(row, SUP)], idxb)
        pltpu.sync_copy(mr.at[pl.ds(row, SUP)], vbuf)
        for j in range(SUP):
            pltpu.sync_copy(vbuf.at[j], shared.at[idxb.at[j]], add=True)
        return carry

    lax.fori_loop(0, NSUP, step, 0)
    plsc.subcore_barrier()
    pltpu.sync_copy(shared.at[pl.ds(s * NPR, NPR)], agg2.at[c, pl.ds(s * NPR, NPR)])


_scatter_call = pl.kernel(
    _scatter_body,
    out_type=jax.ShapeDtypeStruct((2, N, 16), jnp.float32),
    mesh=_mesh,
    scratch_types=[
        pltpu.VMEM((SUP, CH), jnp.int32),
        pltpu.VMEM((SUP, CH, 16), jnp.float32),
        pltpu.VMEM_SHARED((SP_ROWS, 16), jnp.float32),
        pltpu.SemaphoreType.DMA,
    ],
    compiler_params=_sc_params,
)



def _edge_body(xs, xd, ea,
               ec_a, ec_b, ec_c, ec_b1, ec_w2, ec_b2, ec_w2d, ec_b2d,
               n1, n2, e1, e2,
               ph_a, ph_b, ph_c, ph_b1, ph_w2, ph_b2,
               w_o, mask_o, m_o):
    f32 = jnp.float32
    xs_ = xs[...]
    xd_ = xd[...]
    ea_ = ea[...]
    dot = functools.partial(jnp.dot, preferred_element_type=f32)
    h1 = jnp.maximum(dot(xs_, ec_a[...]) + dot(xd_, ec_b[...]) + dot(ea_, ec_c[...]) + ec_b1[...], 0.0)
    w = jax.nn.sigmoid(dot(h1, ec_w2[...]) + ec_b2[...])
    maskf = (w > 0.5).astype(f32)
    w128 = jax.nn.sigmoid(dot(h1, ec_w2d[...]) + ec_b2d[...])
    maskf128 = (w128 > 0.5).astype(f32)
    hs = jnp.maximum(dot(jnp.maximum(dot(xs_, n1[...]), 0.0), n2[...]), 0.0)
    hd = jnp.maximum(dot(jnp.maximum(dot(xd_, n1[...]), 0.0), n2[...]), 0.0)
    ehc = jnp.maximum(dot(jnp.maximum(dot(ea_, e1[...]), 0.0), e2[...]), 0.0)
    m1 = jnp.maximum(dot(hs, ph_a[...]) + dot(hd, ph_b[...]) + dot(ehc, ph_c[...]) + ph_b1[...], 0.0)
    m = (dot(m1, ph_w2[...]) + ph_b2[...]) * maskf128
    w_o[...] = w
    mask_o[...] = maskf
    m_o[...] = m


def _full_spec(a):
    nd = a.ndim
    return pl.BlockSpec(a.shape, lambda i, _nd=nd: (0,) * _nd)



def _node_body(x16, agg2,
               n1, n2,
               hh_a, hh_b, hh_b1, hh_w2, hh_b2,
               pb1, pbb1, pb2, pbb2, pb3, pbb3,
               pc1, pcb1, pc2, pcb2, pc3, pcb3,
               beta_o, h_o):
    f32 = jnp.float32
    dot = functools.partial(jnp.dot, preferred_element_type=f32)
    x_ = x16[...]
    agg = agg2[0] + agg2[1]
    h_hc = jnp.maximum(dot(jnp.maximum(dot(x_, n1[...]), 0.0), n2[...]), 0.0)
    hn1 = jnp.maximum(dot(h_hc, hh_a[...]) + dot(agg, hh_b[...]) + hh_b1[...], 0.0)
    h_new = dot(hn1, hh_w2[...]) + hh_b2[...]
    b = jnp.maximum(dot(h_new, pb1[...]) + pbb1[...], 0.0)
    b = jnp.maximum(dot(b, pb2[...]) + pbb2[...], 0.0)
    beta_o[...] = jax.nn.sigmoid(dot(b, pb3[...]) + pbb3[...]) + 1e-8
    cc = jnp.maximum(dot(h_new, pc1[...]) + pcb1[...], 0.0)
    cc = jnp.maximum(dot(cc, pc2[...]) + pcb2[...], 0.0)
    h_o[...] = dot(cc, pc3[...]) + pcb3[...]


def kernel(x, edge_attr, params, edge_index):
    p = params
    f32 = jnp.float32
    src = edge_index[0]
    dst = edge_index[1]

    x16 = jnp.pad(x, ((0, 0), (0, D - x.shape[1])))
    pad = E_PAD - E
    src_p = jnp.concatenate([src, jnp.zeros((pad,), jnp.int32)]).reshape(G2, CH)
    dst_g = jnp.concatenate([dst, jnp.zeros((pad,), jnp.int32)]).reshape(G2, CH)
    dst_s = jnp.concatenate([dst, jnp.full((pad,), N, jnp.int32)]).reshape(G2, CH)
    ea_t = jnp.pad(edge_attr.T, ((0, 0), (0, pad)))

    xs3, xd3, eapk = _gather_call(x16, src_p, dst_g, ea_t)
    xs = xs3.reshape(E_PAD * D // 128, 128)
    xd = xd3.reshape(E_PAD * D // 128, 128)
    ea_pk = eapk.reshape(E_PAD // 8, 128)

    z16 = jnp.zeros((D, 40), f32)
    ec_a = z16.at[:14].set(p['ec_w1'][:14])
    ec_b = z16.at[:14].set(p['ec_w1'][14:28])
    ec_c = jnp.zeros((16, 40), f32).at[:4].set(p['ec_w1'][28:32])
    n1 = z16.at[:14].set(p['nenc_w1'])
    ph_a = p['phie_w1'][:5]
    ph_b = p['phie_w1'][5:10]
    ph_c = p['phie_w1'][10:14]
    hh_a = p['phih_w1'][:5]
    hh_b = jnp.zeros((16, 40), f32).at[:4].set(p['phih_w1'][5:9])
    ph_w2_8 = jnp.zeros((40, 16), f32).at[:, :4].set(p['phie_w2'])
    ph_b2_8 = jnp.zeros((1, 16), f32).at[:, :4].set(p['phie_b2'].reshape(1, -1))
    r2 = lambda a: a.reshape(1, -1)
    i8 = jnp.eye(8, dtype=f32)
    bd = lambda a: jnp.kron(i8, a)
    t8 = lambda a: jnp.tile(a.reshape(1, -1), (1, 8))

    ew_ins = [bd(ec_a), bd(ec_b), bd(ec_c), t8(p['ec_b1']), bd(p['ec_w2']), t8(p['ec_b2']),
              bd(jnp.tile(p['ec_w2'], (1, 16))), jnp.tile(p['ec_b2'].reshape(1, 1), (1, 128)),
              bd(n1), bd(p['nenc_w2']), bd(jnp.zeros((16, 40), f32).at[:4].set(p['eenc_w1'])), bd(p['eenc_w2']),
              bd(ph_a), bd(ph_b), bd(ph_c), t8(p['phie_b1']), bd(ph_w2_8), t8(ph_b2_8)]
    w_full, maskf, m = pl.pallas_call(
        _edge_body,
        grid=(GE,),
        in_specs=[pl.BlockSpec((BE * D // 128, 128), lambda i: (i, 0)),
                  pl.BlockSpec((BE * D // 128, 128), lambda i: (i, 0)),
                  pl.BlockSpec((BE // 8, 128), lambda i: (i, 0))]
                 + [_full_spec(a) for a in ew_ins],
        out_specs=[pl.BlockSpec((BE // 8, 8), lambda i: (i, 0)),
                   pl.BlockSpec((BE // 8, 8), lambda i: (i, 0)),
                   pl.BlockSpec((BE // 8, 128), lambda i: (i, 0))],
        out_shape=[jax.ShapeDtypeStruct((E_PAD // 8, 8), f32),
                   jax.ShapeDtypeStruct((E_PAD // 8, 8), f32),
                   jax.ShapeDtypeStruct((E_PAD // 8, 128), f32)],
    )(xs, xd, ea_pk, *ew_ins)

    zer = jnp.zeros((SP_ROWS, 16), f32)
    agg2 = _scatter_call(m.reshape(G2, CH, 16), dst_s, zer)

    nw_ins = [n1, p['nenc_w2'],
              hh_a, hh_b, r2(p['phih_b1']), p['phih_w2'], r2(p['phih_b2']),
              p['pb_w1'], r2(p['pb_b1']), p['pb_w2'], r2(p['pb_b2']), p['pb_w3'], r2(p['pb_b3']),
              p['pc_w1'], r2(p['pc_b1']), p['pc_w2'], r2(p['pc_b2']), p['pc_w3'], r2(p['pc_b3'])]
    beta, H = pl.pallas_call(
        _node_body,
        grid=(GN,),
        in_specs=[pl.BlockSpec((BN, D), lambda i: (i, 0)),
                  pl.BlockSpec((2, BN, 16), lambda i: (0, i, 0))]
                 + [_full_spec(a) for a in nw_ins],
        out_specs=[pl.BlockSpec((BN, 1), lambda i: (i, 0)),
                   pl.BlockSpec((BN, 2), lambda i: (i, 0))],
        out_shape=[jax.ShapeDtypeStruct((N, 1), f32),
                   jax.ShapeDtypeStruct((N, 2), f32)],
    )(x16, agg2, *nw_ins)

    edge_weights = w_full.reshape(E_PAD, 1)[:E]
    edge_mask = maskf.reshape(E_PAD)[:E].astype(bool)
    hit_mask = jnp.ones((N,), bool)
    return (edge_weights, H, beta, hit_mask, edge_mask)

# --- scband reference (transcript-rebuilt; emitter-appended) ---
"""Pipeline reference for scband-modular-graph-tcn-18820546691084 (READ-ONLY COPY).

The authoritative reference and input builder live on the scoring server;
editing this copy changes nothing except your own understanding.
"""

import jax, jax.numpy as jnp
import numpy as np

N_NODES = 100000
N_EDGES = 1600000
NODE_INDIM = 14
EDGE_INDIM = 4
H_DIM = 5
E_DIM = 4
H_OUTDIM = 2
HIDDEN = 40
THRESHOLD = 0.5


def _lin(key, fi, fo):
    return jax.random.normal(key, (fi, fo), dtype=jnp.float32) / np.sqrt(fi)


def _make_params(key):
    ks = jax.random.split(key, 16)
    p = {}
    p['ec_w1'] = _lin(ks[0], 2 * NODE_INDIM + EDGE_INDIM, HIDDEN); p['ec_b1'] = jnp.zeros((HIDDEN,), jnp.float32)
    p['ec_w2'] = _lin(ks[1], HIDDEN, 1); p['ec_b2'] = jnp.zeros((1,), jnp.float32)
    p['nenc_w1'] = _lin(ks[2], NODE_INDIM, HIDDEN)
    p['nenc_w2'] = _lin(ks[3], HIDDEN, H_DIM)
    p['eenc_w1'] = _lin(ks[4], EDGE_INDIM, HIDDEN)
    p['eenc_w2'] = _lin(ks[5], HIDDEN, E_DIM)
    p['phie_w1'] = _lin(ks[6], 2 * H_DIM + E_DIM, HIDDEN); p['phie_b1'] = jnp.zeros((HIDDEN,), jnp.float32)
    p['phie_w2'] = _lin(ks[7], HIDDEN, E_DIM); p['phie_b2'] = jnp.zeros((E_DIM,), jnp.float32)
    p['phih_w1'] = _lin(ks[8], H_DIM + E_DIM, HIDDEN); p['phih_b1'] = jnp.zeros((HIDDEN,), jnp.float32)
    p['phih_w2'] = _lin(ks[9], HIDDEN, H_DIM); p['phih_b2'] = jnp.zeros((H_DIM,), jnp.float32)
    p['pb_w1'] = _lin(ks[10], H_DIM, HIDDEN); p['pb_b1'] = jnp.zeros((HIDDEN,), jnp.float32)
    p['pb_w2'] = _lin(ks[11], HIDDEN, HIDDEN); p['pb_b2'] = jnp.zeros((HIDDEN,), jnp.float32)
    p['pb_w3'] = _lin(ks[12], HIDDEN, 1); p['pb_b3'] = jnp.zeros((1,), jnp.float32)
    p['pc_w1'] = _lin(ks[13], H_DIM, HIDDEN); p['pc_b1'] = jnp.zeros((HIDDEN,), jnp.float32)
    p['pc_w2'] = _lin(ks[14], HIDDEN, HIDDEN); p['pc_b2'] = jnp.zeros((HIDDEN,), jnp.float32)
    p['pc_w3'] = _lin(ks[15], HIDDEN, H_OUTDIM); p['pc_b3'] = jnp.zeros((H_OUTDIM,), jnp.float32)
    return p


def setup_inputs(seed: int = 0):
    key = jax.random.key(seed)
    k1, k2, k3, k4 = jax.random.split(key, 4)
    x = jax.random.normal(k1, (N_NODES, NODE_INDIM), dtype=jnp.float32)
    edge_index = jax.random.randint(k2, (2, N_EDGES), 0, N_NODES, dtype=jnp.int32)
    edge_attr = jax.random.normal(k3, (N_EDGES, EDGE_INDIM), dtype=jnp.float32)
    params = _make_params(k4)
    return {'x': x, 'edge_attr': edge_attr, 'params': params, 'edge_index': edge_index}


def reference(x, edge_attr, params, edge_index):
    p = params
    src = edge_index[0]
    dst = edge_index[1]
    n = x.shape[0]
    # --- edge classifier (ec): W = sigmoid(MLP([x_src, x_dst, edge_attr])) ---
    ec_in = jnp.concatenate([jnp.take(x, src, axis=0), jnp.take(x, dst, axis=0), edge_attr], axis=1)
    h = jax.nn.relu(ec_in @ p['ec_w1'] + p['ec_b1'])
    W = jax.nn.sigmoid(h @ p['ec_w2'] + p['ec_b2'])  # [E, 1]
    edge_weights_unmasked = jax.lax.stop_gradient(W)  # .clone().detach()
    # edge_subgraph: drop edges with W <= threshold. Implemented as a 0/1 mask on
    # messages (mathematically identical aggregation, static shapes).
    edge_mask = W[:, 0] > THRESHOLD
    maskf = jax.lax.stop_gradient(edge_mask.astype(jnp.float32))[:, None]
    hit_mask = jnp.ones((n,), dtype=bool)  # mask_orphan_nodes=False
    # --- hc encoders (L=2 MLP no bias) followed by outer ReLU ---
    h_hc = jax.nn.relu(jax.nn.relu(x @ p['nenc_w1']) @ p['nenc_w2'])  # [N, 5]
    e_hc = jax.nn.relu(jax.nn.relu(edge_attr @ p['eenc_w1']) @ p['eenc_w2'])  # [E, 4]
    # --- hc_in: interaction network over surviving edges ---
    m_in = jnp.concatenate([jnp.take(h_hc, src, axis=0), jnp.take(h_hc, dst, axis=0), e_hc], axis=1)  # [E, 14]
    m = jax.nn.relu(m_in @ p['phie_w1'] + p['phie_b1']) @ p['phie_w2'] + p['phie_b2']  # [E, 4]
    m = m * maskf
    agg = jax.ops.segment_sum(m, dst, num_segments=n)  # [N, 4] scatter-add
    h_new = jax.nn.relu(jnp.concatenate([h_hc, agg], axis=1) @ p['phih_w1'] + p['phih_b1']) @ p['phih_w2'] + p['phih_b2']  # [N, 5]
    # --- p_beta (L=3 MLP) -> sigmoid + 1e-8 ---
    b = jax.nn.relu(h_new @ p['pb_w1'] + p['pb_b1'])
    b = jax.nn.relu(b @ p['pb_w2'] + p['pb_b2'])
    beta = jax.nn.sigmoid(b @ p['pb_w3'] + p['pb_b3']) + 1e-8  # [N, 1]
    # --- p_cluster (L=3 MLP) ---
    c = jax.nn.relu(h_new @ p['pc_w1'] + p['pc_b1'])
    c = jax.nn.relu(c @ p['pc_w2'] + p['pc_b2'])
    H = c @ p['pc_w3'] + p['pc_b3']  # [N, 2]
    return (edge_weights_unmasked, H, beta, hit_mask, edge_mask)


if False:  # reference __main__ guard neutralized (emitter)
    out = reference(**setup_inputs())
    for o in out:
        print(o.shape, o.dtype)

if __name__ == "__main__":
    import jax
    _d = setup_inputs()
    print(jax.jit(kernel)(*tuple(_d.values())))

</pallas_src>

<mosaic_0001>
#map = affine_map<(d0, d1) -> (0, 0, 0)>
#map1 = affine_map<(d0, d1) -> (0, 0)>
module attributes {stable_mosaic.version = 14 : i64} {
  func.func @_scatter_body(%arg0: i32, %arg1: i32, %arg2: memref<12544x128x16xf32, #tpu.memory_space<hbm>>, %arg3: memref<12544x128xi32, #tpu.memory_space<hbm>>, %arg4: memref<100224x16xf32, #tpu.memory_space<hbm>>, %arg5: memref<2x100000x16xf32, #tpu.memory_space<hbm>>, %arg6: memref<8x128xi32, #tpu.memory_space<vmem>>, %arg7: memref<8x128x16xf32, #tpu.memory_space<vmem>>, %arg8: memref<100224x16xf32, #tpu.memory_space<vmem_shared>>, %arg9: memref<!tpu.dma_semaphore, #tpu.memory_space<semaphore_mem>>) attributes {dimension_semantics = [#tpu.dimension_semantics<core_parallel>, #tpu.dimension_semantics<subcore_parallel>], iteration_bounds = array<i64: 2, 16>, scalar_prefetch = 0 : i64, scratch_operands = 4 : i64, tpu.core_type = #tpu.core_type<sc_vector_subcore>, window_params = [{transform_indices = #map}, {transform_indices = #map1}, {transform_indices = #map1}, {transform_indices = #map}]} {
    %mul3A = arith.constant 2 : i32
    %mul3A_0 = arith.muli %arg1, %mul3A : i32
    %add3A = arith.addi %mul3A_0, %arg0 : i32
    %mul3A_1 = arith.constant 392 : i32
    %mul3A_2 = arith.muli %add3A, %mul3A_1 : i32
    %mul3A_3 = arith.constant 6264 : i32
    %mul3A_4 = arith.muli %arg1, %mul3A_3 : i32
    %mul3A_5 = arith.constant 6264 : i32
    %mul3A_6 = arith.muli %arg1, %mul3A_5 : i32
    "tpu.region"() ({
      %run_scoped3A = tpu.sem_alloc : memref<!tpu.dma_semaphore, #tpu.memory_space<semaphore_mem>>
      %dma_start3A = arith.constant 0 : i32
      %dma_start3A_17 = tpu.memref_slice %arg8[%mul3A_6, %dma_start3A] : memref<100224x16xf32, #tpu.memory_space<vmem_shared>> -> memref<6264x16xf32, #tpu.memory_space<vmem_shared>>
      %dma_start3A_18 = arith.constant 0 : i32
      %dma_start3A_19 = tpu.memref_slice %arg4[%mul3A_4, %dma_start3A_18] : memref<100224x16xf32, #tpu.memory_space<hbm>> -> memref<6264x16xf32, #tpu.memory_space<hbm>>
      tpu.enqueue_dma source(%dma_start3A_19 : memref<6264x16xf32, #tpu.memory_space<hbm>>) target(%dma_start3A_17 : memref<6264x16xf32, #tpu.memory_space<vmem_shared>>) target_semaphore(%run_scoped3A : memref<!tpu.dma_semaphore, #tpu.memory_space<semaphore_mem>>)
      %dma_wait3A = arith.constant 0 : i32
      %dma_wait3A_20 = tpu.memref_slice %arg8[%mul3A_6, %dma_wait3A] : memref<100224x16xf32, #tpu.memory_space<vmem_shared>> -> memref<6264x16xf32, #tpu.memory_space<vmem_shared>>
      %dma_wait3A_21 = arith.constant 0 : i32
      %dma_wait3A_22 = tpu.memref_slice %arg4[%mul3A_4, %dma_wait3A_21] : memref<100224x16xf32, #tpu.memory_space<hbm>> -> memref<6264x16xf32, #tpu.memory_space<hbm>>
      tpu.wait_dma2 semaphore(%run_scoped3A : memref<!tpu.dma_semaphore, #tpu.memory_space<semaphore_mem>>) src(%dma_wait3A_22 : memref<6264x16xf32, #tpu.memory_space<hbm>>) dst(%dma_wait3A_20 : memref<6264x16xf32, #tpu.memory_space<vmem_shared>>)
      tpu.yield
    }) : () -> ()
    %barrier3A = arith.constant 0 : index
    tpu.barrier barrier_id(%barrier3A)
    %scan3A = arith.constant 0 : i32
    %scan3A_7 = arith.constant 0 : i32
    %scan3A_8 = arith.constant 49 : i32
    %scan3A_9 = arith.addi %scan3A_7, %scan3A_8 : i32
    %scan3A_10 = arith.constant 1 : i32
    scf.for %scan3A_17 = %scan3A_7 to %scan3A_9 step %scan3A_10  : i32 {
      %mul3A_18 = arith.constant 8 : i32
      %mul3A_19 = arith.muli %scan3A_17, %mul3A_18 : i32
      %add3A_20 = arith.addi %mul3A_2, %mul3A_19 : i32
      "tpu.region"() ({
        %run_scoped3A_36 = tpu.sem_alloc : memref<!tpu.dma_semaphore, #tpu.memory_space<semaphore_mem>>
        %dma_start3A = arith.constant 0 : i32
        %dma_start3A_37 = tpu.memref_slice %arg3[%add3A_20, %dma_start3A] : memref<12544x128xi32, #tpu.memory_space<hbm>> -> memref<8x128xi32, #tpu.memory_space<hbm>>
        %dma_start3A_38 = arith.constant 0 : i32
        %dma_start3A_39 = tpu.memref_slice %arg3[%add3A_20, %dma_start3A_38] : memref<12544x128xi32, #tpu.memory_space<hbm>> -> memref<8x128xi32, #tpu.memory_space<hbm>>
        tpu.enqueue_dma source(%dma_start3A_39 : memref<8x128xi32, #tpu.memory_space<hbm>>) target(%arg6 : memref<8x128xi32, #tpu.memory_space<vmem>>) target_semaphore(%run_scoped3A_36 : memref<!tpu.dma_semaphore, #tpu.memory_space<semaphore_mem>>)
        %dma_wait3A = arith.constant 0 : i32
        %dma_wait3A_40 = tpu.memref_slice %arg3[%add3A_20, %dma_wait3A] : memref<12544x128xi32, #tpu.memory_space<hbm>> -> memref<8x128xi32, #tpu.memory_space<hbm>>
        %dma_wait3A_41 = arith.constant 0 : i32
        %dma_wait3A_42 = tpu.memref_slice %arg3[%add3A_20, %dma_wait3A_41] : memref<12544x128xi32, #tpu.memory_space<hbm>> -> memref<8x128xi32, #tpu.memory_space<hbm>>
        tpu.wait_dma2 semaphore(%run_scoped3A_36 : memref<!tpu.dma_semaphore, #tpu.memory_space<semaphore_mem>>) src(%dma_wait3A_42 : memref<8x128xi32, #tpu.memory_space<hbm>>) dst(%arg6 : memref<8x128xi32, #tpu.memory_space<vmem>>)
        tpu.yield
      }) : () -> ()
      "tpu.region"() ({
        %run_scoped3A_36 = tpu.sem_alloc : memref<!tpu.dma_semaphore, #tpu.memory_space<semaphore_mem>>
        %dma_start3A = arith.constant 0 : i32
        %dma_start3A_37 = arith.constant 0 : i32
        %dma_start3A_38 = tpu.memref_slice %arg2[%add3A_20, %dma_start3A, %dma_start3A_37] : memref<12544x128x16xf32, #tpu.memory_space<hbm>> -> memref<8x128x16xf32, #tpu.memory_space<hbm>>
        %dma_start3A_39 = arith.constant 0 : i32
        %dma_start3A_40 = arith.constant 0 : i32
        %dma_start3A_41 = tpu.memref_slice %arg2[%add3A_20, %dma_start3A_39, %dma_start3A_40] : memref<12544x128x16xf32, #tpu.memory_space<hbm>> -> memref<8x128x16xf32, #tpu.memory_space<hbm>>
        tpu.enqueue_dma source(%dma_start3A_41 : memref<8x128x16xf32, #tpu.memory_space<hbm>>) target(%arg7 : memref<8x128x16xf32, #tpu.memory_space<vmem>>) target_semaphore(%run_scoped3A_36 : memref<!tpu.dma_semaphore, #tpu.memory_space<semaphore_mem>>)
        %dma_wait3A = arith.constant 0 : i32
        %dma_wait3A_42 = arith.constant 0 : i32
        %dma_wait3A_43 = tpu.memref_slice %arg2[%add3A_20, %dma_wait3A, %dma_wait3A_42] : memref<12544x128x16xf32, #tpu.memory_space<hbm>> -> memref<8x128x16xf32, #tpu.memory_space<hbm>>
        %dma_wait3A_44 = arith.constant 0 : i32
        %dma_wait3A_45 = arith.constant 0 : i32
        %dma_wait3A_46 = tpu.memref_slice %arg2[%add3A_20, %dma_wait3A_44, %dma_wait3A_45] : memref<12544x128x16xf32, #tpu.memory_space<hbm>> -> memref<8x128x16xf32, #tpu.memory_space<hbm>>
        tpu.wait_dma2 semaphore(%run_scoped3A_36 : memref<!tpu.dma_semaphore, #tpu.memory_space<semaphore_mem>>) src(%dma_wait3A_46 : memref<8x128x16xf32, #tpu.memory_space<hbm>>) dst(%arg7 : memref<8x128x16xf32, #tpu.memory_space<vmem>>)
        tpu.yield
      }) : () -> ()
      %run_scoped3A = arith.constant 0 : i32
      %run_scoped3A_21 = arith.constant 0 : i32
      "tpu.region"() ({
        %run_scoped3A_36 = tpu.sem_alloc : memref<!tpu.dma_semaphore, #tpu.memory_space<semaphore_mem>>
        %dma_start3A = arith.constant 0 : i32
        %dma_start3A_37 = arith.constant 0 : i32
        %dma_start3A_38 = tpu.memref_slice %arg7[%run_scoped3A, %dma_start3A, %dma_start3A_37] : memref<8x128x16xf32, #tpu.memory_space<vmem>> -> memref<1x128x16xf32, #tpu.memory_space<vmem>>
        %dma_start3A_39 = tpu.memref_squeeze %dma_start3A_38 : memref<1x128x16xf32, #tpu.memory_space<vmem>> -> memref<128x16xf32, #tpu.memory_space<vmem>>
        %dma_start3A_40 = arith.constant 0 : i32
        %dma_start3A_41 = tpu.memref_slice %arg6[%run_scoped3A_21, %dma_start3A_40] : memref<8x128xi32, #tpu.memory_space<vmem>> -> memref<1x128xi32, #tpu.memory_space<vmem>>
        %dma_start3A_42 = tpu.memref_squeeze %dma_start3A_41 : memref<1x128xi32, #tpu.memory_space<vmem>> -> memref<128xi32, #tpu.memory_space<vmem>>
        %dma_start3A_43 = arith.constant 0 : i32
        %dma_start3A_44 = arith.constant 0 : i32
        %dma_start3A_45 = tpu.memref_slice %arg8[%dma_start3A_43, %dma_start3A_44] : memref<100224x16xf32, #tpu.memory_space<vmem_shared>> -> memref<100224x16xf32, #tpu.memory_space<vmem_shared>>
        tpu.enqueue_indirect_dma source(%dma_start3A_39 : memref<128x16xf32, #tpu.memory_space<vmem>>) target(%dma_start3A_45 : memref<100224x16xf32, #tpu.memory_space<vmem_shared>>) offsets(%dma_start3A_42 : memref<128xi32, #tpu.memory_space<vmem>>) semaphore(%run_scoped3A_36 : memref<!tpu.dma_semaphore, #tpu.memory_space<semaphore_mem>>) {add = true}
        %dma_wait3A = arith.constant 0 : i32
        %dma_wait3A_46 = arith.constant 0 : i32
        %dma_wait3A_47 = tpu.memref_slice %arg7[%run_scoped3A, %dma_wait3A, %dma_wait3A_46] : memref<8x128x16xf32, #tpu.memory_space<vmem>> -> memref<1x128x16xf32, #tpu.memory_space<vmem>>
        %dma_wait3A_48 = tpu.memref_squeeze %dma_wait3A_47 : memref<1x128x16xf32, #tpu.memory_space<vmem>> -> memref<128x16xf32, #tpu.memory_space<vmem>>
        %dma_wait3A_49 = arith.constant 0 : i32
        %dma_wait3A_50 = tpu.memref_slice %arg6[%run_scoped3A_21, %dma_wait3A_49] : memref<8x128xi32, #tpu.memory_space<vmem>> -> memref<1x128xi32, #tpu.memory_space<vmem>>
        %dma_wait3A_51 = tpu.memref_squeeze %dma_wait3A_50 : memref<1x128xi32, #tpu.memory_space<vmem>> -> memref<128xi32, #tpu.memory_space<vmem>>
        %dma_wait3A_52 = arith.constant 0 : i32
        %dma_wait3A_53 = arith.constant 0 : i32
        %dma_wait3A_54 = tpu.memref_slice %arg8[%dma_wait3A_52, %dma_wait3A_53] : memref<100224x16xf32, #tpu.memory_space<vmem_shared>> -> memref<100224x16xf32, #tpu.memory_space<vmem_shared>>
        tpu.wait_indirect_dma semaphore(%run_scoped3A_36 : memref<!tpu.dma_semaphore, #tpu.memory_space<semaphore_mem>>) src(%dma_wait3A_48 : memref<128x16xf32, #tpu.memory_space<vmem>>) dst(%dma_wait3A_54 : memref<100224x16xf32, #tpu.memory_space<vmem_shared>>)
        tpu.yield
      }) : () -> ()
      %run_scoped3A_22 = arith.constant 1 : i32
      %run_scoped3A_23 = arith.constant 1 : i32
      "tpu.region"() ({
        %run_scoped3A_36 = tpu.sem_alloc : memref<!tpu.dma_semaphore, #tpu.memory_space<semaphore_mem>>
        %dma_start3A = arith.constant 0 : i32
        %dma_start3A_37 = arith.constant 0 : i32
        %dma_start3A_38 = tpu.memref_slice %arg7[%run_scoped3A_22, %dma_start3A, %dma_start3A_37] : memref<8x128x16xf32, #tpu.memory_space<vmem>> -> memref<1x128x16xf32, #tpu.memory_space<vmem>>
        %dma_start3A_39 = tpu.memref_squeeze %dma_start3A_38 : memref<1x128x16xf32, #tpu.memory_space<vmem>> -> memref<128x16xf32, #tpu.memory_space<vmem>>
        %dma_start3A_40 = arith.constant 0 : i32
        %dma_start3A_41 = tpu.memref_slice %arg6[%run_scoped3A_23, %dma_start3A_40] : memref<8x128xi32, #tpu.memory_space<vmem>> -> memref<1x128xi32, #tpu.memory_space<vmem>>
        %dma_start3A_42 = tpu.memref_squeeze %dma_start3A_41 : memref<1x128xi32, #tpu.memory_space<vmem>> -> memref<128xi32, #tpu.memory_space<vmem>>
        %dma_start3A_43 = arith.constant 0 : i32
        %dma_start3A_44 = arith.constant 0 : i32
        %dma_start3A_45 = tpu.memref_slice %arg8[%dma_start3A_43, %dma_start3A_44] : memref<100224x16xf32, #tpu.memory_space<vmem_shared>> -> memref<100224x16xf32, #tpu.memory_space<vmem_shared>>
        tpu.enqueue_indirect_dma source(%dma_start3A_39 : memref<128x16xf32, #tpu.memory_space<vmem>>) target(%dma_start3A_45 : memref<100224x16xf32, #tpu.memory_space<vmem_shared>>) offsets(%dma_start3A_42 : memref<128xi32, #tpu.memory_space<vmem>>) semaphore(%run_scoped3A_36 : memref<!tpu.dma_semaphore, #tpu.memory_space<semaphore_mem>>) {add = true}
        %dma_wait3A = arith.constant 0 : i32
        %dma_wait3A_46 = arith.constant 0 : i32
        %dma_wait3A_47 = tpu.memref_slice %arg7[%run_scoped3A_22, %dma_wait3A, %dma_wait3A_46] : memref<8x128x16xf32, #tpu.memory_space<vmem>> -> memref<1x128x16xf32, #tpu.memory_space<vmem>>
        %dma_wait3A_48 = tpu.memref_squeeze %dma_wait3A_47 : memref<1x128x16xf32, #tpu.memory_space<vmem>> -> memref<128x16xf32, #tpu.memory_space<vmem>>
        %dma_wait3A_49 = arith.constant 0 : i32
        %dma_wait3A_50 = tpu.memref_slice %arg6[%run_scoped3A_23, %dma_wait3A_49] : memref<8x128xi32, #tpu.memory_space<vmem>> -> memref<1x128xi32, #tpu.memory_space<vmem>>
        %dma_wait3A_51 = tpu.memref_squeeze %dma_wait3A_50 : memref<1x128xi32, #tpu.memory_space<vmem>> -> memref<128xi32, #tpu.memory_space<vmem>>
        %dma_wait3A_52 = arith.constant 0 : i32
        %dma_wait3A_53 = arith.constant 0 : i32
        %dma_wait3A_54 = tpu.memref_slice %arg8[%dma_wait3A_52, %dma_wait3A_53] : memref<100224x16xf32, #tpu.memory_space<vmem_shared>> -> memref<100224x16xf32, #tpu.memory_space<vmem_shared>>
        tpu.wait_indirect_dma semaphore(%run_scoped3A_36 : memref<!tpu.dma_semaphore, #tpu.memory_space<semaphore_mem>>) src(%dma_wait3A_48 : memref<128x16xf32, #tpu.memory_space<vmem>>) dst(%dma_wait3A_54 : memref<100224x16xf32, #tpu.memory_space<vmem_shared>>)
        tpu.yield
      }) : () -> ()
      %run_scoped3A_24 = arith.constant 2 : i32
      %run_scoped3A_25 = arith.constant 2 : i32
      "tpu.region"() ({
        %run_scoped3A_36 = tpu.sem_alloc : memref<!tpu.dma_semaphore, #tpu.memory_space<semaphore_mem>>
        %dma_start3A = arith.constant 0 : i32
        %dma_start3A_37 = arith.constant 0 : i32
        %dma_start3A_38 = tpu.memref_slice %arg7[%run_scoped3A_24, %dma_start3A, %dma_start3A_37] : memref<8x128x16xf32, #tpu.memory_space<vmem>> -> memref<1x128x16xf32, #tpu.memory_space<vmem>>
        %dma_start3A_39 = tpu.memref_squeeze %dma_start3A_38 : memref<1x128x16xf32, #tpu.memory_space<vmem>> -> memref<128x16xf32, #tpu.memory_space<vmem>>
        %dma_start3A_40 = arith.constant 0 : i32
        %dma_start3A_41 = tpu.memref_slice %arg6[%run_scoped3A_25, %dma_start3A_40] : memref<8x128xi32, #tpu.memory_space<vmem>> -> memref<1x128xi32, #tpu.memory_space<vmem>>
        %dma_start3A_42 = tpu.memref_squeeze %dma_start3A_41 : memref<1x128xi32, #tpu.memory_space<vmem>> -> memref<128xi32, #tpu.memory_space<vmem>>
        %dma_start3A_43 = arith.constant 0 : i32
        %dma_start3A_44 = arith.constant 0 : i32
        %dma_start3A_45 = tpu.memref_slice %arg8[%dma_start3A_43, %dma_start3A_44] : memref<100224x16xf32, #tpu.memory_space<vmem_shared>> -> memref<100224x16xf32, #tpu.memory_space<vmem_shared>>
        tpu.enqueue_indirect_dma source(%dma_start3A_39 : memref<128x16xf32, #tpu.memory_space<vmem>>) target(%dma_start3A_45 : memref<100224x16xf32, #tpu.memory_space<vmem_shared>>) offsets(%dma_start3A_42 : memref<128xi32, #tpu.memory_space<vmem>>) semaphore(%run_scoped3A_36 : memref<!tpu.dma_semaphore, #tpu.memory_space<semaphore_mem>>) {add = true}
        %dma_wait3A = arith.constant 0 : i32
        %dma_wait3A_46 = arith.constant 0 : i32
        %dma_wait3A_47 = tpu.memref_slice %arg7[%run_scoped3A_24, %dma_wait3A, %dma_wait3A_46] : memref<8x128x16xf32, #tpu.memory_space<vmem>> -> memref<1x128x16xf32, #tpu.memory_space<vmem>>
        %dma_wait3A_48 = tpu.memref_squeeze %dma_wait3A_47 : memref<1x128x16xf32, #tpu.memory_space<vmem>> -> memref<128x16xf32, #tpu.memory_space<vmem>>
        %dma_wait3A_49 = arith.constant 0 : i32
        %dma_wait3A_50 = tpu.memref_slice %arg6[%run_scoped3A_25, %dma_wait3A_49] : memref<8x128xi32, #tpu.memory_space<vmem>> -> memref<1x128xi32, #tpu.memory_space<vmem>>
        %dma_wait3A_51 = tpu.memref_squeeze %dma_wait3A_50 : memref<1x128xi32, #tpu.memory_space<vmem>> -> memref<128xi32, #tpu.memory_space<vmem>>
        %dma_wait3A_52 = arith.constant 0 : i32
        %dma_wait3A_53 = arith.constant 0 : i32
        %dma_wait3A_54 = tpu.memref_slice %arg8[%dma_wait3A_52, %dma_wait3A_53] : memref<100224x16xf32, #tpu.memory_space<vmem_shared>> -> memref<100224x16xf32, #tpu.memory_space<vmem_shared>>
        tpu.wait_indirect_dma semaphore(%run_scoped3A_36 : memref<!tpu.dma_semaphore, #tpu.memory_space<semaphore_mem>>) src(%dma_wait3A_48 : memref<128x16xf32, #tpu.memory_space<vmem>>) dst(%dma_wait3A_54 : memref<100224x16xf32, #tpu.memory_space<vmem_shared>>)
        tpu.yield
      }) : () -> ()
      %run_scoped3A_26 = arith.constant 3 : i32
      %run_scoped3A_27 = arith.constant 3 : i32
      "tpu.region"() ({
        %run_scoped3A_36 = tpu.sem_alloc : memref<!tpu.dma_semaphore, #tpu.memory_space<semaphore_mem>>
        %dma_start3A = arith.constant 0 : i32
        %dma_start3A_37 = arith.constant 0 : i32
        %dma_start3A_38 = tpu.memref_slice %arg7[%run_scoped3A_26, %dma_start3A, %dma_start3A_37] : memref<8x128x16xf32, #tpu.memory_space<vmem>> -> memref<1x128x16xf32, #tpu.memory_space<vmem>>
        %dma_start3A_39 = tpu.memref_squeeze %dma_start3A_38 : memref<1x128x16xf32, #tpu.memory_space<vmem>> -> memref<128x16xf32, #tpu.memory_space<vmem>>
        %dma_start3A_40 = arith.constant 0 : i32
        %dma_start3A_41 = tpu.memref_slice %arg6[%run_scoped3A_27, %dma_start3A_40] : memref<8x128xi32, #tpu.memory_space<vmem>> -> memref<1x128xi32, #tpu.memory_space<vmem>>
        %dma_start3A_42 = tpu.memref_squeeze %dma_start3A_41 : memref<1x128xi32, #tpu.memory_space<vmem>> -> memref<128xi32, #tpu.memory_space<vmem>>
        %dma_start3A_43 = arith.constant 0 : i32
        %dma_start3A_44 = arith.constant 0 : i32
        %dma_start3A_45 = tpu.memref_slice %arg8[%dma_start3A_43, %dma_start3A_44] : memref<100224x16xf32, #tpu.memory_space<vmem_shared>> -> memref<100224x16xf32, #tpu.memory_space<vmem_shared>>
        tpu.enqueue_indirect_dma source(%dma_start3A_39 : memref<128x16xf32, #tpu.memory_space<vmem>>) target(%dma_start3A_45 : memref<100224x16xf32, #tpu.memory_space<vmem_shared>>) offsets(%dma_start3A_42 : memref<128xi32, #tpu.memory_space<vmem>>) semaphore(%run_scoped3A_36 : memref<!tpu.dma_semaphore, #tpu.memory_space<semaphore_mem>>) {add = true}
        %dma_wait3A = arith.constant 0 : i32
        %dma_wait3A_46 = arith.constant 0 : i32
        %dma_wait3A_47 = tpu.memref_slice %arg7[%run_scoped3A_26, %dma_wait3A, %dma_wait3A_46] : memref<8x128x16xf32, #tpu.memory_space<vmem>> -> memref<1x128x16xf32, #tpu.memory_space<vmem>>
        %dma_wait3A_48 = tpu.memref_squeeze %dma_wait3A_47 : memref<1x128x16xf32, #tpu.memory_space<vmem>> -> memref<128x16xf32, #tpu.memory_space<vmem>>
        %dma_wait3A_49 = arith.constant 0 : i32
        %dma_wait3A_50 = tpu.memref_slice %arg6[%run_scoped3A_27, %dma_wait3A_49] : memref<8x128xi32, #tpu.memory_space<vmem>> -> memref<1x128xi32, #tpu.memory_space<vmem>>
        %dma_wait3A_51 = tpu.memref_squeeze %dma_wait3A_50 : memref<1x128xi32, #tpu.memory_space<vmem>> -> memref<128xi32, #tpu.memory_space<vmem>>
        %dma_wait3A_52 = arith.constant 0 : i32
        %dma_wait3A_53 = arith.constant 0 : i32
        %dma_wait3A_54 = tpu.memref_slice %arg8[%dma_wait3A_52, %dma_wait3A_53] : memref<100224x16xf32, #tpu.memory_space<vmem_shared>> -> memref<100224x16xf32, #tpu.memory_space<vmem_shared>>
        tpu.wait_indirect_dma semaphore(%run_scoped3A_36 : memref<!tpu.dma_semaphore, #tpu.memory_space<semaphore_mem>>) src(%dma_wait3A_48 : memref<128x16xf32, #tpu.memory_space<vmem>>) dst(%dma_wait3A_54 : memref<100224x16xf32, #tpu.memory_space<vmem_shared>>)
        tpu.yield
      }) : () -> ()
      %run_scoped3A_28 = arith.constant 4 : i32
      %run_scoped3A_29 = arith.constant 4 : i32
      "tpu.region"() ({
        %run_scoped3A_36 = tpu.sem_alloc : memref<!tpu.dma_semaphore, #tpu.memory_space<semaphore_mem>>
        %dma_start3A = arith.constant 0 : i32
        %dma_start3A_37 = arith.constant 0 : i32
        %dma_start3A_38 = tpu.memref_slice %arg7[%run_scoped3A_28, %dma_start3A, %dma_start3A_37] : memref<8x128x16xf32, #tpu.memory_space<vmem>> -> memref<1x128x16xf32, #tpu.memory_space<vmem>>
        %dma_start3A_39 = tpu.memref_squeeze %dma_start3A_38 : memref<1x128x16xf32, #tpu.memory_space<vmem>> -> memref<128x16xf32, #tpu.memory_space<vmem>>
        %dma_start3A_40 = arith.constant 0 : i32
        %dma_start3A_41 = tpu.memref_slice %arg6[%run_scoped3A_29, %dma_start3A_40] : memref<8x128xi32, #tpu.memory_space<vmem>> -> memref<1x128xi32, #tpu.memory_space<vmem>>
        %dma_start3A_42 = tpu.memref_squeeze %dma_start3A_41 : memref<1x128xi32, #tpu.memory_space<vmem>> -> memref<128xi32, #tpu.memory_space<vmem>>
        %dma_start3A_43 = arith.constant 0 : i32
        %dma_start3A_44 = arith.constant 0 : i32
        %dma_start3A_45 = tpu.memref_slice %arg8[%dma_start3A_43, %dma_start3A_44] : memref<100224x16xf32, #tpu.memory_space<vmem_shared>> -> memref<100224x16xf32, #tpu.memory_space<vmem_shared>>
        tpu.enqueue_indirect_dma source(%dma_start3A_39 : memref<128x16xf32, #tpu.memory_space<vmem>>) target(%dma_start3A_45 : memref<100224x16xf32, #tpu.memory_space<vmem_shared>>) offsets(%dma_start3A_42 : memref<128xi32, #tpu.memory_space<vmem>>) semaphore(%run_scoped3A_36 : memref<!tpu.dma_semaphore, #tpu.memory_space<semaphore_mem>>) {add = true}
        %dma_wait3A = arith.constant 0 : i32
        %dma_wait3A_46 = arith.constant 0 : i32
        %dma_wait3A_47 = tpu.memref_slice %arg7[%run_scoped3A_28, %dma_wait3A, %dma_wait3A_46] : memref<8x128x16xf32, #tpu.memory_space<vmem>> -> memref<1x128x16xf32, #tpu.memory_space<vmem>>
        %dma_wait3A_48 = tpu.memref_squeeze %dma_wait3A_47 : memref<1x128x16xf32, #tpu.memory_space<vmem>> -> memref<128x16xf32, #tpu.memory_space<vmem>>
        %dma_wait3A_49 = arith.constant 0 : i32
        %dma_wait3A_50 = tpu.memref_slice %arg6[%run_scoped3A_29, %dma_wait3A_49] : memref<8x128xi32, #tpu.memory_space<vmem>> -> memref<1x128xi32, #tpu.memory_space<vmem>>
        %dma_wait3A_51 = tpu.memref_squeeze %dma_wait3A_50 : memref<1x128xi32, #tpu.memory_space<vmem>> -> memref<128xi32, #tpu.memory_space<vmem>>
        %dma_wait3A_52 = arith.constant 0 : i32
        %dma_wait3A_53 = arith.constant 0 : i32
        %dma_wait3A_54 = tpu.memref_slice %arg8[%dma_wait3A_52, %dma_wait3A_53] : memref<100224x16xf32, #tpu.memory_space<vmem_shared>> -> memref<100224x16xf32, #tpu.memory_space<vmem_shared>>
        tpu.wait_indirect_dma semaphore(%run_scoped3A_36 : memref<!tpu.dma_semaphore, #tpu.memory_space<semaphore_mem>>) src(%dma_wait3A_48 : memref<128x16xf32, #tpu.memory_space<vmem>>) dst(%dma_wait3A_54 : memref<100224x16xf32, #tpu.memory_space<vmem_shared>>)
        tpu.yield
      }) : () -> ()
      %run_scoped3A_30 = arith.constant 5 : i32
      %run_scoped3A_31 = arith.constant 5 : i32
      "tpu.region"() ({
        %run_scoped3A_36 = tpu.sem_alloc : memref<!tpu.dma_semaphore, #tpu.memory_space<semaphore_mem>>
        %dma_start3A = arith.constant 0 : i32
        %dma_start3A_37 = arith.constant 0 : i32
        %dma_start3A_38 = tpu.memref_slice %arg7[%run_scoped3A_30, %dma_start3A, %dma_start3A_37] : memref<8x128x16xf32, #tpu.memory_space<vmem>> -> memref<1x128x16xf32, #tpu.memory_space<vmem>>
        %dma_start3A_39 = tpu.memref_squeeze %dma_start3A_38 : memref<1x128x16xf32, #tpu.memory_space<vmem>> -> memref<128x16xf32, #tpu.memory_space<vmem>>
        %dma_start3A_40 = arith.constant 0 : i32
        %dma_start3A_41 = tpu.memref_slice %arg6[%run_scoped3A_31, %dma_start3A_40] : memref<8x128xi32, #tpu.memory_space<vmem>> -> memref<1x128xi32, #tpu.memory_space<vmem>>
        %dma_start3A_42 = tpu.memref_squeeze %dma_start3A_41 : memref<1x128xi32, #tpu.memory_space<vmem>> -> memref<128xi32, #tpu.memory_space<vmem>>
        %dma_start3A_43 = arith.constant 0 : i32
        %dma_start3A_44 = arith.constant 0 : i32
        %dma_start3A_45 = tpu.memref_slice %arg8[%dma_start3A_43, %dma_start3A_44] : memref<100224x16xf32, #tpu.memory_space<vmem_shared>> -> memref<100224x16xf32, #tpu.memory_space<vmem_shared>>
        tpu.enqueue_indirect_dma source(%dma_start3A_39 : memref<128x16xf32, #tpu.memory_space<vmem>>) target(%dma_start3A_45 : memref<100224x16xf32, #tpu.memory_space<vmem_shared>>) offsets(%dma_start3A_42 : memref<128xi32, #tpu.memory_space<vmem>>) semaphore(%run_scoped3A_36 : memref<!tpu.dma_semaphore, #tpu.memory_space<semaphore_mem>>) {add = true}
        %dma_wait3A = arith.constant 0 : i32
        %dma_wait3A_46 = arith.constant 0 : i32
        %dma_wait3A_47 = tpu.memref_slice %arg7[%run_scoped3A_30, %dma_wait3A, %dma_wait3A_46] : memref<8x128x16xf32, #tpu.memory_space<vmem>> -> memref<1x128x16xf32, #tpu.memory_space<vmem>>
        %dma_wait3A_48 = tpu.memref_squeeze %dma_wait3A_47 : memref<1x128x16xf32, #tpu.memory_space<vmem>> -> memref<128x16xf32, #tpu.memory_space<vmem>>
        %dma_wait3A_49 = arith.constant 0 : i32
        %dma_wait3A_50 = tpu.memref_slice %arg6[%run_scoped3A_31, %dma_wait3A_49] : memref<8x128xi32, #tpu.memory_space<vmem>> -> memref<1x128xi32, #tpu.memory_space<vmem>>
        %dma_wait3A_51 = tpu.memref_squeeze %dma_wait3A_50 : memref<1x128xi32, #tpu.memory_space<vmem>> -> memref<128xi32, #tpu.memory_space<vmem>>
        %dma_wait3A_52 = arith.constant 0 : i32
        %dma_wait3A_53 = arith.constant 0 : i32
        %dma_wait3A_54 = tpu.memref_slice %arg8[%dma_wait3A_52, %dma_wait3A_53] : memref<100224x16xf32, #tpu.memory_space<vmem_shared>> -> memref<100224x16xf32, #tpu.memory_space<vmem_shared>>
        tpu.wait_indirect_dma semaphore(%run_scoped3A_36 : memref<!tpu.dma_semaphore, #tpu.memory_space<semaphore_mem>>) src(%dma_wait3A_48 : memref<128x16xf32, #tpu.memory_space<vmem>>) dst(%dma_wait3A_54 : memref<100224x16xf32, #tpu.memory_space<vmem_shared>>)
        tpu.yield
      }) : () -> ()
      %run_scoped3A_32 = arith.constant 6 : i32
      %run_scoped3A_33 = arith.constant 6 : i32
      "tpu.region"() ({
        %run_scoped3A_36 = tpu.sem_alloc : memref<!tpu.dma_semaphore, #tpu.memory_space<semaphore_mem>>
        %dma_start3A = arith.constant 0 : i32
        %dma_start3A_37 = arith.constant 0 : i32
        %dma_start3A_38 = tpu.memref_slice %arg7[%run_scoped3A_32, %dma_start3A, %dma_start3A_37] : memref<8x128x16xf32, #tpu.memory_space<vmem>> -> memref<1x128x16xf32, #tpu.memory_space<vmem>>
        %dma_start3A_39 = tpu.memref_squeeze %dma_start3A_38 : memref<1x128x16xf32, #tpu.memory_space<vmem>> -> memref<128x16xf32, #tpu.memory_space<vmem>>
        %dma_start3A_40 = arith.constant 0 : i32
        %dma_start3A_41 = tpu.memref_slice %arg6[%run_scoped3A_33, %dma_start3A_40] : memref<8x128xi32, #tpu.memory_space<vmem>> -> memref<1x128xi32, #tpu.memory_space<vmem>>
        %dma_start3A_42 = tpu.memref_squeeze %dma_start3A_41 : memref<1x128xi32, #tpu.memory_space<vmem>> -> memref<128xi32, #tpu.memory_space<vmem>>
        %dma_start3A_43 = arith.constant 0 : i32
        %dma_start3A_44 = arith.constant 0 : i32
        %dma_start3A_45 = tpu.memref_slice %arg8[%dma_start3A_43, %dma_start3A_44] : memref<100224x16xf32, #tpu.memory_space<vmem_shared>> -> memref<100224x16xf32, #tpu.memory_space<vmem_shared>>
        tpu.enqueue_indirect_dma source(%dma_start3A_39 : memref<128x16xf32, #tpu.memory_space<vmem>>) target(%dma_start3A_45 : memref<100224x16xf32, #tpu.memory_space<vmem_shared>>) offsets(%dma_start3A_42 : memref<128xi32, #tpu.memory_space<vmem>>) semaphore(%run_scoped3A_36 : memref<!tpu.dma_semaphore, #tpu.memory_space<semaphore_mem>>) {add = true}
        %dma_wait3A = arith.constant 0 : i32
        %dma_wait3A_46 = arith.constant 0 : i32
        %dma_wait3A_47 = tpu.memref_slice %arg7[%run_scoped3A_32, %dma_wait3A, %dma_wait3A_46] : memref<8x128x16xf32, #tpu.memory_space<vmem>> -> memref<1x128x16xf32, #tpu.memory_space<vmem>>
        %dma_wait3A_48 = tpu.memref_squeeze %dma_wait3A_47 : memref<1x128x16xf32, #tpu.memory_space<vmem>> -> memref<128x16xf32, #tpu.memory_space<vmem>>
        %dma_wait3A_49 = arith.constant 0 : i32
        %dma_wait3A_50 = tpu.memref_slice %arg6[%run_scoped3A_33, %dma_wait3A_49] : memref<8x128xi32, #tpu.memory_space<vmem>> -> memref<1x128xi32, #tpu.memory_space<vmem>>
        %dma_wait3A_51 = tpu.memref_squeeze %dma_wait3A_50 : memref<1x128xi32, #tpu.memory_space<vmem>> -> memref<128xi32, #tpu.memory_space<vmem>>
        %dma_wait3A_52 = arith.constant 0 : i32
        %dma_wait3A_53 = arith.constant 0 : i32
        %dma_wait3A_54 = tpu.memref_slice %arg8[%dma_wait3A_52, %dma_wait3A_53] : memref<100224x16xf32, #tpu.memory_space<vmem_shared>> -> memref<100224x16xf32, #tpu.memory_space<vmem_shared>>
        tpu.wait_indirect_dma semaphore(%run_scoped3A_36 : memref<!tpu.dma_semaphore, #tpu.memory_space<semaphore_mem>>) src(%dma_wait3A_48 : memref<128x16xf32, #tpu.memory_space<vmem>>) dst(%dma_wait3A_54 : memref<100224x16xf32, #tpu.memory_space<vmem_shared>>)
        tpu.yield
      }) : () -> ()
      %run_scoped3A_34 = arith.constant 7 : i32
      %run_scoped3A_35 = arith.constant 7 : i32
      "tpu.region"() ({
        %run_scoped3A_36 = tpu.sem_alloc : memref<!tpu.dma_semaphore, #tpu.memory_space<semaphore_mem>>
        %dma_start3A = arith.constant 0 : i32
        %dma_start3A_37 = arith.constant 0 : i32
        %dma_start3A_38 = tpu.memref_slice %arg7[%run_scoped3A_34, %dma_start3A, %dma_start3A_37] : memref<8x128x16xf32, #tpu.memory_space<vmem>> -> memref<1x128x16xf32, #tpu.memory_space<vmem>>
        %dma_start3A_39 = tpu.memref_squeeze %dma_start3A_38 : memref<1x128x16xf32, #tpu.memory_space<vmem>> -> memref<128x16xf32, #tpu.memory_space<vmem>>
        %dma_start3A_40 = arith.constant 0 : i32
        %dma_start3A_41 = tpu.memref_slice %arg6[%run_scoped3A_35, %dma_start3A_40] : memref<8x128xi32, #tpu.memory_space<vmem>> -> memref<1x128xi32, #tpu.memory_space<vmem>>
        %dma_start3A_42 = tpu.memref_squeeze %dma_start3A_41 : memref<1x128xi32, #tpu.memory_space<vmem>> -> memref<128xi32, #tpu.memory_space<vmem>>
        %dma_start3A_43 = arith.constant 0 : i32
        %dma_start3A_44 = arith.constant 0 : i32
        %dma_start3A_45 = tpu.memref_slice %arg8[%dma_start3A_43, %dma_start3A_44] : memref<100224x16xf32, #tpu.memory_space<vmem_shared>> -> memref<100224x16xf32, #tpu.memory_space<vmem_shared>>
        tpu.enqueue_indirect_dma source(%dma_start3A_39 : memref<128x16xf32, #tpu.memory_space<vmem>>) target(%dma_start3A_45 : memref<100224x16xf32, #tpu.memory_space<vmem_shared>>) offsets(%dma_start3A_42 : memref<128xi32, #tpu.memory_space<vmem>>) semaphore(%run_scoped3A_36 : memref<!tpu.dma_semaphore, #tpu.memory_space<semaphore_mem>>) {add = true}
        %dma_wait3A = arith.constant 0 : i32
        %dma_wait3A_46 = arith.constant 0 : i32
        %dma_wait3A_47 = tpu.memref_slice %arg7[%run_scoped3A_34, %dma_wait3A, %dma_wait3A_46] : memref<8x128x16xf32, #tpu.memory_space<vmem>> -> memref<1x128x16xf32, #tpu.memory_space<vmem>>
        %dma_wait3A_48 = tpu.memref_squeeze %dma_wait3A_47 : memref<1x128x16xf32, #tpu.memory_space<vmem>> -> memref<128x16xf32, #tpu.memory_space<vmem>>
        %dma_wait3A_49 = arith.constant 0 : i32
        %dma_wait3A_50 = tpu.memref_slice %arg6[%run_scoped3A_35, %dma_wait3A_49] : memref<8x128xi32, #tpu.memory_space<vmem>> -> memref<1x128xi32, #tpu.memory_space<vmem>>
        %dma_wait3A_51 = tpu.memref_squeeze %dma_wait3A_50 : memref<1x128xi32, #tpu.memory_space<vmem>> -> memref<128xi32, #tpu.memory_space<vmem>>
        %dma_wait3A_52 = arith.constant 0 : i32
        %dma_wait3A_53 = arith.constant 0 : i32
        %dma_wait3A_54 = tpu.memref_slice %arg8[%dma_wait3A_52, %dma_wait3A_53] : memref<100224x16xf32, #tpu.memory_space<vmem_shared>> -> memref<100224x16xf32, #tpu.memory_space<vmem_shared>>
        tpu.wait_indirect_dma semaphore(%run_scoped3A_36 : memref<!tpu.dma_semaphore, #tpu.memory_space<semaphore_mem>>) src(%dma_wait3A_48 : memref<128x16xf32, #tpu.memory_space<vmem>>) dst(%dma_wait3A_54 : memref<100224x16xf32, #tpu.memory_space<vmem_shared>>)
        tpu.yield
      }) : () -> ()
    }
    %scan3A_11 = arith.constant 49 : i32
    %barrier3A_12 = arith.constant 0 : index
    tpu.barrier barrier_id(%barrier3A_12)
    %mul3A_13 = arith.constant 6250 : i32
    %mul3A_14 = arith.muli %arg1, %mul3A_13 : i32
    %mul3A_15 = arith.constant 6250 : i32
    %mul3A_16 = arith.muli %arg1, %mul3A_15 : i32
    "tpu.region"() ({
      %run_scoped3A = tpu.sem_alloc : memref<!tpu.dma_semaphore, #tpu.memory_space<semaphore_mem>>
      %dma_start3A = arith.constant 0 : i32
      %dma_start3A_17 = tpu.memref_slice %arg5[%arg0, %mul3A_16, %dma_start3A] : memref<2x100000x16xf32, #tpu.memory_space<hbm>> -> memref<1x6250x16xf32, #tpu.memory_space<hbm>>
      %dma_start3A_18 = tpu.memref_squeeze %dma_start3A_17 : memref<1x6250x16xf32, #tpu.memory_space<hbm>> -> memref<6250x16xf32, #tpu.memory_space<hbm>>
      %dma_start3A_19 = arith.constant 0 : i32
      %dma_start3A_20 = tpu.memref_slice %arg8[%mul3A_14, %dma_start3A_19] : memref<100224x16xf32, #tpu.memory_space<vmem_shared>> -> memref<6250x16xf32, #tpu.memory_space<vmem_shared>>
      tpu.enqueue_dma source(%dma_start3A_20 : memref<6250x16xf32, #tpu.memory_space<vmem_shared>>) target(%dma_start3A_18 : memref<6250x16xf32, #tpu.memory_space<hbm>>) target_semaphore(%run_scoped3A : memref<!tpu.dma_semaphore, #tpu.memory_space<semaphore_mem>>)
      %dma_wait3A = arith.constant 0 : i32
      %dma_wait3A_21 = tpu.memref_slice %arg5[%arg0, %mul3A_16, %dma_wait3A] : memref<2x100000x16xf32, #tpu.memory_space<hbm>> -> memref<1x6250x16xf32, #tpu.memory_space<hbm>>
      %dma_wait3A_22 = tpu.memref_squeeze %dma_wait3A_21 : memref<1x6250x16xf32, #tpu.memory_space<hbm>> -> memref<6250x16xf32, #tpu.memory_space<hbm>>
      %dma_wait3A_23 = arith.constant 0 : i32
      %dma_wait3A_24 = tpu.memref_slice %arg8[%mul3A_14, %dma_wait3A_23] : memref<100224x16xf32, #tpu.memory_space<vmem_shared>> -> memref<6250x16xf32, #tpu.memory_space<vmem_shared>>
      tpu.wait_dma2 semaphore(%run_scoped3A : memref<!tpu.dma_semaphore, #tpu.memory_space<semaphore_mem>>) src(%dma_wait3A_24 : memref<6250x16xf32, #tpu.memory_space<vmem_shared>>) dst(%dma_wait3A_22 : memref<6250x16xf32, #tpu.memory_space<hbm>>)
      tpu.yield
    }) : () -> ()
    return
  }
}

#map = affine_map<(d0, d1) -> (0, 0)>
#map1 = affine_map<(d0, d1) -> (0, 0, 0)>
#map2 = affine_map<(d0, d1) -> (0)>
module attributes {stable_mosaic.version = 14 : i64} {
  func.func @_gather_body(%arg0: i32, %arg1: i32, %arg2: memref<100000x16xf32, #tpu.memory_space<hbm>>, %arg3: memref<12544x128xi32, #tpu.memory_space<hbm>>, %arg4: memref<12544x128xi32, #tpu.memory_space<hbm>>, %arg5: memref<4x1605632xf32, #tpu.memory_space<hbm>>, %arg6: memref<12544x128x16xf32, #tpu.memory_space<hbm>>, %arg7: memref<12544x128x16xf32, #tpu.memory_space<hbm>>, %arg8: memref<25690112xf32, #tpu.memory_space<hbm>>, %arg9: memref<8x128xi32, #tpu.memory_space<vmem>>, %arg10: memref<8x128xi32, #tpu.memory_space<vmem>>, %arg11: memref<8x128x16xf32, #tpu.memory_space<vmem>>, %arg12: memref<8x128x16xf32, #tpu.memory_space<vmem>>, %arg13: memref<4x1024xf32, #tpu.memory_space<vmem>>, %arg14: memref<16384xf32, #tpu.memory_space<vmem>>, %arg15: memref<!tpu.dma_semaphore, #tpu.memory_space<semaphore_mem>>) attributes {dimension_semantics = [#tpu.dimension_semantics<core_parallel>, #tpu.dimension_semantics<subcore_parallel>], iteration_bounds = array<i64: 2, 16>, scalar_prefetch = 0 : i64, scratch_operands = 7 : i64, tpu.core_type = #tpu.core_type<sc_vector_subcore>, window_params = [{transform_indices = #map}, {transform_indices = #map}, {transform_indices = #map}, {transform_indices = #map}, {transform_indices = #map1}, {transform_indices = #map1}, {transform_indices = #map2}]} {
    %mul3A = arith.constant 2 : i32
    %mul3A_0 = arith.muli %arg1, %mul3A : i32
    %add3A = arith.addi %mul3A_0, %arg0 : i32
    %mul3A_1 = arith.constant 392 : i32
    %mul3A_2 = arith.muli %add3A, %mul3A_1 : i32
    %scan3A = arith.constant 0 : i32
    %scan3A_3 = arith.constant 0 : i32
    %scan3A_4 = arith.constant 49 : i32
    %scan3A_5 = arith.addi %scan3A_3, %scan3A_4 : i32
    %scan3A_6 = arith.constant 1 : i32
    scf.for %scan3A_8 = %scan3A_3 to %scan3A_5 step %scan3A_6  : i32 {
      %mul3A_9 = arith.constant 8 : i32
      %mul3A_10 = arith.muli %scan3A_8, %mul3A_9 : i32
      %add3A_11 = arith.addi %mul3A_2, %mul3A_10 : i32
      %mul3A_12 = arith.constant 128 : i32
      %mul3A_13 = arith.muli %add3A_11, %mul3A_12 : i32
      "tpu.region"() ({
        %run_scoped3A = tpu.sem_alloc : memref<!tpu.dma_semaphore, #tpu.memory_space<semaphore_mem>>
        %dma_start3A_2957 = arith.constant 0 : i32
        %dma_start3A_2958 = tpu.memref_slice %arg3[%add3A_11, %dma_start3A_2957] : memref<12544x128xi32, #tpu.memory_space<hbm>> -> memref<8x128xi32, #tpu.memory_space<hbm>>
        %dma_start3A_2959 = arith.constant 0 : i32
        %dma_start3A_2960 = tpu.memref_slice %arg3[%add3A_11, %dma_start3A_2959] : memref<12544x128xi32, #tpu.memory_space<hbm>> -> memref<8x128xi32, #tpu.memory_space<hbm>>
        tpu.enqueue_dma source(%dma_start3A_2960 : memref<8x128xi32, #tpu.memory_space<hbm>>) target(%arg9 : memref<8x128xi32, #tpu.memory_space<vmem>>) target_semaphore(%run_scoped3A : memref<!tpu.dma_semaphore, #tpu.memory_space<semaphore_mem>>)
        %dma_wait3A_2961 = arith.constant 0 : i32
        %dma_wait3A_2962 = tpu.memref_slice %arg3[%add3A_11, %dma_wait3A_2961] : memref<12544x128xi32, #tpu.memory_space<hbm>> -> memref<8x128xi32, #tpu.memory_space<hbm>>
        %dma_wait3A_2963 = arith.constant 0 : i32
        %dma_wait3A_2964 = tpu.memref_slice %arg3[%add3A_11, %dma_wait3A_2963] : memref<12544x128xi32, #tpu.memory_space<hbm>> -> memref<8x128xi32, #tpu.memory_space<hbm>>
        tpu.wait_dma2 semaphore(%run_scoped3A : memref<!tpu.dma_semaphore, #tpu.memory_space<semaphore_mem>>) src(%dma_wait3A_2964 : memref<8x128xi32, #tpu.memory_space<hbm>>) dst(%arg9 : memref<8x128xi32, #tpu.memory_space<vmem>>)
        tpu.yield
      }) : () -> ()
      "tpu.region"() ({
        %run_scoped3A = tpu.sem_alloc : memref<!tpu.dma_semaphore, #tpu.memory_space<semaphore_mem>>
        %dma_start3A_2957 = arith.constant 0 : i32
        %dma_start3A_2958 = tpu.memref_slice %arg4[%add3A_11, %dma_start3A_2957] : memref<12544x128xi32, #tpu.memory_space<hbm>> -> memref<8x128xi32, #tpu.memory_space<hbm>>
        %dma_start3A_2959 = arith.constant 0 : i32
        %dma_start3A_2960 = tpu.memref_slice %arg4[%add3A_11, %dma_start3A_2959] : memref<12544x128xi32, #tpu.memory_space<hbm>> -> memref<8x128xi32, #tpu.memory_space<hbm>>
        tpu.enqueue_dma source(%dma_start3A_2960 : memref<8x128xi32, #tpu.memory_space<hbm>>) target(%arg10 : memref<8x128xi32, #tpu.memory_space<vmem>>) target_semaphore(%run_scoped3A : memref<!tpu.dma_semaphore, #tpu.memory_space<semaphore_mem>>)
        %dma_wait3A_2961 = arith.constant 0 : i32
        %dma_wait3A_2962 = tpu.memref_slice %arg4[%add3A_11, %dma_wait3A_2961] : memref<12544x128xi32, #tpu.memory_space<hbm>> -> memref<8x128xi32, #tpu.memory_space<hbm>>
        %dma_wait3A_2963 = arith.constant 0 : i32
        %dma_wait3A_2964 = tpu.memref_slice %arg4[%add3A_11, %dma_wait3A_2963] : memref<12544x128xi32, #tpu.memory_space<hbm>> -> memref<8x128xi32, #tpu.memory_space<hbm>>
        tpu.wait_dma2 semaphore(%run_scoped3A : memref<!tpu.dma_semaphore, #tpu.memory_space<semaphore_mem>>) src(%dma_wait3A_2964 : memref<8x128xi32, #tpu.memory_space<hbm>>) dst(%arg10 : memref<8x128xi32, #tpu.memory_space<vmem>>)
        tpu.yield
      }) : () -> ()
      "tpu.region"() ({
        %run_scoped3A = tpu.sem_alloc : memref<!tpu.dma_semaphore, #tpu.memory_space<semaphore_mem>>
        %dma_start3A_2957 = arith.constant 0 : i32
        %dma_start3A_2958 = tpu.memref_slice %arg5[%dma_start3A_2957, %mul3A_13] : memref<4x1605632xf32, #tpu.memory_space<hbm>> -> memref<4x1024xf32, #tpu.memory_space<hbm>>
        %dma_start3A_2959 = arith.constant 0 : i32
        %dma_start3A_2960 = tpu.memref_slice %arg5[%dma_start3A_2959, %mul3A_13] : memref<4x1605632xf32, #tpu.memory_space<hbm>> -> memref<4x1024xf32, #tpu.memory_space<hbm>>
        tpu.enqueue_dma source(%dma_start3A_2960 : memref<4x1024xf32, #tpu.memory_space<hbm>>) target(%arg13 : memref<4x1024xf32, #tpu.memory_space<vmem>>) target_semaphore(%run_scoped3A : memref<!tpu.dma_semaphore, #tpu.memory_space<semaphore_mem>>)
        %dma_wait3A_2961 = arith.constant 0 : i32
        %dma_wait3A_2962 = tpu.memref_slice %arg5[%dma_wait3A_2961, %mul3A_13] : memref<4x1605632xf32, #tpu.memory_space<hbm>> -> memref<4x1024xf32, #tpu.memory_space<hbm>>
        %dma_wait3A_2963 = arith.constant 0 : i32
        %dma_wait3A_2964 = tpu.memref_slice %arg5[%dma_wait3A_2963, %mul3A_13] : memref<4x1605632xf32, #tpu.memory_space<hbm>> -> memref<4x1024xf32, #tpu.memory_space<hbm>>
        tpu.wait_dma2 semaphore(%run_scoped3A : memref<!tpu.dma_semaphore, #tpu.memory_space<semaphore_mem>>) src(%dma_wait3A_2964 : memref<4x1024xf32, #tpu.memory_space<hbm>>) dst(%arg13 : memref<4x1024xf32, #tpu.memory_space<vmem>>)
        tpu.yield
      }) : () -> ()
      %dma_start3A = arith.constant 0 : i32
      %dma_start3A_14 = arith.constant 0 : i32
      %dma_start3A_15 = arith.constant 0 : i32
      %dma_start3A_16 = arith.constant 0 : i32
      %dma_start3A_17 = tpu.memref_slice %arg11[%dma_start3A_14, %dma_start3A_15, %dma_start3A_16] : memref<8x128x16xf32, #tpu.memory_space<vmem>> -> memref<1x128x16xf32, #tpu.memory_space<vmem>>
      %dma_start3A_18 = tpu.memref_squeeze %dma_start3A_17 : memref<1x128x16xf32, #tpu.memory_space<vmem>> -> memref<128x16xf32, #tpu.memory_space<vmem>>
      %dma_start3A_19 = arith.constant 0 : i32
      %dma_start3A_20 = tpu.memref_slice %arg9[%dma_start3A, %dma_start3A_19] : memref<8x128xi32, #tpu.memory_space<vmem>> -> memref<1x128xi32, #tpu.memory_space<vmem>>
      %dma_start3A_21 = tpu.memref_squeeze %dma_start3A_20 : memref<1x128xi32, #tpu.memory_space<vmem>> -> memref<128xi32, #tpu.memory_space<vmem>>
      %dma_start3A_22 = arith.constant 0 : i32
      %dma_start3A_23 = arith.constant 0 : i32
      %dma_start3A_24 = tpu.memref_slice %arg2[%dma_start3A_22, %dma_start3A_23] : memref<100000x16xf32, #tpu.memory_space<hbm>> -> memref<100000x16xf32, #tpu.memory_space<hbm>>
      tpu.enqueue_indirect_dma source(%dma_start3A_24 : memref<100000x16xf32, #tpu.memory_space<hbm>>) target(%dma_start3A_18 : memref<128x16xf32, #tpu.memory_space<vmem>>) offsets(%dma_start3A_21 : memref<128xi32, #tpu.memory_space<vmem>>) semaphore(%arg15 : memref<!tpu.dma_semaphore, #tpu.memory_space<semaphore_mem>>)
      %dma_start3A_25 = arith.constant 0 : i32
      %dma_start3A_26 = arith.constant 0 : i32
      %dma_start3A_27 = arith.constant 0 : i32
      %dma_start3A_28 = arith.constant 0 : i32
      %dma_start3A_29 = tpu.memref_slice %arg12[%dma_start3A_26, %dma_start3A_27, %dma_start3A_28] : memref<8x128x16xf32, #tpu.memory_space<vmem>> -> memref<1x128x16xf32, #tpu.memory_space<vmem>>
      %dma_start3A_30 = tpu.memref_squeeze %dma_start3A_29 : memref<1x128x16xf32, #tpu.memory_space<vmem>> -> memref<128x16xf32, #tpu.memory_space<vmem>>
      %dma_start3A_31 = arith.constant 0 : i32
      %dma_start3A_32 = tpu.memref_slice %arg10[%dma_start3A_25, %dma_start3A_31] : memref<8x128xi32, #tpu.memory_space<vmem>> -> memref<1x128xi32, #tpu.memory_space<vmem>>
      %dma_start3A_33 = tpu.memref_squeeze %dma_start3A_32 : memref<1x128xi32, #tpu.memory_space<vmem>> -> memref<128xi32, #tpu.memory_space<vmem>>
      %dma_start3A_34 = arith.constant 0 : i32
      %dma_start3A_35 = arith.constant 0 : i32
      %dma_start3A_36 = tpu.memref_slice %arg2[%dma_start3A_34, %dma_start3A_35] : memref<100000x16xf32, #tpu.memory_space<hbm>> -> memref<100000x16xf32, #tpu.memory_space<hbm>>
      tpu.enqueue_indirect_dma source(%dma_start3A_36 : memref<100000x16xf32, #tpu.memory_space<hbm>>) target(%dma_start3A_30 : memref<128x16xf32, #tpu.memory_space<vmem>>) offsets(%dma_start3A_33 : memref<128xi32, #tpu.memory_space<vmem>>) semaphore(%arg15 : memref<!tpu.dma_semaphore, #tpu.memory_space<semaphore_mem>>)
      %dma_start3A_37 = arith.constant 1 : i32
      %dma_start3A_38 = arith.constant 1 : i32
      %dma_start3A_39 = arith.constant 0 : i32
      %dma_start3A_40 = arith.constant 0 : i32
      %dma_start3A_41 = tpu.memref_slice %arg11[%dma_start3A_38, %dma_start3A_39, %dma_start3A_40] : memref<8x128x16xf32, #tpu.memory_space<vmem>> -> memref<1x128x16xf32, #tpu.memory_space<vmem>>
      %dma_start3A_42 = tpu.memref_squeeze %dma_start3A_41 : memref<1x128x16xf32, #tpu.memory_space<vmem>> -> memref<128x16xf32, #tpu.memory_space<vmem>>
      %dma_start3A_43 = arith.constant 0 : i32
      %dma_start3A_44 = tpu.memref_slice %arg9[%dma_start3A_37, %dma_start3A_43] : memref<8x128xi32, #tpu.memory_space<vmem>> -> memref<1x128xi32, #tpu.memory_space<vmem>>
      %dma_start3A_45 = tpu.memref_squeeze %dma_start3A_44 : memref<1x128xi32, #tpu.memory_space<vmem>> -> memref<128xi32, #tpu.memory_space<vmem>>
      %dma_start3A_46 = arith.constant 0 : i32
      %dma_start3A_47 = arith.constant 0 : i32
      %dma_start3A_48 = tpu.memref_slice %arg2[%dma_start3A_46, %dma_start3A_47] : memref<100000x16xf32, #tpu.memory_space<hbm>> -> memref<100000x16xf32, #tpu.memory_space<hbm>>
      tpu.enqueue_indirect_dma source(%dma_start3A_48 : memref<100000x16xf32, #tpu.memory_space<hbm>>) target(%dma_start3A_42 : memref<128x16xf32, #tpu.memory_space<vmem>>) offsets(%dma_start3A_45 : memref<128xi32, #tpu.memory_space<vmem>>) semaphore(%arg15 : memref<!tpu.dma_semaphore, #tpu.memory_space<semaphore_mem>>)
      %dma_start3A_49 = arith.constant 1 : i32
      %dma_start3A_50 = arith.constant 1 : i32
      %dma_start3A_51 = arith.constant 0 : i32
      %dma_start3A_52 = arith.constant 0 : i32
      %dma_start3A_53 = tpu.memref_slice %arg12[%dma_start3A_50, %dma_start3A_51, %dma_start3A_52] : memref<8x128x16xf32, #tpu.memory_space<vmem>> -> memref<1x128x16xf32, #tpu.memory_space<vmem>>
      %dma_start3A_54 = tpu.memref_squeeze %dma_start3A_53 : memref<1x128x16xf32, #tpu.memory_space<vmem>> -> memref<128x16xf32, #tpu.memory_space<vmem>>
      %dma_start3A_55 = arith.constant 0 : i32
      %dma_start3A_56 = tpu.memref_slice %arg10[%dma_start3A_49, %dma_start3A_55] : memref<8x128xi32, #tpu.memory_space<vmem>> -> memref<1x128xi32, #tpu.memory_space<vmem>>
      %dma_start3A_57 = tpu.memref_squeeze %dma_start3A_56 : memref<1x128xi32, #tpu.memory_space<vmem>> -> memref<128xi32, #tpu.memory_space<vmem>>
      %dma_start3A_58 = arith.constant 0 : i32
      %dma_start3A_59 = arith.constant 0 : i32
      %dma_start3A_60 = tpu.memref_slice %arg2[%dma_start3A_58, %dma_start3A_59] : memref<100000x16xf32, #tpu.memory_space<hbm>> -> memref<100000x16xf32, #tpu.memory_space<hbm>>
      tpu.enqueue_indirect_dma source(%dma_start3A_60 : memref<100000x16xf32, #tpu.memory_space<hbm>>) target(%dma_start3A_54 : memref<128x16xf32, #tpu.memory_space<vmem>>) offsets(%dma_start3A_57 : memref<128xi32, #tpu.memory_space<vmem>>) semaphore(%arg15 : memref<!tpu.dma_semaphore, #tpu.memory_space<semaphore_mem>>)
      %dma_start3A_61 = arith.constant 2 : i32
      %dma_start3A_62 = arith.constant 2 : i32
      %dma_start3A_63 = arith.constant 0 : i32
      %dma_start3A_64 = arith.constant 0 : i32
      %dma_start3A_65 = tpu.memref_slice %arg11[%dma_start3A_62, %dma_start3A_63, %dma_start3A_64] : memref<8x128x16xf32, #tpu.memory_space<vmem>> -> memref<1x128x16xf32, #tpu.memory_space<vmem>>
      %dma_start3A_66 = tpu.memref_squeeze %dma_start3A_65 : memref<1x128x16xf32, #tpu.memory_space<vmem>> -> memref<128x16xf32, #tpu.memory_space<vmem>>
      %dma_start3A_67 = arith.constant 0 : i32
      %dma_start3A_68 = tpu.memref_slice %arg9[%dma_start3A_61, %dma_start3A_67] : memref<8x128xi32, #tpu.memory_space<vmem>> -> memref<1x128xi32, #tpu.memory_space<vmem>>
      %dma_start3A_69 = tpu.memref_squeeze %dma_start3A_68 : memref<1x128xi32, #tpu.memory_space<vmem>> -> memref<128xi32, #tpu.memory_space<vmem>>
      %dma_start3A_70 = arith.constant 0 : i32
      %dma_start3A_71 = arith.constant 0 : i32
      %dma_start3A_72 = tpu.memref_slice %arg2[%dma_start3A_70, %dma_start3A_71] : memref<100000x16xf32, #tpu.memory_space<hbm>> -> memref<100000x16xf32, #tpu.memory_space<hbm>>
      tpu.enqueue_indirect_dma source(%dma_start3A_72 : memref<100000x16xf32, #tpu.memory_space<hbm>>) target(%dma_start3A_66 : memref<128x16xf32, #tpu.memory_space<vmem>>) offsets(%dma_start3A_69 : memref<128xi32, #tpu.memory_space<vmem>>) semaphore(%arg15 : memref<!tpu.dma_semaphore, #tpu.memory_space<semaphore_mem>>)
      %dma_start3A_73 = arith.constant 2 : i32
      %dma_start3A_74 = arith.constant 2 : i32
      %dma_start3A_75 = arith.constant 0 : i32
      %dma_start3A_76 = arith.constant 0 : i32
      %dma_start3A_77 = tpu.memref_slice %arg12[%dma_start3A_74, %dma_start3A_75, %dma_start3A_76] : memref<8x128x16xf32, #tpu.memory_space<vmem>> -> memref<1x128x16xf32, #tpu.memory_space<vmem>>
      %dma_start3A_78 = tpu.memref_squeeze %dma_start3A_77 : memref<1x128x16xf32, #tpu.memory_space<vmem>> -> memref<128x16xf32, #tpu.memory_space<vmem>>
      %dma_start3A_79 = arith.constant 0 : i32
      %dma_start3A_80 = tpu.memref_slice %arg10[%dma_start3A_73, %dma_start3A_79] : memref<8x128xi32, #tpu.memory_space<vmem>> -> memref<1x128xi32, #tpu.memory_space<vmem>>
      %dma_start3A_81 = tpu.memref_squeeze %dma_start3A_80 : memref<1x128xi32, #tpu.memory_space<vmem>> -> memref<128xi32, #tpu.memory_space<vmem>>
      %dma_start3A_82 = arith.constant 0 : i32
      %dma_start3A_83 = arith.constant 0 : i32
      %dma_start3A_84 = tpu.memref_slice %arg2[%dma_start3A_82, %dma_start3A_83] : memref<100000x16xf32, #tpu.memory_space<hbm>> -> memref<100000x16xf32, #tpu.memory_space<hbm>>
      tpu.enqueue_indirect_dma source(%dma_start3A_84 : memref<100000x16xf32, #tpu.memory_space<hbm>>) target(%dma_start3A_78 : memref<128x16xf32, #tpu.memory_space<vmem>>) offsets(%dma_start3A_81 : memref<128xi32, #tpu.memory_space<vmem>>) semaphore(%arg15 : memref<!tpu.dma_semaphore, #tpu.memory_space<semaphore_mem>>)
      %dma_start3A_85 = arith.constant 3 : i32
      %dma_start3A_86 = arith.constant 3 : i32
      %dma_start3A_87 = arith.constant 0 : i32
      %dma_start3A_88 = arith.constant 0 : i32
      %dma_start3A_89 = tpu.memref_slice %arg11[%dma_start3A_86, %dma_start3A_87, %dma_start3A_88] : memref<8x128x16xf32, #tpu.memory_space<vmem>> -> memref<1x128x16xf32, #tpu.memory_space<vmem>>
      %dma_start3A_90 = tpu.memref_squeeze %dma_start3A_89 : memref<1x128x16xf32, #tpu.memory_space<vmem>> -> memref<128x16xf32, #tpu.memory_space<vmem>>
      %dma_start3A_91 = arith.constant 0 : i32
      %dma_start3A_92 = tpu.memref_slice %arg9[%dma_start3A_85, %dma_start3A_91] : memref<8x128xi32, #tpu.memory_space<vmem>> -> memref<1x128xi32, #tpu.memory_space<vmem>>
      %dma_start3A_93 = tpu.memref_squeeze %dma_start3A_92 : memref<1x128xi32, #tpu.memory_space<vmem>> -> memref<128xi32, #tpu.memory_space<vmem>>
      %dma_start3A_94 = arith.constant 0 : i32
      %dma_start3A_95 = arith.constant 0 : i32
      %dma_start3A_96 = tpu.memref_slice %arg2[%dma_start3A_94, %dma_start3A_95] : memref<100000x16xf32, #tpu.memory_space<hbm>> -> memref<100000x16xf32, #tpu.memory_space<hbm>>
      tpu.enqueue_indirect_dma source(%dma_start3A_96 : memref<100000x16xf32, #tpu.memory_space<hbm>>) target(%dma_start3A_90 : memref<128x16xf32, #tpu.memory_space<vmem>>) offsets(%dma_start3A_93 : memref<128xi32, #tpu.memory_space<vmem>>) semaphore(%arg15 : memref<!tpu.dma_semaphore, #tpu.memory_space<semaphore_mem>>)
      %dma_start3A_97 = arith.constant 3 : i32
      %dma_start3A_98 = arith.constant 3 : i32
      %dma_start3A_99 = arith.constant 0 : i32
      %dma_start3A_100 = arith.constant 0 : i32
      %dma_start3A_101 = tpu.memref_slice %arg12[%dma_start3A_98, %dma_start3A_99, %dma_start3A_100] : memref<8x128x16xf32, #tpu.memory_space<vmem>> -> memref<1x128x16xf32, #tpu.memory_space<vmem>>
      %dma_start3A_102 = tpu.memref_squeeze %dma_start3A_101 : memref<1x128x16xf32, #tpu.memory_space<vmem>> -> memref<128x16xf32, #tpu.memory_space<vmem>>
      %dma_start3A_103 = arith.constant 0 : i32
      %dma_start3A_104 = tpu.memref_slice %arg10[%dma_start3A_97, %dma_start3A_103] : memref<8x128xi32, #tpu.memory_space<vmem>> -> memref<1x128xi32, #tpu.memory_space<vmem>>
      %dma_start3A_105 = tpu.memref_squeeze %dma_start3A_104 : memref<1x128xi32, #tpu.memory_space<vmem>> -> memref<128xi32, #tpu.memory_space<vmem>>
      %dma_start3A_106 = arith.constant 0 : i32
      %dma_start3A_107 = arith.constant 0 : i32
      %dma_start3A_108 = tpu.memref_slice %arg2[%dma_start3A_106, %dma_start3A_107] : memref<100000x16xf32, #tpu.memory_space<hbm>> -> memref<100000x16xf32, #tpu.memory_space<hbm>>
      tpu.enqueue_indirect_dma source(%dma_start3A_108 : memref<100000x16xf32, #tpu.memory_space<hbm>>) target(%dma_start3A_102 : memref<128x16xf32, #tpu.memory_space<vmem>>) offsets(%dma_start3A_105 : memref<128xi32, #tpu.memory_space<vmem>>) semaphore(%arg15 : memref<!tpu.dma_semaphore, #tpu.memory_space<semaphore_mem>>)
      %dma_start3A_109 = arith.constant 4 : i32
      %dma_start3A_110 = arith.constant 4 : i32
      %dma_start3A_111 = arith.constant 0 : i32
      %dma_start3A_112 = arith.constant 0 : i32
      %dma_start3A_113 = tpu.memref_slice %arg11[%dma_start3A_110, %dma_start3A_111, %dma_start3A_112] : memref<8x128x16xf32, #tpu.memory_space<vmem>> -> memref<1x128x16xf32, #tpu.memory_space<vmem>>
      %dma_start3A_114 = tpu.memref_squeeze %dma_start3A_113 : memref<1x128x16xf32, #tpu.memory_space<vmem>> -> memref<128x16xf32, #tpu.memory_space<vmem>>
      %dma_start3A_115 = arith.constant 0 : i32
      %dma_start3A_116 = tpu.memref_slice %arg9[%dma_start3A_109, %dma_start3A_115] : memref<8x128xi32, #tpu.memory_space<vmem>> -> memref<1x128xi32, #tpu.memory_space<vmem>>
      %dma_start3A_117 = tpu.memref_squeeze %dma_start3A_116 : memref<1x128xi32, #tpu.memory_space<vmem>> -> memref<128xi32, #tpu.memory_space<vmem>>
      %dma_start3A_118 = arith.constant 0 : i32
      %dma_start3A_119 = arith.constant 0 : i32
      %dma_start3A_120 = tpu.memref_slice %arg2[%dma_start3A_118, %dma_start3A_119] : memref<100000x16xf32, #tpu.memory_space<hbm>> -> memref<100000x16xf32, #tpu.memory_space<hbm>>
      tpu.enqueue_indirect_dma source(%dma_start3A_120 : memref<100000x16xf32, #tpu.memory_space<hbm>>) target(%dma_start3A_114 : memref<128x16xf32, #tpu.memory_space<vmem>>) offsets(%dma_start3A_117 : memref<128xi32, #tpu.memory_space<vmem>>) semaphore(%arg15 : memref<!tpu.dma_semaphore, #tpu.memory_space<semaphore_mem>>)
      %dma_start3A_121 = arith.constant 4 : i32
      %dma_start3A_122 = arith.constant 4 : i32
      %dma_start3A_123 = arith.constant 0 : i32
      %dma_start3A_124 = arith.constant 0 : i32
      %dma_start3A_125 = tpu.memref_slice %arg12[%dma_start3A_122, %dma_start3A_123, %dma_start3A_124] : memref<8x128x16xf32, #tpu.memory_space<vmem>> -> memref<1x128x16xf32, #tpu.memory_space<vmem>>
      %dma_start3A_126 = tpu.memref_squeeze %dma_start3A_125 : memref<1x128x16xf32, #tpu.memory_space<vmem>> -> memref<128x16xf32, #tpu.memory_space<vmem>>
      %dma_start3A_127 = arith.constant 0 : i32
      %dma_start3A_128 = tpu.memref_slice %arg10[%dma_start3A_121, %dma_start3A_127] : memref<8x128xi32, #tpu.memory_space<vmem>> -> memref<1x128xi32, #tpu.memory_space<vmem>>
      %dma_start3A_129 = tpu.memref_squeeze %dma_start3A_128 : memref<1x128xi32, #tpu.memory_space<vmem>> -> memref<128xi32, #tpu.memory_space<vmem>>
      %dma_start3A_130 = arith.constant 0 : i32
      %dma_start3A_131 = arith.constant 0 : i32
      %dma_start3A_132 = tpu.memref_slice %arg2[%dma_start3A_130, %dma_start3A_131] : memref<100000x16xf32, #tpu.memory_space<hbm>> -> memref<100000x16xf32, #tpu.memory_space<hbm>>
      tpu.enqueue_indirect_dma source(%dma_start3A_132 : memref<100000x16xf32, #tpu.memory_space<hbm>>) target(%dma_start3A_126 : memref<128x16xf32, #tpu.memory_space<vmem>>) offsets(%dma_start3A_129 : memref<128xi32, #tpu.memory_space<vmem>>) semaphore(%arg15 : memref<!tpu.dma_semaphore, #tpu.memory_space<semaphore_mem>>)
      %dma_start3A_133 = arith.constant 5 : i32
      %dma_start3A_134 = arith.constant 5 : i32
      %dma_start3A_135 = arith.constant 0 : i32
      %dma_start3A_136 = arith.constant 0 : i32
      %dma_start3A_137 = tpu.memref_slice %arg11[%dma_start3A_134, %dma_start3A_135, %dma_start3A_136] : memref<8x128x16xf32, #tpu.memory_space<vmem>> -> memref<1x128x16xf32, #tpu.memory_space<vmem>>
      %dma_start3A_138 = tpu.memref_squeeze %dma_start3A_137 : memref<1x128x16xf32, #tpu.memory_space<vmem>> -> memref<128x16xf32, #tpu.memory_space<vmem>>
      %dma_start3A_139 = arith.constant 0 : i32
      %dma_start3A_140 = tpu.memref_slice %arg9[%dma_start3A_133, %dma_start3A_139] : memref<8x128xi32, #tpu.memory_space<vmem>> -> memref<1x128xi32, #tpu.memory_space<vmem>>
      %dma_start3A_141 = tpu.memref_squeeze %dma_start3A_140 : memref<1x128xi32, #tpu.memory_space<vmem>> -> memref<128xi32, #tpu.memory_space<vmem>>
      %dma_start3A_142 = arith.constant 0 : i32
      %dma_start3A_143 = arith.constant 0 : i32
      %dma_start3A_144 = tpu.memref_slice %arg2[%dma_start3A_142, %dma_start3A_143] : memref<100000x16xf32, #tpu.memory_space<hbm>> -> memref<100000x16xf32, #tpu.memory_space<hbm>>
      tpu.enqueue_indirect_dma source(%dma_start3A_144 : memref<100000x16xf32, #tpu.memory_space<hbm>>) target(%dma_start3A_138 : memref<128x16xf32, #tpu.memory_space<vmem>>) offsets(%dma_start3A_141 : memref<128xi32, #tpu.memory_space<vmem>>) semaphore(%arg15 : memref<!tpu.dma_semaphore, #tpu.memory_space<semaphore_mem>>)
      %dma_start3A_145 = arith.constant 5 : i32
      %dma_start3A_146 = arith.constant 5 : i32
      %dma_start3A_147 = arith.constant 0 : i32
      %dma_start3A_148 = arith.constant 0 : i32
      %dma_start3A_149 = tpu.memref_slice %arg12[%dma_start3A_146, %dma_start3A_147, %dma_start3A_148] : memref<8x128x16xf32, #tpu.memory_space<vmem>> -> memref<1x128x16xf32, #tpu.memory_space<vmem>>
      %dma_start3A_150 = tpu.memref_squeeze %dma_start3A_149 : memref<1x128x16xf32, #tpu.memory_space<vmem>> -> memref<128x16xf32, #tpu.memory_space<vmem>>
      %dma_start3A_151 = arith.constant 0 : i32
      %dma_start3A_152 = tpu.memref_slice %arg10[%dma_start3A_145, %dma_start3A_151] : memref<8x128xi32, #tpu.memory_space<vmem>> -> memref<1x128xi32, #tpu.memory_space<vmem>>
      %dma_start3A_153 = tpu.memref_squeeze %dma_start3A_152 : memref<1x128xi32, #tpu.memory_space<vmem>> -> memref<128xi32, #tpu.memory_space<vmem>>
      %dma_start3A_154 = arith.constant 0 : i32
      %dma_start3A_155 = arith.constant 0 : i32
      %dma_start3A_156 = tpu.memref_slice %arg2[%dma_start3A_154, %dma_start3A_155] : memref<100000x16xf32, #tpu.memory_space<hbm>> -> memref<100000x16xf32, #tpu.memory_space<hbm>>
      tpu.enqueue_indirect_dma source(%dma_start3A_156 : memref<100000x16xf32, #tpu.memory_space<hbm>>) target(%dma_start3A_150 : memref<128x16xf32, #tpu.memory_space<vmem>>) offsets(%dma_start3A_153 : memref<128xi32, #tpu.memory_space<vmem>>) semaphore(%arg15 : memref<!tpu.dma_semaphore, #tpu.memory_space<semaphore_mem>>)
      %dma_start3A_157 = arith.constant 6 : i32
      %dma_start3A_158 = arith.constant 6 : i32
      %dma_start3A_159 = arith.constant 0 : i32
      %dma_start3A_160 = arith.constant 0 : i32
      %dma_start3A_161 = tpu.memref_slice %arg11[%dma_start3A_158, %dma_start3A_159, %dma_start3A_160] : memref<8x128x16xf32, #tpu.memory_space<vmem>> -> memref<1x128x16xf32, #tpu.memory_space<vmem>>
      %dma_start3A_162 = tpu.memref_squeeze %dma_start3A_161 : memref<1x128x16xf32, #tpu.memory_space<vmem>> -> memref<128x16xf32, #tpu.memory_space<vmem>>
      %dma_start3A_163 = arith.constant 0 : i32
      %dma_start3A_164 = tpu.memref_slice %arg9[%dma_start3A_157, %dma_start3A_163] : memref<8x128xi32, #tpu.memory_space<vmem>> -> memref<1x128xi32, #tpu.memory_space<vmem>>
      %dma_start3A_165 = tpu.memref_squeeze %dma_start3A_164 : memref<1x128xi32, #tpu.memory_space<vmem>> -> memref<128xi32, #tpu.memory_space<vmem>>
      %dma_start3A_166 = arith.constant 0 : i32
      %dma_start3A_167 = arith.constant 0 : i32
      %dma_start3A_168 = tpu.memref_slice %arg2[%dma_start3A_166, %dma_start3A_167] : memref<100000x16xf32, #tpu.memory_space<hbm>> -> memref<100000x16xf32, #tpu.memory_space<hbm>>
      tpu.enqueue_indirect_dma source(%dma_start3A_168 : memref<100000x16xf32, #tpu.memory_space<hbm>>) target(%dma_start3A_162 : memref<128x16xf32, #tpu.memory_space<vmem>>) offsets(%dma_start3A_165 : memref<128xi32, #tpu.memory_space<vmem>>) semaphore(%arg15 : memref<!tpu.dma_semaphore, #tpu.memory_space<semaphore_mem>>)
      %dma_start3A_169 = arith.constant 6 : i32
      %dma_start3A_170 = arith.constant 6 : i32
      %dma_start3A_171 = arith.constant 0 : i32
      %dma_start3A_172 = arith.constant 0 : i32
      %dma_start3A_173 = tpu.memref_slice %arg12[%dma_start3A_170, %dma_start3A_171, %dma_start3A_172] : memref<8x128x16xf32, #tpu.memory_space<vmem>> -> memref<1x128x16xf32, #tpu.memory_space<vmem>>
      %dma_start3A_174 = tpu.memref_squeeze %dma_start3A_173 : memref<1x128x16xf32, #tpu.memory_space<vmem>> -> memref<128x16xf32, #tpu.memory_space<vmem>>
      %dma_start3A_175 = arith.constant 0 : i32
      %dma_start3A_176 = tpu.memref_slice %arg10[%dma_start3A_169, %dma_start3A_175] : memref<8x128xi32, #tpu.memory_space<vmem>> -> memref<1x128xi32, #tpu.memory_space<vmem>>
      %dma_start3A_177 = tpu.memref_squeeze %dma_start3A_176 : memref<1x128xi32, #tpu.memory_space<vmem>> -> memref<128xi32, #tpu.memory_space<vmem>>
      %dma_start3A_178 = arith.constant 0 : i32
      %dma_start3A_179 = arith.constant 0 : i32
      %dma_start3A_180 = tpu.memref_slice %arg2[%dma_start3A_178, %dma_start3A_179] : memref<100000x16xf32, #tpu.memory_space<hbm>> -> memref<100000x16xf32, #tpu.memory_space<hbm>>
      tpu.enqueue_indirect_dma source(%dma_start3A_180 : memref<100000x16xf32, #tpu.memory_space<hbm>>) target(%dma_start3A_174 : memref<128x16xf32, #tpu.memory_space<vmem>>) offsets(%dma_start3A_177 : memref<128xi32, #tpu.memory_space<vmem>>) semaphore(%arg15 : memref<!tpu.dma_semaphore, #tpu.memory_space<semaphore_mem>>)
      %dma_start3A_181 = arith.constant 7 : i32
      %dma_start3A_182 = arith.constant 7 : i32
      %dma_start3A_183 = arith.constant 0 : i32
      %dma_start3A_184 = arith.constant 0 : i32
      %dma_start3A_185 = tpu.memref_slice %arg11[%dma_start3A_182, %dma_start3A_183, %dma_start3A_184] : memref<8x128x16xf32, #tpu.memory_space<vmem>> -> memref<1x128x16xf32, #tpu.memory_space<vmem>>
      %dma_start3A_186 = tpu.memref_squeeze %dma_start3A_185 : memref<1x128x16xf32, #tpu.memory_space<vmem>> -> memref<128x16xf32, #tpu.memory_space<vmem>>
      %dma_start3A_187 = arith.constant 0 : i32
      %dma_start3A_188 = tpu.memref_slice %arg9[%dma_start3A_181, %dma_start3A_187] : memref<8x128xi32, #tpu.memory_space<vmem>> -> memref<1x128xi32, #tpu.memory_space<vmem>>
      %dma_start3A_189 = tpu.memref_squeeze %dma_start3A_188 : memref<1x128xi32, #tpu.memory_space<vmem>> -> memref<128xi32, #tpu.memory_space<vmem>>
      %dma_start3A_190 = arith.constant 0 : i32
      %dma_start3A_191 = arith.constant 0 : i32
      %dma_start3A_192 = tpu.memref_slice %arg2[%dma_start3A_190, %dma_start3A_191] : memref<100000x16xf32, #tpu.memory_space<hbm>> -> memref<100000x16xf32, #tpu.memory_space<hbm>>
      tpu.enqueue_indirect_dma source(%dma_start3A_192 : memref<100000x16xf32, #tpu.memory_space<hbm>>) target(%dma_start3A_186 : memref<128x16xf32, #tpu.memory_space<vmem>>) offsets(%dma_start3A_189 : memref<128xi32, #tpu.memory_space<vmem>>) semaphore(%arg15 : memref<!tpu.dma_semaphore, #tpu.memory_space<semaphore_mem>>)
      %dma_start3A_193 = arith.constant 7 : i32
      %dma_start3A_194 = arith.constant 7 : i32
      %dma_start3A_195 = arith.constant 0 : i32
      %dma_start3A_196 = arith.constant 0 : i32
      %dma_start3A_197 = tpu.memref_slice %arg12[%dma_start3A_194, %dma_start3A_195, %dma_start3A_196] : memref<8x128x16xf32, #tpu.memory_space<vmem>> -> memref<1x128x16xf32, #tpu.memory_space<vmem>>
      %dma_start3A_198 = tpu.memref_squeeze %dma_start3A_197 : memref<1x128x16xf32, #tpu.memory_space<vmem>> -> memref<128x16xf32, #tpu.memory_space<vmem>>
      %dma_start3A_199 = arith.constant 0 : i32
      %dma_start3A_200 = tpu.memref_slice %arg10[%dma_start3A_193, %dma_start3A_199] : memref<8x128xi32, #tpu.memory_space<vmem>> -> memref<1x128xi32, #tpu.memory_space<vmem>>
      %dma_start3A_201 = tpu.memref_squeeze %dma_start3A_200 : memref<1x128xi32, #tpu.memory_space<vmem>> -> memref<128xi32, #tpu.memory_space<vmem>>
      %dma_start3A_202 = arith.constant 0 : i32
      %dma_start3A_203 = arith.constant 0 : i32
      %dma_start3A_204 = tpu.memref_slice %arg2[%dma_start3A_202, %dma_start3A_203] : memref<100000x16xf32, #tpu.memory_space<hbm>> -> memref<100000x16xf32, #tpu.memory_space<hbm>>
      tpu.enqueue_indirect_dma source(%dma_start3A_204 : memref<100000x16xf32, #tpu.memory_space<hbm>>) target(%dma_start3A_198 : memref<128x16xf32, #tpu.memory_space<vmem>>) offsets(%dma_start3A_201 : memref<128xi32, #tpu.memory_space<vmem>>) semaphore(%arg15 : memref<!tpu.dma_semaphore, #tpu.memory_space<semaphore_mem>>)
      %iota3A = tpu.iota {dimensions = array<i32: 0>} : vector<16xi32>
      %get3A = arith.constant 0 : i32
      %get3A_205 = arith.index_cast %get3A : i32 to index
      %get3A_206 = arith.constant 0 : index
      %get3A_207 = tpu.vector_load %arg13[%get3A_205, %get3A_206] {strides = array<i32>} : memref<4x1024xf32, #tpu.memory_space<vmem>>, vector<16xf32>,
      %mul3A_208 = arith.constant 16 : i32
      %mul3A_209 = vector.broadcast %mul3A_208 : i32 to vector<16xi32>
      %mul3A_210 = arith.muli %iota3A, %mul3A_209 : vector<16xi32>
      %add3A_211 = arith.constant 0 : i32
      %add3A_212 = vector.broadcast %add3A_211 : i32 to vector<16xi32>
      %add3A_213 = arith.addi %mul3A_210, %add3A_212 : vector<16xi32>
      tpu.vector_store_idx %arg14[%add3A_213], %get3A_207 : memref<16384xf32, #tpu.memory_space<vmem>>[vector<16xi32>], vector<16xf32>,
      %get3A_214 = arith.constant 0 : i32
      %get3A_215 = arith.index_cast %get3A_214 : i32 to index
      %get3A_216 = arith.constant 16 : index
      %get3A_217 = tpu.vector_load %arg13[%get3A_215, %get3A_216] {strides = array<i32>} : memref<4x1024xf32, #tpu.memory_space<vmem>>, vector<16xf32>,
      %mul3A_218 = arith.constant 16 : i32
      %mul3A_219 = vector.broadcast %mul3A_218 : i32 to vector<16xi32>
      %mul3A_220 = arith.muli %iota3A, %mul3A_219 : vector<16xi32>
      %add3A_221 = arith.constant 256 : i32
      %add3A_222 = vector.broadcast %add3A_221 : i32 to vector<16xi32>
      %add3A_223 = arith.addi %mul3A_220, %add3A_222 : vector<16xi32>
      tpu.vector_store_idx %arg14[%add3A_223], %get3A_217 : memref<16384xf32, #tpu.memory_space<vmem>>[vector<16xi32>], vector<16xf32>,
      %get3A_224 = arith.constant 0 : i32
      %get3A_225 = arith.index_cast %get3A_224 : i32 to index
      %get3A_226 = arith.constant 32 : index
      %get3A_227 = tpu.vector_load %arg13[%get3A_225, %get3A_226] {strides = array<i32>} : memref<4x1024xf32, #tpu.memory_space<vmem>>, vector<16xf32>,
      %mul3A_228 = arith.constant 16 : i32
      %mul3A_229 = vector.broadcast %mul3A_228 : i32 to vector<16xi32>
      %mul3A_230 = arith.muli %iota3A, %mul3A_229 : vector<16xi32>
      %add3A_231 = arith.constant 512 : i32
      %add3A_232 = vector.broadcast %add3A_231 : i32 to vector<16xi32>
      %add3A_233 = arith.addi %mul3A_230, %add3A_232 : vector<16xi32>
      tpu.vector_store_idx %arg14[%add3A_233], %get3A_227 : memref<16384xf32, #tpu.memory_space<vmem>>[vector<16xi32>], vector<16xf32>,
      %get3A_234 = arith.constant 0 : i32
      %get3A_235 = arith.index_cast %get3A_234 : i32 to index
      %get3A_236 = arith.constant 48 : index
      %get3A_237 = tpu.vector_load %arg13[%get3A_235, %get3A_236] {strides = array<i32>} : memref<4x1024xf32, #tpu.memory_space<vmem>>, vector<16xf32>,
      %mul3A_238 = arith.constant 16 : i32
      %mul3A_239 = vector.broadcast %mul3A_238 : i32 to vector<16xi32>
      %mul3A_240 = arith.muli %iota3A, %mul3A_239 : vector<16xi32>
      %add3A_241 = arith.constant 768 : i32
      %add3A_242 = vector.broadcast %add3A_241 : i32 to vector<16xi32>
      %add3A_243 = arith.addi %mul3A_240, %add3A_242 : vector<16xi32>
      tpu.vector_store_idx %arg14[%add3A_243], %get3A_237 : memref<16384xf32, #tpu.memory_space<vmem>>[vector<16xi32>], vector<16xf32>,
      %get3A_244 = arith.constant 0 : i32
      %get3A_245 = arith.index_cast %get3A_244 : i32 to index
      %get3A_246 = arith.constant 64 : index
      %get3A_247 = tpu.vector_load %arg13[%get3A_245, %get3A_246] {strides = array<i32>} : memref<4x1024xf32, #tpu.memory_space<vmem>>, vector<16xf32>,
      %mul3A_248 = arith.constant 16 : i32
      %mul3A_249 = vector.broadcast %mul3A_248 : i32 to vector<16xi32>
      %mul3A_250 = arith.muli %iota3A, %mul3A_249 : vector<16xi32>
      %add3A_251 = arith.constant 1024 : i32
      %add3A_252 = vector.broadcast %add3A_251 : i32 to vector<16xi32>
      %add3A_253 = arith.addi %mul3A_250, %add3A_252 : vector<16xi32>
      tpu.vector_store_idx %arg14[%add3A_253], %get3A_247 : memref<16384xf32, #tpu.memory_space<vmem>>[vector<16xi32>], vector<16xf32>,
      %get3A_254 = arith.constant 0 : i32
      %get3A_255 = arith.index_cast %get3A_254 : i32 to index
      %get3A_256 = arith.constant 80 : index
      %get3A_257 = tpu.vector_load %arg13[%get3A_255, %get3A_256] {strides = array<i32>} : memref<4x1024xf32, #tpu.memory_space<vmem>>, vector<16xf32>,
      %mul3A_258 = arith.constant 16 : i32
      %mul3A_259 = vector.broadcast %mul3A_258 : i32 to vector<16xi32>
      %mul3A_260 = arith.muli %iota3A, %mul3A_259 : vector<16xi32>
      %add3A_261 = arith.constant 1280 : i32
      %add3A_262 = vector.broadcast %add3A_261 : i32 to vector<16xi32>
      %add3A_263 = arith.addi %mul3A_260, %add3A_262 : vector<16xi32>
      tpu.vector_store_idx %arg14[%add3A_263], %get3A_257 : memref<16384xf32, #tpu.memory_space<vmem>>[vector<16xi32>], vector<16xf32>,
      %get3A_264 = arith.constant 0 : i32
      %get3A_265 = arith.index_cast %get3A_264 : i32 to index
      %get3A_266 = arith.constant 96 : index
      %get3A_267 = tpu.vector_load %arg13[%get3A_265, %get3A_266] {strides = array<i32>} : memref<4x1024xf32, #tpu.memory_space<vmem>>, vector<16xf32>,
      %mul3A_268 = arith.constant 16 : i32
      %mul3A_269 = vector.broadcast %mul3A_268 : i32 to vector<16xi32>
      %mul3A_270 = arith.muli %iota3A, %mul3A_269 : vector<16xi32>
      %add3A_271 = arith.constant 1536 : i32
      %add3A_272 = vector.broadcast %add3A_271 : i32 to vector<16xi32>
      %add3A_273 = arith.addi %mul3A_270, %add3A_272 : vector<16xi32>
      tpu.vector_store_idx %arg14[%add3A_273], %get3A_267 : memref<16384xf32, #tpu.memory_space<vmem>>[vector<16xi32>], vector<16xf32>,
      %get3A_274 = arith.constant 0 : i32
      %get3A_275 = arith.index_cast %get3A_274 : i32 to index
      %get3A_276 = arith.constant 112 : index
      %get3A_277 = tpu.vector_load %arg13[%get3A_275, %get3A_276] {strides = array<i32>} : memref<4x1024xf32, #tpu.memory_space<vmem>>, vector<16xf32>,
      %mul3A_278 = arith.constant 16 : i32
      %mul3A_279 = vector.broadcast %mul3A_278 : i32 to vector<16xi32>
      %mul3A_280 = arith.muli %iota3A, %mul3A_279 : vector<16xi32>
      %add3A_281 = arith.constant 1792 : i32
      %add3A_282 = vector.broadcast %add3A_281 : i32 to vector<16xi32>
      %add3A_283 = arith.addi %mul3A_280, %add3A_282 : vector<16xi32>
      tpu.vector_store_idx %arg14[%add3A_283], %get3A_277 : memref<16384xf32, #tpu.memory_space<vmem>>[vector<16xi32>], vector<16xf32>,
      %get3A_284 = arith.constant 0 : i32
      %get3A_285 = arith.index_cast %get3A_284 : i32 to index
      %get3A_286 = arith.constant 128 : index
      %get3A_287 = tpu.vector_load %arg13[%get3A_285, %get3A_286] {strides = array<i32>} : memref<4x1024xf32, #tpu.memory_space<vmem>>, vector<16xf32>,
      %mul3A_288 = arith.constant 16 : i32
      %mul3A_289 = vector.broadcast %mul3A_288 : i32 to vector<16xi32>
      %mul3A_290 = arith.muli %iota3A, %mul3A_289 : vector<16xi32>
      %add3A_291 = arith.constant 2048 : i32
      %add3A_292 = vector.broadcast %add3A_291 : i32 to vector<16xi32>
      %add3A_293 = arith.addi %mul3A_290, %add3A_292 : vector<16xi32>
      tpu.vector_store_idx %arg14[%add3A_293], %get3A_287 : memref<16384xf32, #tpu.memory_space<vmem>>[vector<16xi32>], vector<16xf32>,
      %get3A_294 = arith.constant 0 : i32
      %get3A_295 = arith.index_cast %get3A_294 : i32 to index
      %get3A_296 = arith.constant 144 : index
      %get3A_297 = tpu.vector_load %arg13[%get3A_295, %get3A_296] {strides = array<i32>} : memref<4x1024xf32, #tpu.memory_space<vmem>>, vector<16xf32>,
      %mul3A_298 = arith.constant 16 : i32
      %mul3A_299 = vector.broadcast %mul3A_298 : i32 to vector<16xi32>
      %mul3A_300 = arith.muli %iota3A, %mul3A_299 : vector<16xi32>
      %add3A_301 = arith.constant 2304 : i32
      %add3A_302 = vector.broadcast %add3A_301 : i32 to vector<16xi32>
      %add3A_303 = arith.addi %mul3A_300, %add3A_302 : vector<16xi32>
      tpu.vector_store_idx %arg14[%add3A_303], %get3A_297 : memref<16384xf32, #tpu.memory_space<vmem>>[vector<16xi32>], vector<16xf32>,
      %get3A_304 = arith.constant 0 : i32
      %get3A_305 = arith.index_cast %get3A_304 : i32 to index
      %get3A_306 = arith.constant 160 : index
      %get3A_307 = tpu.vector_load %arg13[%get3A_305, %get3A_306] {strides = array<i32>} : memref<4x1024xf32, #tpu.memory_space<vmem>>, vector<16xf32>,
      %mul3A_308 = arith.constant 16 : i32
      %mul3A_309 = vector.broadcast %mul3A_308 : i32 to vector<16xi32>
      %mul3A_310 = arith.muli %iota3A, %mul3A_309 : vector<16xi32>
      %add3A_311 = arith.constant 2560 : i32
      %add3A_312 = vector.broadcast %add3A_311 : i32 to vector<16xi32>
      %add3A_313 = arith.addi %mul3A_310, %add3A_312 : vector<16xi32>
      tpu.vector_store_idx %arg14[%add3A_313], %get3A_307 : memref<16384xf32, #tpu.memory_space<vmem>>[vector<16xi32>], vector<16xf32>,
      %get3A_314 = arith.constant 0 : i32
      %get3A_315 = arith.index_cast %get3A_314 : i32 to index
      %get3A_316 = arith.constant 176 : index
      %get3A_317 = tpu.vector_load %arg13[%get3A_315, %get3A_316] {strides = array<i32>} : memref<4x1024xf32, #tpu.memory_space<vmem>>, vector<16xf32>,
      %mul3A_318 = arith.constant 16 : i32
      %mul3A_319 = vector.broadcast %mul3A_318 : i32 to vector<16xi32>
      %mul3A_320 = arith.muli %iota3A, %mul3A_319 : vector<16xi32>
      %add3A_321 = arith.constant 2816 : i32
      %add3A_322 = vector.broadcast %add3A_321 : i32 to vector<16xi32>
      %add3A_323 = arith.addi %mul3A_320, %add3A_322 : vector<16xi32>
      tpu.vector_store_idx %arg14[%add3A_323], %get3A_317 : memref<16384xf32, #tpu.memory_space<vmem>>[vector<16xi32>], vector<16xf32>,
      %get3A_324 = arith.constant 0 : i32
      %get3A_325 = arith.index_cast %get3A_324 : i32 to index
      %get3A_326 = arith.constant 192 : index
      %get3A_327 = tpu.vector_load %arg13[%get3A_325, %get3A_326] {strides = array<i32>} : memref<4x1024xf32, #tpu.memory_space<vmem>>, vector<16xf32>,
      %mul3A_328 = arith.constant 16 : i32
      %mul3A_329 = vector.broadcast %mul3A_328 : i32 to vector<16xi32>
      %mul3A_330 = arith.muli %iota3A, %mul3A_329 : vector<16xi32>
      %add3A_331 = arith.constant 3072 : i32
      %add3A_332 = vector.broadcast %add3A_331 : i32 to vector<16xi32>
      %add3A_333 = arith.addi %mul3A_330, %add3A_332 : vector<16xi32>
      tpu.vector_store_idx %arg14[%add3A_333], %get3A_327 : memref<16384xf32, #tpu.memory_space<vmem>>[vector<16xi32>], vector<16xf32>,
      %get3A_334 = arith.constant 0 : i32
      %get3A_335 = arith.index_cast %get3A_334 : i32 to index
      %get3A_336 = arith.constant 208 : index
      %get3A_337 = tpu.vector_load %arg13[%get3A_335, %get3A_336] {strides = array<i32>} : memref<4x1024xf32, #tpu.memory_space<vmem>>, vector<16xf32>,
      %mul3A_338 = arith.constant 16 : i32
      %mul3A_339 = vector.broadcast %mul3A_338 : i32 to vector<16xi32>
      %mul3A_340 = arith.muli %iota3A, %mul3A_339 : vector<16xi32>
      %add3A_341 = arith.constant 3328 : i32
      %add3A_342 = vector.broadcast %add3A_341 : i32 to vector<16xi32>
      %add3A_343 = arith.addi %mul3A_340, %add3A_342 : vector<16xi32>
      tpu.vector_store_idx %arg14[%add3A_343], %get3A_337 : memref<16384xf32, #tpu.memory_space<vmem>>[vector<16xi32>], vector<16xf32>,
      %get3A_344 = arith.constant 0 : i32
      %get3A_345 = arith.index_cast %get3A_344 : i32 to index
      %get3A_346 = arith.constant 224 : index
      %get3A_347 = tpu.vector_load %arg13[%get3A_345, %get3A_346] {strides = array<i32>} : memref<4x1024xf32, #tpu.memory_space<vmem>>, vector<16xf32>,
      %mul3A_348 = arith.constant 16 : i32
      %mul3A_349 = vector.broadcast %mul3A_348 : i32 to vector<16xi32>
      %mul3A_350 = arith.muli %iota3A, %mul3A_349 : vector<16xi32>
      %add3A_351 = arith.constant 3584 : i32
      %add3A_352 = vector.broadcast %add3A_351 : i32 to vector<16xi32>
      %add3A_353 = arith.addi %mul3A_350, %add3A_352 : vector<16xi32>
      tpu.vector_store_idx %arg14[%add3A_353], %get3A_347 : memref<16384xf32, #tpu.memory_space<vmem>>[vector<16xi32>], vector<16xf32>,
      %get3A_354 = arith.constant 0 : i32
      %get3A_355 = arith.index_cast %get3A_354 : i32 to index
      %get3A_356 = arith.constant 240 : index
      %get3A_357 = tpu.vector_load %arg13[%get3A_355, %get3A_356] {strides = array<i32>} : memref<4x1024xf32, #tpu.memory_space<vmem>>, vector<16xf32>,
      %mul3A_358 = arith.constant 16 : i32
      %mul3A_359 = vector.broadcast %mul3A_358 : i32 to vector<16xi32>
      %mul3A_360 = arith.muli %iota3A, %mul3A_359 : vector<16xi32>
      %add3A_361 = arith.constant 3840 : i32
      %add3A_362 = vector.broadcast %add3A_361 : i32 to vector<16xi32>
      %add3A_363 = arith.addi %mul3A_360, %add3A_362 : vector<16xi32>
      tpu.vector_store_idx %arg14[%add3A_363], %get3A_357 : memref<16384xf32, #tpu.memory_space<vmem>>[vector<16xi32>], vector<16xf32>,
      %get3A_364 = arith.constant 0 : i32
      %get3A_365 = arith.index_cast %get3A_364 : i32 to index
      %get3A_366 = arith.constant 256 : index
      %get3A_367 = tpu.vector_load %arg13[%get3A_365, %get3A_366] {strides = array<i32>} : memref<4x1024xf32, #tpu.memory_space<vmem>>, vector<16xf32>,
      %mul3A_368 = arith.constant 16 : i32
      %mul3A_369 = vector.broadcast %mul3A_368 : i32 to vector<16xi32>
      %mul3A_370 = arith.muli %iota3A, %mul3A_369 : vector<16xi32>
      %add3A_371 = arith.constant 4096 : i32
      %add3A_372 = vector.broadcast %add3A_371 : i32 to vector<16xi32>
      %add3A_373 = arith.addi %mul3A_370, %add3A_372 : vector<16xi32>
      tpu.vector_store_idx %arg14[%add3A_373], %get3A_367 : memref<16384xf32, #tpu.memory_space<vmem>>[vector<16xi32>], vector<16xf32>,
      %get3A_374 = arith.constant 0 : i32
      %get3A_375 = arith.index_cast %get3A_374 : i32 to index
      %get3A_376 = arith.constant 272 : index
      %get3A_377 = tpu.vector_load %arg13[%get3A_375, %get3A_376] {strides = array<i32>} : memref<4x1024xf32, #tpu.memory_space<vmem>>, vector<16xf32>,
      %mul3A_378 = arith.constant 16 : i32
      %mul3A_379 = vector.broadcast %mul3A_378 : i32 to vector<16xi32>
      %mul3A_380 = arith.muli %iota3A, %mul3A_379 : vector<16xi32>
      %add3A_381 = arith.constant 4352 : i32
      %add3A_382 = vector.broadcast %add3A_381 : i32 to vector<16xi32>
      %add3A_383 = arith.addi %mul3A_380, %add3A_382 : vector<16xi32>
      tpu.vector_store_idx %arg14[%add3A_383], %get3A_377 : memref<16384xf32, #tpu.memory_space<vmem>>[vector<16xi32>], vector<16xf32>,
      %get3A_384 = arith.constant 0 : i32
      %get3A_385 = arith.index_cast %get3A_384 : i32 to index
      %get3A_386 = arith.constant 288 : index
      %get3A_387 = tpu.vector_load %arg13[%get3A_385, %get3A_386] {strides = array<i32>} : memref<4x1024xf32, #tpu.memory_space<vmem>>, vector<16xf32>,
      %mul3A_388 = arith.constant 16 : i32
      %mul3A_389 = vector.broadcast %mul3A_388 : i32 to vector<16xi32>
      %mul3A_390 = arith.muli %iota3A, %mul3A_389 : vector<16xi32>
      %add3A_391 = arith.constant 4608 : i32
      %add3A_392 = vector.broadcast %add3A_391 : i32 to vector<16xi32>
      %add3A_393 = arith.addi %mul3A_390, %add3A_392 : vector<16xi32>
      tpu.vector_store_idx %arg14[%add3A_393], %get3A_387 : memref<16384xf32, #tpu.memory_space<vmem>>[vector<16xi32>], vector<16xf32>,
      %get3A_394 = arith.constant 0 : i32
      %get3A_395 = arith.index_cast %get3A_394 : i32 to index
      %get3A_396 = arith.constant 304 : index
      %get3A_397 = tpu.vector_load %arg13[%get3A_395, %get3A_396] {strides = array<i32>} : memref<4x1024xf32, #tpu.memory_space<vmem>>, vector<16xf32>,
      %mul3A_398 = arith.constant 16 : i32
      %mul3A_399 = vector.broadcast %mul3A_398 : i32 to vector<16xi32>
      %mul3A_400 = arith.muli %iota3A, %mul3A_399 : vector<16xi32>
      %add3A_401 = arith.constant 4864 : i32
      %add3A_402 = vector.broadcast %add3A_401 : i32 to vector<16xi32>
      %add3A_403 = arith.addi %mul3A_400, %add3A_402 : vector<16xi32>
      tpu.vector_store_idx %arg14[%add3A_403], %get3A_397 : memref<16384xf32, #tpu.memory_space<vmem>>[vector<16xi32>], vector<16xf32>,
      %get3A_404 = arith.constant 0 : i32
      %get3A_405 = arith.index_cast %get3A_404 : i32 to index
      %get3A_406 = arith.constant 320 : index
      %get3A_407 = tpu.vector_load %arg13[%get3A_405, %get3A_406] {strides = array<i32>} : memref<4x1024xf32, #tpu.memory_space<vmem>>, vector<16xf32>,
      %mul3A_408 = arith.constant 16 : i32
      %mul3A_409 = vector.broadcast %mul3A_408 : i32 to vector<16xi32>
      %mul3A_410 = arith.muli %iota3A, %mul3A_409 : vector<16xi32>
      %add3A_411 = arith.constant 5120 : i32
      %add3A_412 = vector.broadcast %add3A_411 : i32 to vector<16xi32>
      %add3A_413 = arith.addi %mul3A_410, %add3A_412 : vector<16xi32>
      tpu.vector_store_idx %arg14[%add3A_413], %get3A_407 : memref<16384xf32, #tpu.memory_space<vmem>>[vector<16xi32>], vector<16xf32>,
      %get3A_414 = arith.constant 0 : i32
      %get3A_415 = arith.index_cast %get3A_414 : i32 to index
      %get3A_416 = arith.constant 336 : index
      %get3A_417 = tpu.vector_load %arg13[%get3A_415, %get3A_416] {strides = array<i32>} : memref<4x1024xf32, #tpu.memory_space<vmem>>, vector<16xf32>,
      %mul3A_418 = arith.constant 16 : i32
      %mul3A_419 = vector.broadcast %mul3A_418 : i32 to vector<16xi32>
      %mul3A_420 = arith.muli %iota3A, %mul3A_419 : vector<16xi32>
      %add3A_421 = arith.constant 5376 : i32
      %add3A_422 = vector.broadcast %add3A_421 : i32 to vector<16xi32>
      %add3A_423 = arith.addi %mul3A_420, %add3A_422 : vector<16xi32>
      tpu.vector_store_idx %arg14[%add3A_423], %get3A_417 : memref<16384xf32, #tpu.memory_space<vmem>>[vector<16xi32>], vector<16xf32>,
      %get3A_424 = arith.constant 0 : i32
      %get3A_425 = arith.index_cast %get3A_424 : i32 to index
      %get3A_426 = arith.constant 352 : index
      %get3A_427 = tpu.vector_load %arg13[%get3A_425, %get3A_426] {strides = array<i32>} : memref<4x1024xf32, #tpu.memory_space<vmem>>, vector<16xf32>,
      %mul3A_428 = arith.constant 16 : i32
      %mul3A_429 = vector.broadcast %mul3A_428 : i32 to vector<16xi32>
      %mul3A_430 = arith.muli %iota3A, %mul3A_429 : vector<16xi32>
      %add3A_431 = arith.constant 5632 : i32
      %add3A_432 = vector.broadcast %add3A_431 : i32 to vector<16xi32>
      %add3A_433 = arith.addi %mul3A_430, %add3A_432 : vector<16xi32>
      tpu.vector_store_idx %arg14[%add3A_433], %get3A_427 : memref<16384xf32, #tpu.memory_space<vmem>>[vector<16xi32>], vector<16xf32>,
      %get3A_434 = arith.constant 0 : i32
      %get3A_435 = arith.index_cast %get3A_434 : i32 to index
      %get3A_436 = arith.constant 368 : index
      %get3A_437 = tpu.vector_load %arg13[%get3A_435, %get3A_436] {strides = array<i32>} : memref<4x1024xf32, #tpu.memory_space<vmem>>, vector<16xf32>,
      %mul3A_438 = arith.constant 16 : i32
      %mul3A_439 = vector.broadcast %mul3A_438 : i32 to vector<16xi32>
      %mul3A_440 = arith.muli %iota3A, %mul3A_439 : vector<16xi32>
      %add3A_441 = arith.constant 5888 : i32
      %add3A_442 = vector.broadcast %add3A_441 : i32 to vector<16xi32>
      %add3A_443 = arith.addi %mul3A_440, %add3A_442 : vector<16xi32>
      tpu.vector_store_idx %arg14[%add3A_443], %get3A_437 : memref<16384xf32, #tpu.memory_space<vmem>>[vector<16xi32>], vector<16xf32>,
      %get3A_444 = arith.constant 0 : i32
      %get3A_445 = arith.index_cast %get3A_444 : i32 to index
      %get3A_446 = arith.constant 384 : index
      %get3A_447 = tpu.vector_load %arg13[%get3A_445, %get3A_446] {strides = array<i32>} : memref<4x1024xf32, #tpu.memory_space<vmem>>, vector<16xf32>,
      %mul3A_448 = arith.constant 16 : i32
      %mul3A_449 = vector.broadcast %mul3A_448 : i32 to vector<16xi32>
      %mul3A_450 = arith.muli %iota3A, %mul3A_449 : vector<16xi32>
      %add3A_451 = arith.constant 6144 : i32
      %add3A_452 = vector.broadcast %add3A_451 : i32 to vector<16xi32>
      %add3A_453 = arith.addi %mul3A_450, %add3A_452 : vector<16xi32>
      tpu.vector_store_idx %arg14[%add3A_453], %get3A_447 : memref<16384xf32, #tpu.memory_space<vmem>>[vector<16xi32>], vector<16xf32>,
      %get3A_454 = arith.constant 0 : i32
      %get3A_455 = arith.index_cast %get3A_454 : i32 to index
      %get3A_456 = arith.constant 400 : index
      %get3A_457 = tpu.vector_load %arg13[%get3A_455, %get3A_456] {strides = array<i32>} : memref<4x1024xf32, #tpu.memory_space<vmem>>, vector<16xf32>,
      %mul3A_458 = arith.constant 16 : i32
      %mul3A_459 = vector.broadcast %mul3A_458 : i32 to vector<16xi32>
      %mul3A_460 = arith.muli %iota3A, %mul3A_459 : vector<16xi32>
      %add3A_461 = arith.constant 6400 : i32
      %add3A_462 = vector.broadcast %add3A_461 : i32 to vector<16xi32>
      %add3A_463 = arith.addi %mul3A_460, %add3A_462 : vector<16xi32>
      tpu.vector_store_idx %arg14[%add3A_463], %get3A_457 : memref<16384xf32, #tpu.memory_space<vmem>>[vector<16xi32>], vector<16xf32>,
      %get3A_464 = arith.constant 0 : i32
      %get3A_465 = arith.index_cast %get3A_464 : i32 to index
      %get3A_466 = arith.constant 416 : index
      %get3A_467 = tpu.vector_load %arg13[%get3A_465, %get3A_466] {strides = array<i32>} : memref<4x1024xf32, #tpu.memory_space<vmem>>, vector<16xf32>,
      %mul3A_468 = arith.constant 16 : i32
      %mul3A_469 = vector.broadcast %mul3A_468 : i32 to vector<16xi32>
      %mul3A_470 = arith.muli %iota3A, %mul3A_469 : vector<16xi32>
      %add3A_471 = arith.constant 6656 : i32
      %add3A_472 = vector.broadcast %add3A_471 : i32 to vector<16xi32>
      %add3A_473 = arith.addi %mul3A_470, %add3A_472 : vector<16xi32>
      tpu.vector_store_idx %arg14[%add3A_473], %get3A_467 : memref<16384xf32, #tpu.memory_space<vmem>>[vector<16xi32>], vector<16xf32>,
      %get3A_474 = arith.constant 0 : i32
      %get3A_475 = arith.index_cast %get3A_474 : i32 to index
      %get3A_476 = arith.constant 432 : index
      %get3A_477 = tpu.vector_load %arg13[%get3A_475, %get3A_476] {strides = array<i32>} : memref<4x1024xf32, #tpu.memory_space<vmem>>, vector<16xf32>,
      %mul3A_478 = arith.constant 16 : i32
      %mul3A_479 = vector.broadcast %mul3A_478 : i32 to vector<16xi32>
      %mul3A_480 = arith.muli %iota3A, %mul3A_479 : vector<16xi32>
      %add3A_481 = arith.constant 6912 : i32
      %add3A_482 = vector.broadcast %add3A_481 : i32 to vector<16xi32>
      %add3A_483 = arith.addi %mul3A_480, %add3A_482 : vector<16xi32>
      tpu.vector_store_idx %arg14[%add3A_483], %get3A_477 : memref<16384xf32, #tpu.memory_space<vmem>>[vector<16xi32>], vector<16xf32>,
      %get3A_484 = arith.constant 0 : i32
      %get3A_485 = arith.index_cast %get3A_484 : i32 to index
      %get3A_486 = arith.constant 448 : index
      %get3A_487 = tpu.vector_load %arg13[%get3A_485, %get3A_486] {strides = array<i32>} : memref<4x1024xf32, #tpu.memory_space<vmem>>, vector<16xf32>,
      %mul3A_488 = arith.constant 16 : i32
      %mul3A_489 = vector.broadcast %mul3A_488 : i32 to vector<16xi32>
      %mul3A_490 = arith.muli %iota3A, %mul3A_489 : vector<16xi32>
      %add3A_491 = arith.constant 7168 : i32
      %add3A_492 = vector.broadcast %add3A_491 : i32 to vector<16xi32>
      %add3A_493 = arith.addi %mul3A_490, %add3A_492 : vector<16xi32>
      tpu.vector_store_idx %arg14[%add3A_493], %get3A_487 : memref<16384xf32, #tpu.memory_space<vmem>>[vector<16xi32>], vector<16xf32>,
      %get3A_494 = arith.constant 0 : i32
      %get3A_495 = arith.index_cast %get3A_494 : i32 to index
      %get3A_496 = arith.constant 464 : index
      %get3A_497 = tpu.vector_load %arg13[%get3A_495, %get3A_496] {strides = array<i32>} : memref<4x1024xf32, #tpu.memory_space<vmem>>, vector<16xf32>,
      %mul3A_498 = arith.constant 16 : i32
      %mul3A_499 = vector.broadcast %mul3A_498 : i32 to vector<16xi32>
      %mul3A_500 = arith.muli %iota3A, %mul3A_499 : vector<16xi32>
      %add3A_501 = arith.constant 7424 : i32
      %add3A_502 = vector.broadcast %add3A_501 : i32 to vector<16xi32>
      %add3A_503 = arith.addi %mul3A_500, %add3A_502 : vector<16xi32>
      tpu.vector_store_idx %arg14[%add3A_503], %get3A_497 : memref<16384xf32, #tpu.memory_space<vmem>>[vector<16xi32>], vector<16xf32>,
      %get3A_504 = arith.constant 0 : i32
      %get3A_505 = arith.index_cast %get3A_504 : i32 to index
      %get3A_506 = arith.constant 480 : index
      %get3A_507 = tpu.vector_load %arg13[%get3A_505, %get3A_506] {strides = array<i32>} : memref<4x1024xf32, #tpu.memory_space<vmem>>, vector<16xf32>,
      %mul3A_508 = arith.constant 16 : i32
      %mul3A_509 = vector.broadcast %mul3A_508 : i32 to vector<16xi32>
      %mul3A_510 = arith.muli %iota3A, %mul3A_509 : vector<16xi32>
      %add3A_511 = arith.constant 7680 : i32
      %add3A_512 = vector.broadcast %add3A_511 : i32 to vector<16xi32>
      %add3A_513 = arith.addi %mul3A_510, %add3A_512 : vector<16xi32>
      tpu.vector_store_idx %arg14[%add3A_513], %get3A_507 : memref<16384xf32, #tpu.memory_space<vmem>>[vector<16xi32>], vector<16xf32>,
      %get3A_514 = arith.constant 0 : i32
      %get3A_515 = arith.index_cast %get3A_514 : i32 to index
      %get3A_516 = arith.constant 496 : index
      %get3A_517 = tpu.vector_load %arg13[%get3A_515, %get3A_516] {strides = array<i32>} : memref<4x1024xf32, #tpu.memory_space<vmem>>, vector<16xf32>,
      %mul3A_518 = arith.constant 16 : i32
      %mul3A_519 = vector.broadcast %mul3A_518 : i32 to vector<16xi32>
      %mul3A_520 = arith.muli %iota3A, %mul3A_519 : vector<16xi32>
      %add3A_521 = arith.constant 7936 : i32
      %add3A_522 = vector.broadcast %add3A_521 : i32 to vector<16xi32>
      %add3A_523 = arith.addi %mul3A_520, %add3A_522 : vector<16xi32>
      tpu.vector_store_idx %arg14[%add3A_523], %get3A_517 : memref<16384xf32, #tpu.memory_space<vmem>>[vector<16xi32>], vector<16xf32>,
      %get3A_524 = arith.constant 0 : i32
      %get3A_525 = arith.index_cast %get3A_524 : i32 to index
      %get3A_526 = arith.constant 512 : index
      %get3A_527 = tpu.vector_load %arg13[%get3A_525, %get3A_526] {strides = array<i32>} : memref<4x1024xf32, #tpu.memory_space<vmem>>, vector<16xf32>,
      %mul3A_528 = arith.constant 16 : i32
      %mul3A_529 = vector.broadcast %mul3A_528 : i32 to vector<16xi32>
      %mul3A_530 = arith.muli %iota3A, %mul3A_529 : vector<16xi32>
      %add3A_531 = arith.constant 8192 : i32
      %add3A_532 = vector.broadcast %add3A_531 : i32 to vector<16xi32>
      %add3A_533 = arith.addi %mul3A_530, %add3A_532 : vector<16xi32>
      tpu.vector_store_idx %arg14[%add3A_533], %get3A_527 : memref<16384xf32, #tpu.memory_space<vmem>>[vector<16xi32>], vector<16xf32>,
      %get3A_534 = arith.constant 0 : i32
      %get3A_535 = arith.index_cast %get3A_534 : i32 to index
      %get3A_536 = arith.constant 528 : index
      %get3A_537 = tpu.vector_load %arg13[%get3A_535, %get3A_536] {strides = array<i32>} : memref<4x1024xf32, #tpu.memory_space<vmem>>, vector<16xf32>,
      %mul3A_538 = arith.constant 16 : i32
      %mul3A_539 = vector.broadcast %mul3A_538 : i32 to vector<16xi32>
      %mul3A_540 = arith.muli %iota3A, %mul3A_539 : vector<16xi32>
      %add3A_541 = arith.constant 8448 : i32
      %add3A_542 = vector.broadcast %add3A_541 : i32 to vector<16xi32>
      %add3A_543 = arith.addi %mul3A_540, %add3A_542 : vector<16xi32>
      tpu.vector_store_idx %arg14[%add3A_543], %get3A_537 : memref<16384xf32, #tpu.memory_space<vmem>>[vector<16xi32>], vector<16xf32>,
      %get3A_544 = arith.constant 0 : i32
      %get3A_545 = arith.index_cast %get3A_544 : i32 to index
      %get3A_546 = arith.constant 544 : index
      %get3A_547 = tpu.vector_load %arg13[%get3A_545, %get3A_546] {strides = array<i32>} : memref<4x1024xf32, #tpu.memory_space<vmem>>, vector<16xf32>,
      %mul3A_548 = arith.constant 16 : i32
      %mul3A_549 = vector.broadcast %mul3A_548 : i32 to vector<16xi32>
      %mul3A_550 = arith.muli %iota3A, %mul3A_549 : vector<16xi32>
      %add3A_551 = arith.constant 8704 : i32
      %add3A_552 = vector.broadcast %add3A_551 : i32 to vector<16xi32>
      %add3A_553 = arith.addi %mul3A_550, %add3A_552 : vector<16xi32>
      tpu.vector_store_idx %arg14[%add3A_553], %get3A_547 : memref<16384xf32, #tpu.memory_space<vmem>>[vector<16xi32>], vector<16xf32>,
      %get3A_554 = arith.constant 0 : i32
      %get3A_555 = arith.index_cast %get3A_554 : i32 to index
      %get3A_556 = arith.constant 560 : index
      %get3A_557 = tpu.vector_load %arg13[%get3A_555, %get3A_556] {strides = array<i32>} : memref<4x1024xf32, #tpu.memory_space<vmem>>, vector<16xf32>,
      %mul3A_558 = arith.constant 16 : i32
      %mul3A_559 = vector.broadcast %mul3A_558 : i32 to vector<16xi32>
      %mul3A_560 = arith.muli %iota3A, %mul3A_559 : vector<16xi32>
      %add3A_561 = arith.constant 8960 : i32
      %add3A_562 = vector.broadcast %add3A_561 : i32 to vector<16xi32>
      %add3A_563 = arith.addi %mul3A_560, %add3A_562 : vector<16xi32>
      tpu.vector_store_idx %arg14[%add3A_563], %get3A_557 : memref<16384xf32, #tpu.memory_space<vmem>>[vector<16xi32>], vector<16xf32>,
      %get3A_564 = arith.constant 0 : i32
      %get3A_565 = arith.index_cast %get3A_564 : i32 to index
      %get3A_566 = arith.constant 576 : index
      %get3A_567 = tpu.vector_load %arg13[%get3A_565, %get3A_566] {strides = array<i32>} : memref<4x1024xf32, #tpu.memory_space<vmem>>, vector<16xf32>,
      %mul3A_568 = arith.constant 16 : i32
      %mul3A_569 = vector.broadcast %mul3A_568 : i32 to vector<16xi32>
      %mul3A_570 = arith.muli %iota3A, %mul3A_569 : vector<16xi32>
      %add3A_571 = arith.constant 9216 : i32
      %add3A_572 = vector.broadcast %add3A_571 : i32 to vector<16xi32>
      %add3A_573 = arith.addi %mul3A_570, %add3A_572 : vector<16xi32>
      tpu.vector_store_idx %arg14[%add3A_573], %get3A_567 : memref<16384xf32, #tpu.memory_space<vmem>>[vector<16xi32>], vector<16xf32>,
      %get3A_574 = arith.constant 0 : i32
      %get3A_575 = arith.index_cast %get3A_574 : i32 to index
      %get3A_576 = arith.constant 592 : index
      %get3A_577 = tpu.vector_load %arg13[%get3A_575, %get3A_576] {strides = array<i32>} : memref<4x1024xf32, #tpu.memory_space<vmem>>, vector<16xf32>,
      %mul3A_578 = arith.constant 16 : i32
      %mul3A_579 = vector.broadcast %mul3A_578 : i32 to vector<16xi32>
      %mul3A_580 = arith.muli %iota3A, %mul3A_579 : vector<16xi32>
      %add3A_581 = arith.constant 9472 : i32
      %add3A_582 = vector.broadcast %add3A_581 : i32 to vector<16xi32>
      %add3A_583 = arith.addi %mul3A_580, %add3A_582 : vector<16xi32>
      tpu.vector_store_idx %arg14[%add3A_583], %get3A_577 : memref<16384xf32, #tpu.memory_space<vmem>>[vector<16xi32>], vector<16xf32>,
      %get3A_584 = arith.constant 0 : i32
      %get3A_585 = arith.index_cast %get3A_584 : i32 to index
      %get3A_586 = arith.constant 608 : index
      %get3A_587 = tpu.vector_load %arg13[%get3A_585, %get3A_586] {strides = array<i32>} : memref<4x1024xf32, #tpu.memory_space<vmem>>, vector<16xf32>,
      %mul3A_588 = arith.constant 16 : i32
      %mul3A_589 = vector.broadcast %mul3A_588 : i32 to vector<16xi32>
      %mul3A_590 = arith.muli %iota3A, %mul3A_589 : vector<16xi32>
      %add3A_591 = arith.constant 9728 : i32
      %add3A_592 = vector.broadcast %add3A_591 : i32 to vector<16xi32>
      %add3A_593 = arith.addi %mul3A_590, %add3A_592 : vector<16xi32>
      tpu.vector_store_idx %arg14[%add3A_593], %get3A_587 : memref<16384xf32, #tpu.memory_space<vmem>>[vector<16xi32>], vector<16xf32>,
      %get3A_594 = arith.constant 0 : i32
      %get3A_595 = arith.index_cast %get3A_594 : i32 to index
      %get3A_596 = arith.constant 624 : index
      %get3A_597 = tpu.vector_load %arg13[%get3A_595, %get3A_596] {strides = array<i32>} : memref<4x1024xf32, #tpu.memory_space<vmem>>, vector<16xf32>,
      %mul3A_598 = arith.constant 16 : i32
      %mul3A_599 = vector.broadcast %mul3A_598 : i32 to vector<16xi32>
      %mul3A_600 = arith.muli %iota3A, %mul3A_599 : vector<16xi32>
      %add3A_601 = arith.constant 9984 : i32
      %add3A_602 = vector.broadcast %add3A_601 : i32 to vector<16xi32>
      %add3A_603 = arith.addi %mul3A_600, %add3A_602 : vector<16xi32>
      tpu.vector_store_idx %arg14[%add3A_603], %get3A_597 : memref<16384xf32, #tpu.memory_space<vmem>>[vector<16xi32>], vector<16xf32>,
      %get3A_604 = arith.constant 0 : i32
      %get3A_605 = arith.index_cast %get3A_604 : i32 to index
      %get3A_606 = arith.constant 640 : index
      %get3A_607 = tpu.vector_load %arg13[%get3A_605, %get3A_606] {strides = array<i32>} : memref<4x1024xf32, #tpu.memory_space<vmem>>, vector<16xf32>,
      %mul3A_608 = arith.constant 16 : i32
      %mul3A_609 = vector.broadcast %mul3A_608 : i32 to vector<16xi32>
      %mul3A_610 = arith.muli %iota3A, %mul3A_609 : vector<16xi32>
      %add3A_611 = arith.constant 10240 : i32
      %add3A_612 = vector.broadcast %add3A_611 : i32 to vector<16xi32>
      %add3A_613 = arith.addi %mul3A_610, %add3A_612 : vector<16xi32>
      tpu.vector_store_idx %arg14[%add3A_613], %get3A_607 : memref<16384xf32, #tpu.memory_space<vmem>>[vector<16xi32>], vector<16xf32>,
      %get3A_614 = arith.constant 0 : i32
      %get3A_615 = arith.index_cast %get3A_614 : i32 to index
      %get3A_616 = arith.constant 656 : index
      %get3A_617 = tpu.vector_load %arg13[%get3A_615, %get3A_616] {strides = array<i32>} : memref<4x1024xf32, #tpu.memory_space<vmem>>, vector<16xf32>,
      %mul3A_618 = arith.constant 16 : i32
      %mul3A_619 = vector.broadcast %mul3A_618 : i32 to vector<16xi32>
      %mul3A_620 = arith.muli %iota3A, %mul3A_619 : vector<16xi32>
      %add3A_621 = arith.constant 10496 : i32
      %add3A_622 = vector.broadcast %add3A_621 : i32 to vector<16xi32>
      %add3A_623 = arith.addi %mul3A_620, %add3A_622 : vector<16xi32>
      tpu.vector_store_idx %arg14[%add3A_623], %get3A_617 : memref<16384xf32, #tpu.memory_space<vmem>>[vector<16xi32>], vector<16xf32>,
      %get3A_624 = arith.constant 0 : i32
      %get3A_625 = arith.index_cast %get3A_624 : i32 to index
      %get3A_626 = arith.constant 672 : index
      %get3A_627 = tpu.vector_load %arg13[%get3A_625, %get3A_626] {strides = array<i32>} : memref<4x1024xf32, #tpu.memory_space<vmem>>, vector<16xf32>,
      %mul3A_628 = arith.constant 16 : i32
      %mul3A_629 = vector.broadcast %mul3A_628 : i32 to vector<16xi32>
      %mul3A_630 = arith.muli %iota3A, %mul3A_629 : vector<16xi32>
      %add3A_631 = arith.constant 10752 : i32
      %add3A_632 = vector.broadcast %add3A_631 : i32 to vector<16xi32>
      %add3A_633 = arith.addi %mul3A_630, %add3A_632 : vector<16xi32>
      tpu.vector_store_idx %arg14[%add3A_633], %get3A_627 : memref<16384xf32, #tpu.memory_space<vmem>>[vector<16xi32>], vector<16xf32>,
      %get3A_634 = arith.constant 0 : i32
      %get3A_635 = arith.index_cast %get3A_634 : i32 to index
      %get3A_636 = arith.constant 688 : index
      %get3A_637 = tpu.vector_load %arg13[%get3A_635, %get3A_636] {strides = array<i32>} : memref<4x1024xf32, #tpu.memory_space<vmem>>, vector<16xf32>,
      %mul3A_638 = arith.constant 16 : i32
      %mul3A_639 = vector.broadcast %mul3A_638 : i32 to vector<16xi32>
      %mul3A_640 = arith.muli %iota3A, %mul3A_639 : vector<16xi32>
      %add3A_641 = arith.constant 11008 : i32
      %add3A_642 = vector.broadcast %add3A_641 : i32 to vector<16xi32>
      %add3A_643 = arith.addi %mul3A_640, %add3A_642 : vector<16xi32>
      tpu.vector_store_idx %arg14[%add3A_643], %get3A_637 : memref<16384xf32, #tpu.memory_space<vmem>>[vector<16xi32>], vector<16xf32>,
      %get3A_644 = arith.constant 0 : i32
      %get3A_645 = arith.index_cast %get3A_644 : i32 to index
      %get3A_646 = arith.constant 704 : index
      %get3A_647 = tpu.vector_load %arg13[%get3A_645, %get3A_646] {strides = array<i32>} : memref<4x1024xf32, #tpu.memory_space<vmem>>, vector<16xf32>,
      %mul3A_648 = arith.constant 16 : i32
      %mul3A_649 = vector.broadcast %mul3A_648 : i32 to vector<16xi32>
      %mul3A_650 = arith.muli %iota3A, %mul3A_649 : vector<16xi32>
      %add3A_651 = arith.constant 11264 : i32
      %add3A_652 = vector.broadcast %add3A_651 : i32 to vector<16xi32>
      %add3A_653 = arith.addi %mul3A_650, %add3A_652 : vector<16xi32>
      tpu.vector_store_idx %arg14[%add3A_653], %get3A_647 : memref<16384xf32, #tpu.memory_space<vmem>>[vector<16xi32>], vector<16xf32>,
      %get3A_654 = arith.constant 0 : i32
      %get3A_655 = arith.index_cast %get3A_654 : i32 to index
      %get3A_656 = arith.constant 720 : index
      %get3A_657 = tpu.vector_load %arg13[%get3A_655, %get3A_656] {strides = array<i32>} : memref<4x1024xf32, #tpu.memory_space<vmem>>, vector<16xf32>,
      %mul3A_658 = arith.constant 16 : i32
      %mul3A_659 = vector.broadcast %mul3A_658 : i32 to vector<16xi32>
      %mul3A_660 = arith.muli %iota3A, %mul3A_659 : vector<16xi32>
      %add3A_661 = arith.constant 11520 : i32
      %add3A_662 = vector.broadcast %add3A_661 : i32 to vector<16xi32>
      %add3A_663 = arith.addi %mul3A_660, %add3A_662 : vector<16xi32>
      tpu.vector_store_idx %arg14[%add3A_663], %get3A_657 : memref<16384xf32, #tpu.memory_space<vmem>>[vector<16xi32>], vector<16xf32>,
      %get3A_664 = arith.constant 0 : i32
      %get3A_665 = arith.index_cast %get3A_664 : i32 to index
      %get3A_666 = arith.constant 736 : index
      %get3A_667 = tpu.vector_load %arg13[%get3A_665, %get3A_666] {strides = array<i32>} : memref<4x1024xf32, #tpu.memory_space<vmem>>, vector<16xf32>,
      %mul3A_668 = arith.constant 16 : i32
      %mul3A_669 = vector.broadcast %mul3A_668 : i32 to vector<16xi32>
      %mul3A_670 = arith.muli %iota3A, %mul3A_669 : vector<16xi32>
      %add3A_671 = arith.constant 11776 : i32
      %add3A_672 = vector.broadcast %add3A_671 : i32 to vector<16xi32>
      %add3A_673 = arith.addi %mul3A_670, %add3A_672 : vector<16xi32>
      tpu.vector_store_idx %arg14[%add3A_673], %get3A_667 : memref<16384xf32, #tpu.memory_space<vmem>>[vector<16xi32>], vector<16xf32>,
      %get3A_674 = arith.constant 0 : i32
      %get3A_675 = arith.index_cast %get3A_674 : i32 to index
      %get3A_676 = arith.constant 752 : index
      %get3A_677 = tpu.vector_load %arg13[%get3A_675, %get3A_676] {strides = array<i32>} : memref<4x1024xf32, #tpu.memory_space<vmem>>, vector<16xf32>,
      %mul3A_678 = arith.constant 16 : i32
      %mul3A_679 = vector.broadcast %mul3A_678 : i32 to vector<16xi32>
      %mul3A_680 = arith.muli %iota3A, %mul3A_679 : vector<16xi32>
      %add3A_681 = arith.constant 12032 : i32
      %add3A_682 = vector.broadcast %add3A_681 : i32 to vector<16xi32>
      %add3A_683 = arith.addi %mul3A_680, %add3A_682 : vector<16xi32>
      tpu.vector_store_idx %arg14[%add3A_683], %get3A_677 : memref<16384xf32, #tpu.memory_space<vmem>>[vector<16xi32>], vector<16xf32>,
      %get3A_684 = arith.constant 0 : i32
      %get3A_685 = arith.index_cast %get3A_684 : i32 to index
      %get3A_686 = arith.constant 768 : index
      %get3A_687 = tpu.vector_load %arg13[%get3A_685, %get3A_686] {strides = array<i32>} : memref<4x1024xf32, #tpu.memory_space<vmem>>, vector<16xf32>,
      %mul3A_688 = arith.constant 16 : i32
      %mul3A_689 = vector.broadcast %mul3A_688 : i32 to vector<16xi32>
      %mul3A_690 = arith.muli %iota3A, %mul3A_689 : vector<16xi32>
      %add3A_691 = arith.constant 12288 : i32
      %add3A_692 = vector.broadcast %add3A_691 : i32 to vector<16xi32>
      %add3A_693 = arith.addi %mul3A_690, %add3A_692 : vector<16xi32>
      tpu.vector_store_idx %arg14[%add3A_693], %get3A_687 : memref<16384xf32, #tpu.memory_space<vmem>>[vector<16xi32>], vector<16xf32>,
      %get3A_694 = arith.constant 0 : i32
      %get3A_695 = arith.index_cast %get3A_694 : i32 to index
      %get3A_696 = arith.constant 784 : index
      %get3A_697 = tpu.vector_load %arg13[%get3A_695, %get3A_696] {strides = array<i32>} : memref<4x1024xf32, #tpu.memory_space<vmem>>, vector<16xf32>,
      %mul3A_698 = arith.constant 16 : i32
      %mul3A_699 = vector.broadcast %mul3A_698 : i32 to vector<16xi32>
      %mul3A_700 = arith.muli %iota3A, %mul3A_699 : vector<16xi32>
      %add3A_701 = arith.constant 12544 : i32
      %add3A_702 = vector.broadcast %add3A_701 : i32 to vector<16xi32>
      %add3A_703 = arith.addi %mul3A_700, %add3A_702 : vector<16xi32>
      tpu.vector_store_idx %arg14[%add3A_703], %get3A_697 : memref<16384xf32, #tpu.memory_space<vmem>>[vector<16xi32>], vector<16xf32>,
      %get3A_704 = arith.constant 0 : i32
      %get3A_705 = arith.index_cast %get3A_704 : i32 to index
      %get3A_706 = arith.constant 800 : index
      %get3A_707 = tpu.vector_load %arg13[%get3A_705, %get3A_706] {strides = array<i32>} : memref<4x1024xf32, #tpu.memory_space<vmem>>, vector<16xf32>,
      %mul3A_708 = arith.constant 16 : i32
      %mul3A_709 = vector.broadcast %mul3A_708 : i32 to vector<16xi32>
      %mul3A_710 = arith.muli %iota3A, %mul3A_709 : vector<16xi32>
      %add3A_711 = arith.constant 12800 : i32
      %add3A_712 = vector.broadcast %add3A_711 : i32 to vector<16xi32>
      %add3A_713 = arith.addi %mul3A_710, %add3A_712 : vector<16xi32>
      tpu.vector_store_idx %arg14[%add3A_713], %get3A_707 : memref<16384xf32, #tpu.memory_space<vmem>>[vector<16xi32>], vector<16xf32>,
      %get3A_714 = arith.constant 0 : i32
      %get3A_715 = arith.index_cast %get3A_714 : i32 to index
      %get3A_716 = arith.constant 816 : index
      %get3A_717 = tpu.vector_load %arg13[%get3A_715, %get3A_716] {strides = array<i32>} : memref<4x1024xf32, #tpu.memory_space<vmem>>, vector<16xf32>,
      %mul3A_718 = arith.constant 16 : i32
      %mul3A_719 = vector.broadcast %mul3A_718 : i32 to vector<16xi32>
      %mul3A_720 = arith.muli %iota3A, %mul3A_719 : vector<16xi32>
      %add3A_721 = arith.constant 13056 : i32
      %add3A_722 = vector.broadcast %add3A_721 : i32 to vector<16xi32>
      %add3A_723 = arith.addi %mul3A_720, %add3A_722 : vector<16xi32>
      tpu.vector_store_idx %arg14[%add3A_723], %get3A_717 : memref<16384xf32, #tpu.memory_space<vmem>>[vector<16xi32>], vector<16xf32>,
      %get3A_724 = arith.constant 0 : i32
      %get3A_725 = arith.index_cast %get3A_724 : i32 to index
      %get3A_726 = arith.constant 832 : index
      %get3A_727 = tpu.vector_load %arg13[%get3A_725, %get3A_726] {strides = array<i32>} : memref<4x1024xf32, #tpu.memory_space<vmem>>, vector<16xf32>,
      %mul3A_728 = arith.constant 16 : i32
      %mul3A_729 = vector.broadcast %mul3A_728 : i32 to vector<16xi32>
      %mul3A_730 = arith.muli %iota3A, %mul3A_729 : vector<16xi32>
      %add3A_731 = arith.constant 13312 : i32
      %add3A_732 = vector.broadcast %add3A_731 : i32 to vector<16xi32>
      %add3A_733 = arith.addi %mul3A_730, %add3A_732 : vector<16xi32>
      tpu.vector_store_idx %arg14[%add3A_733], %get3A_727 : memref<16384xf32, #tpu.memory_space<vmem>>[vector<16xi32>], vector<16xf32>,
      %get3A_734 = arith.constant 0 : i32
      %get3A_735 = arith.index_cast %get3A_734 : i32 to index
      %get3A_736 = arith.constant 848 : index
      %get3A_737 = tpu.vector_load %arg13[%get3A_735, %get3A_736] {strides = array<i32>} : memref<4x1024xf32, #tpu.memory_space<vmem>>, vector<16xf32>,
      %mul3A_738 = arith.constant 16 : i32
      %mul3A_739 = vector.broadcast %mul3A_738 : i32 to vector<16xi32>
      %mul3A_740 = arith.muli %iota3A, %mul3A_739 : vector<16xi32>
      %add3A_741 = arith.constant 13568 : i32
      %add3A_742 = vector.broadcast %add3A_741 : i32 to vector<16xi32>
      %add3A_743 = arith.addi %mul3A_740, %add3A_742 : vector<16xi32>
      tpu.vector_store_idx %arg14[%add3A_743], %get3A_737 : memref<16384xf32, #tpu.memory_space<vmem>>[vector<16xi32>], vector<16xf32>,
      %get3A_744 = arith.constant 0 : i32
      %get3A_745 = arith.index_cast %get3A_744 : i32 to index
      %get3A_746 = arith.constant 864 : index
      %get3A_747 = tpu.vector_load %arg13[%get3A_745, %get3A_746] {strides = array<i32>} : memref<4x1024xf32, #tpu.memory_space<vmem>>, vector<16xf32>,
      %mul3A_748 = arith.constant 16 : i32
      %mul3A_749 = vector.broadcast %mul3A_748 : i32 to vector<16xi32>
      %mul3A_750 = arith.muli %iota3A, %mul3A_749 : vector<16xi32>
      %add3A_751 = arith.constant 13824 : i32
      %add3A_752 = vector.broadcast %add3A_751 : i32 to vector<16xi32>
      %add3A_753 = arith.addi %mul3A_750, %add3A_752 : vector<16xi32>
      tpu.vector_store_idx %arg14[%add3A_753], %get3A_747 : memref<16384xf32, #tpu.memory_space<vmem>>[vector<16xi32>], vector<16xf32>,
      %get3A_754 = arith.constant 0 : i32
      %get3A_755 = arith.index_cast %get3A_754 : i32 to index
      %get3A_756 = arith.constant 880 : index
      %get3A_757 = tpu.vector_load %arg13[%get3A_755, %get3A_756] {strides = array<i32>} : memref<4x1024xf32, #tpu.memory_space<vmem>>, vector<16xf32>,
      %mul3A_758 = arith.constant 16 : i32
      %mul3A_759 = vector.broadcast %mul3A_758 : i32 to vector<16xi32>
      %mul3A_760 = arith.muli %iota3A, %mul3A_759 : vector<16xi32>
      %add3A_761 = arith.constant 14080 : i32
      %add3A_762 = vector.broadcast %add3A_761 : i32 to vector<16xi32>
      %add3A_763 = arith.addi %mul3A_760, %add3A_762 : vector<16xi32>
      tpu.vector_store_idx %arg14[%add3A_763], %get3A_757 : memref<16384xf32, #tpu.memory_space<vmem>>[vector<16xi32>], vector<16xf32>,
      %get3A_764 = arith.constant 0 : i32
      %get3A_765 = arith.index_cast %get3A_764 : i32 to index
      %get3A_766 = arith.constant 896 : index
      %get3A_767 = tpu.vector_load %arg13[%get3A_765, %get3A_766] {strides = array<i32>} : memref<4x1024xf32, #tpu.memory_space<vmem>>, vector<16xf32>,
      %mul3A_768 = arith.constant 16 : i32
      %mul3A_769 = vector.broadcast %mul3A_768 : i32 to vector<16xi32>
      %mul3A_770 = arith.muli %iota3A, %mul3A_769 : vector<16xi32>
      %add3A_771 = arith.constant 14336 : i32
      %add3A_772 = vector.broadcast %add3A_771 : i32 to vector<16xi32>
      %add3A_773 = arith.addi %mul3A_770, %add3A_772 : vector<16xi32>
      tpu.vector_store_idx %arg14[%add3A_773], %get3A_767 : memref<16384xf32, #tpu.memory_space<vmem>>[vector<16xi32>], vector<16xf32>,
      %get3A_774 = arith.constant 0 : i32
      %get3A_775 = arith.index_cast %get3A_774 : i32 to index
      %get3A_776 = arith.constant 912 : index
      %get3A_777 = tpu.vector_load %arg13[%get3A_775, %get3A_776] {strides = array<i32>} : memref<4x1024xf32, #tpu.memory_space<vmem>>, vector<16xf32>,
      %mul3A_778 = arith.constant 16 : i32
      %mul3A_779 = vector.broadcast %mul3A_778 : i32 to vector<16xi32>
      %mul3A_780 = arith.muli %iota3A, %mul3A_779 : vector<16xi32>
      %add3A_781 = arith.constant 14592 : i32
      %add3A_782 = vector.broadcast %add3A_781 : i32 to vector<16xi32>
      %add3A_783 = arith.addi %mul3A_780, %add3A_782 : vector<16xi32>
      tpu.vector_store_idx %arg14[%add3A_783], %get3A_777 : memref<16384xf32, #tpu.memory_space<vmem>>[vector<16xi32>], vector<16xf32>,
      %get3A_784 = arith.constant 0 : i32
      %get3A_785 = arith.index_cast %get3A_784 : i32 to index
      %get3A_786 = arith.constant 928 : index
      %get3A_787 = tpu.vector_load %arg13[%get3A_785, %get3A_786] {strides = array<i32>} : memref<4x1024xf32, #tpu.memory_space<vmem>>, vector<16xf32>,
      %mul3A_788 = arith.constant 16 : i32
      %mul3A_789 = vector.broadcast %mul3A_788 : i32 to vector<16xi32>
      %mul3A_790 = arith.muli %iota3A, %mul3A_789 : vector<16xi32>
      %add3A_791 = arith.constant 14848 : i32
      %add3A_792 = vector.broadcast %add3A_791 : i32 to vector<16xi32>
      %add3A_793 = arith.addi %mul3A_790, %add3A_792 : vector<16xi32>
      tpu.vector_store_idx %arg14[%add3A_793], %get3A_787 : memref<16384xf32, #tpu.memory_space<vmem>>[vector<16xi32>], vector<16xf32>,
      %get3A_794 = arith.constant 0 : i32
      %get3A_795 = arith.index_cast %get3A_794 : i32 to index
      %get3A_796 = arith.constant 944 : index
      %get3A_797 = tpu.vector_load %arg13[%get3A_795, %get3A_796] {strides = array<i32>} : memref<4x1024xf32, #tpu.memory_space<vmem>>, vector<16xf32>,
      %mul3A_798 = arith.constant 16 : i32
      %mul3A_799 = vector.broadcast %mul3A_798 : i32 to vector<16xi32>
      %mul3A_800 = arith.muli %iota3A, %mul3A_799 : vector<16xi32>
      %add3A_801 = arith.constant 15104 : i32
      %add3A_802 = vector.broadcast %add3A_801 : i32 to vector<16xi32>
      %add3A_803 = arith.addi %mul3A_800, %add3A_802 : vector<16xi32>
      tpu.vector_store_idx %arg14[%add3A_803], %get3A_797 : memref<16384xf32, #tpu.memory_space<vmem>>[vector<16xi32>], vector<16xf32>,
      %get3A_804 = arith.constant 0 : i32
      %get3A_805 = arith.index_cast %get3A_804 : i32 to index
      %get3A_806 = arith.constant 960 : index
      %get3A_807 = tpu.vector_load %arg13[%get3A_805, %get3A_806] {strides = array<i32>} : memref<4x1024xf32, #tpu.memory_space<vmem>>, vector<16xf32>,
      %mul3A_808 = arith.constant 16 : i32
      %mul3A_809 = vector.broadcast %mul3A_808 : i32 to vector<16xi32>
      %mul3A_810 = arith.muli %iota3A, %mul3A_809 : vector<16xi32>
      %add3A_811 = arith.constant 15360 : i32
      %add3A_812 = vector.broadcast %add3A_811 : i32 to vector<16xi32>
      %add3A_813 = arith.addi %mul3A_810, %add3A_812 : vector<16xi32>
      tpu.vector_store_idx %arg14[%add3A_813], %get3A_807 : memref<16384xf32, #tpu.memory_space<vmem>>[vector<16xi32>], vector<16xf32>,
      %get3A_814 = arith.constant 0 : i32
      %get3A_815 = arith.index_cast %get3A_814 : i32 to index
      %get3A_816 = arith.constant 976 : index
      %get3A_817 = tpu.vector_load %arg13[%get3A_815, %get3A_816] {strides = array<i32>} : memref<4x1024xf32, #tpu.memory_space<vmem>>, vector<16xf32>,
      %mul3A_818 = arith.constant 16 : i32
      %mul3A_819 = vector.broadcast %mul3A_818 : i32 to vector<16xi32>
      %mul3A_820 = arith.muli %iota3A, %mul3A_819 : vector<16xi32>
      %add3A_821 = arith.constant 15616 : i32
      %add3A_822 = vector.broadcast %add3A_821 : i32 to vector<16xi32>
      %add3A_823 = arith.addi %mul3A_820, %add3A_822 : vector<16xi32>
      tpu.vector_store_idx %arg14[%add3A_823], %get3A_817 : memref<16384xf32, #tpu.memory_space<vmem>>[vector<16xi32>], vector<16xf32>,
      %get3A_824 = arith.constant 0 : i32
      %get3A_825 = arith.index_cast %get3A_824 : i32 to index
      %get3A_826 = arith.constant 992 : index
      %get3A_827 = tpu.vector_load %arg13[%get3A_825, %get3A_826] {strides = array<i32>} : memref<4x1024xf32, #tpu.memory_space<vmem>>, vector<16xf32>,
      %mul3A_828 = arith.constant 16 : i32
      %mul3A_829 = vector.broadcast %mul3A_828 : i32 to vector<16xi32>
      %mul3A_830 = arith.muli %iota3A, %mul3A_829 : vector<16xi32>
      %add3A_831 = arith.constant 15872 : i32
      %add3A_832 = vector.broadcast %add3A_831 : i32 to vector<16xi32>
      %add3A_833 = arith.addi %mul3A_830, %add3A_832 : vector<16xi32>
      tpu.vector_store_idx %arg14[%add3A_833], %get3A_827 : memref<16384xf32, #tpu.memory_space<vmem>>[vector<16xi32>], vector<16xf32>,
      %get3A_834 = arith.constant 0 : i32
      %get3A_835 = arith.index_cast %get3A_834 : i32 to index
      %get3A_836 = arith.constant 1008 : index
      %get3A_837 = tpu.vector_load %arg13[%get3A_835, %get3A_836] {strides = array<i32>} : memref<4x1024xf32, #tpu.memory_space<vmem>>, vector<16xf32>,
      %mul3A_838 = arith.constant 16 : i32
      %mul3A_839 = vector.broadcast %mul3A_838 : i32 to vector<16xi32>
      %mul3A_840 = arith.muli %iota3A, %mul3A_839 : vector<16xi32>
      %add3A_841 = arith.constant 16128 : i32
      %add3A_842 = vector.broadcast %add3A_841 : i32 to vector<16xi32>
      %add3A_843 = arith.addi %mul3A_840, %add3A_842 : vector<16xi32>
      tpu.vector_store_idx %arg14[%add3A_843], %get3A_837 : memref<16384xf32, #tpu.memory_space<vmem>>[vector<16xi32>], vector<16xf32>,
      %get3A_844 = arith.constant 1 : i32
      %get3A_845 = arith.index_cast %get3A_844 : i32 to index
      %get3A_846 = arith.constant 0 : index
      %get3A_847 = tpu.vector_load %arg13[%get3A_845, %get3A_846] {strides = array<i32>} : memref<4x1024xf32, #tpu.memory_space<vmem>>, vector<16xf32>,
      %mul3A_848 = arith.constant 16 : i32
      %mul3A_849 = vector.broadcast %mul3A_848 : i32 to vector<16xi32>
      %mul3A_850 = arith.muli %iota3A, %mul3A_849 : vector<16xi32>
      %add3A_851 = arith.constant 1 : i32
      %add3A_852 = vector.broadcast %add3A_851 : i32 to vector<16xi32>
      %add3A_853 = arith.addi %mul3A_850, %add3A_852 : vector<16xi32>
      tpu.vector_store_idx %arg14[%add3A_853], %get3A_847 : memref<16384xf32, #tpu.memory_space<vmem>>[vector<16xi32>], vector<16xf32>,
      %get3A_854 = arith.constant 1 : i32
      %get3A_855 = arith.index_cast %get3A_854 : i32 to index
      %get3A_856 = arith.constant 16 : index
      %get3A_857 = tpu.vector_load %arg13[%get3A_855, %get3A_856] {strides = array<i32>} : memref<4x1024xf32, #tpu.memory_space<vmem>>, vector<16xf32>,
      %mul3A_858 = arith.constant 16 : i32
      %mul3A_859 = vector.broadcast %mul3A_858 : i32 to vector<16xi32>
      %mul3A_860 = arith.muli %iota3A, %mul3A_859 : vector<16xi32>
      %add3A_861 = arith.constant 257 : i32
      %add3A_862 = vector.broadcast %add3A_861 : i32 to vector<16xi32>
      %add3A_863 = arith.addi %mul3A_860, %add3A_862 : vector<16xi32>
      tpu.vector_store_idx %arg14[%add3A_863], %get3A_857 : memref<16384xf32, #tpu.memory_space<vmem>>[vector<16xi32>], vector<16xf32>,
      %get3A_864 = arith.constant 1 : i32
      %get3A_865 = arith.index_cast %get3A_864 : i32 to index
      %get3A_866 = arith.constant 32 : index
      %get3A_867 = tpu.vector_load %arg13[%get3A_865, %get3A_866] {strides = array<i32>} : memref<4x1024xf32, #tpu.memory_space<vmem>>, vector<16xf32>,
      %mul3A_868 = arith.constant 16 : i32
      %mul3A_869 = vector.broadcast %mul3A_868 : i32 to vector<16xi32>
      %mul3A_870 = arith.muli %iota3A, %mul3A_869 : vector<16xi32>
      %add3A_871 = arith.constant 513 : i32
      %add3A_872 = vector.broadcast %add3A_871 : i32 to vector<16xi32>
      %add3A_873 = arith.addi %mul3A_870, %add3A_872 : vector<16xi32>
      tpu.vector_store_idx %arg14[%add3A_873], %get3A_867 : memref<16384xf32, #tpu.memory_space<vmem>>[vector<16xi32>], vector<16xf32>,
      %get3A_874 = arith.constant 1 : i32
      %get3A_875 = arith.index_cast %get3A_874 : i32 to index
      %get3A_876 = arith.constant 48 : index
      %get3A_877 = tpu.vector_load %arg13[%get3A_875, %get3A_876] {strides = array<i32>} : memref<4x1024xf32, #tpu.memory_space<vmem>>, vector<16xf32>,
      %mul3A_878 = arith.constant 16 : i32
      %mul3A_879 = vector.broadcast %mul3A_878 : i32 to vector<16xi32>
      %mul3A_880 = arith.muli %iota3A, %mul3A_879 : vector<16xi32>
      %add3A_881 = arith.constant 769 : i32
      %add3A_882 = vector.broadcast %add3A_881 : i32 to vector<16xi32>
      %add3A_883 = arith.addi %mul3A_880, %add3A_882 : vector<16xi32>
      tpu.vector_store_idx %arg14[%add3A_883], %get3A_877 : memref<16384xf32, #tpu.memory_space<vmem>>[vector<16xi32>], vector<16xf32>,
      %get3A_884 = arith.constant 1 : i32
      %get3A_885 = arith.index_cast %get3A_884 : i32 to index
      %get3A_886 = arith.constant 64 : index
      %get3A_887 = tpu.vector_load %arg13[%get3A_885, %get3A_886] {strides = array<i32>} : memref<4x1024xf32, #tpu.memory_space<vmem>>, vector<16xf32>,
      %mul3A_888 = arith.constant 16 : i32
      %mul3A_889 = vector.broadcast %mul3A_888 : i32 to vector<16xi32>
      %mul3A_890 = arith.muli %iota3A, %mul3A_889 : vector<16xi32>
      %add3A_891 = arith.constant 1025 : i32
      %add3A_892 = vector.broadcast %add3A_891 : i32 to vector<16xi32>
      %add3A_893 = arith.addi %mul3A_890, %add3A_892 : vector<16xi32>
      tpu.vector_store_idx %arg14[%add3A_893], %get3A_887 : memref<16384xf32, #tpu.memory_space<vmem>>[vector<16xi32>], vector<16xf32>,
      %get3A_894 = arith.constant 1 : i32
      %get3A_895 = arith.index_cast %get3A_894 : i32 to index
      %get3A_896 = arith.constant 80 : index
      %get3A_897 = tpu.vector_load %arg13[%get3A_895, %get3A_896] {strides = array<i32>} : memref<4x1024xf32, #tpu.memory_space<vmem>>, vector<16xf32>,
      %mul3A_898 = arith.constant 16 : i32
      %mul3A_899 = vector.broadcast %mul3A_898 : i32 to vector<16xi32>
      %mul3A_900 = arith.muli %iota3A, %mul3A_899 : vector<16xi32>
      %add3A_901 = arith.constant 1281 : i32
      %add3A_902 = vector.broadcast %add3A_901 : i32 to vector<16xi32>
      %add3A_903 = arith.addi %mul3A_900, %add3A_902 : vector<16xi32>
      tpu.vector_store_idx %arg14[%add3A_903], %get3A_897 : memref<16384xf32, #tpu.memory_space<vmem>>[vector<16xi32>], vector<16xf32>,
      %get3A_904 = arith.constant 1 : i32
      %get3A_905 = arith.index_cast %get3A_904 : i32 to index
      %get3A_906 = arith.constant 96 : index
      %get3A_907 = tpu.vector_load %arg13[%get3A_905, %get3A_906] {strides = array<i32>} : memref<4x1024xf32, #tpu.memory_space<vmem>>, vector<16xf32>,
      %mul3A_908 = arith.constant 16 : i32
      %mul3A_909 = vector.broadcast %mul3A_908 : i32 to vector<16xi32>
      %mul3A_910 = arith.muli %iota3A, %mul3A_909 : vector<16xi32>
      %add3A_911 = arith.constant 1537 : i32
      %add3A_912 = vector.broadcast %add3A_911 : i32 to vector<16xi32>
      %add3A_913 = arith.addi %mul3A_910, %add3A_912 : vector<16xi32>
      tpu.vector_store_idx %arg14[%add3A_913], %get3A_907 : memref<16384xf32, #tpu.memory_space<vmem>>[vector<16xi32>], vector<16xf32>,
      %get3A_914 = arith.constant 1 : i32
      %get3A_915 = arith.index_cast %get3A_914 : i32 to index
      %get3A_916 = arith.constant 112 : index
      %get3A_917 = tpu.vector_load %arg13[%get3A_915, %get3A_916] {strides = array<i32>} : memref<4x1024xf32, #tpu.memory_space<vmem>>, vector<16xf32>,
      %mul3A_918 = arith.constant 16 : i32
      %mul3A_919 = vector.broadcast %mul3A_918 : i32 to vector<16xi32>
      %mul3A_920 = arith.muli %iota3A, %mul3A_919 : vector<16xi32>
      %add3A_921 = arith.constant 1793 : i32
      %add3A_922 = vector.broadcast %add3A_921 : i32 to vector<16xi32>
      %add3A_923 = arith.addi %mul3A_920, %add3A_922 : vector<16xi32>
      tpu.vector_store_idx %arg14[%add3A_923], %get3A_917 : memref<16384xf32, #tpu.memory_space<vmem>>[vector<16xi32>], vector<16xf32>,
      %get3A_924 = arith.constant 1 : i32
      %get3A_925 = arith.index_cast %get3A_924 : i32 to index
      %get3A_926 = arith.constant 128 : index
      %get3A_927 = tpu.vector_load %arg13[%get3A_925, %get3A_926] {strides = array<i32>} : memref<4x1024xf32, #tpu.memory_space<vmem>>, vector<16xf32>,
      %mul3A_928 = arith.constant 16 : i32
      %mul3A_929 = vector.broadcast %mul3A_928 : i32 to vector<16xi32>
      %mul3A_930 = arith.muli %iota3A, %mul3A_929 : vector<16xi32>
      %add3A_931 = arith.constant 2049 : i32
      %add3A_932 = vector.broadcast %add3A_931 : i32 to vector<16xi32>
      %add3A_933 = arith.addi %mul3A_930, %add3A_932 : vector<16xi32>
      tpu.vector_store_idx %arg14[%add3A_933], %get3A_927 : memref<16384xf32, #tpu.memory_space<vmem>>[vector<16xi32>], vector<16xf32>,
      %get3A_934 = arith.constant 1 : i32
      %get3A_935 = arith.index_cast %get3A_934 : i32 to index
      %get3A_936 = arith.constant 144 : index
      %get3A_937 = tpu.vector_load %arg13[%get3A_935, %get3A_936] {strides = array<i32>} : memref<4x1024xf32, #tpu.memory_space<vmem>>, vector<16xf32>,
      %mul3A_938 = arith.constant 16 : i32
      %mul3A_939 = vector.broadcast %mul3A_938 : i32 to vector<16xi32>
      %mul3A_940 = arith.muli %iota3A, %mul3A_939 : vector<16xi32>
      %add3A_941 = arith.constant 2305 : i32
      %add3A_942 = vector.broadcast %add3A_941 : i32 to vector<16xi32>
      %add3A_943 = arith.addi %mul3A_940, %add3A_942 : vector<16xi32>
      tpu.vector_store_idx %arg14[%add3A_943], %get3A_937 : memref<16384xf32, #tpu.memory_space<vmem>>[vector<16xi32>], vector<16xf32>,
      %get3A_944 = arith.constant 1 : i32
      %get3A_945 = arith.index_cast %get3A_944 : i32 to index
      %get3A_946 = arith.constant 160 : index
      %get3A_947 = tpu.vector_load %arg13[%get3A_945, %get3A_946] {strides = array<i32>} : memref<4x1024xf32, #tpu.memory_space<vmem>>, vector<16xf32>,
      %mul3A_948 = arith.constant 16 : i32
      %mul3A_949 = vector.broadcast %mul3A_948 : i32 to vector<16xi32>
      %mul3A_950 = arith.muli %iota3A, %mul3A_949 : vector<16xi32>
      %add3A_951 = arith.constant 2561 : i32
      %add3A_952 = vector.broadcast %add3A_951 : i32 to vector<16xi32>
      %add3A_953 = arith.addi %mul3A_950, %add3A_952 : vector<16xi32>
      tpu.vector_store_idx %arg14[%add3A_953], %get3A_947 : memref<16384xf32, #tpu.memory_space<vmem>>[vector<16xi32>], vector<16xf32>,
      %get3A_954 = arith.constant 1 : i32
      %get3A_955 = arith.index_cast %get3A_954 : i32 to index
      %get3A_956 = arith.constant 176 : index
      %get3A_957 = tpu.vector_load %arg13[%get3A_955, %get3A_956] {strides = array<i32>} : memref<4x1024xf32, #tpu.memory_space<vmem>>, vector<16xf32>,
      %mul3A_958 = arith.constant 16 : i32
      %mul3A_959 = vector.broadcast %mul3A_958 : i32 to vector<16xi32>
      %mul3A_960 = arith.muli %iota3A, %mul3A_959 : vector<16xi32>
      %add3A_961 = arith.constant 2817 : i32
      %add3A_962 = vector.broadcast %add3A_961 : i32 to vector<16xi32>
      %add3A_963 = arith.addi %mul3A_960, %add3A_962 : vector<16xi32>
      tpu.vector_store_idx %arg14[%add3A_963], %get3A_957 : memref<16384xf32, #tpu.memory_space<vmem>>[vector<16xi32>], vector<16xf32>,
      %get3A_964 = arith.constant 1 : i32
      %get3A_965 = arith.index_cast %get3A_964 : i32 to index
      %get3A_966 = arith.constant 192 : index
      %get3A_967 = tpu.vector_load %arg13[%get3A_965, %get3A_966] {strides = array<i32>} : memref<4x1024xf32, #tpu.memory_space<vmem>>, vector<16xf32>,
      %mul3A_968 = arith.constant 16 : i32
      %mul3A_969 = vector.broadcast %mul3A_968 : i32 to vector<16xi32>
      %mul3A_970 = arith.muli %iota3A, %mul3A_969 : vector<16xi32>
      %add3A_971 = arith.constant 3073 : i32
      %add3A_972 = vector.broadcast %add3A_971 : i32 to vector<16xi32>
      %add3A_973 = arith.addi %mul3A_970, %add3A_972 : vector<16xi32>
      tpu.vector_store_idx %arg14[%add3A_973], %get3A_967 : memref<16384xf32, #tpu.memory_space<vmem>>[vector<16xi32>], vector<16xf32>,
      %get3A_974 = arith.constant 1 : i32
      %get3A_975 = arith.index_cast %get3A_974 : i32 to index
      %get3A_976 = arith.constant 208 : index
      %get3A_977 = tpu.vector_load %arg13[%get3A_975, %get3A_976] {strides = array<i32>} : memref<4x1024xf32, #tpu.memory_space<vmem>>, vector<16xf32>,
      %mul3A_978 = arith.constant 16 : i32
      %mul3A_979 = vector.broadcast %mul3A_978 : i32 to vector<16xi32>
      %mul3A_980 = arith.muli %iota3A, %mul3A_979 : vector<16xi32>
      %add3A_981 = arith.constant 3329 : i32
      %add3A_982 = vector.broadcast %add3A_981 : i32 to vector<16xi32>
      %add3A_983 = arith.addi %mul3A_980, %add3A_982 : vector<16xi32>
      tpu.vector_store_idx %arg14[%add3A_983], %get3A_977 : memref<16384xf32, #tpu.memory_space<vmem>>[vector<16xi32>], vector<16xf32>,
      %get3A_984 = arith.constant 1 : i32
      %get3A_985 = arith.index_cast %get3A_984 : i32 to index
      %get3A_986 = arith.constant 224 : index
      %get3A_987 = tpu.vector_load %arg13[%get3A_985, %get3A_986] {strides = array<i32>} : memref<4x1024xf32, #tpu.memory_space<vmem>>, vector<16xf32>,
      %mul3A_988 = arith.constant 16 : i32
      %mul3A_989 = vector.broadcast %mul3A_988 : i32 to vector<16xi32>
      %mul3A_990 = arith.muli %iota3A, %mul3A_989 : vector<16xi32>
      %add3A_991 = arith.constant 3585 : i32
      %add3A_992 = vector.broadcast %add3A_991 : i32 to vector<16xi32>
      %add3A_993 = arith.addi %mul3A_990, %add3A_992 : vector<16xi32>
      tpu.vector_store_idx %arg14[%add3A_993], %get3A_987 : memref<16384xf32, #tpu.memory_space<vmem>>[vector<16xi32>], vector<16xf32>,
      %get3A_994 = arith.constant 1 : i32
      %get3A_995 = arith.index_cast %get3A_994 : i32 to index
      %get3A_996 = arith.constant 240 : index
      %get3A_997 = tpu.vector_load %arg13[%get3A_995, %get3A_996] {strides = array<i32>} : memref<4x1024xf32, #tpu.memory_space<vmem>>, vector<16xf32>,
      %mul3A_998 = arith.constant 16 : i32
      %mul3A_999 = vector.broadcast %mul3A_998 : i32 to vector<16xi32>
      %mul3A_1000 = arith.muli %iota3A, %mul3A_999 : vector<16xi32>
      %add3A_1001 = arith.constant 3841 : i32
      %add3A_1002 = vector.broadcast %add3A_1001 : i32 to vector<16xi32>
      %add3A_1003 = arith.addi %mul3A_1000, %add3A_1002 : vector<16xi32>
      tpu.vector_store_idx %arg14[%add3A_1003], %get3A_997 : memref<16384xf32, #tpu.memory_space<vmem>>[vector<16xi32>], vector<16xf32>,
      %get3A_1004 = arith.constant 1 : i32
      %get3A_1005 = arith.index_cast %get3A_1004 : i32 to index
      %get3A_1006 = arith.constant 256 : index
      %get3A_1007 = tpu.vector_load %arg13[%get3A_1005, %get3A_1006] {strides = array<i32>} : memref<4x1024xf32, #tpu.memory_space<vmem>>, vector<16xf32>,
      %mul3A_1008 = arith.constant 16 : i32
      %mul3A_1009 = vector.broadcast %mul3A_1008 : i32 to vector<16xi32>
      %mul3A_1010 = arith.muli %iota3A, %mul3A_1009 : vector<16xi32>
      %add3A_1011 = arith.constant 4097 : i32
      %add3A_1012 = vector.broadcast %add3A_1011 : i32 to vector<16xi32>
      %add3A_1013 = arith.addi %mul3A_1010, %add3A_1012 : vector<16xi32>
      tpu.vector_store_idx %arg14[%add3A_1013], %get3A_1007 : memref<16384xf32, #tpu.memory_space<vmem>>[vector<16xi32>], vector<16xf32>,
      %get3A_1014 = arith.constant 1 : i32
      %get3A_1015 = arith.index_cast %get3A_1014 : i32 to index
      %get3A_1016 = arith.constant 272 : index
      %get3A_1017 = tpu.vector_load %arg13[%get3A_1015, %get3A_1016] {strides = array<i32>} : memref<4x1024xf32, #tpu.memory_space<vmem>>, vector<16xf32>,
      %mul3A_1018 = arith.constant 16 : i32
      %mul3A_1019 = vector.broadcast %mul3A_1018 : i32 to vector<16xi32>
      %mul3A_1020 = arith.muli %iota3A, %mul3A_1019 : vector<16xi32>
      %add3A_1021 = arith.constant 4353 : i32
      %add3A_1022 = vector.broadcast %add3A_1021 : i32 to vector<16xi32>
      %add3A_1023 = arith.addi %mul3A_1020, %add3A_1022 : vector<16xi32>
      tpu.vector_store_idx %arg14[%add3A_1023], %get3A_1017 : memref<16384xf32, #tpu.memory_space<vmem>>[vector<16xi32>], vector<16xf32>,
      %get3A_1024 = arith.constant 1 : i32
      %get3A_1025 = arith.index_cast %get3A_1024 : i32 to index
      %get3A_1026 = arith.constant 288 : index
      %get3A_1027 = tpu.vector_load %arg13[%get3A_1025, %get3A_1026] {strides = array<i32>} : memref<4x1024xf32, #tpu.memory_space<vmem>>, vector<16xf32>,
      %mul3A_1028 = arith.constant 16 : i32
      %mul3A_1029 = vector.broadcast %mul3A_1028 : i32 to vector<16xi32>
      %mul3A_1030 = arith.muli %iota3A, %mul3A_1029 : vector<16xi32>
      %add3A_1031 = arith.constant 4609 : i32
      %add3A_1032 = vector.broadcast %add3A_1031 : i32 to vector<16xi32>
      %add3A_1033 = arith.addi %mul3A_1030, %add3A_1032 : vector<16xi32>
      tpu.vector_store_idx %arg14[%add3A_1033], %get3A_1027 : memref<16384xf32, #tpu.memory_space<vmem>>[vector<16xi32>], vector<16xf32>,
      %get3A_1034 = arith.constant 1 : i32
      %get3A_1035 = arith.index_cast %get3A_1034 : i32 to index
      %get3A_1036 = arith.constant 304 : index
      %get3A_1037 = tpu.vector_load %arg13[%get3A_1035, %get3A_1036] {strides = array<i32>} : memref<4x1024xf32, #tpu.memory_space<vmem>>, vector<16xf32>,
      %mul3A_1038 = arith.constant 16 : i32
      %mul3A_1039 = vector.broadcast %mul3A_1038 : i32 to vector<16xi32>
      %mul3A_1040 = arith.muli %iota3A, %mul3A_1039 : vector<16xi32>
      %add3A_1041 = arith.constant 4865 : i32
      %add3A_1042 = vector.broadcast %add3A_1041 : i32 to vector<16xi32>
      %add3A_1043 = arith.addi %mul3A_1040, %add3A_1042 : vector<16xi32>
      tpu.vector_store_idx %arg14[%add3A_1043], %get3A_1037 : memref<16384xf32, #tpu.memory_space<vmem>>[vector<16xi32>], vector<16xf32>,
      %get3A_1044 = arith.constant 1 : i32
      %get3A_1045 = arith.index_cast %get3A_1044 : i32 to index
      %get3A_1046 = arith.constant 320 : index
      %get3A_1047 = tpu.vector_load %arg13[%get3A_1045, %get3A_1046] {strides = array<i32>} : memref<4x1024xf32, #tpu.memory_space<vmem>>, vector<16xf32>,
      %mul3A_1048 = arith.constant 16 : i32
      %mul3A_1049 = vector.broadcast %mul3A_1048 : i32 to vector<16xi32>
      %mul3A_1050 = arith.muli %iota3A, %mul3A_1049 : vector<16xi32>
      %add3A_1051 = arith.constant 5121 : i32
      %add3A_1052 = vector.broadcast %add3A_1051 : i32 to vector<16xi32>
      %add3A_1053 = arith.addi %mul3A_1050, %add3A_1052 : vector<16xi32>
      tpu.vector_store_idx %arg14[%add3A_1053], %get3A_1047 : memref<16384xf32, #tpu.memory_space<vmem>>[vector<16xi32>], vector<16xf32>,
      %get3A_1054 = arith.constant 1 : i32
      %get3A_1055 = arith.index_cast %get3A_1054 : i32 to index
      %get3A_1056 = arith.constant 336 : index
      %get3A_1057 = tpu.vector_load %arg13[%get3A_1055, %get3A_1056] {strides = array<i32>} : memref<4x1024xf32, #tpu.memory_space<vmem>>, vector<16xf32>,
      %mul3A_1058 = arith.constant 16 : i32
      %mul3A_1059 = vector.broadcast %mul3A_1058 : i32 to vector<16xi32>
      %mul3A_1060 = arith.muli %iota3A, %mul3A_1059 : vector<16xi32>
      %add3A_1061 = arith.constant 5377 : i32
      %add3A_1062 = vector.broadcast %add3A_1061 : i32 to vector<16xi32>
      %add3A_1063 = arith.addi %mul3A_1060, %add3A_1062 : vector<16xi32>
      tpu.vector_store_idx %arg14[%add3A_1063], %get3A_1057 : memref<16384xf32, #tpu.memory_space<vmem>>[vector<16xi32>], vector<16xf32>,
      %get3A_1064 = arith.constant 1 : i32
      %get3A_1065 = arith.index_cast %get3A_1064 : i32 to index
      %get3A_1066 = arith.constant 352 : index
      %get3A_1067 = tpu.vector_load %arg13[%get3A_1065, %get3A_1066] {strides = array<i32>} : memref<4x1024xf32, #tpu.memory_space<vmem>>, vector<16xf32>,
      %mul3A_1068 = arith.constant 16 : i32
      %mul3A_1069 = vector.broadcast %mul3A_1068 : i32 to vector<16xi32>
      %mul3A_1070 = arith.muli %iota3A, %mul3A_1069 : vector<16xi32>
      %add3A_1071 = arith.constant 5633 : i32
      %add3A_1072 = vector.broadcast %add3A_1071 : i32 to vector<16xi32>
      %add3A_1073 = arith.addi %mul3A_1070, %add3A_1072 : vector<16xi32>
      tpu.vector_store_idx %arg14[%add3A_1073], %get3A_1067 : memref<16384xf32, #tpu.memory_space<vmem>>[vector<16xi32>], vector<16xf32>,
      %get3A_1074 = arith.constant 1 : i32
      %get3A_1075 = arith.index_cast %get3A_1074 : i32 to index
      %get3A_1076 = arith.constant 368 : index
      %get3A_1077 = tpu.vector_load %arg13[%get3A_1075, %get3A_1076] {strides = array<i32>} : memref<4x1024xf32, #tpu.memory_space<vmem>>, vector<16xf32>,
      %mul3A_1078 = arith.constant 16 : i32
      %mul3A_1079 = vector.broadcast %mul3A_1078 : i32 to vector<16xi32>
      %mul3A_1080 = arith.muli %iota3A, %mul3A_1079 : vector<16xi32>
      %add3A_1081 = arith.constant 5889 : i32
      %add3A_1082 = vector.broadcast %add3A_1081 : i32 to vector<16xi32>
      %add3A_1083 = arith.addi %mul3A_1080, %add3A_1082 : vector<16xi32>
      tpu.vector_store_idx %arg14[%add3A_1083], %get3A_1077 : memref<16384xf32, #tpu.memory_space<vmem>>[vector<16xi32>], vector<16xf32>,
      %get3A_1084 = arith.constant 1 : i32
      %get3A_1085 = arith.index_cast %get3A_1084 : i32 to index
      %get3A_1086 = arith.constant 384 : index
      %get3A_1087 = tpu.vector_load %arg13[%get3A_1085, %get3A_1086] {strides = array<i32>} : memref<4x1024xf32, #tpu.memory_space<vmem>>, vector<16xf32>,
      %mul3A_1088 = arith.constant 16 : i32
      %mul3A_1089 = vector.broadcast %mul3A_1088 : i32 to vector<16xi32>
      %mul3A_1090 = arith.muli %iota3A, %mul3A_1089 : vector<16xi32>
      %add3A_1091 = arith.constant 6145 : i32
      %add3A_1092 = vector.broadcast %add3A_1091 : i32 to vector<16xi32>
      %add3A_1093 = arith.addi %mul3A_1090, %add3A_1092 : vector<16xi32>
      tpu.vector_store_idx %arg14[%add3A_1093], %get3A_1087 : memref<16384xf32, #tpu.memory_space<vmem>>[vector<16xi32>], vector<16xf32>,
      %get3A_1094 = arith.constant 1 : i32
      %get3A_1095 = arith.index_cast %get3A_1094 : i32 to index
      %get3A_1096 = arith.constant 400 : index
      %get3A_1097 = tpu.vector_load %arg13[%get3A_1095, %get3A_1096] {strides = array<i32>} : memref<4x1024xf32, #tpu.memory_space<vmem>>, vector<16xf32>,
      %mul3A_1098 = arith.constant 16 : i32
      %mul3A_1099 = vector.broadcast %mul3A_1098 : i32 to vector<16xi32>
      %mul3A_1100 = arith.muli %iota3A, %mul3A_1099 : vector<16xi32>
      %add3A_1101 = arith.constant 6401 : i32
      %add3A_1102 = vector.broadcast %add3A_1101 : i32 to vector<16xi32>
      %add3A_1103 = arith.addi %mul3A_1100, %add3A_1102 : vector<16xi32>
      tpu.vector_store_idx %arg14[%add3A_1103], %get3A_1097 : memref<16384xf32, #tpu.memory_space<vmem>>[vector<16xi32>], vector<16xf32>,
      %get3A_1104 = arith.constant 1 : i32
      %get3A_1105 = arith.index_cast %get3A_1104 : i32 to index
      %get3A_1106 = arith.constant 416 : index
      %get3A_1107 = tpu.vector_load %arg13[%get3A_1105, %get3A_1106] {strides = array<i32>} : memref<4x1024xf32, #tpu.memory_space<vmem>>, vector<16xf32>,
      %mul3A_1108 = arith.constant 16 : i32
      %mul3A_1109 = vector.broadcast %mul3A_1108 : i32 to vector<16xi32>
      %mul3A_1110 = arith.muli %iota3A, %mul3A_1109 : vector<16xi32>
      %add3A_1111 = arith.constant 6657 : i32
      %add3A_1112 = vector.broadcast %add3A_1111 : i32 to vector<16xi32>
      %add3A_1113 = arith.addi %mul3A_1110, %add3A_1112 : vector<16xi32>
      tpu.vector_store_idx %arg14[%add3A_1113], %get3A_1107 : memref<16384xf32, #tpu.memory_space<vmem>>[vector<16xi32>], vector<16xf32>,
      %get3A_1114 = arith.constant 1 : i32
      %get3A_1115 = arith.index_cast %get3A_1114 : i32 to index
      %get3A_1116 = arith.constant 432 : index
      %get3A_1117 = tpu.vector_load %arg13[%get3A_1115, %get3A_1116] {strides = array<i32>} : memref<4x1024xf32, #tpu.memory_space<vmem>>, vector<16xf32>,
      %mul3A_1118 = arith.constant 16 : i32
      %mul3A_1119 = vector.broadcast %mul3A_1118 : i32 to vector<16xi32>
      %mul3A_1120 = arith.muli %iota3A, %mul3A_1119 : vector<16xi32>
      %add3A_1121 = arith.constant 6913 : i32
      %add3A_1122 = vector.broadcast %add3A_1121 : i32 to vector<16xi32>
      %add3A_1123 = arith.addi %mul3A_1120, %add3A_1122 : vector<16xi32>
      tpu.vector_store_idx %arg14[%add3A_1123], %get3A_1117 : memref<16384xf32, #tpu.memory_space<vmem>>[vector<16xi32>], vector<16xf32>,
      %get3A_1124 = arith.constant 1 : i32
      %get3A_1125 = arith.index_cast %get3A_1124 : i32 to index
      %get3A_1126 = arith.constant 448 : index
      %get3A_1127 = tpu.vector_load %arg13[%get3A_1125, %get3A_1126] {strides = array<i32>} : memref<4x1024xf32, #tpu.memory_space<vmem>>, vector<16xf32>,
      %mul3A_1128 = arith.constant 16 : i32
      %mul3A_1129 = vector.broadcast %mul3A_1128 : i32 to vector<16xi32>
      %mul3A_1130 = arith.muli %iota3A, %mul3A_1129 : vector<16xi32>
      %add3A_1131 = arith.constant 7169 : i32
      %add3A_1132 = vector.broadcast %add3A_1131 : i32 to vector<16xi32>
      %add3A_1133 = arith.addi %mul3A_1130, %add3A_1132 : vector<16xi32>
      tpu.vector_store_idx %arg14[%add3A_1133], %get3A_1127 : memref<16384xf32, #tpu.memory_space<vmem>>[vector<16xi32>], vector<16xf32>,
      %get3A_1134 = arith.constant 1 : i32
      %get3A_1135 = arith.index_cast %get3A_1134 : i32 to index
      %get3A_1136 = arith.constant 464 : index
      %get3A_1137 = tpu.vector_load %arg13[%get3A_1135, %get3A_1136] {strides = array<i32>} : memref<4x1024xf32, #tpu.memory_space<vmem>>, vector<16xf32>,
      %mul3A_1138 = arith.constant 16 : i32
      %mul3A_1139 = vector.broadcast %mul3A_1138 : i32 to vector<16xi32>
      %mul3A_1140 = arith.muli %iota3A, %mul3A_1139 : vector<16xi32>
      %add3A_1141 = arith.constant 7425 : i32
      %add3A_1142 = vector.broadcast %add3A_1141 : i32 to vector<16xi32>
      %add3A_1143 = arith.addi %mul3A_1140, %add3A_1142 : vector<16xi32>
      tpu.vector_store_idx %arg14[%add3A_1143], %get3A_1137 : memref<16384xf32, #tpu.memory_space<vmem>>[vector<16xi32>], vector<16xf32>,
      %get3A_1144 = arith.constant 1 : i32
      %get3A_1145 = arith.index_cast %get3A_1144 : i32 to index
      %get3A_1146 = arith.constant 480 : index
      %get3A_1147 = tpu.vector_load %arg13[%get3A_1145, %get3A_1146] {strides = array<i32>} : memref<4x1024xf32, #tpu.memory_space<vmem>>, vector<16xf32>,
      %mul3A_1148 = arith.constant 16 : i32
      %mul3A_1149 = vector.broadcast %mul3A_1148 : i32 to vector<16xi32>
      %mul3A_1150 = arith.muli %iota3A, %mul3A_1149 : vector<16xi32>
      %add3A_1151 = arith.constant 7681 : i32
      %add3A_1152 = vector.broadcast %add3A_1151 : i32 to vector<16xi32>
      %add3A_1153 = arith.addi %mul3A_1150, %add3A_1152 : vector<16xi32>
      tpu.vector_store_idx %arg14[%add3A_1153], %get3A_1147 : memref<16384xf32, #tpu.memory_space<vmem>>[vector<16xi32>], vector<16xf32>,
      %get3A_1154 = arith.constant 1 : i32
      %get3A_1155 = arith.index_cast %get3A_1154 : i32 to index
      %get3A_1156 = arith.constant 496 : index
      %get3A_1157 = tpu.vector_load %arg13[%get3A_1155, %get3A_1156] {strides = array<i32>} : memref<4x1024xf32, #tpu.memory_space<vmem>>, vector<16xf32>,
      %mul3A_1158 = arith.constant 16 : i32
      %mul3A_1159 = vector.broadcast %mul3A_1158 : i32 to vector<16xi32>
      %mul3A_1160 = arith.muli %iota3A, %mul3A_1159 : vector<16xi32>
      %add3A_1161 = arith.constant 7937 : i32
      %add3A_1162 = vector.broadcast %add3A_1161 : i32 to vector<16xi32>
      %add3A_1163 = arith.addi %mul3A_1160, %add3A_1162 : vector<16xi32>
      tpu.vector_store_idx %arg14[%add3A_1163], %get3A_1157 : memref<16384xf32, #tpu.memory_space<vmem>>[vector<16xi32>], vector<16xf32>,
      %get3A_1164 = arith.constant 1 : i32
      %get3A_1165 = arith.index_cast %get3A_1164 : i32 to index
      %get3A_1166 = arith.constant 512 : index
      %get3A_1167 = tpu.vector_load %arg13[%get3A_1165, %get3A_1166] {strides = array<i32>} : memref<4x1024xf32, #tpu.memory_space<vmem>>, vector<16xf32>,
      %mul3A_1168 = arith.constant 16 : i32
      %mul3A_1169 = vector.broadcast %mul3A_1168 : i32 to vector<16xi32>
      %mul3A_1170 = arith.muli %iota3A, %mul3A_1169 : vector<16xi32>
      %add3A_1171 = arith.constant 8193 : i32
      %add3A_1172 = vector.broadcast %add3A_1171 : i32 to vector<16xi32>
      %add3A_1173 = arith.addi %mul3A_1170, %add3A_1172 : vector<16xi32>
      tpu.vector_store_idx %arg14[%add3A_1173], %get3A_1167 : memref<16384xf32, #tpu.memory_space<vmem>>[vector<16xi32>], vector<16xf32>,
      %get3A_1174 = arith.constant 1 : i32
      %get3A_1175 = arith.index_cast %get3A_1174 : i32 to index
      %get3A_1176 = arith.constant 528 : index
      %get3A_1177 = tpu.vector_load %arg13[%get3A_1175, %get3A_1176] {strides = array<i32>} : memref<4x1024xf32, #tpu.memory_space<vmem>>, vector<16xf32>,
      %mul3A_1178 = arith.constant 16 : i32
      %mul3A_1179 = vector.broadcast %mul3A_1178 : i32 to vector<16xi32>
      %mul3A_1180 = arith.muli %iota3A, %mul3A_1179 : vector<16xi32>
      %add3A_1181 = arith.constant 8449 : i32
      %add3A_1182 = vector.broadcast %add3A_1181 : i32 to vector<16xi32>
      %add3A_1183 = arith.addi %mul3A_1180, %add3A_1182 : vector<16xi32>
      tpu.vector_store_idx %arg14[%add3A_1183], %get3A_1177 : memref<16384xf32, #tpu.memory_space<vmem>>[vector<16xi32>], vector<16xf32>,
      %get3A_1184 = arith.constant 1 : i32
      %get3A_1185 = arith.index_cast %get3A_1184 : i32 to index
      %get3A_1186 = arith.constant 544 : index
      %get3A_1187 = tpu.vector_load %arg13[%get3A_1185, %get3A_1186] {strides = array<i32>} : memref<4x1024xf32, #tpu.memory_space<vmem>>, vector<16xf32>,
      %mul3A_1188 = arith.constant 16 : i32
      %mul3A_1189 = vector.broadcast %mul3A_1188 : i32 to vector<16xi32>
      %mul3A_1190 = arith.muli %iota3A, %mul3A_1189 : vector<16xi32>
      %add3A_1191 = arith.constant 8705 : i32
      %add3A_1192 = vector.broadcast %add3A_1191 : i32 to vector<16xi32>
      %add3A_1193 = arith.addi %mul3A_1190, %add3A_1192 : vector<16xi32>
      tpu.vector_store_idx %arg14[%add3A_1193], %get3A_1187 : memref<16384xf32, #tpu.memory_space<vmem>>[vector<16xi32>], vector<16xf32>,
      %get3A_1194 = arith.constant 1 : i32
      %get3A_1195 = arith.index_cast %get3A_1194 : i32 to index
      %get3A_1196 = arith.constant 560 : index
      %get3A_1197 = tpu.vector_load %arg13[%get3A_1195, %get3A_1196] {strides = array<i32>} : memref<4x1024xf32, #tpu.memory_space<vmem>>, vector<16xf32>,
      %mul3A_1198 = arith.constant 16 : i32
      %mul3A_1199 = vector.broadcast %mul3A_1198 : i32 to vector<16xi32>
      %mul3A_1200 = arith.muli %iota3A, %mul3A_1199 : vector<16xi32>
      %add3A_1201 = arith.constant 8961 : i32
      %add3A_1202 = vector.broadcast %add3A_1201 : i32 to vector<16xi32>
      %add3A_1203 = arith.addi %mul3A_1200, %add3A_1202 : vector<16xi32>
      tpu.vector_store_idx %arg14[%add3A_1203], %get3A_1197 : memref<16384xf32, #tpu.memory_space<vmem>>[vector<16xi32>], vector<16xf32>,
      %get3A_1204 = arith.constant 1 : i32
      %get3A_1205 = arith.index_cast %get3A_1204 : i32 to index
      %get3A_1206 = arith.constant 576 : index
      %get3A_1207 = tpu.vector_load %arg13[%get3A_1205, %get3A_1206] {strides = array<i32>} : memref<4x1024xf32, #tpu.memory_space<vmem>>, vector<16xf32>,
      %mul3A_1208 = arith.constant 16 : i32
      %mul3A_1209 = vector.broadcast %mul3A_1208 : i32 to vector<16xi32>
      %mul3A_1210 = arith.muli %iota3A, %mul3A_1209 : vector<16xi32>
      %add3A_1211 = arith.constant 9217 : i32
      %add3A_1212 = vector.broadcast %add3A_1211 : i32 to vector<16xi32>
      %add3A_1213 = arith.addi %mul3A_1210, %add3A_1212 : vector<16xi32>
      tpu.vector_store_idx %arg14[%add3A_1213], %get3A_1207 : memref<16384xf32, #tpu.memory_space<vmem>>[vector<16xi32>], vector<16xf32>,
      %get3A_1214 = arith.constant 1 : i32
      %get3A_1215 = arith.index_cast %get3A_1214 : i32 to index
      %get3A_1216 = arith.constant 592 : index
      %get3A_1217 = tpu.vector_load %arg13[%get3A_1215, %get3A_1216] {strides = array<i32>} : memref<4x1024xf32, #tpu.memory_space<vmem>>, vector<16xf32>,
      %mul3A_1218 = arith.constant 16 : i32
      %mul3A_1219 = vector.broadcast %mul3A_1218 : i32 to vector<16xi32>
      %mul3A_1220 = arith.muli %iota3A, %mul3A_1219 : vector<16xi32>
      %add3A_1221 = arith.constant 9473 : i32
      %add3A_1222 = vector.broadcast %add3A_1221 : i32 to vector<16xi32>
      %add3A_1223 = arith.addi %mul3A_1220, %add3A_1222 : vector<16xi32>
      tpu.vector_store_idx %arg14[%add3A_1223], %get3A_1217 : memref<16384xf32, #tpu.memory_space<vmem>>[vector<16xi32>], vector<16xf32>,
      %get3A_1224 = arith.constant 1 : i32
      %get3A_1225 = arith.index_cast %get3A_1224 : i32 to index
      %get3A_1226 = arith.constant 608 : index
      %get3A_1227 = tpu.vector_load %arg13[%get3A_1225, %get3A_1226] {strides = array<i32>} : memref<4x1024xf32, #tpu.memory_space<vmem>>, vector<16xf32>,
      %mul3A_1228 = arith.constant 16 : i32
      %mul3A_1229 = vector.broadcast %mul3A_1228 : i32 to vector<16xi32>
      %mul3A_1230 = arith.muli %iota3A, %mul3A_1229 : vector<16xi32>
      %add3A_1231 = arith.constant 9729 : i32
      %add3A_1232 = vector.broadcast %add3A_1231 : i32 to vector<16xi32>
      %add3A_1233 = arith.addi %mul3A_1230, %add3A_1232 : vector<16xi32>
      tpu.vector_store_idx %arg14[%add3A_1233], %get3A_1227 : memref<16384xf32, #tpu.memory_space<vmem>>[vector<16xi32>], vector<16xf32>,
      %get3A_1234 = arith.constant 1 : i32
      %get3A_1235 = arith.index_cast %get3A_1234 : i32 to index
      %get3A_1236 = arith.constant 624 : index
      %get3A_1237 = tpu.vector_load %arg13[%get3A_1235, %get3A_1236] {strides = array<i32>} : memref<4x1024xf32, #tpu.memory_space<vmem>>, vector<16xf32>,
      %mul3A_1238 = arith.constant 16 : i32
      %mul3A_1239 = vector.broadcast %mul3A_1238 : i32 to vector<16xi32>
      %mul3A_1240 = arith.muli %iota3A, %mul3A_1239 : vector<16xi32>
      %add3A_1241 = arith.constant 9985 : i32
      %add3A_1242 = vector.broadcast %add3A_1241 : i32 to vector<16xi32>
      %add3A_1243 = arith.addi %mul3A_1240, %add3A_1242 : vector<16xi32>
      tpu.vector_store_idx %arg14[%add3A_1243], %get3A_1237 : memref<16384xf32, #tpu.memory_space<vmem>>[vector<16xi32>], vector<16xf32>,
      %get3A_1244 = arith.constant 1 : i32
      %get3A_1245 = arith.index_cast %get3A_1244 : i32 to index
      %get3A_1246 = arith.constant 640 : index
      %get3A_1247 = tpu.vector_load %arg13[%get3A_1245, %get3A_1246] {strides = array<i32>} : memref<4x1024xf32, #tpu.memory_space<vmem>>, vector<16xf32>,
      %mul3A_1248 = arith.constant 16 : i32
      %mul3A_1249 = vector.broadcast %mul3A_1248 : i32 to vector<16xi32>
      %mul3A_1250 = arith.muli %iota3A, %mul3A_1249 : vector<16xi32>
      %add3A_1251 = arith.constant 10241 : i32
      %add3A_1252 = vector.broadcast %add3A_1251 : i32 to vector<16xi32>
      %add3A_1253 = arith.addi %mul3A_1250, %add3A_1252 : vector<16xi32>
      tpu.vector_store_idx %arg14[%add3A_1253], %get3A_1247 : memref<16384xf32, #tpu.memory_space<vmem>>[vector<16xi32>], vector<16xf32>,
      %get3A_1254 = arith.constant 1 : i32
      %get3A_1255 = arith.index_cast %get3A_1254 : i32 to index
      %get3A_1256 = arith.constant 656 : index
      %get3A_1257 = tpu.vector_load %arg13[%get3A_1255, %get3A_1256] {strides = array<i32>} : memref<4x1024xf32, #tpu.memory_space<vmem>>, vector<16xf32>,
      %mul3A_1258 = arith.constant 16 : i32
      %mul3A_1259 = vector.broadcast %mul3A_1258 : i32 to vector<16xi32>
      %mul3A_1260 = arith.muli %iota3A, %mul3A_1259 : vector<16xi32>
      %add3A_1261 = arith.constant 10497 : i32
      %add3A_1262 = vector.broadcast %add3A_1261 : i32 to vector<16xi32>
      %add3A_1263 = arith.addi %mul3A_1260, %add3A_1262 : vector<16xi32>
      tpu.vector_store_idx %arg14[%add3A_1263], %get3A_1257 : memref<16384xf32, #tpu.memory_space<vmem>>[vector<16xi32>], vector<16xf32>,
      %get3A_1264 = arith.constant 1 : i32
      %get3A_1265 = arith.index_cast %get3A_1264 : i32 to index
      %get3A_1266 = arith.constant 672 : index
      %get3A_1267 = tpu.vector_load %arg13[%get3A_1265, %get3A_1266] {strides = array<i32>} : memref<4x1024xf32, #tpu.memory_space<vmem>>, vector<16xf32>,
      %mul3A_1268 = arith.constant 16 : i32
      %mul3A_1269 = vector.broadcast %mul3A_1268 : i32 to vector<16xi32>
      %mul3A_1270 = arith.muli %iota3A, %mul3A_1269 : vector<16xi32>
      %add3A_1271 = arith.constant 10753 : i32
      %add3A_1272 = vector.broadcast %add3A_1271 : i32 to vector<16xi32>
      %add3A_1273 = arith.addi %mul3A_1270, %add3A_1272 : vector<16xi32>
      tpu.vector_store_idx %arg14[%add3A_1273], %get3A_1267 : memref<16384xf32, #tpu.memory_space<vmem>>[vector<16xi32>], vector<16xf32>,
      %get3A_1274 = arith.constant 1 : i32
      %get3A_1275 = arith.index_cast %get3A_1274 : i32 to index
      %get3A_1276 = arith.constant 688 : index
      %get3A_1277 = tpu.vector_load %arg13[%get3A_1275, %get3A_1276] {strides = array<i32>} : memref<4x1024xf32, #tpu.memory_space<vmem>>, vector<16xf32>,
      %mul3A_1278 = arith.constant 16 : i32
      %mul3A_1279 = vector.broadcast %mul3A_1278 : i32 to vector<16xi32>
      %mul3A_1280 = arith.muli %iota3A, %mul3A_1279 : vector<16xi32>
      %add3A_1281 = arith.constant 11009 : i32
      %add3A_1282 = vector.broadcast %add3A_1281 : i32 to vector<16xi32>
      %add3A_1283 = arith.addi %mul3A_1280, %add3A_1282 : vector<16xi32>
      tpu.vector_store_idx %arg14[%add3A_1283], %get3A_1277 : memref<16384xf32, #tpu.memory_space<vmem>>[vector<16xi32>], vector<16xf32>,
      %get3A_1284 = arith.constant 1 : i32
      %get3A_1285 = arith.index_cast %get3A_1284 : i32 to index
      %get3A_1286 = arith.constant 704 : index
      %get3A_1287 = tpu.vector_load %arg13[%get3A_1285, %get3A_1286] {strides = array<i32>} : memref<4x1024xf32, #tpu.memory_space<vmem>>, vector<16xf32>,
      %mul3A_1288 = arith.constant 16 : i32
      %mul3A_1289 = vector.broadcast %mul3A_1288 : i32 to vector<16xi32>
      %mul3A_1290 = arith.muli %iota3A, %mul3A_1289 : vector<16xi32>
      %add3A_1291 = arith.constant 11265 : i32
      %add3A_1292 = vector.broadcast %add3A_1291 : i32 to vector<16xi32>
      %add3A_1293 = arith.addi %mul3A_1290, %add3A_1292 : vector<16xi32>
      tpu.vector_store_idx %arg14[%add3A_1293], %get3A_1287 : memref<16384xf32, #tpu.memory_space<vmem>>[vector<16xi32>], vector<16xf32>,
      %get3A_1294 = arith.constant 1 : i32
      %get3A_1295 = arith.index_cast %get3A_1294 : i32 to index
      %get3A_1296 = arith.constant 720 : index
      %get3A_1297 = tpu.vector_load %arg13[%get3A_1295, %get3A_1296] {strides = array<i32>} : memref<4x1024xf32, #tpu.memory_space<vmem>>, vector<16xf32>,
      %mul3A_1298 = arith.constant 16 : i32
      %mul3A_1299 = vector.broadcast %mul3A_1298 : i32 to vector<16xi32>
      %mul3A_1300 = arith.muli %iota3A, %mul3A_1299 : vector<16xi32>
      %add3A_1301 = arith.constant 11521 : i32
      %add3A_1302 = vector.broadcast %add3A_1301 : i32 to vector<16xi32>
      %add3A_1303 = arith.addi %mul3A_1300, %add3A_1302 : vector<16xi32>
      tpu.vector_store_idx %arg14[%add3A_1303], %get3A_1297 : memref<16384xf32, #tpu.memory_space<vmem>>[vector<16xi32>], vector<16xf32>,
      %get3A_1304 = arith.constant 1 : i32
      %get3A_1305 = arith.index_cast %get3A_1304 : i32 to index
      %get3A_1306 = arith.constant 736 : index
      %get3A_1307 = tpu.vector_load %arg13[%get3A_1305, %get3A_1306] {strides = array<i32>} : memref<4x1024xf32, #tpu.memory_space<vmem>>, vector<16xf32>,
      %mul3A_1308 = arith.constant 16 : i32
      %mul3A_1309 = vector.broadcast %mul3A_1308 : i32 to vector<16xi32>
      %mul3A_1310 = arith.muli %iota3A, %mul3A_1309 : vector<16xi32>
      %add3A_1311 = arith.constant 11777 : i32
      %add3A_1312 = vector.broadcast %add3A_1311 : i32 to vector<16xi32>
      %add3A_1313 = arith.addi %mul3A_1310, %add3A_1312 : vector<16xi32>
      tpu.vector_store_idx %arg14[%add3A_1313], %get3A_1307 : memref<16384xf32, #tpu.memory_space<vmem>>[vector<16xi32>], vector<16xf32>,
      %get3A_1314 = arith.constant 1 : i32
      %get3A_1315 = arith.index_cast %get3A_1314 : i32 to index
      %get3A_1316 = arith.constant 752 : index
      %get3A_1317 = tpu.vector_load %arg13[%get3A_1315, %get3A_1316] {strides = array<i32>} : memref<4x1024xf32, #tpu.memory_space<vmem>>, vector<16xf32>,
      %mul3A_1318 = arith.constant 16 : i32
      %mul3A_1319 = vector.broadcast %mul3A_1318 : i32 to vector<16xi32>
      %mul3A_1320 = arith.muli %iota3A, %mul3A_1319 : vector<16xi32>
      %add3A_1321 = arith.constant 12033 : i32
      %add3A_1322 = vector.broadcast %add3A_1321 : i32 to vector<16xi32>
      %add3A_1323 = arith.addi %mul3A_1320, %add3A_1322 : vector<16xi32>
      tpu.vector_store_idx %arg14[%add3A_1323], %get3A_1317 : memref<16384xf32, #tpu.memory_space<vmem>>[vector<16xi32>], vector<16xf32>,
      %get3A_1324 = arith.constant 1 : i32
      %get3A_1325 = arith.index_cast %get3A_1324 : i32 to index
      %get3A_1326 = arith.constant 768 : index
      %get3A_1327 = tpu.vector_load %arg13[%get3A_1325, %get3A_1326] {strides = array<i32>} : memref<4x1024xf32, #tpu.memory_space<vmem>>, vector<16xf32>,
      %mul3A_1328 = arith.constant 16 : i32
      %mul3A_1329 = vector.broadcast %mul3A_1328 : i32 to vector<16xi32>
      %mul3A_1330 = arith.muli %iota3A, %mul3A_1329 : vector<16xi32>
      %add3A_1331 = arith.constant 12289 : i32
      %add3A_1332 = vector.broadcast %add3A_1331 : i32 to vector<16xi32>
      %add3A_1333 = arith.addi %mul3A_1330, %add3A_1332 : vector<16xi32>
      tpu.vector_store_idx %arg14[%add3A_1333], %get3A_1327 : memref<16384xf32, #tpu.memory_space<vmem>>[vector<16xi32>], vector<16xf32>,
      %get3A_1334 = arith.constant 1 : i32
      %get3A_1335 = arith.index_cast %get3A_1334 : i32 to index
      %get3A_1336 = arith.constant 784 : index
      %get3A_1337 = tpu.vector_load %arg13[%get3A_1335, %get3A_1336] {strides = array<i32>} : memref<4x1024xf32, #tpu.memory_space<vmem>>, vector<16xf32>,
      %mul3A_1338 = arith.constant 16 : i32
      %mul3A_1339 = vector.broadcast %mul3A_1338 : i32 to vector<16xi32>
      %mul3A_1340 = arith.muli %iota3A, %mul3A_1339 : vector<16xi32>
      %add3A_1341 = arith.constant 12545 : i32
      %add3A_1342 = vector.broadcast %add3A_1341 : i32 to vector<16xi32>
      %add3A_1343 = arith.addi %mul3A_1340, %add3A_1342 : vector<16xi32>
      tpu.vector_store_idx %arg14[%add3A_1343], %get3A_1337 : memref<16384xf32, #tpu.memory_space<vmem>>[vector<16xi32>], vector<16xf32>,
      %get3A_1344 = arith.constant 1 : i32
      %get3A_1345 = arith.index_cast %get3A_1344 : i32 to index
      %get3A_1346 = arith.constant 800 : index
      %get3A_1347 = tpu.vector_load %arg13[%get3A_1345, %get3A_1346] {strides = array<i32>} : memref<4x1024xf32, #tpu.memory_space<vmem>>, vector<16xf32>,
      %mul3A_1348 = arith.constant 16 : i32
      %mul3A_1349 = vector.broadcast %mul3A_1348 : i32 to vector<16xi32>
      %mul3A_1350 = arith.muli %iota3A, %mul3A_1349 : vector<16xi32>
      %add3A_1351 = arith.constant 12801 : i32
      %add3A_1352 = vector.broadcast %add3A_1351 : i32 to vector<16xi32>
      %add3A_1353 = arith.addi %mul3A_1350, %add3A_1352 : vector<16xi32>
      tpu.vector_store_idx %arg14[%add3A_1353], %get3A_1347 : memref<16384xf32, #tpu.memory_space<vmem>>[vector<16xi32>], vector<16xf32>,
      %get3A_1354 = arith.constant 1 : i32
      %get3A_1355 = arith.index_cast %get3A_1354 : i32 to index
      %get3A_1356 = arith.constant 816 : index
      %get3A_1357 = tpu.vector_load %arg13[%get3A_1355, %get3A_1356] {strides = array<i32>} : memref<4x1024xf32, #tpu.memory_space<vmem>>, vector<16xf32>,
      %mul3A_1358 = arith.constant 16 : i32
      %mul3A_1359 = vector.broadcast %mul3A_1358 : i32 to vector<16xi32>
      %mul3A_1360 = arith.muli %iota3A, %mul3A_1359 : vector<16xi32>
      %add3A_1361 = arith.constant 13057 : i32
      %add3A_1362 = vector.broadcast %add3A_1361 : i32 to vector<16xi32>
      %add3A_1363 = arith.addi %mul3A_1360, %add3A_1362 : vector<16xi32>
      tpu.vector_store_idx %arg14[%add3A_1363], %get3A_1357 : memref<16384xf32, #tpu.memory_space<vmem>>[vector<16xi32>], vector<16xf32>,
      %get3A_1364 = arith.constant 1 : i32
      %get3A_1365 = arith.index_cast %get3A_1364 : i32 to index
      %get3A_1366 = arith.constant 832 : index
      %get3A_1367 = tpu.vector_load %arg13[%get3A_1365, %get3A_1366] {strides = array<i32>} : memref<4x1024xf32, #tpu.memory_space<vmem>>, vector<16xf32>,
      %mul3A_1368 = arith.constant 16 : i32
      %mul3A_1369 = vector.broadcast %mul3A_1368 : i32 to vector<16xi32>
      %mul3A_1370 = arith.muli %iota3A, %mul3A_1369 : vector<16xi32>
      %add3A_1371 = arith.constant 13313 : i32
      %add3A_1372 = vector.broadcast %add3A_1371 : i32 to vector<16xi32>
      %add3A_1373 = arith.addi %mul3A_1370, %add3A_1372 : vector<16xi32>
      tpu.vector_store_idx %arg14[%add3A_1373], %get3A_1367 : memref<16384xf32, #tpu.memory_space<vmem>>[vector<16xi32>], vector<16xf32>,
      %get3A_1374 = arith.constant 1 : i32
      %get3A_1375 = arith.index_cast %get3A_1374 : i32 to index
      %get3A_1376 = arith.constant 848 : index
      %get3A_1377 = tpu.vector_load %arg13[%get3A_1375, %get3A_1376] {strides = array<i32>} : memref<4x1024xf32, #tpu.memory_space<vmem>>, vector<16xf32>,
      %mul3A_1378 = arith.constant 16 : i32
      %mul3A_1379 = vector.broadcast %mul3A_1378 : i32 to vector<16xi32>
      %mul3A_1380 = arith.muli %iota3A, %mul3A_1379 : vector<16xi32>
      %add3A_1381 = arith.constant 13569 : i32
      %add3A_1382 = vector.broadcast %add3A_1381 : i32 to vector<16xi32>
      %add3A_1383 = arith.addi %mul3A_1380, %add3A_1382 : vector<16xi32>
      tpu.vector_store_idx %arg14[%add3A_1383], %get3A_1377 : memref<16384xf32, #tpu.memory_space<vmem>>[vector<16xi32>], vector<16xf32>,
      %get3A_1384 = arith.constant 1 : i32
      %get3A_1385 = arith.index_cast %get3A_1384 : i32 to index
      %get3A_1386 = arith.constant 864 : index
      %get3A_1387 = tpu.vector_load %arg13[%get3A_1385, %get3A_1386] {strides = array<i32>} : memref<4x1024xf32, #tpu.memory_space<vmem>>, vector<16xf32>,
      %mul3A_1388 = arith.constant 16 : i32
      %mul3A_1389 = vector.broadcast %mul3A_1388 : i32 to vector<16xi32>
      %mul3A_1390 = arith.muli %iota3A, %mul3A_1389 : vector<16xi32>
      %add3A_1391 = arith.constant 13825 : i32
      %add3A_1392 = vector.broadcast %add3A_1391 : i32 to vector<16xi32>
      %add3A_1393 = arith.addi %mul3A_1390, %add3A_1392 : vector<16xi32>
      tpu.vector_store_idx %arg14[%add3A_1393], %get3A_1387 : memref<16384xf32, #tpu.memory_space<vmem>>[vector<16xi32>], vector<16xf32>,
      %get3A_1394 = arith.constant 1 : i32
      %get3A_1395 = arith.index_cast %get3A_1394 : i32 to index
      %get3A_1396 = arith.constant 880 : index
      %get3A_1397 = tpu.vector_load %arg13[%get3A_1395, %get3A_1396] {strides = array<i32>} : memref<4x1024xf32, #tpu.memory_space<vmem>>, vector<16xf32>,
      %mul3A_1398 = arith.constant 16 : i32
      %mul3A_1399 = vector.broadcast %mul3A_1398 : i32 to vector<16xi32>
      %mul3A_1400 = arith.muli %iota3A, %mul3A_1399 : vector<16xi32>
      %add3A_1401 = arith.constant 14081 : i32
      %add3A_1402 = vector.broadcast %add3A_1401 : i32 to vector<16xi32>
      %add3A_1403 = arith.addi %mul3A_1400, %add3A_1402 : vector<16xi32>
      tpu.vector_store_idx %arg14[%add3A_1403], %get3A_1397 : memref<16384xf32, #tpu.memory_space<vmem>>[vector<16xi32>], vector<16xf32>,
      %get3A_1404 = arith.constant 1 : i32
      %get3A_1405 = arith.index_cast %get3A_1404 : i32 to index
      %get3A_1406 = arith.constant 896 : index
      %get3A_1407 = tpu.vector_load %arg13[%get3A_1405, %get3A_1406] {strides = array<i32>} : memref<4x1024xf32, #tpu.memory_space<vmem>>, vector<16xf32>,
      %mul3A_1408 = arith.constant 16 : i32
      %mul3A_1409 = vector.broadcast %mul3A_1408 : i32 to vector<16xi32>
      %mul3A_1410 = arith.muli %iota3A, %mul3A_1409 : vector<16xi32>
      %add3A_1411 = arith.constant 14337 : i32
      %add3A_1412 = vector.broadcast %add3A_1411 : i32 to vector<16xi32>
      %add3A_1413 = arith.addi %mul3A_1410, %add3A_1412 : vector<16xi32>
      tpu.vector_store_idx %arg14[%add3A_1413], %get3A_1407 : memref<16384xf32, #tpu.memory_space<vmem>>[vector<16xi32>], vector<16xf32>,
      %get3A_1414 = arith.constant 1 : i32
      %get3A_1415 = arith.index_cast %get3A_1414 : i32 to index
      %get3A_1416 = arith.constant 912 : index
      %get3A_1417 = tpu.vector_load %arg13[%get3A_1415, %get3A_1416] {strides = array<i32>} : memref<4x1024xf32, #tpu.memory_space<vmem>>, vector<16xf32>,
      %mul3A_1418 = arith.constant 16 : i32
      %mul3A_1419 = vector.broadcast %mul3A_1418 : i32 to vector<16xi32>
      %mul3A_1420 = arith.muli %iota3A, %mul3A_1419 : vector<16xi32>
      %add3A_1421 = arith.constant 14593 : i32
      %add3A_1422 = vector.broadcast %add3A_1421 : i32 to vector<16xi32>
      %add3A_1423 = arith.addi %mul3A_1420, %add3A_1422 : vector<16xi32>
      tpu.vector_store_idx %arg14[%add3A_1423], %get3A_1417 : memref<16384xf32, #tpu.memory_space<vmem>>[vector<16xi32>], vector<16xf32>,
      %get3A_1424 = arith.constant 1 : i32
      %get3A_1425 = arith.index_cast %get3A_1424 : i32 to index
      %get3A_1426 = arith.constant 928 : index
      %get3A_1427 = tpu.vector_load %arg13[%get3A_1425, %get3A_1426] {strides = array<i32>} : memref<4x1024xf32, #tpu.memory_space<vmem>>, vector<16xf32>,
      %mul3A_1428 = arith.constant 16 : i32
      %mul3A_1429 = vector.broadcast %mul3A_1428 : i32 to vector<16xi32>
      %mul3A_1430 = arith.muli %iota3A, %mul3A_1429 : vector<16xi32>
      %add3A_1431 = arith.constant 14849 : i32
      %add3A_1432 = vector.broadcast %add3A_1431 : i32 to vector<16xi32>
      %add3A_1433 = arith.addi %mul3A_1430, %add3A_1432 : vector<16xi32>
      tpu.vector_store_idx %arg14[%add3A_1433], %get3A_1427 : memref<16384xf32, #tpu.memory_space<vmem>>[vector<16xi32>], vector<16xf32>,
      %get3A_1434 = arith.constant 1 : i32
      %get3A_1435 = arith.index_cast %get3A_1434 : i32 to index
      %get3A_1436 = arith.constant 944 : index
      %get3A_1437 = tpu.vector_load %arg13[%get3A_1435, %get3A_1436] {strides = array<i32>} : memref<4x1024xf32, #tpu.memory_space<vmem>>, vector<16xf32>,
      %mul3A_1438 = arith.constant 16 : i32
      %mul3A_1439 = vector.broadcast %mul3A_1438 : i32 to vector<16xi32>
      %mul3A_1440 = arith.muli %iota3A, %mul3A_1439 : vector<16xi32>
      %add3A_1441 = arith.constant 15105 : i32
      %add3A_1442 = vector.broadcast %add3A_1441 : i32 to vector<16xi32>
      %add3A_1443 = arith.addi %mul3A_1440, %add3A_1442 : vector<16xi32>
      tpu.vector_store_idx %arg14[%add3A_1443], %get3A_1437 : memref<16384xf32, #tpu.memory_space<vmem>>[vector<16xi32>], vector<16xf32>,
      %get3A_1444 = arith.constant 1 : i32
      %get3A_1445 = arith.index_cast %get3A_1444 : i32 to index
      %get3A_1446 = arith.constant 960 : index
      %get3A_1447 = tpu.vector_load %arg13[%get3A_1445, %get3A_1446] {strides = array<i32>} : memref<4x1024xf32, #tpu.memory_space<vmem>>, vector<16xf32>,
      %mul3A_1448 = arith.constant 16 : i32
      %mul3A_1449 = vector.broadcast %mul3A_1448 : i32 to vector<16xi32>
      %mul3A_1450 = arith.muli %iota3A, %mul3A_1449 : vector<16xi32>
      %add3A_1451 = arith.constant 15361 : i32
      %add3A_1452 = vector.broadcast %add3A_1451 : i32 to vector<16xi32>
      %add3A_1453 = arith.addi %mul3A_1450, %add3A_1452 : vector<16xi32>
      tpu.vector_store_idx %arg14[%add3A_1453], %get3A_1447 : memref<16384xf32, #tpu.memory_space<vmem>>[vector<16xi32>], vector<16xf32>,
      %get3A_1454 = arith.constant 1 : i32
      %get3A_1455 = arith.index_cast %get3A_1454 : i32 to index
      %get3A_1456 = arith.constant 976 : index
      %get3A_1457 = tpu.vector_load %arg13[%get3A_1455, %get3A_1456] {strides = array<i32>} : memref<4x1024xf32, #tpu.memory_space<vmem>>, vector<16xf32>,
      %mul3A_1458 = arith.constant 16 : i32
      %mul3A_1459 = vector.broadcast %mul3A_1458 : i32 to vector<16xi32>
      %mul3A_1460 = arith.muli %iota3A, %mul3A_1459 : vector<16xi32>
      %add3A_1461 = arith.constant 15617 : i32
      %add3A_1462 = vector.broadcast %add3A_1461 : i32 to vector<16xi32>
      %add3A_1463 = arith.addi %mul3A_1460, %add3A_1462 : vector<16xi32>
      tpu.vector_store_idx %arg14[%add3A_1463], %get3A_1457 : memref<16384xf32, #tpu.memory_space<vmem>>[vector<16xi32>], vector<16xf32>,
      %get3A_1464 = arith.constant 1 : i32
      %get3A_1465 = arith.index_cast %get3A_1464 : i32 to index
      %get3A_1466 = arith.constant 992 : index
      %get3A_1467 = tpu.vector_load %arg13[%get3A_1465, %get3A_1466] {strides = array<i32>} : memref<4x1024xf32, #tpu.memory_space<vmem>>, vector<16xf32>,
      %mul3A_1468 = arith.constant 16 : i32
      %mul3A_1469 = vector.broadcast %mul3A_1468 : i32 to vector<16xi32>
      %mul3A_1470 = arith.muli %iota3A, %mul3A_1469 : vector<16xi32>
      %add3A_1471 = arith.constant 15873 : i32
      %add3A_1472 = vector.broadcast %add3A_1471 : i32 to vector<16xi32>
      %add3A_1473 = arith.addi %mul3A_1470, %add3A_1472 : vector<16xi32>
      tpu.vector_store_idx %arg14[%add3A_1473], %get3A_1467 : memref<16384xf32, #tpu.memory_space<vmem>>[vector<16xi32>], vector<16xf32>,
      %get3A_1474 = arith.constant 1 : i32
      %get3A_1475 = arith.index_cast %get3A_1474 : i32 to index
      %get3A_1476 = arith.constant 1008 : index
      %get3A_1477 = tpu.vector_load %arg13[%get3A_1475, %get3A_1476] {strides = array<i32>} : memref<4x1024xf32, #tpu.memory_space<vmem>>, vector<16xf32>,
      %mul3A_1478 = arith.constant 16 : i32
      %mul3A_1479 = vector.broadcast %mul3A_1478 : i32 to vector<16xi32>
      %mul3A_1480 = arith.muli %iota3A, %mul3A_1479 : vector<16xi32>
      %add3A_1481 = arith.constant 16129 : i32
      %add3A_1482 = vector.broadcast %add3A_1481 : i32 to vector<16xi32>
      %add3A_1483 = arith.addi %mul3A_1480, %add3A_1482 : vector<16xi32>
      tpu.vector_store_idx %arg14[%add3A_1483], %get3A_1477 : memref<16384xf32, #tpu.memory_space<vmem>>[vector<16xi32>], vector<16xf32>,
      %get3A_1484 = arith.constant 2 : i32
      %get3A_1485 = arith.index_cast %get3A_1484 : i32 to index
      %get3A_1486 = arith.constant 0 : index
      %get3A_1487 = tpu.vector_load %arg13[%get3A_1485, %get3A_1486] {strides = array<i32>} : memref<4x1024xf32, #tpu.memory_space<vmem>>, vector<16xf32>,
      %mul3A_1488 = arith.constant 16 : i32
      %mul3A_1489 = vector.broadcast %mul3A_1488 : i32 to vector<16xi32>
      %mul3A_1490 = arith.muli %iota3A, %mul3A_1489 : vector<16xi32>
      %add3A_1491 = arith.constant 2 : i32
      %add3A_1492 = vector.broadcast %add3A_1491 : i32 to vector<16xi32>
      %add3A_1493 = arith.addi %mul3A_1490, %add3A_1492 : vector<16xi32>
      tpu.vector_store_idx %arg14[%add3A_1493], %get3A_1487 : memref<16384xf32, #tpu.memory_space<vmem>>[vector<16xi32>], vector<16xf32>,
      %get3A_1494 = arith.constant 2 : i32
      %get3A_1495 = arith.index_cast %get3A_1494 : i32 to index
      %get3A_1496 = arith.constant 16 : index
      %get3A_1497 = tpu.vector_load %arg13[%get3A_1495, %get3A_1496] {strides = array<i32>} : memref<4x1024xf32, #tpu.memory_space<vmem>>, vector<16xf32>,
      %mul3A_1498 = arith.constant 16 : i32
      %mul3A_1499 = vector.broadcast %mul3A_1498 : i32 to vector<16xi32>
      %mul3A_1500 = arith.muli %iota3A, %mul3A_1499 : vector<16xi32>
      %add3A_1501 = arith.constant 258 : i32
      %add3A_1502 = vector.broadcast %add3A_1501 : i32 to vector<16xi32>
      %add3A_1503 = arith.addi %mul3A_1500, %add3A_1502 : vector<16xi32>
      tpu.vector_store_idx %arg14[%add3A_1503], %get3A_1497 : memref<16384xf32, #tpu.memory_space<vmem>>[vector<16xi32>], vector<16xf32>,
      %get3A_1504 = arith.constant 2 : i32
      %get3A_1505 = arith.index_cast %get3A_1504 : i32 to index
      %get3A_1506 = arith.constant 32 : index
      %get3A_1507 = tpu.vector_load %arg13[%get3A_1505, %get3A_1506] {strides = array<i32>} : memref<4x1024xf32, #tpu.memory_space<vmem>>, vector<16xf32>,
      %mul3A_1508 = arith.constant 16 : i32
      %mul3A_1509 = vector.broadcast %mul3A_1508 : i32 to vector<16xi32>
      %mul3A_1510 = arith.muli %iota3A, %mul3A_1509 : vector<16xi32>
      %add3A_1511 = arith.constant 514 : i32
      %add3A_1512 = vector.broadcast %add3A_1511 : i32 to vector<16xi32>
      %add3A_1513 = arith.addi %mul3A_1510, %add3A_1512 : vector<16xi32>
      tpu.vector_store_idx %arg14[%add3A_1513], %get3A_1507 : memref<16384xf32, #tpu.memory_space<vmem>>[vector<16xi32>], vector<16xf32>,
      %get3A_1514 = arith.constant 2 : i32
      %get3A_1515 = arith.index_cast %get3A_1514 : i32 to index
      %get3A_1516 = arith.constant 48 : index
      %get3A_1517 = tpu.vector_load %arg13[%get3A_1515, %get3A_1516] {strides = array<i32>} : memref<4x1024xf32, #tpu.memory_space<vmem>>, vector<16xf32>,
      %mul3A_1518 = arith.constant 16 : i32
      %mul3A_1519 = vector.broadcast %mul3A_1518 : i32 to vector<16xi32>
      %mul3A_1520 = arith.muli %iota3A, %mul3A_1519 : vector<16xi32>
      %add3A_1521 = arith.constant 770 : i32
      %add3A_1522 = vector.broadcast %add3A_1521 : i32 to vector<16xi32>
      %add3A_1523 = arith.addi %mul3A_1520, %add3A_1522 : vector<16xi32>
      tpu.vector_store_idx %arg14[%add3A_1523], %get3A_1517 : memref<16384xf32, #tpu.memory_space<vmem>>[vector<16xi32>], vector<16xf32>,
      %get3A_1524 = arith.constant 2 : i32
      %get3A_1525 = arith.index_cast %get3A_1524 : i32 to index
      %get3A_1526 = arith.constant 64 : index
      %get3A_1527 = tpu.vector_load %arg13[%get3A_1525, %get3A_1526] {strides = array<i32>} : memref<4x1024xf32, #tpu.memory_space<vmem>>, vector<16xf32>,
      %mul3A_1528 = arith.constant 16 : i32
      %mul3A_1529 = vector.broadcast %mul3A_1528 : i32 to vector<16xi32>
      %mul3A_1530 = arith.muli %iota3A, %mul3A_1529 : vector<16xi32>
      %add3A_1531 = arith.constant 1026 : i32
      %add3A_1532 = vector.broadcast %add3A_1531 : i32 to vector<16xi32>
      %add3A_1533 = arith.addi %mul3A_1530, %add3A_1532 : vector<16xi32>
      tpu.vector_store_idx %arg14[%add3A_1533], %get3A_1527 : memref<16384xf32, #tpu.memory_space<vmem>>[vector<16xi32>], vector<16xf32>,
      %get3A_1534 = arith.constant 2 : i32
      %get3A_1535 = arith.index_cast %get3A_1534 : i32 to index
      %get3A_1536 = arith.constant 80 : index
      %get3A_1537 = tpu.vector_load %arg13[%get3A_1535, %get3A_1536] {strides = array<i32>} : memref<4x1024xf32, #tpu.memory_space<vmem>>, vector<16xf32>,
      %mul3A_1538 = arith.constant 16 : i32
      %mul3A_1539 = vector.broadcast %mul3A_1538 : i32 to vector<16xi32>
      %mul3A_1540 = arith.muli %iota3A, %mul3A_1539 : vector<16xi32>
      %add3A_1541 = arith.constant 1282 : i32
      %add3A_1542 = vector.broadcast %add3A_1541 : i32 to vector<16xi32>
      %add3A_1543 = arith.addi %mul3A_1540, %add3A_1542 : vector<16xi32>
      tpu.vector_store_idx %arg14[%add3A_1543], %get3A_1537 : memref<16384xf32, #tpu.memory_space<vmem>>[vector<16xi32>], vector<16xf32>,
      %get3A_1544 = arith.constant 2 : i32
      %get3A_1545 = arith.index_cast %get3A_1544 : i32 to index
      %get3A_1546 = arith.constant 96 : index
      %get3A_1547 = tpu.vector_load %arg13[%get3A_1545, %get3A_1546] {strides = array<i32>} : memref<4x1024xf32, #tpu.memory_space<vmem>>, vector<16xf32>,
      %mul3A_1548 = arith.constant 16 : i32
      %mul3A_1549 = vector.broadcast %mul3A_1548 : i32 to vector<16xi32>
      %mul3A_1550 = arith.muli %iota3A, %mul3A_1549 : vector<16xi32>
      %add3A_1551 = arith.constant 1538 : i32
      %add3A_1552 = vector.broadcast %add3A_1551 : i32 to vector<16xi32>
      %add3A_1553 = arith.addi %mul3A_1550, %add3A_1552 : vector<16xi32>
      tpu.vector_store_idx %arg14[%add3A_1553], %get3A_1547 : memref<16384xf32, #tpu.memory_space<vmem>>[vector<16xi32>], vector<16xf32>,
      %get3A_1554 = arith.constant 2 : i32
      %get3A_1555 = arith.index_cast %get3A_1554 : i32 to index
      %get3A_1556 = arith.constant 112 : index
      %get3A_1557 = tpu.vector_load %arg13[%get3A_1555, %get3A_1556] {strides = array<i32>} : memref<4x1024xf32, #tpu.memory_space<vmem>>, vector<16xf32>,
      %mul3A_1558 = arith.constant 16 : i32
      %mul3A_1559 = vector.broadcast %mul3A_1558 : i32 to vector<16xi32>
      %mul3A_1560 = arith.muli %iota3A, %mul3A_1559 : vector<16xi32>
      %add3A_1561 = arith.constant 1794 : i32
      %add3A_1562 = vector.broadcast %add3A_1561 : i32 to vector<16xi32>
      %add3A_1563 = arith.addi %mul3A_1560, %add3A_1562 : vector<16xi32>
      tpu.vector_store_idx %arg14[%add3A_1563], %get3A_1557 : memref<16384xf32, #tpu.memory_space<vmem>>[vector<16xi32>], vector<16xf32>,
      %get3A_1564 = arith.constant 2 : i32
      %get3A_1565 = arith.index_cast %get3A_1564 : i32 to index
      %get3A_1566 = arith.constant 128 : index
      %get3A_1567 = tpu.vector_load %arg13[%get3A_1565, %get3A_1566] {strides = array<i32>} : memref<4x1024xf32, #tpu.memory_space<vmem>>, vector<16xf32>,
      %mul3A_1568 = arith.constant 16 : i32
      %mul3A_1569 = vector.broadcast %mul3A_1568 : i32 to vector<16xi32>
      %mul3A_1570 = arith.muli %iota3A, %mul3A_1569 : vector<16xi32>
      %add3A_1571 = arith.constant 2050 : i32
      %add3A_1572 = vector.broadcast %add3A_1571 : i32 to vector<16xi32>
      %add3A_1573 = arith.addi %mul3A_1570, %add3A_1572 : vector<16xi32>
      tpu.vector_store_idx %arg14[%add3A_1573], %get3A_1567 : memref<16384xf32, #tpu.memory_space<vmem>>[vector<16xi32>], vector<16xf32>,
      %get3A_1574 = arith.constant 2 : i32
      %get3A_1575 = arith.index_cast %get3A_1574 : i32 to index
      %get3A_1576 = arith.constant 144 : index
      %get3A_1577 = tpu.vector_load %arg13[%get3A_1575, %get3A_1576] {strides = array<i32>} : memref<4x1024xf32, #tpu.memory_space<vmem>>, vector<16xf32>,
      %mul3A_1578 = arith.constant 16 : i32
      %mul3A_1579 = vector.broadcast %mul3A_1578 : i32 to vector<16xi32>
      %mul3A_1580 = arith.muli %iota3A, %mul3A_1579 : vector<16xi32>
      %add3A_1581 = arith.constant 2306 : i32
      %add3A_1582 = vector.broadcast %add3A_1581 : i32 to vector<16xi32>
      %add3A_1583 = arith.addi %mul3A_1580, %add3A_1582 : vector<16xi32>
      tpu.vector_store_idx %arg14[%add3A_1583], %get3A_1577 : memref<16384xf32, #tpu.memory_space<vmem>>[vector<16xi32>], vector<16xf32>,
      %get3A_1584 = arith.constant 2 : i32
      %get3A_1585 = arith.index_cast %get3A_1584 : i32 to index
      %get3A_1586 = arith.constant 160 : index
      %get3A_1587 = tpu.vector_load %arg13[%get3A_1585, %get3A_1586] {strides = array<i32>} : memref<4x1024xf32, #tpu.memory_space<vmem>>, vector<16xf32>,
      %mul3A_1588 = arith.constant 16 : i32
      %mul3A_1589 = vector.broadcast %mul3A_1588 : i32 to vector<16xi32>
      %mul3A_1590 = arith.muli %iota3A, %mul3A_1589 : vector<16xi32>
      %add3A_1591 = arith.constant 2562 : i32
      %add3A_1592 = vector.broadcast %add3A_1591 : i32 to vector<16xi32>
      %add3A_1593 = arith.addi %mul3A_1590, %add3A_1592 : vector<16xi32>
      tpu.vector_store_idx %arg14[%add3A_1593], %get3A_1587 : memref<16384xf32, #tpu.memory_space<vmem>>[vector<16xi32>], vector<16xf32>,
      %get3A_1594 = arith.constant 2 : i32
      %get3A_1595 = arith.index_cast %get3A_1594 : i32 to index
      %get3A_1596 = arith.constant 176 : index
      %get3A_1597 = tpu.vector_load %arg13[%get3A_1595, %get3A_1596] {strides = array<i32>} : memref<4x1024xf32, #tpu.memory_space<vmem>>, vector<16xf32>,
      %mul3A_1598 = arith.constant 16 : i32
      %mul3A_1599 = vector.broadcast %mul3A_1598 : i32 to vector<16xi32>
      %mul3A_1600 = arith.muli %iota3A, %mul3A_1599 : vector<16xi32>
      %add3A_1601 = arith.constant 2818 : i32
      %add3A_1602 = vector.broadcast %add3A_1601 : i32 to vector<16xi32>
      %add3A_1603 = arith.addi %mul3A_1600, %add3A_1602 : vector<16xi32>
      tpu.vector_store_idx %arg14[%add3A_1603], %get3A_1597 : memref<16384xf32, #tpu.memory_space<vmem>>[vector<16xi32>], vector<16xf32>,
      %get3A_1604 = arith.constant 2 : i32
      %get3A_1605 = arith.index_cast %get3A_1604 : i32 to index
      %get3A_1606 = arith.constant 192 : index
      %get3A_1607 = tpu.vector_load %arg13[%get3A_1605, %get3A_1606] {strides = array<i32>} : memref<4x1024xf32, #tpu.memory_space<vmem>>, vector<16xf32>,
      %mul3A_1608 = arith.constant 16 : i32
      %mul3A_1609 = vector.broadcast %mul3A_1608 : i32 to vector<16xi32>
      %mul3A_1610 = arith.muli %iota3A, %mul3A_1609 : vector<16xi32>
      %add3A_1611 = arith.constant 3074 : i32
      %add3A_1612 = vector.broadcast %add3A_1611 : i32 to vector<16xi32>
      %add3A_1613 = arith.addi %mul3A_1610, %add3A_1612 : vector<16xi32>
      tpu.vector_store_idx %arg14[%add3A_1613], %get3A_1607 : memref<16384xf32, #tpu.memory_space<vmem>>[vector<16xi32>], vector<16xf32>,
      %get3A_1614 = arith.constant 2 : i32
      %get3A_1615 = arith.index_cast %get3A_1614 : i32 to index
      %get3A_1616 = arith.constant 208 : index
      %get3A_1617 = tpu.vector_load %arg13[%get3A_1615, %get3A_1616] {strides = array<i32>} : memref<4x1024xf32, #tpu.memory_space<vmem>>, vector<16xf32>,
      %mul3A_1618 = arith.constant 16 : i32
      %mul3A_1619 = vector.broadcast %mul3A_1618 : i32 to vector<16xi32>
      %mul3A_1620 = arith.muli %iota3A, %mul3A_1619 : vector<16xi32>
      %add3A_1621 = arith.constant 3330 : i32
      %add3A_1622 = vector.broadcast %add3A_1621 : i32 to vector<16xi32>
      %add3A_1623 = arith.addi %mul3A_1620, %add3A_1622 : vector<16xi32>
      tpu.vector_store_idx %arg14[%add3A_1623], %get3A_1617 : memref<16384xf32, #tpu.memory_space<vmem>>[vector<16xi32>], vector<16xf32>,
      %get3A_1624 = arith.constant 2 : i32
      %get3A_1625 = arith.index_cast %get3A_1624 : i32 to index
      %get3A_1626 = arith.constant 224 : index
      %get3A_1627 = tpu.vector_load %arg13[%get3A_1625, %get3A_1626] {strides = array<i32>} : memref<4x1024xf32, #tpu.memory_space<vmem>>, vector<16xf32>,
      %mul3A_1628 = arith.constant 16 : i32
      %mul3A_1629 = vector.broadcast %mul3A_1628 : i32 to vector<16xi32>
      %mul3A_1630 = arith.muli %iota3A, %mul3A_1629 : vector<16xi32>
      %add3A_1631 = arith.constant 3586 : i32
      %add3A_1632 = vector.broadcast %add3A_1631 : i32 to vector<16xi32>
      %add3A_1633 = arith.addi %mul3A_1630, %add3A_1632 : vector<16xi32>
      tpu.vector_store_idx %arg14[%add3A_1633], %get3A_1627 : memref<16384xf32, #tpu.memory_space<vmem>>[vector<16xi32>], vector<16xf32>,
      %get3A_1634 = arith.constant 2 : i32
      %get3A_1635 = arith.index_cast %get3A_1634 : i32 to index
      %get3A_1636 = arith.constant 240 : index
      %get3A_1637 = tpu.vector_load %arg13[%get3A_1635, %get3A_1636] {strides = array<i32>} : memref<4x1024xf32, #tpu.memory_space<vmem>>, vector<16xf32>,
      %mul3A_1638 = arith.constant 16 : i32
      %mul3A_1639 = vector.broadcast %mul3A_1638 : i32 to vector<16xi32>
      %mul3A_1640 = arith.muli %iota3A, %mul3A_1639 : vector<16xi32>
      %add3A_1641 = arith.constant 3842 : i32
      %add3A_1642 = vector.broadcast %add3A_1641 : i32 to vector<16xi32>
      %add3A_1643 = arith.addi %mul3A_1640, %add3A_1642 : vector<16xi32>
      tpu.vector_store_idx %arg14[%add3A_1643], %get3A_1637 : memref<16384xf32, #tpu.memory_space<vmem>>[vector<16xi32>], vector<16xf32>,
      %get3A_1644 = arith.constant 2 : i32
      %get3A_1645 = arith.index_cast %get3A_1644 : i32 to index
      %get3A_1646 = arith.constant 256 : index
      %get3A_1647 = tpu.vector_load %arg13[%get3A_1645, %get3A_1646] {strides = array<i32>} : memref<4x1024xf32, #tpu.memory_space<vmem>>, vector<16xf32>,
      %mul3A_1648 = arith.constant 16 : i32
      %mul3A_1649 = vector.broadcast %mul3A_1648 : i32 to vector<16xi32>
      %mul3A_1650 = arith.muli %iota3A, %mul3A_1649 : vector<16xi32>
      %add3A_1651 = arith.constant 4098 : i32
      %add3A_1652 = vector.broadcast %add3A_1651 : i32 to vector<16xi32>
      %add3A_1653 = arith.addi %mul3A_1650, %add3A_1652 : vector<16xi32>
      tpu.vector_store_idx %arg14[%add3A_1653], %get3A_1647 : memref<16384xf32, #tpu.memory_space<vmem>>[vector<16xi32>], vector<16xf32>,
      %get3A_1654 = arith.constant 2 : i32
      %get3A_1655 = arith.index_cast %get3A_1654 : i32 to index
      %get3A_1656 = arith.constant 272 : index
      %get3A_1657 = tpu.vector_load %arg13[%get3A_1655, %get3A_1656] {strides = array<i32>} : memref<4x1024xf32, #tpu.memory_space<vmem>>, vector<16xf32>,
      %mul3A_1658 = arith.constant 16 : i32
      %mul3A_1659 = vector.broadcast %mul3A_1658 : i32 to vector<16xi32>
      %mul3A_1660 = arith.muli %iota3A, %mul3A_1659 : vector<16xi32>
      %add3A_1661 = arith.constant 4354 : i32
      %add3A_1662 = vector.broadcast %add3A_1661 : i32 to vector<16xi32>
      %add3A_1663 = arith.addi %mul3A_1660, %add3A_1662 : vector<16xi32>
      tpu.vector_store_idx %arg14[%add3A_1663], %get3A_1657 : memref<16384xf32, #tpu.memory_space<vmem>>[vector<16xi32>], vector<16xf32>,
      %get3A_1664 = arith.constant 2 : i32
      %get3A_1665 = arith.index_cast %get3A_1664 : i32 to index
      %get3A_1666 = arith.constant 288 : index
      %get3A_1667 = tpu.vector_load %arg13[%get3A_1665, %get3A_1666] {strides = array<i32>} : memref<4x1024xf32, #tpu.memory_space<vmem>>, vector<16xf32>,
      %mul3A_1668 = arith.constant 16 : i32
      %mul3A_1669 = vector.broadcast %mul3A_1668 : i32 to vector<16xi32>
      %mul3A_1670 = arith.muli %iota3A, %mul3A_1669 : vector<16xi32>
      %add3A_1671 = arith.constant 4610 : i32
      %add3A_1672 = vector.broadcast %add3A_1671 : i32 to vector<16xi32>
      %add3A_1673 = arith.addi %mul3A_1670, %add3A_1672 : vector<16xi32>
      tpu.vector_store_idx %arg14[%add3A_1673], %get3A_1667 : memref<16384xf32, #tpu.memory_space<vmem>>[vector<16xi32>], vector<16xf32>,
      %get3A_1674 = arith.constant 2 : i32
      %get3A_1675 = arith.index_cast %get3A_1674 : i32 to index
      %get3A_1676 = arith.constant 304 : index
      %get3A_1677 = tpu.vector_load %arg13[%get3A_1675, %get3A_1676] {strides = array<i32>} : memref<4x1024xf32, #tpu.memory_space<vmem>>, vector<16xf32>,
      %mul3A_1678 = arith.constant 16 : i32
      %mul3A_1679 = vector.broadcast %mul3A_1678 : i32 to vector<16xi32>
      %mul3A_1680 = arith.muli %iota3A, %mul3A_1679 : vector<16xi32>
      %add3A_1681 = arith.constant 4866 : i32
      %add3A_1682 = vector.broadcast %add3A_1681 : i32 to vector<16xi32>
      %add3A_1683 = arith.addi %mul3A_1680, %add3A_1682 : vector<16xi32>
      tpu.vector_store_idx %arg14[%add3A_1683], %get3A_1677 : memref<16384xf32, #tpu.memory_space<vmem>>[vector<16xi32>], vector<16xf32>,
      %get3A_1684 = arith.constant 2 : i32
      %get3A_1685 = arith.index_cast %get3A_1684 : i32 to index
      %get3A_1686 = arith.constant 320 : index
      %get3A_1687 = tpu.vector_load %arg13[%get3A_1685, %get3A_1686] {strides = array<i32>} : memref<4x1024xf32, #tpu.memory_space<vmem>>, vector<16xf32>,
      %mul3A_1688 = arith.constant 16 : i32
      %mul3A_1689 = vector.broadcast %mul3A_1688 : i32 to vector<16xi32>
      %mul3A_1690 = arith.muli %iota3A, %mul3A_1689 : vector<16xi32>
      %add3A_1691 = arith.constant 5122 : i32
      %add3A_1692 = vector.broadcast %add3A_1691 : i32 to vector<16xi32>
      %add3A_1693 = arith.addi %mul3A_1690, %add3A_1692 : vector<16xi32>
      tpu.vector_store_idx %arg14[%add3A_1693], %get3A_1687 : memref<16384xf32, #tpu.memory_space<vmem>>[vector<16xi32>], vector<16xf32>,
      %get3A_1694 = arith.constant 2 : i32
      %get3A_1695 = arith.index_cast %get3A_1694 : i32 to index
      %get3A_1696 = arith.constant 336 : index
      %get3A_1697 = tpu.vector_load %arg13[%get3A_1695, %get3A_1696] {strides = array<i32>} : memref<4x1024xf32, #tpu.memory_space<vmem>>, vector<16xf32>,
      %mul3A_1698 = arith.constant 16 : i32
      %mul3A_1699 = vector.broadcast %mul3A_1698 : i32 to vector<16xi32>
      %mul3A_1700 = arith.muli %iota3A, %mul3A_1699 : vector<16xi32>
      %add3A_1701 = arith.constant 5378 : i32
      %add3A_1702 = vector.broadcast %add3A_1701 : i32 to vector<16xi32>
      %add3A_1703 = arith.addi %mul3A_1700, %add3A_1702 : vector<16xi32>
      tpu.vector_store_idx %arg14[%add3A_1703], %get3A_1697 : memref<16384xf32, #tpu.memory_space<vmem>>[vector<16xi32>], vector<16xf32>,
      %get3A_1704 = arith.constant 2 : i32
      %get3A_1705 = arith.index_cast %get3A_1704 : i32 to index
      %get3A_1706 = arith.constant 352 : index
      %get3A_1707 = tpu.vector_load %arg13[%get3A_1705, %get3A_1706] {strides = array<i32>} : memref<4x1024xf32, #tpu.memory_space<vmem>>, vector<16xf32>,
      %mul3A_1708 = arith.constant 16 : i32
      %mul3A_1709 = vector.broadcast %mul3A_1708 : i32 to vector<16xi32>
      %mul3A_1710 = arith.muli %iota3A, %mul3A_1709 : vector<16xi32>
      %add3A_1711 = arith.constant 5634 : i32
      %add3A_1712 = vector.broadcast %add3A_1711 : i32 to vector<16xi32>
      %add3A_1713 = arith.addi %mul3A_1710, %add3A_1712 : vector<16xi32>
      tpu.vector_store_idx %arg14[%add3A_1713], %get3A_1707 : memref<16384xf32, #tpu.memory_space<vmem>>[vector<16xi32>], vector<16xf32>,
      %get3A_1714 = arith.constant 2 : i32
      %get3A_1715 = arith.index_cast %get3A_1714 : i32 to index
      %get3A_1716 = arith.constant 368 : index
      %get3A_1717 = tpu.vector_load %arg13[%get3A_1715, %get3A_1716] {strides = array<i32>} : memref<4x1024xf32, #tpu.memory_space<vmem>>, vector<16xf32>,
      %mul3A_1718 = arith.constant 16 : i32
      %mul3A_1719 = vector.broadcast %mul3A_1718 : i32 to vector<16xi32>
      %mul3A_1720 = arith.muli %iota3A, %mul3A_1719 : vector<16xi32>
      %add3A_1721 = arith.constant 5890 : i32
      %add3A_1722 = vector.broadcast %add3A_1721 : i32 to vector<16xi32>
      %add3A_1723 = arith.addi %mul3A_1720, %add3A_1722 : vector<16xi32>
      tpu.vector_store_idx %arg14[%add3A_1723], %get3A_1717 : memref<16384xf32, #tpu.memory_space<vmem>>[vector<16xi32>], vector<16xf32>,
      %get3A_1724 = arith.constant 2 : i32
      %get3A_1725 = arith.index_cast %get3A_1724 : i32 to index
      %get3A_1726 = arith.constant 384 : index
      %get3A_1727 = tpu.vector_load %arg13[%get3A_1725, %get3A_1726] {strides = array<i32>} : memref<4x1024xf32, #tpu.memory_space<vmem>>, vector<16xf32>,
      %mul3A_1728 = arith.constant 16 : i32
      %mul3A_1729 = vector.broadcast %mul3A_1728 : i32 to vector<16xi32>
      %mul3A_1730 = arith.muli %iota3A, %mul3A_1729 : vector<16xi32>
      %add3A_1731 = arith.constant 6146 : i32
      %add3A_1732 = vector.broadcast %add3A_1731 : i32 to vector<16xi32>
      %add3A_1733 = arith.addi %mul3A_1730, %add3A_1732 : vector<16xi32>
      tpu.vector_store_idx %arg14[%add3A_1733], %get3A_1727 : memref<16384xf32, #tpu.memory_space<vmem>>[vector<16xi32>], vector<16xf32>,
      %get3A_1734 = arith.constant 2 : i32
      %get3A_1735 = arith.index_cast %get3A_1734 : i32 to index
      %get3A_1736 = arith.constant 400 : index
      %get3A_1737 = tpu.vector_load %arg13[%get3A_1735, %get3A_1736] {strides = array<i32>} : memref<4x1024xf32, #tpu.memory_space<vmem>>, vector<16xf32>,
      %mul3A_1738 = arith.constant 16 : i32
      %mul3A_1739 = vector.broadcast %mul3A_1738 : i32 to vector<16xi32>
      %mul3A_1740 = arith.muli %iota3A, %mul3A_1739 : vector<16xi32>
      %add3A_1741 = arith.constant 6402 : i32
      %add3A_1742 = vector.broadcast %add3A_1741 : i32 to vector<16xi32>
      %add3A_1743 = arith.addi %mul3A_1740, %add3A_1742 : vector<16xi32>
      tpu.vector_store_idx %arg14[%add3A_1743], %get3A_1737 : memref<16384xf32, #tpu.memory_space<vmem>>[vector<16xi32>], vector<16xf32>,
      %get3A_1744 = arith.constant 2 : i32
      %get3A_1745 = arith.index_cast %get3A_1744 : i32 to index
      %get3A_1746 = arith.constant 416 : index
      %get3A_1747 = tpu.vector_load %arg13[%get3A_1745, %get3A_1746] {strides = array<i32>} : memref<4x1024xf32, #tpu.memory_space<vmem>>, vector<16xf32>,
      %mul3A_1748 = arith.constant 16 : i32
      %mul3A_1749 = vector.broadcast %mul3A_1748 : i32 to vector<16xi32>
      %mul3A_1750 = arith.muli %iota3A, %mul3A_1749 : vector<16xi32>
      %add3A_1751 = arith.constant 6658 : i32
      %add3A_1752 = vector.broadcast %add3A_1751 : i32 to vector<16xi32>
      %add3A_1753 = arith.addi %mul3A_1750, %add3A_1752 : vector<16xi32>
      tpu.vector_store_idx %arg14[%add3A_1753], %get3A_1747 : memref<16384xf32, #tpu.memory_space<vmem>>[vector<16xi32>], vector<16xf32>,
      %get3A_1754 = arith.constant 2 : i32
      %get3A_1755 = arith.index_cast %get3A_1754 : i32 to index
      %get3A_1756 = arith.constant 432 : index
      %get3A_1757 = tpu.vector_load %arg13[%get3A_1755, %get3A_1756] {strides = array<i32>} : memref<4x1024xf32, #tpu.memory_space<vmem>>, vector<16xf32>,
      %mul3A_1758 = arith.constant 16 : i32
      %mul3A_1759 = vector.broadcast %mul3A_1758 : i32 to vector<16xi32>
      %mul3A_1760 = arith.muli %iota3A, %mul3A_1759 : vector<16xi32>
      %add3A_1761 = arith.constant 6914 : i32
      %add3A_1762 = vector.broadcast %add3A_1761 : i32 to vector<16xi32>
      %add3A_1763 = arith.addi %mul3A_1760, %add3A_1762 : vector<16xi32>
      tpu.vector_store_idx %arg14[%add3A_1763], %get3A_1757 : memref<16384xf32, #tpu.memory_space<vmem>>[vector<16xi32>], vector<16xf32>,
      %get3A_1764 = arith.constant 2 : i32
      %get3A_1765 = arith.index_cast %get3A_1764 : i32 to index
      %get3A_1766 = arith.constant 448 : index
      %get3A_1767 = tpu.vector_load %arg13[%get3A_1765, %get3A_1766] {strides = array<i32>} : memref<4x1024xf32, #tpu.memory_space<vmem>>, vector<16xf32>,
      %mul3A_1768 = arith.constant 16 : i32
      %mul3A_1769 = vector.broadcast %mul3A_1768 : i32 to vector<16xi32>
      %mul3A_1770 = arith.muli %iota3A, %mul3A_1769 : vector<16xi32>
      %add3A_1771 = arith.constant 7170 : i32
      %add3A_1772 = vector.broadcast %add3A_1771 : i32 to vector<16xi32>
      %add3A_1773 = arith.addi %mul3A_1770, %add3A_1772 : vector<16xi32>
      tpu.vector_store_idx %arg14[%add3A_1773], %get3A_1767 : memref<16384xf32, #tpu.memory_space<vmem>>[vector<16xi32>], vector<16xf32>,
      %get3A_1774 = arith.constant 2 : i32
      %get3A_1775 = arith.index_cast %get3A_1774 : i32 to index
      %get3A_1776 = arith.constant 464 : index
      %get3A_1777 = tpu.vector_load %arg13[%get3A_1775, %get3A_1776] {strides = array<i32>} : memref<4x1024xf32, #tpu.memory_space<vmem>>, vector<16xf32>,
      %mul3A_1778 = arith.constant 16 : i32
      %mul3A_1779 = vector.broadcast %mul3A_1778 : i32 to vector<16xi32>
      %mul3A_1780 = arith.muli %iota3A, %mul3A_1779 : vector<16xi32>
      %add3A_1781 = arith.constant 7426 : i32
      %add3A_1782 = vector.broadcast %add3A_1781 : i32 to vector<16xi32>
      %add3A_1783 = arith.addi %mul3A_1780, %add3A_1782 : vector<16xi32>
      tpu.vector_store_idx %arg14[%add3A_1783], %get3A_1777 : memref<16384xf32, #tpu.memory_space<vmem>>[vector<16xi32>], vector<16xf32>,
      %get3A_1784 = arith.constant 2 : i32
      %get3A_1785 = arith.index_cast %get3A_1784 : i32 to index
      %get3A_1786 = arith.constant 480 : index
      %get3A_1787 = tpu.vector_load %arg13[%get3A_1785, %get3A_1786] {strides = array<i32>} : memref<4x1024xf32, #tpu.memory_space<vmem>>, vector<16xf32>,
      %mul3A_1788 = arith.constant 16 : i32
      %mul3A_1789 = vector.broadcast %mul3A_1788 : i32 to vector<16xi32>
      %mul3A_1790 = arith.muli %iota3A, %mul3A_1789 : vector<16xi32>
      %add3A_1791 = arith.constant 7682 : i32
      %add3A_1792 = vector.broadcast %add3A_1791 : i32 to vector<16xi32>
      %add3A_1793 = arith.addi %mul3A_1790, %add3A_1792 : vector<16xi32>
      tpu.vector_store_idx %arg14[%add3A_1793], %get3A_1787 : memref<16384xf32, #tpu.memory_space<vmem>>[vector<16xi32>], vector<16xf32>,
      %get3A_1794 = arith.constant 2 : i32
      %get3A_1795 = arith.index_cast %get3A_1794 : i32 to index
      %get3A_1796 = arith.constant 496 : index
      %get3A_1797 = tpu.vector_load %arg13[%get3A_1795, %get3A_1796] {strides = array<i32>} : memref<4x1024xf32, #tpu.memory_space<vmem>>, vector<16xf32>,
      %mul3A_1798 = arith.constant 16 : i32
      %mul3A_1799 = vector.broadcast %mul3A_1798 : i32 to vector<16xi32>
      %mul3A_1800 = arith.muli %iota3A, %mul3A_1799 : vector<16xi32>
      %add3A_1801 = arith.constant 7938 : i32
      %add3A_1802 = vector.broadcast %add3A_1801 : i32 to vector<16xi32>
      %add3A_1803 = arith.addi %mul3A_1800, %add3A_1802 : vector<16xi32>
      tpu.vector_store_idx %arg14[%add3A_1803], %get3A_1797 : memref<16384xf32, #tpu.memory_space<vmem>>[vector<16xi32>], vector<16xf32>,
      %get3A_1804 = arith.constant 2 : i32
      %get3A_1805 = arith.index_cast %get3A_1804 : i32 to index
      %get3A_1806 = arith.constant 512 : index
      %get3A_1807 = tpu.vector_load %arg13[%get3A_1805, %get3A_1806] {strides = array<i32>} : memref<4x1024xf32, #tpu.memory_space<vmem>>, vector<16xf32>,
      %mul3A_1808 = arith.constant 16 : i32
      %mul3A_1809 = vector.broadcast %mul3A_1808 : i32 to vector<16xi32>
      %mul3A_1810 = arith.muli %iota3A, %mul3A_1809 : vector<16xi32>
      %add3A_1811 = arith.constant 8194 : i32
      %add3A_1812 = vector.broadcast %add3A_1811 : i32 to vector<16xi32>
      %add3A_1813 = arith.addi %mul3A_1810, %add3A_1812 : vector<16xi32>
      tpu.vector_store_idx %arg14[%add3A_1813], %get3A_1807 : memref<16384xf32, #tpu.memory_space<vmem>>[vector<16xi32>], vector<16xf32>,
      %get3A_1814 = arith.constant 2 : i32
      %get3A_1815 = arith.index_cast %get3A_1814 : i32 to index
      %get3A_1816 = arith.constant 528 : index
      %get3A_1817 = tpu.vector_load %arg13[%get3A_1815, %get3A_1816] {strides = array<i32>} : memref<4x1024xf32, #tpu.memory_space<vmem>>, vector<16xf32>,
      %mul3A_1818 = arith.constant 16 : i32
      %mul3A_1819 = vector.broadcast %mul3A_1818 : i32 to vector<16xi32>
      %mul3A_1820 = arith.muli %iota3A, %mul3A_1819 : vector<16xi32>
      %add3A_1821 = arith.constant 8450 : i32
      %add3A_1822 = vector.broadcast %add3A_1821 : i32 to vector<16xi32>
      %add3A_1823 = arith.addi %mul3A_1820, %add3A_1822 : vector<16xi32>
      tpu.vector_store_idx %arg14[%add3A_1823], %get3A_1817 : memref<16384xf32, #tpu.memory_space<vmem>>[vector<16xi32>], vector<16xf32>,
      %get3A_1824 = arith.constant 2 : i32
      %get3A_1825 = arith.index_cast %get3A_1824 : i32 to index
      %get3A_1826 = arith.constant 544 : index
      %get3A_1827 = tpu.vector_load %arg13[%get3A_1825, %get3A_1826] {strides = array<i32>} : memref<4x1024xf32, #tpu.memory_space<vmem>>, vector<16xf32>,
      %mul3A_1828 = arith.constant 16 : i32
      %mul3A_1829 = vector.broadcast %mul3A_1828 : i32 to vector<16xi32>
      %mul3A_1830 = arith.muli %iota3A, %mul3A_1829 : vector<16xi32>
      %add3A_1831 = arith.constant 8706 : i32
      %add3A_1832 = vector.broadcast %add3A_1831 : i32 to vector<16xi32>
      %add3A_1833 = arith.addi %mul3A_1830, %add3A_1832 : vector<16xi32>
      tpu.vector_store_idx %arg14[%add3A_1833], %get3A_1827 : memref<16384xf32, #tpu.memory_space<vmem>>[vector<16xi32>], vector<16xf32>,
      %get3A_1834 = arith.constant 2 : i32
      %get3A_1835 = arith.index_cast %get3A_1834 : i32 to index
      %get3A_1836 = arith.constant 560 : index
      %get3A_1837 = tpu.vector_load %arg13[%get3A_1835, %get3A_1836] {strides = array<i32>} : memref<4x1024xf32, #tpu.memory_space<vmem>>, vector<16xf32>,
      %mul3A_1838 = arith.constant 16 : i32
      %mul3A_1839 = vector.broadcast %mul3A_1838 : i32 to vector<16xi32>
      %mul3A_1840 = arith.muli %iota3A, %mul3A_1839 : vector<16xi32>
      %add3A_1841 = arith.constant 8962 : i32
      %add3A_1842 = vector.broadcast %add3A_1841 : i32 to vector<16xi32>
      %add3A_1843 = arith.addi %mul3A_1840, %add3A_1842 : vector<16xi32>
      tpu.vector_store_idx %arg14[%add3A_1843], %get3A_1837 : memref<16384xf32, #tpu.memory_space<vmem>>[vector<16xi32>], vector<16xf32>,
      %get3A_1844 = arith.constant 2 : i32
      %get3A_1845 = arith.index_cast %get3A_1844 : i32 to index
      %get3A_1846 = arith.constant 576 : index
      %get3A_1847 = tpu.vector_load %arg13[%get3A_1845, %get3A_1846] {strides = array<i32>} : memref<4x1024xf32, #tpu.memory_space<vmem>>, vector<16xf32>,
      %mul3A_1848 = arith.constant 16 : i32
      %mul3A_1849 = vector.broadcast %mul3A_1848 : i32 to vector<16xi32>
      %mul3A_1850 = arith.muli %iota3A, %mul3A_1849 : vector<16xi32>
      %add3A_1851 = arith.constant 9218 : i32
      %add3A_1852 = vector.broadcast %add3A_1851 : i32 to vector<16xi32>
      %add3A_1853 = arith.addi %mul3A_1850, %add3A_1852 : vector<16xi32>
      tpu.vector_store_idx %arg14[%add3A_1853], %get3A_1847 : memref<16384xf32, #tpu.memory_space<vmem>>[vector<16xi32>], vector<16xf32>,
      %get3A_1854 = arith.constant 2 : i32
      %get3A_1855 = arith.index_cast %get3A_1854 : i32 to index
      %get3A_1856 = arith.constant 592 : index
      %get3A_1857 = tpu.vector_load %arg13[%get3A_1855, %get3A_1856] {strides = array<i32>} : memref<4x1024xf32, #tpu.memory_space<vmem>>, vector<16xf32>,
      %mul3A_1858 = arith.constant 16 : i32
      %mul3A_1859 = vector.broadcast %mul3A_1858 : i32 to vector<16xi32>
      %mul3A_1860 = arith.muli %iota3A, %mul3A_1859 : vector<16xi32>
      %add3A_1861 = arith.constant 9474 : i32
      %add3A_1862 = vector.broadcast %add3A_1861 : i32 to vector<16xi32>
      %add3A_1863 = arith.addi %mul3A_1860, %add3A_1862 : vector<16xi32>
      tpu.vector_store_idx %arg14[%add3A_1863], %get3A_1857 : memref<16384xf32, #tpu.memory_space<vmem>>[vector<16xi32>], vector<16xf32>,
      %get3A_1864 = arith.constant 2 : i32
      %get3A_1865 = arith.index_cast %get3A_1864 : i32 to index
      %get3A_1866 = arith.constant 608 : index
      %get3A_1867 = tpu.vector_load %arg13[%get3A_1865, %get3A_1866] {strides = array<i32>} : memref<4x1024xf32, #tpu.memory_space<vmem>>, vector<16xf32>,
      %mul3A_1868 = arith.constant 16 : i32
      %mul3A_1869 = vector.broadcast %mul3A_1868 : i32 to vector<16xi32>
      %mul3A_1870 = arith.muli %iota3A, %mul3A_1869 : vector<16xi32>
      %add3A_1871 = arith.constant 9730 : i32
      %add3A_1872 = vector.broadcast %add3A_1871 : i32 to vector<16xi32>
      %add3A_1873 = arith.addi %mul3A_1870, %add3A_1872 : vector<16xi32>
      tpu.vector_store_idx %arg14[%add3A_1873], %get3A_1867 : memref<16384xf32, #tpu.memory_space<vmem>>[vector<16xi32>], vector<16xf32>,
      %get3A_1874 = arith.constant 2 : i32
      %get3A_1875 = arith.index_cast %get3A_1874 : i32 to index
      %get3A_1876 = arith.constant 624 : index
      %get3A_1877 = tpu.vector_load %arg13[%get3A_1875, %get3A_1876] {strides = array<i32>} : memref<4x1024xf32, #tpu.memory_space<vmem>>, vector<16xf32>,
      %mul3A_1878 = arith.constant 16 : i32
      %mul3A_1879 = vector.broadcast %mul3A_1878 : i32 to vector<16xi32>
      %mul3A_1880 = arith.muli %iota3A, %mul3A_1879 : vector<16xi32>
      %add3A_1881 = arith.constant 9986 : i32
      %add3A_1882 = vector.broadcast %add3A_1881 : i32 to vector<16xi32>
      %add3A_1883 = arith.addi %mul3A_1880, %add3A_1882 : vector<16xi32>
      tpu.vector_store_idx %arg14[%add3A_1883], %get3A_1877 : memref<16384xf32, #tpu.memory_space<vmem>>[vector<16xi32>], vector<16xf32>,
      %get3A_1884 = arith.constant 2 : i32
      %get3A_1885 = arith.index_cast %get3A_1884 : i32 to index
      %get3A_1886 = arith.constant 640 : index
      %get3A_1887 = tpu.vector_load %arg13[%get3A_1885, %get3A_1886] {strides = array<i32>} : memref<4x1024xf32, #tpu.memory_space<vmem>>, vector<16xf32>,
      %mul3A_1888 = arith.constant 16 : i32
      %mul3A_1889 = vector.broadcast %mul3A_1888 : i32 to vector<16xi32>
      %mul3A_1890 = arith.muli %iota3A, %mul3A_1889 : vector<16xi32>
      %add3A_1891 = arith.constant 10242 : i32
      %add3A_1892 = vector.broadcast %add3A_1891 : i32 to vector<16xi32>
      %add3A_1893 = arith.addi %mul3A_1890, %add3A_1892 : vector<16xi32>
      tpu.vector_store_idx %arg14[%add3A_1893], %get3A_1887 : memref<16384xf32, #tpu.memory_space<vmem>>[vector<16xi32>], vector<16xf32>,
      %get3A_1894 = arith.constant 2 : i32
      %get3A_1895 = arith.index_cast %get3A_1894 : i32 to index
      %get3A_1896 = arith.constant 656 : index
      %get3A_1897 = tpu.vector_load %arg13[%get3A_1895, %get3A_1896] {strides = array<i32>} : memref<4x1024xf32, #tpu.memory_space<vmem>>, vector<16xf32>,
      %mul3A_1898 = arith.constant 16 : i32
      %mul3A_1899 = vector.broadcast %mul3A_1898 : i32 to vector<16xi32>
      %mul3A_1900 = arith.muli %iota3A, %mul3A_1899 : vector<16xi32>
      %add3A_1901 = arith.constant 10498 : i32
      %add3A_1902 = vector.broadcast %add3A_1901 : i32 to vector<16xi32>
      %add3A_1903 = arith.addi %mul3A_1900, %add3A_1902 : vector<16xi32>
      tpu.vector_store_idx %arg14[%add3A_1903], %get3A_1897 : memref<16384xf32, #tpu.memory_space<vmem>>[vector<16xi32>], vector<16xf32>,
      %get3A_1904 = arith.constant 2 : i32
      %get3A_1905 = arith.index_cast %get3A_1904 : i32 to index
      %get3A_1906 = arith.constant 672 : index
      %get3A_1907 = tpu.vector_load %arg13[%get3A_1905, %get3A_1906] {strides = array<i32>} : memref<4x1024xf32, #tpu.memory_space<vmem>>, vector<16xf32>,
      %mul3A_1908 = arith.constant 16 : i32
      %mul3A_1909 = vector.broadcast %mul3A_1908 : i32 to vector<16xi32>
      %mul3A_1910 = arith.muli %iota3A, %mul3A_1909 : vector<16xi32>
      %add3A_1911 = arith.constant 10754 : i32
      %add3A_1912 = vector.broadcast %add3A_1911 : i32 to vector<16xi32>
      %add3A_1913 = arith.addi %mul3A_1910, %add3A_1912 : vector<16xi32>
      tpu.vector_store_idx %arg14[%add3A_1913], %get3A_1907 : memref<16384xf32, #tpu.memory_space<vmem>>[vector<16xi32>], vector<16xf32>,
      %get3A_1914 = arith.constant 2 : i32
      %get3A_1915 = arith.index_cast %get3A_1914 : i32 to index
      %get3A_1916 = arith.constant 688 : index
      %get3A_1917 = tpu.vector_load %arg13[%get3A_1915, %get3A_1916] {strides = array<i32>} : memref<4x1024xf32, #tpu.memory_space<vmem>>, vector<16xf32>,
      %mul3A_1918 = arith.constant 16 : i32
      %mul3A_1919 = vector.broadcast %mul3A_1918 : i32 to vector<16xi32>
      %mul3A_1920 = arith.muli %iota3A, %mul3A_1919 : vector<16xi32>
      %add3A_1921 = arith.constant 11010 : i32
      %add3A_1922 = vector.broadcast %add3A_1921 : i32 to vector<16xi32>
      %add3A_1923 = arith.addi %mul3A_1920, %add3A_1922 : vector<16xi32>
      tpu.vector_store_idx %arg14[%add3A_1923], %get3A_1917 : memref<16384xf32, #tpu.memory_space<vmem>>[vector<16xi32>], vector<16xf32>,
      %get3A_1924 = arith.constant 2 : i32
      %get3A_1925 = arith.index_cast %get3A_1924 : i32 to index
      %get3A_1926 = arith.constant 704 : index
      %get3A_1927 = tpu.vector_load %arg13[%get3A_1925, %get3A_1926] {strides = array<i32>} : memref<4x1024xf32, #tpu.memory_space<vmem>>, vector<16xf32>,
      %mul3A_1928 = arith.constant 16 : i32
      %mul3A_1929 = vector.broadcast %mul3A_1928 : i32 to vector<16xi32>
      %mul3A_1930 = arith.muli %iota3A, %mul3A_1929 : vector<16xi32>
      %add3A_1931 = arith.constant 11266 : i32
      %add3A_1932 = vector.broadcast %add3A_1931 : i32 to vector<16xi32>
      %add3A_1933 = arith.addi %mul3A_1930, %add3A_1932 : vector<16xi32>
      tpu.vector_store_idx %arg14[%add3A_1933], %get3A_1927 : memref<16384xf32, #tpu.memory_space<vmem>>[vector<16xi32>], vector<16xf32>,
      %get3A_1934 = arith.constant 2 : i32
      %get3A_1935 = arith.index_cast %get3A_1934 : i32 to index
      %get3A_1936 = arith.constant 720 : index
      %get3A_1937 = tpu.vector_load %arg13[%get3A_1935, %get3A_1936] {strides = array<i32>} : memref<4x1024xf32, #tpu.memory_space<vmem>>, vector<16xf32>,
      %mul3A_1938 = arith.constant 16 : i32
      %mul3A_1939 = vector.broadcast %mul3A_1938 : i32 to vector<16xi32>
      %mul3A_1940 = arith.muli %iota3A, %mul3A_1939 : vector<16xi32>
      %add3A_1941 = arith.constant 11522 : i32
      %add3A_1942 = vector.broadcast %add3A_1941 : i32 to vector<16xi32>
      %add3A_1943 = arith.addi %mul3A_1940, %add3A_1942 : vector<16xi32>
      tpu.vector_store_idx %arg14[%add3A_1943], %get3A_1937 : memref<16384xf32, #tpu.memory_space<vmem>>[vector<16xi32>], vector<16xf32>,
      %get3A_1944 = arith.constant 2 : i32
      %get3A_1945 = arith.index_cast %get3A_1944 : i32 to index
      %get3A_1946 = arith.constant 736 : index
      %get3A_1947 = tpu.vector_load %arg13[%get3A_1945, %get3A_1946] {strides = array<i32>} : memref<4x1024xf32, #tpu.memory_space<vmem>>, vector<16xf32>,
      %mul3A_1948 = arith.constant 16 : i32
      %mul3A_1949 = vector.broadcast %mul3A_1948 : i32 to vector<16xi32>
      %mul3A_1950 = arith.muli %iota3A, %mul3A_1949 : vector<16xi32>
      %add3A_1951 = arith.constant 11778 : i32
      %add3A_1952 = vector.broadcast %add3A_1951 : i32 to vector<16xi32>
      %add3A_1953 = arith.addi %mul3A_1950, %add3A_1952 : vector<16xi32>
      tpu.vector_store_idx %arg14[%add3A_1953], %get3A_1947 : memref<16384xf32, #tpu.memory_space<vmem>>[vector<16xi32>], vector<16xf32>,
      %get3A_1954 = arith.constant 2 : i32
      %get3A_1955 = arith.index_cast %get3A_1954 : i32 to index
      %get3A_1956 = arith.constant 752 : index
      %get3A_1957 = tpu.vector_load %arg13[%get3A_1955, %get3A_1956] {strides = array<i32>} : memref<4x1024xf32, #tpu.memory_space<vmem>>, vector<16xf32>,
      %mul3A_1958 = arith.constant 16 : i32
      %mul3A_1959 = vector.broadcast %mul3A_1958 : i32 to vector<16xi32>
      %mul3A_1960 = arith.muli %iota3A, %mul3A_1959 : vector<16xi32>
      %add3A_1961 = arith.constant 12034 : i32
      %add3A_1962 = vector.broadcast %add3A_1961 : i32 to vector<16xi32>
      %add3A_1963 = arith.addi %mul3A_1960, %add3A_1962 : vector<16xi32>
      tpu.vector_store_idx %arg14[%add3A_1963], %get3A_1957 : memref<16384xf32, #tpu.memory_space<vmem>>[vector<16xi32>], vector<16xf32>,
      %get3A_1964 = arith.constant 2 : i32
      %get3A_1965 = arith.index_cast %get3A_1964 : i32 to index
      %get3A_1966 = arith.constant 768 : index
      %get3A_1967 = tpu.vector_load %arg13[%get3A_1965, %get3A_1966] {strides = array<i32>} : memref<4x1024xf32, #tpu.memory_space<vmem>>, vector<16xf32>,
      %mul3A_1968 = arith.constant 16 : i32
      %mul3A_1969 = vector.broadcast %mul3A_1968 : i32 to vector<16xi32>
      %mul3A_1970 = arith.muli %iota3A, %mul3A_1969 : vector<16xi32>
      %add3A_1971 = arith.constant 12290 : i32
      %add3A_1972 = vector.broadcast %add3A_1971 : i32 to vector<16xi32>
      %add3A_1973 = arith.addi %mul3A_1970, %add3A_1972 : vector<16xi32>
      tpu.vector_store_idx %arg14[%add3A_1973], %get3A_1967 : memref<16384xf32, #tpu.memory_space<vmem>>[vector<16xi32>], vector<16xf32>,
      %get3A_1974 = arith.constant 2 : i32
      %get3A_1975 = arith.index_cast %get3A_1974 : i32 to index
      %get3A_1976 = arith.constant 784 : index
      %get3A_1977 = tpu.vector_load %arg13[%get3A_1975, %get3A_1976] {strides = array<i32>} : memref<4x1024xf32, #tpu.memory_space<vmem>>, vector<16xf32>,
      %mul3A_1978 = arith.constant 16 : i32
      %mul3A_1979 = vector.broadcast %mul3A_1978 : i32 to vector<16xi32>
      %mul3A_1980 = arith.muli %iota3A, %mul3A_1979 : vector<16xi32>
      %add3A_1981 = arith.constant 12546 : i32
      %add3A_1982 = vector.broadcast %add3A_1981 : i32 to vector<16xi32>
      %add3A_1983 = arith.addi %mul3A_1980, %add3A_1982 : vector<16xi32>
      tpu.vector_store_idx %arg14[%add3A_1983], %get3A_1977 : memref<16384xf32, #tpu.memory_space<vmem>>[vector<16xi32>], vector<16xf32>,
      %get3A_1984 = arith.constant 2 : i32
      %get3A_1985 = arith.index_cast %get3A_1984 : i32 to index
      %get3A_1986 = arith.constant 800 : index
      %get3A_1987 = tpu.vector_load %arg13[%get3A_1985, %get3A_1986] {strides = array<i32>} : memref<4x1024xf32, #tpu.memory_space<vmem>>, vector<16xf32>,
      %mul3A_1988 = arith.constant 16 : i32
      %mul3A_1989 = vector.broadcast %mul3A_1988 : i32 to vector<16xi32>
      %mul3A_1990 = arith.muli %iota3A, %mul3A_1989 : vector<16xi32>
      %add3A_1991 = arith.constant 12802 : i32
      %add3A_1992 = vector.broadcast %add3A_1991 : i32 to vector<16xi32>
      %add3A_1993 = arith.addi %mul3A_1990, %add3A_1992 : vector<16xi32>
      tpu.vector_store_idx %arg14[%add3A_1993], %get3A_1987 : memref<16384xf32, #tpu.memory_space<vmem>>[vector<16xi32>], vector<16xf32>,
      %get3A_1994 = arith.constant 2 : i32
      %get3A_1995 = arith.index_cast %get3A_1994 : i32 to index
      %get3A_1996 = arith.constant 816 : index
      %get3A_1997 = tpu.vector_load %arg13[%get3A_1995, %get3A_1996] {strides = array<i32>} : memref<4x1024xf32, #tpu.memory_space<vmem>>, vector<16xf32>,
      %mul3A_1998 = arith.constant 16 : i32
      %mul3A_1999 = vector.broadcast %mul3A_1998 : i32 to vector<16xi32>
      %mul3A_2000 = arith.muli %iota3A, %mul3A_1999 : vector<16xi32>
      %add3A_2001 = arith.constant 13058 : i32
      %add3A_2002 = vector.broadcast %add3A_2001 : i32 to vector<16xi32>
      %add3A_2003 = arith.addi %mul3A_2000, %add3A_2002 : vector<16xi32>
      tpu.vector_store_idx %arg14[%add3A_2003], %get3A_1997 : memref<16384xf32, #tpu.memory_space<vmem>>[vector<16xi32>], vector<16xf32>,
      %get3A_2004 = arith.constant 2 : i32
      %get3A_2005 = arith.index_cast %get3A_2004 : i32 to index
      %get3A_2006 = arith.constant 832 : index
      %get3A_2007 = tpu.vector_load %arg13[%get3A_2005, %get3A_2006] {strides = array<i32>} : memref<4x1024xf32, #tpu.memory_space<vmem>>, vector<16xf32>,
      %mul3A_2008 = arith.constant 16 : i32
      %mul3A_2009 = vector.broadcast %mul3A_2008 : i32 to vector<16xi32>
      %mul3A_2010 = arith.muli %iota3A, %mul3A_2009 : vector<16xi32>
      %add3A_2011 = arith.constant 13314 : i32
      %add3A_2012 = vector.broadcast %add3A_2011 : i32 to vector<16xi32>
      %add3A_2013 = arith.addi %mul3A_2010, %add3A_2012 : vector<16xi32>
      tpu.vector_store_idx %arg14[%add3A_2013], %get3A_2007 : memref<16384xf32, #tpu.memory_space<vmem>>[vector<16xi32>], vector<16xf32>,
      %get3A_2014 = arith.constant 2 : i32
      %get3A_2015 = arith.index_cast %get3A_2014 : i32 to index
      %get3A_2016 = arith.constant 848 : index
      %get3A_2017 = tpu.vector_load %arg13[%get3A_2015, %get3A_2016] {strides = array<i32>} : memref<4x1024xf32, #tpu.memory_space<vmem>>, vector<16xf32>,
      %mul3A_2018 = arith.constant 16 : i32
      %mul3A_2019 = vector.broadcast %mul3A_2018 : i32 to vector<16xi32>
      %mul3A_2020 = arith.muli %iota3A, %mul3A_2019 : vector<16xi32>
      %add3A_2021 = arith.constant 13570 : i32
      %add3A_2022 = vector.broadcast %add3A_2021 : i32 to vector<16xi32>
      %add3A_2023 = arith.addi %mul3A_2020, %add3A_2022 : vector<16xi32>
      tpu.vector_store_idx %arg14[%add3A_2023], %get3A_2017 : memref<16384xf32, #tpu.memory_space<vmem>>[vector<16xi32>], vector<16xf32>,
      %get3A_2024 = arith.constant 2 : i32
      %get3A_2025 = arith.index_cast %get3A_2024 : i32 to index
      %get3A_2026 = arith.constant 864 : index
      %get3A_2027 = tpu.vector_load %arg13[%get3A_2025, %get3A_2026] {strides = array<i32>} : memref<4x1024xf32, #tpu.memory_space<vmem>>, vector<16xf32>,
      %mul3A_2028 = arith.constant 16 : i32
      %mul3A_2029 = vector.broadcast %mul3A_2028 : i32 to vector<16xi32>
      %mul3A_2030 = arith.muli %iota3A, %mul3A_2029 : vector<16xi32>
      %add3A_2031 = arith.constant 13826 : i32
      %add3A_2032 = vector.broadcast %add3A_2031 : i32 to vector<16xi32>
      %add3A_2033 = arith.addi %mul3A_2030, %add3A_2032 : vector<16xi32>
      tpu.vector_store_idx %arg14[%add3A_2033], %get3A_2027 : memref<16384xf32, #tpu.memory_space<vmem>>[vector<16xi32>], vector<16xf32>,
      %get3A_2034 = arith.constant 2 : i32
      %get3A_2035 = arith.index_cast %get3A_2034 : i32 to index
      %get3A_2036 = arith.constant 880 : index
      %get3A_2037 = tpu.vector_load %arg13[%get3A_2035, %get3A_2036] {strides = array<i32>} : memref<4x1024xf32, #tpu.memory_space<vmem>>, vector<16xf32>,
      %mul3A_2038 = arith.constant 16 : i32
      %mul3A_2039 = vector.broadcast %mul3A_2038 : i32 to vector<16xi32>
      %mul3A_2040 = arith.muli %iota3A, %mul3A_2039 : vector<16xi32>
      %add3A_2041 = arith.constant 14082 : i32
      %add3A_2042 = vector.broadcast %add3A_2041 : i32 to vector<16xi32>
      %add3A_2043 = arith.addi %mul3A_2040, %add3A_2042 : vector<16xi32>
      tpu.vector_store_idx %arg14[%add3A_2043], %get3A_2037 : memref<16384xf32, #tpu.memory_space<vmem>>[vector<16xi32>], vector<16xf32>,
      %get3A_2044 = arith.constant 2 : i32
      %get3A_2045 = arith.index_cast %get3A_2044 : i32 to index
      %get3A_2046 = arith.constant 896 : index
      %get3A_2047 = tpu.vector_load %arg13[%get3A_2045, %get3A_2046] {strides = array<i32>} : memref<4x1024xf32, #tpu.memory_space<vmem>>, vector<16xf32>,
      %mul3A_2048 = arith.constant 16 : i32
      %mul3A_2049 = vector.broadcast %mul3A_2048 : i32 to vector<16xi32>
      %mul3A_2050 = arith.muli %iota3A, %mul3A_2049 : vector<16xi32>
      %add3A_2051 = arith.constant 14338 : i32
      %add3A_2052 = vector.broadcast %add3A_2051 : i32 to vector<16xi32>
      %add3A_2053 = arith.addi %mul3A_2050, %add3A_2052 : vector<16xi32>
      tpu.vector_store_idx %arg14[%add3A_2053], %get3A_2047 : memref<16384xf32, #tpu.memory_space<vmem>>[vector<16xi32>], vector<16xf32>,
      %get3A_2054 = arith.constant 2 : i32
      %get3A_2055 = arith.index_cast %get3A_2054 : i32 to index
      %get3A_2056 = arith.constant 912 : index
      %get3A_2057 = tpu.vector_load %arg13[%get3A_2055, %get3A_2056] {strides = array<i32>} : memref<4x1024xf32, #tpu.memory_space<vmem>>, vector<16xf32>,
      %mul3A_2058 = arith.constant 16 : i32
      %mul3A_2059 = vector.broadcast %mul3A_2058 : i32 to vector<16xi32>
      %mul3A_2060 = arith.muli %iota3A, %mul3A_2059 : vector<16xi32>
      %add3A_2061 = arith.constant 14594 : i32
      %add3A_2062 = vector.broadcast %add3A_2061 : i32 to vector<16xi32>
      %add3A_2063 = arith.addi %mul3A_2060, %add3A_2062 : vector<16xi32>
      tpu.vector_store_idx %arg14[%add3A_2063], %get3A_2057 : memref<16384xf32, #tpu.memory_space<vmem>>[vector<16xi32>], vector<16xf32>,
      %get3A_2064 = arith.constant 2 : i32
      %get3A_2065 = arith.index_cast %get3A_2064 : i32 to index
      %get3A_2066 = arith.constant 928 : index
      %get3A_2067 = tpu.vector_load %arg13[%get3A_2065, %get3A_2066] {strides = array<i32>} : memref<4x1024xf32, #tpu.memory_space<vmem>>, vector<16xf32>,
      %mul3A_2068 = arith.constant 16 : i32
      %mul3A_2069 = vector.broadcast %mul3A_2068 : i32 to vector<16xi32>
      %mul3A_2070 = arith.muli %iota3A, %mul3A_2069 : vector<16xi32>
      %add3A_2071 = arith.constant 14850 : i32
      %add3A_2072 = vector.broadcast %add3A_2071 : i32 to vector<16xi32>
      %add3A_2073 = arith.addi %mul3A_2070, %add3A_2072 : vector<16xi32>
      tpu.vector_store_idx %arg14[%add3A_2073], %get3A_2067 : memref<16384xf32, #tpu.memory_space<vmem>>[vector<16xi32>], vector<16xf32>,
      %get3A_2074 = arith.constant 2 : i32
      %get3A_2075 = arith.index_cast %get3A_2074 : i32 to index
      %get3A_2076 = arith.constant 944 : index
      %get3A_2077 = tpu.vector_load %arg13[%get3A_2075, %get3A_2076] {strides = array<i32>} : memref<4x1024xf32, #tpu.memory_space<vmem>>, vector<16xf32>,
      %mul3A_2078 = arith.constant 16 : i32
      %mul3A_2079 = vector.broadcast %mul3A_2078 : i32 to vector<16xi32>
      %mul3A_2080 = arith.muli %iota3A, %mul3A_2079 : vector<16xi32>
      %add3A_2081 = arith.constant 15106 : i32
      %add3A_2082 = vector.broadcast %add3A_2081 : i32 to vector<16xi32>
      %add3A_2083 = arith.addi %mul3A_2080, %add3A_2082 : vector<16xi32>
      tpu.vector_store_idx %arg14[%add3A_2083], %get3A_2077 : memref<16384xf32, #tpu.memory_space<vmem>>[vector<16xi32>], vector<16xf32>,
      %get3A_2084 = arith.constant 2 : i32
      %get3A_2085 = arith.index_cast %get3A_2084 : i32 to index
      %get3A_2086 = arith.constant 960 : index
      %get3A_2087 = tpu.vector_load %arg13[%get3A_2085, %get3A_2086] {strides = array<i32>} : memref<4x1024xf32, #tpu.memory_space<vmem>>, vector<16xf32>,
      %mul3A_2088 = arith.constant 16 : i32
      %mul3A_2089 = vector.broadcast %mul3A_2088 : i32 to vector<16xi32>
      %mul3A_2090 = arith.muli %iota3A, %mul3A_2089 : vector<16xi32>
      %add3A_2091 = arith.constant 15362 : i32
      %add3A_2092 = vector.broadcast %add3A_2091 : i32 to vector<16xi32>
      %add3A_2093 = arith.addi %mul3A_2090, %add3A_2092 : vector<16xi32>
      tpu.vector_store_idx %arg14[%add3A_2093], %get3A_2087 : memref<16384xf32, #tpu.memory_space<vmem>>[vector<16xi32>], vector<16xf32>,
      %get3A_2094 = arith.constant 2 : i32
      %get3A_2095 = arith.index_cast %get3A_2094 : i32 to index
      %get3A_2096 = arith.constant 976 : index
      %get3A_2097 = tpu.vector_load %arg13[%get3A_2095, %get3A_2096] {strides = array<i32>} : memref<4x1024xf32, #tpu.memory_space<vmem>>, vector<16xf32>,
      %mul3A_2098 = arith.constant 16 : i32
      %mul3A_2099 = vector.broadcast %mul3A_2098 : i32 to vector<16xi32>
      %mul3A_2100 = arith.muli %iota3A, %mul3A_2099 : vector<16xi32>
      %add3A_2101 = arith.constant 15618 : i32
      %add3A_2102 = vector.broadcast %add3A_2101 : i32 to vector<16xi32>
      %add3A_2103 = arith.addi %mul3A_2100, %add3A_2102 : vector<16xi32>
      tpu.vector_store_idx %arg14[%add3A_2103], %get3A_2097 : memref<16384xf32, #tpu.memory_space<vmem>>[vector<16xi32>], vector<16xf32>,
      %get3A_2104 = arith.constant 2 : i32
      %get3A_2105 = arith.index_cast %get3A_2104 : i32 to index
      %get3A_2106 = arith.constant 992 : index
      %get3A_2107 = tpu.vector_load %arg13[%get3A_2105, %get3A_2106] {strides = array<i32>} : memref<4x1024xf32, #tpu.memory_space<vmem>>, vector<16xf32>,
      %mul3A_2108 = arith.constant 16 : i32
      %mul3A_2109 = vector.broadcast %mul3A_2108 : i32 to vector<16xi32>
      %mul3A_2110 = arith.muli %iota3A, %mul3A_2109 : vector<16xi32>
      %add3A_2111 = arith.constant 15874 : i32
      %add3A_2112 = vector.broadcast %add3A_2111 : i32 to vector<16xi32>
      %add3A_2113 = arith.addi %mul3A_2110, %add3A_2112 : vector<16xi32>
      tpu.vector_store_idx %arg14[%add3A_2113], %get3A_2107 : memref<16384xf32, #tpu.memory_space<vmem>>[vector<16xi32>], vector<16xf32>,
      %get3A_2114 = arith.constant 2 : i32
      %get3A_2115 = arith.index_cast %get3A_2114 : i32 to index
      %get3A_2116 = arith.constant 1008 : index
      %get3A_2117 = tpu.vector_load %arg13[%get3A_2115, %get3A_2116] {strides = array<i32>} : memref<4x1024xf32, #tpu.memory_space<vmem>>, vector<16xf32>,
      %mul3A_2118 = arith.constant 16 : i32
      %mul3A_2119 = vector.broadcast %mul3A_2118 : i32 to vector<16xi32>
      %mul3A_2120 = arith.muli %iota3A, %mul3A_2119 : vector<16xi32>
      %add3A_2121 = arith.constant 16130 : i32
      %add3A_2122 = vector.broadcast %add3A_2121 : i32 to vector<16xi32>
      %add3A_2123 = arith.addi %mul3A_2120, %add3A_2122 : vector<16xi32>
      tpu.vector_store_idx %arg14[%add3A_2123], %get3A_2117 : memref<16384xf32, #tpu.memory_space<vmem>>[vector<16xi32>], vector<16xf32>,
      %get3A_2124 = arith.constant 3 : i32
      %get3A_2125 = arith.index_cast %get3A_2124 : i32 to index
      %get3A_2126 = arith.constant 0 : index
      %get3A_2127 = tpu.vector_load %arg13[%get3A_2125, %get3A_2126] {strides = array<i32>} : memref<4x1024xf32, #tpu.memory_space<vmem>>, vector<16xf32>,
      %mul3A_2128 = arith.constant 16 : i32
      %mul3A_2129 = vector.broadcast %mul3A_2128 : i32 to vector<16xi32>
      %mul3A_2130 = arith.muli %iota3A, %mul3A_2129 : vector<16xi32>
      %add3A_2131 = arith.constant 3 : i32
      %add3A_2132 = vector.broadcast %add3A_2131 : i32 to vector<16xi32>
      %add3A_2133 = arith.addi %mul3A_2130, %add3A_2132 : vector<16xi32>
      tpu.vector_store_idx %arg14[%add3A_2133], %get3A_2127 : memref<16384xf32, #tpu.memory_space<vmem>>[vector<16xi32>], vector<16xf32>,
      %get3A_2134 = arith.constant 3 : i32
      %get3A_2135 = arith.index_cast %get3A_2134 : i32 to index
      %get3A_2136 = arith.constant 16 : index
      %get3A_2137 = tpu.vector_load %arg13[%get3A_2135, %get3A_2136] {strides = array<i32>} : memref<4x1024xf32, #tpu.memory_space<vmem>>, vector<16xf32>,
      %mul3A_2138 = arith.constant 16 : i32
      %mul3A_2139 = vector.broadcast %mul3A_2138 : i32 to vector<16xi32>
      %mul3A_2140 = arith.muli %iota3A, %mul3A_2139 : vector<16xi32>
      %add3A_2141 = arith.constant 259 : i32
      %add3A_2142 = vector.broadcast %add3A_2141 : i32 to vector<16xi32>
      %add3A_2143 = arith.addi %mul3A_2140, %add3A_2142 : vector<16xi32>
      tpu.vector_store_idx %arg14[%add3A_2143], %get3A_2137 : memref<16384xf32, #tpu.memory_space<vmem>>[vector<16xi32>], vector<16xf32>,
      %get3A_2144 = arith.constant 3 : i32
      %get3A_2145 = arith.index_cast %get3A_2144 : i32 to index
      %get3A_2146 = arith.constant 32 : index
      %get3A_2147 = tpu.vector_load %arg13[%get3A_2145, %get3A_2146] {strides = array<i32>} : memref<4x1024xf32, #tpu.memory_space<vmem>>, vector<16xf32>,
      %mul3A_2148 = arith.constant 16 : i32
      %mul3A_2149 = vector.broadcast %mul3A_2148 : i32 to vector<16xi32>
      %mul3A_2150 = arith.muli %iota3A, %mul3A_2149 : vector<16xi32>
      %add3A_2151 = arith.constant 515 : i32
      %add3A_2152 = vector.broadcast %add3A_2151 : i32 to vector<16xi32>
      %add3A_2153 = arith.addi %mul3A_2150, %add3A_2152 : vector<16xi32>
      tpu.vector_store_idx %arg14[%add3A_2153], %get3A_2147 : memref<16384xf32, #tpu.memory_space<vmem>>[vector<16xi32>], vector<16xf32>,
      %get3A_2154 = arith.constant 3 : i32
      %get3A_2155 = arith.index_cast %get3A_2154 : i32 to index
      %get3A_2156 = arith.constant 48 : index
      %get3A_2157 = tpu.vector_load %arg13[%get3A_2155, %get3A_2156] {strides = array<i32>} : memref<4x1024xf32, #tpu.memory_space<vmem>>, vector<16xf32>,
      %mul3A_2158 = arith.constant 16 : i32
      %mul3A_2159 = vector.broadcast %mul3A_2158 : i32 to vector<16xi32>
      %mul3A_2160 = arith.muli %iota3A, %mul3A_2159 : vector<16xi32>
      %add3A_2161 = arith.constant 771 : i32
      %add3A_2162 = vector.broadcast %add3A_2161 : i32 to vector<16xi32>
      %add3A_2163 = arith.addi %mul3A_2160, %add3A_2162 : vector<16xi32>
      tpu.vector_store_idx %arg14[%add3A_2163], %get3A_2157 : memref<16384xf32, #tpu.memory_space<vmem>>[vector<16xi32>], vector<16xf32>,
      %get3A_2164 = arith.constant 3 : i32
      %get3A_2165 = arith.index_cast %get3A_2164 : i32 to index
      %get3A_2166 = arith.constant 64 : index
      %get3A_2167 = tpu.vector_load %arg13[%get3A_2165, %get3A_2166] {strides = array<i32>} : memref<4x1024xf32, #tpu.memory_space<vmem>>, vector<16xf32>,
      %mul3A_2168 = arith.constant 16 : i32
      %mul3A_2169 = vector.broadcast %mul3A_2168 : i32 to vector<16xi32>
      %mul3A_2170 = arith.muli %iota3A, %mul3A_2169 : vector<16xi32>
      %add3A_2171 = arith.constant 1027 : i32
      %add3A_2172 = vector.broadcast %add3A_2171 : i32 to vector<16xi32>
      %add3A_2173 = arith.addi %mul3A_2170, %add3A_2172 : vector<16xi32>
      tpu.vector_store_idx %arg14[%add3A_2173], %get3A_2167 : memref<16384xf32, #tpu.memory_space<vmem>>[vector<16xi32>], vector<16xf32>,
      %get3A_2174 = arith.constant 3 : i32
      %get3A_2175 = arith.index_cast %get3A_2174 : i32 to index
      %get3A_2176 = arith.constant 80 : index
      %get3A_2177 = tpu.vector_load %arg13[%get3A_2175, %get3A_2176] {strides = array<i32>} : memref<4x1024xf32, #tpu.memory_space<vmem>>, vector<16xf32>,
      %mul3A_2178 = arith.constant 16 : i32
      %mul3A_2179 = vector.broadcast %mul3A_2178 : i32 to vector<16xi32>
      %mul3A_2180 = arith.muli %iota3A, %mul3A_2179 : vector<16xi32>
      %add3A_2181 = arith.constant 1283 : i32
      %add3A_2182 = vector.broadcast %add3A_2181 : i32 to vector<16xi32>
      %add3A_2183 = arith.addi %mul3A_2180, %add3A_2182 : vector<16xi32>
      tpu.vector_store_idx %arg14[%add3A_2183], %get3A_2177 : memref<16384xf32, #tpu.memory_space<vmem>>[vector<16xi32>], vector<16xf32>,
      %get3A_2184 = arith.constant 3 : i32
      %get3A_2185 = arith.index_cast %get3A_2184 : i32 to index
      %get3A_2186 = arith.constant 96 : index
      %get3A_2187 = tpu.vector_load %arg13[%get3A_2185, %get3A_2186] {strides = array<i32>} : memref<4x1024xf32, #tpu.memory_space<vmem>>, vector<16xf32>,
      %mul3A_2188 = arith.constant 16 : i32
      %mul3A_2189 = vector.broadcast %mul3A_2188 : i32 to vector<16xi32>
      %mul3A_2190 = arith.muli %iota3A, %mul3A_2189 : vector<16xi32>
      %add3A_2191 = arith.constant 1539 : i32
      %add3A_2192 = vector.broadcast %add3A_2191 : i32 to vector<16xi32>
      %add3A_2193 = arith.addi %mul3A_2190, %add3A_2192 : vector<16xi32>
      tpu.vector_store_idx %arg14[%add3A_2193], %get3A_2187 : memref<16384xf32, #tpu.memory_space<vmem>>[vector<16xi32>], vector<16xf32>,
      %get3A_2194 = arith.constant 3 : i32
      %get3A_2195 = arith.index_cast %get3A_2194 : i32 to index
      %get3A_2196 = arith.constant 112 : index
      %get3A_2197 = tpu.vector_load %arg13[%get3A_2195, %get3A_2196] {strides = array<i32>} : memref<4x1024xf32, #tpu.memory_space<vmem>>, vector<16xf32>,
      %mul3A_2198 = arith.constant 16 : i32
      %mul3A_2199 = vector.broadcast %mul3A_2198 : i32 to vector<16xi32>
      %mul3A_2200 = arith.muli %iota3A, %mul3A_2199 : vector<16xi32>
      %add3A_2201 = arith.constant 1795 : i32
      %add3A_2202 = vector.broadcast %add3A_2201 : i32 to vector<16xi32>
      %add3A_2203 = arith.addi %mul3A_2200, %add3A_2202 : vector<16xi32>
      tpu.vector_store_idx %arg14[%add3A_2203], %get3A_2197 : memref<16384xf32, #tpu.memory_space<vmem>>[vector<16xi32>], vector<16xf32>,
      %get3A_2204 = arith.constant 3 : i32
      %get3A_2205 = arith.index_cast %get3A_2204 : i32 to index
      %get3A_2206 = arith.constant 128 : index
      %get3A_2207 = tpu.vector_load %arg13[%get3A_2205, %get3A_2206] {strides = array<i32>} : memref<4x1024xf32, #tpu.memory_space<vmem>>, vector<16xf32>,
      %mul3A_2208 = arith.constant 16 : i32
      %mul3A_2209 = vector.broadcast %mul3A_2208 : i32 to vector<16xi32>
      %mul3A_2210 = arith.muli %iota3A, %mul3A_2209 : vector<16xi32>
      %add3A_2211 = arith.constant 2051 : i32
      %add3A_2212 = vector.broadcast %add3A_2211 : i32 to vector<16xi32>
      %add3A_2213 = arith.addi %mul3A_2210, %add3A_2212 : vector<16xi32>
      tpu.vector_store_idx %arg14[%add3A_2213], %get3A_2207 : memref<16384xf32, #tpu.memory_space<vmem>>[vector<16xi32>], vector<16xf32>,
      %get3A_2214 = arith.constant 3 : i32
      %get3A_2215 = arith.index_cast %get3A_2214 : i32 to index
      %get3A_2216 = arith.constant 144 : index
      %get3A_2217 = tpu.vector_load %arg13[%get3A_2215, %get3A_2216] {strides = array<i32>} : memref<4x1024xf32, #tpu.memory_space<vmem>>, vector<16xf32>,
      %mul3A_2218 = arith.constant 16 : i32
      %mul3A_2219 = vector.broadcast %mul3A_2218 : i32 to vector<16xi32>
      %mul3A_2220 = arith.muli %iota3A, %mul3A_2219 : vector<16xi32>
      %add3A_2221 = arith.constant 2307 : i32
      %add3A_2222 = vector.broadcast %add3A_2221 : i32 to vector<16xi32>
      %add3A_2223 = arith.addi %mul3A_2220, %add3A_2222 : vector<16xi32>
      tpu.vector_store_idx %arg14[%add3A_2223], %get3A_2217 : memref<16384xf32, #tpu.memory_space<vmem>>[vector<16xi32>], vector<16xf32>,
      %get3A_2224 = arith.constant 3 : i32
      %get3A_2225 = arith.index_cast %get3A_2224 : i32 to index
      %get3A_2226 = arith.constant 160 : index
      %get3A_2227 = tpu.vector_load %arg13[%get3A_2225, %get3A_2226] {strides = array<i32>} : memref<4x1024xf32, #tpu.memory_space<vmem>>, vector<16xf32>,
      %mul3A_2228 = arith.constant 16 : i32
      %mul3A_2229 = vector.broadcast %mul3A_2228 : i32 to vector<16xi32>
      %mul3A_2230 = arith.muli %iota3A, %mul3A_2229 : vector<16xi32>
      %add3A_2231 = arith.constant 2563 : i32
      %add3A_2232 = vector.broadcast %add3A_2231 : i32 to vector<16xi32>
      %add3A_2233 = arith.addi %mul3A_2230, %add3A_2232 : vector<16xi32>
      tpu.vector_store_idx %arg14[%add3A_2233], %get3A_2227 : memref<16384xf32, #tpu.memory_space<vmem>>[vector<16xi32>], vector<16xf32>,
      %get3A_2234 = arith.constant 3 : i32
      %get3A_2235 = arith.index_cast %get3A_2234 : i32 to index
      %get3A_2236 = arith.constant 176 : index
      %get3A_2237 = tpu.vector_load %arg13[%get3A_2235, %get3A_2236] {strides = array<i32>} : memref<4x1024xf32, #tpu.memory_space<vmem>>, vector<16xf32>,
      %mul3A_2238 = arith.constant 16 : i32
      %mul3A_2239 = vector.broadcast %mul3A_2238 : i32 to vector<16xi32>
      %mul3A_2240 = arith.muli %iota3A, %mul3A_2239 : vector<16xi32>
      %add3A_2241 = arith.constant 2819 : i32
      %add3A_2242 = vector.broadcast %add3A_2241 : i32 to vector<16xi32>
      %add3A_2243 = arith.addi %mul3A_2240, %add3A_2242 : vector<16xi32>
      tpu.vector_store_idx %arg14[%add3A_2243], %get3A_2237 : memref<16384xf32, #tpu.memory_space<vmem>>[vector<16xi32>], vector<16xf32>,
      %get3A_2244 = arith.constant 3 : i32
      %get3A_2245 = arith.index_cast %get3A_2244 : i32 to index
      %get3A_2246 = arith.constant 192 : index
      %get3A_2247 = tpu.vector_load %arg13[%get3A_2245, %get3A_2246] {strides = array<i32>} : memref<4x1024xf32, #tpu.memory_space<vmem>>, vector<16xf32>,
      %mul3A_2248 = arith.constant 16 : i32
      %mul3A_2249 = vector.broadcast %mul3A_2248 : i32 to vector<16xi32>
      %mul3A_2250 = arith.muli %iota3A, %mul3A_2249 : vector<16xi32>
      %add3A_2251 = arith.constant 3075 : i32
      %add3A_2252 = vector.broadcast %add3A_2251 : i32 to vector<16xi32>
      %add3A_2253 = arith.addi %mul3A_2250, %add3A_2252 : vector<16xi32>
      tpu.vector_store_idx %arg14[%add3A_2253], %get3A_2247 : memref<16384xf32, #tpu.memory_space<vmem>>[vector<16xi32>], vector<16xf32>,
      %get3A_2254 = arith.constant 3 : i32
      %get3A_2255 = arith.index_cast %get3A_2254 : i32 to index
      %get3A_2256 = arith.constant 208 : index
      %get3A_2257 = tpu.vector_load %arg13[%get3A_2255, %get3A_2256] {strides = array<i32>} : memref<4x1024xf32, #tpu.memory_space<vmem>>, vector<16xf32>,
      %mul3A_2258 = arith.constant 16 : i32
      %mul3A_2259 = vector.broadcast %mul3A_2258 : i32 to vector<16xi32>
      %mul3A_2260 = arith.muli %iota3A, %mul3A_2259 : vector<16xi32>
      %add3A_2261 = arith.constant 3331 : i32
      %add3A_2262 = vector.broadcast %add3A_2261 : i32 to vector<16xi32>
      %add3A_2263 = arith.addi %mul3A_2260, %add3A_2262 : vector<16xi32>
      tpu.vector_store_idx %arg14[%add3A_2263], %get3A_2257 : memref<16384xf32, #tpu.memory_space<vmem>>[vector<16xi32>], vector<16xf32>,
      %get3A_2264 = arith.constant 3 : i32
      %get3A_2265 = arith.index_cast %get3A_2264 : i32 to index
      %get3A_2266 = arith.constant 224 : index
      %get3A_2267 = tpu.vector_load %arg13[%get3A_2265, %get3A_2266] {strides = array<i32>} : memref<4x1024xf32, #tpu.memory_space<vmem>>, vector<16xf32>,
      %mul3A_2268 = arith.constant 16 : i32
      %mul3A_2269 = vector.broadcast %mul3A_2268 : i32 to vector<16xi32>
      %mul3A_2270 = arith.muli %iota3A, %mul3A_2269 : vector<16xi32>
      %add3A_2271 = arith.constant 3587 : i32
      %add3A_2272 = vector.broadcast %add3A_2271 : i32 to vector<16xi32>
      %add3A_2273 = arith.addi %mul3A_2270, %add3A_2272 : vector<16xi32>
      tpu.vector_store_idx %arg14[%add3A_2273], %get3A_2267 : memref<16384xf32, #tpu.memory_space<vmem>>[vector<16xi32>], vector<16xf32>,
      %get3A_2274 = arith.constant 3 : i32
      %get3A_2275 = arith.index_cast %get3A_2274 : i32 to index
      %get3A_2276 = arith.constant 240 : index
      %get3A_2277 = tpu.vector_load %arg13[%get3A_2275, %get3A_2276] {strides = array<i32>} : memref<4x1024xf32, #tpu.memory_space<vmem>>, vector<16xf32>,
      %mul3A_2278 = arith.constant 16 : i32
      %mul3A_2279 = vector.broadcast %mul3A_2278 : i32 to vector<16xi32>
      %mul3A_2280 = arith.muli %iota3A, %mul3A_2279 : vector<16xi32>
      %add3A_2281 = arith.constant 3843 : i32
      %add3A_2282 = vector.broadcast %add3A_2281 : i32 to vector<16xi32>
      %add3A_2283 = arith.addi %mul3A_2280, %add3A_2282 : vector<16xi32>
      tpu.vector_store_idx %arg14[%add3A_2283], %get3A_2277 : memref<16384xf32, #tpu.memory_space<vmem>>[vector<16xi32>], vector<16xf32>,
      %get3A_2284 = arith.constant 3 : i32
      %get3A_2285 = arith.index_cast %get3A_2284 : i32 to index
      %get3A_2286 = arith.constant 256 : index
      %get3A_2287 = tpu.vector_load %arg13[%get3A_2285, %get3A_2286] {strides = array<i32>} : memref<4x1024xf32, #tpu.memory_space<vmem>>, vector<16xf32>,
      %mul3A_2288 = arith.constant 16 : i32
      %mul3A_2289 = vector.broadcast %mul3A_2288 : i32 to vector<16xi32>
      %mul3A_2290 = arith.muli %iota3A, %mul3A_2289 : vector<16xi32>
      %add3A_2291 = arith.constant 4099 : i32
      %add3A_2292 = vector.broadcast %add3A_2291 : i32 to vector<16xi32>
      %add3A_2293 = arith.addi %mul3A_2290, %add3A_2292 : vector<16xi32>
      tpu.vector_store_idx %arg14[%add3A_2293], %get3A_2287 : memref<16384xf32, #tpu.memory_space<vmem>>[vector<16xi32>], vector<16xf32>,
      %get3A_2294 = arith.constant 3 : i32
      %get3A_2295 = arith.index_cast %get3A_2294 : i32 to index
      %get3A_2296 = arith.constant 272 : index
      %get3A_2297 = tpu.vector_load %arg13[%get3A_2295, %get3A_2296] {strides = array<i32>} : memref<4x1024xf32, #tpu.memory_space<vmem>>, vector<16xf32>,
      %mul3A_2298 = arith.constant 16 : i32
      %mul3A_2299 = vector.broadcast %mul3A_2298 : i32 to vector<16xi32>
      %mul3A_2300 = arith.muli %iota3A, %mul3A_2299 : vector<16xi32>
      %add3A_2301 = arith.constant 4355 : i32
      %add3A_2302 = vector.broadcast %add3A_2301 : i32 to vector<16xi32>
      %add3A_2303 = arith.addi %mul3A_2300, %add3A_2302 : vector<16xi32>
      tpu.vector_store_idx %arg14[%add3A_2303], %get3A_2297 : memref<16384xf32, #tpu.memory_space<vmem>>[vector<16xi32>], vector<16xf32>,
      %get3A_2304 = arith.constant 3 : i32
      %get3A_2305 = arith.index_cast %get3A_2304 : i32 to index
      %get3A_2306 = arith.constant 288 : index
      %get3A_2307 = tpu.vector_load %arg13[%get3A_2305, %get3A_2306] {strides = array<i32>} : memref<4x1024xf32, #tpu.memory_space<vmem>>, vector<16xf32>,
      %mul3A_2308 = arith.constant 16 : i32
      %mul3A_2309 = vector.broadcast %mul3A_2308 : i32 to vector<16xi32>
      %mul3A_2310 = arith.muli %iota3A, %mul3A_2309 : vector<16xi32>
      %add3A_2311 = arith.constant 4611 : i32
      %add3A_2312 = vector.broadcast %add3A_2311 : i32 to vector<16xi32>
      %add3A_2313 = arith.addi %mul3A_2310, %add3A_2312 : vector<16xi32>
      tpu.vector_store_idx %arg14[%add3A_2313], %get3A_2307 : memref<16384xf32, #tpu.memory_space<vmem>>[vector<16xi32>], vector<16xf32>,
      %get3A_2314 = arith.constant 3 : i32
      %get3A_2315 = arith.index_cast %get3A_2314 : i32 to index
      %get3A_2316 = arith.constant 304 : index
      %get3A_2317 = tpu.vector_load %arg13[%get3A_2315, %get3A_2316] {strides = array<i32>} : memref<4x1024xf32, #tpu.memory_space<vmem>>, vector<16xf32>,
      %mul3A_2318 = arith.constant 16 : i32
      %mul3A_2319 = vector.broadcast %mul3A_2318 : i32 to vector<16xi32>
      %mul3A_2320 = arith.muli %iota3A, %mul3A_2319 : vector<16xi32>
      %add3A_2321 = arith.constant 4867 : i32
      %add3A_2322 = vector.broadcast %add3A_2321 : i32 to vector<16xi32>
      %add3A_2323 = arith.addi %mul3A_2320, %add3A_2322 : vector<16xi32>
      tpu.vector_store_idx %arg14[%add3A_2323], %get3A_2317 : memref<16384xf32, #tpu.memory_space<vmem>>[vector<16xi32>], vector<16xf32>,
      %get3A_2324 = arith.constant 3 : i32
      %get3A_2325 = arith.index_cast %get3A_2324 : i32 to index
      %get3A_2326 = arith.constant 320 : index
      %get3A_2327 = tpu.vector_load %arg13[%get3A_2325, %get3A_2326] {strides = array<i32>} : memref<4x1024xf32, #tpu.memory_space<vmem>>, vector<16xf32>,
      %mul3A_2328 = arith.constant 16 : i32
      %mul3A_2329 = vector.broadcast %mul3A_2328 : i32 to vector<16xi32>
      %mul3A_2330 = arith.muli %iota3A, %mul3A_2329 : vector<16xi32>
      %add3A_2331 = arith.constant 5123 : i32
      %add3A_2332 = vector.broadcast %add3A_2331 : i32 to vector<16xi32>
      %add3A_2333 = arith.addi %mul3A_2330, %add3A_2332 : vector<16xi32>
      tpu.vector_store_idx %arg14[%add3A_2333], %get3A_2327 : memref<16384xf32, #tpu.memory_space<vmem>>[vector<16xi32>], vector<16xf32>,
      %get3A_2334 = arith.constant 3 : i32
      %get3A_2335 = arith.index_cast %get3A_2334 : i32 to index
      %get3A_2336 = arith.constant 336 : index
      %get3A_2337 = tpu.vector_load %arg13[%get3A_2335, %get3A_2336] {strides = array<i32>} : memref<4x1024xf32, #tpu.memory_space<vmem>>, vector<16xf32>,
      %mul3A_2338 = arith.constant 16 : i32
      %mul3A_2339 = vector.broadcast %mul3A_2338 : i32 to vector<16xi32>
      %mul3A_2340 = arith.muli %iota3A, %mul3A_2339 : vector<16xi32>
      %add3A_2341 = arith.constant 5379 : i32
      %add3A_2342 = vector.broadcast %add3A_2341 : i32 to vector<16xi32>
      %add3A_2343 = arith.addi %mul3A_2340, %add3A_2342 : vector<16xi32>
      tpu.vector_store_idx %arg14[%add3A_2343], %get3A_2337 : memref<16384xf32, #tpu.memory_space<vmem>>[vector<16xi32>], vector<16xf32>,
      %get3A_2344 = arith.constant 3 : i32
      %get3A_2345 = arith.index_cast %get3A_2344 : i32 to index
      %get3A_2346 = arith.constant 352 : index
      %get3A_2347 = tpu.vector_load %arg13[%get3A_2345, %get3A_2346] {strides = array<i32>} : memref<4x1024xf32, #tpu.memory_space<vmem>>, vector<16xf32>,
      %mul3A_2348 = arith.constant 16 : i32
      %mul3A_2349 = vector.broadcast %mul3A_2348 : i32 to vector<16xi32>
      %mul3A_2350 = arith.muli %iota3A, %mul3A_2349 : vector<16xi32>
      %add3A_2351 = arith.constant 5635 : i32
      %add3A_2352 = vector.broadcast %add3A_2351 : i32 to vector<16xi32>
      %add3A_2353 = arith.addi %mul3A_2350, %add3A_2352 : vector<16xi32>
      tpu.vector_store_idx %arg14[%add3A_2353], %get3A_2347 : memref<16384xf32, #tpu.memory_space<vmem>>[vector<16xi32>], vector<16xf32>,
      %get3A_2354 = arith.constant 3 : i32
      %get3A_2355 = arith.index_cast %get3A_2354 : i32 to index
      %get3A_2356 = arith.constant 368 : index
      %get3A_2357 = tpu.vector_load %arg13[%get3A_2355, %get3A_2356] {strides = array<i32>} : memref<4x1024xf32, #tpu.memory_space<vmem>>, vector<16xf32>,
      %mul3A_2358 = arith.constant 16 : i32
      %mul3A_2359 = vector.broadcast %mul3A_2358 : i32 to vector<16xi32>
      %mul3A_2360 = arith.muli %iota3A, %mul3A_2359 : vector<16xi32>
      %add3A_2361 = arith.constant 5891 : i32
      %add3A_2362 = vector.broadcast %add3A_2361 : i32 to vector<16xi32>
      %add3A_2363 = arith.addi %mul3A_2360, %add3A_2362 : vector<16xi32>
      tpu.vector_store_idx %arg14[%add3A_2363], %get3A_2357 : memref<16384xf32, #tpu.memory_space<vmem>>[vector<16xi32>], vector<16xf32>,
      %get3A_2364 = arith.constant 3 : i32
      %get3A_2365 = arith.index_cast %get3A_2364 : i32 to index
      %get3A_2366 = arith.constant 384 : index
      %get3A_2367 = tpu.vector_load %arg13[%get3A_2365, %get3A_2366] {strides = array<i32>} : memref<4x1024xf32, #tpu.memory_space<vmem>>, vector<16xf32>,
      %mul3A_2368 = arith.constant 16 : i32
      %mul3A_2369 = vector.broadcast %mul3A_2368 : i32 to vector<16xi32>
      %mul3A_2370 = arith.muli %iota3A, %mul3A_2369 : vector<16xi32>
      %add3A_2371 = arith.constant 6147 : i32
      %add3A_2372 = vector.broadcast %add3A_2371 : i32 to vector<16xi32>
      %add3A_2373 = arith.addi %mul3A_2370, %add3A_2372 : vector<16xi32>
      tpu.vector_store_idx %arg14[%add3A_2373], %get3A_2367 : memref<16384xf32, #tpu.memory_space<vmem>>[vector<16xi32>], vector<16xf32>,
      %get3A_2374 = arith.constant 3 : i32
      %get3A_2375 = arith.index_cast %get3A_2374 : i32 to index
      %get3A_2376 = arith.constant 400 : index
      %get3A_2377 = tpu.vector_load %arg13[%get3A_2375, %get3A_2376] {strides = array<i32>} : memref<4x1024xf32, #tpu.memory_space<vmem>>, vector<16xf32>,
      %mul3A_2378 = arith.constant 16 : i32
      %mul3A_2379 = vector.broadcast %mul3A_2378 : i32 to vector<16xi32>
      %mul3A_2380 = arith.muli %iota3A, %mul3A_2379 : vector<16xi32>
      %add3A_2381 = arith.constant 6403 : i32
      %add3A_2382 = vector.broadcast %add3A_2381 : i32 to vector<16xi32>
      %add3A_2383 = arith.addi %mul3A_2380, %add3A_2382 : vector<16xi32>
      tpu.vector_store_idx %arg14[%add3A_2383], %get3A_2377 : memref<16384xf32, #tpu.memory_space<vmem>>[vector<16xi32>], vector<16xf32>,
      %get3A_2384 = arith.constant 3 : i32
      %get3A_2385 = arith.index_cast %get3A_2384 : i32 to index
      %get3A_2386 = arith.constant 416 : index
      %get3A_2387 = tpu.vector_load %arg13[%get3A_2385, %get3A_2386] {strides = array<i32>} : memref<4x1024xf32, #tpu.memory_space<vmem>>, vector<16xf32>,
      %mul3A_2388 = arith.constant 16 : i32
      %mul3A_2389 = vector.broadcast %mul3A_2388 : i32 to vector<16xi32>
      %mul3A_2390 = arith.muli %iota3A, %mul3A_2389 : vector<16xi32>
      %add3A_2391 = arith.constant 6659 : i32
      %add3A_2392 = vector.broadcast %add3A_2391 : i32 to vector<16xi32>
      %add3A_2393 = arith.addi %mul3A_2390, %add3A_2392 : vector<16xi32>
      tpu.vector_store_idx %arg14[%add3A_2393], %get3A_2387 : memref<16384xf32, #tpu.memory_space<vmem>>[vector<16xi32>], vector<16xf32>,
      %get3A_2394 = arith.constant 3 : i32
      %get3A_2395 = arith.index_cast %get3A_2394 : i32 to index
      %get3A_2396 = arith.constant 432 : index
      %get3A_2397 = tpu.vector_load %arg13[%get3A_2395, %get3A_2396] {strides = array<i32>} : memref<4x1024xf32, #tpu.memory_space<vmem>>, vector<16xf32>,
      %mul3A_2398 = arith.constant 16 : i32
      %mul3A_2399 = vector.broadcast %mul3A_2398 : i32 to vector<16xi32>
      %mul3A_2400 = arith.muli %iota3A, %mul3A_2399 : vector<16xi32>
      %add3A_2401 = arith.constant 6915 : i32
      %add3A_2402 = vector.broadcast %add3A_2401 : i32 to vector<16xi32>
      %add3A_2403 = arith.addi %mul3A_2400, %add3A_2402 : vector<16xi32>
      tpu.vector_store_idx %arg14[%add3A_2403], %get3A_2397 : memref<16384xf32, #tpu.memory_space<vmem>>[vector<16xi32>], vector<16xf32>,
      %get3A_2404 = arith.constant 3 : i32
      %get3A_2405 = arith.index_cast %get3A_2404 : i32 to index
      %get3A_2406 = arith.constant 448 : index
      %get3A_2407 = tpu.vector_load %arg13[%get3A_2405, %get3A_2406] {strides = array<i32>} : memref<4x1024xf32, #tpu.memory_space<vmem>>, vector<16xf32>,
      %mul3A_2408 = arith.constant 16 : i32
      %mul3A_2409 = vector.broadcast %mul3A_2408 : i32 to vector<16xi32>
      %mul3A_2410 = arith.muli %iota3A, %mul3A_2409 : vector<16xi32>
      %add3A_2411 = arith.constant 7171 : i32
      %add3A_2412 = vector.broadcast %add3A_2411 : i32 to vector<16xi32>
      %add3A_2413 = arith.addi %mul3A_2410, %add3A_2412 : vector<16xi32>
      tpu.vector_store_idx %arg14[%add3A_2413], %get3A_2407 : memref<16384xf32, #tpu.memory_space<vmem>>[vector<16xi32>], vector<16xf32>,
      %get3A_2414 = arith.constant 3 : i32
      %get3A_2415 = arith.index_cast %get3A_2414 : i32 to index
      %get3A_2416 = arith.constant 464 : index
      %get3A_2417 = tpu.vector_load %arg13[%get3A_2415, %get3A_2416] {strides = array<i32>} : memref<4x1024xf32, #tpu.memory_space<vmem>>, vector<16xf32>,
      %mul3A_2418 = arith.constant 16 : i32
      %mul3A_2419 = vector.broadcast %mul3A_2418 : i32 to vector<16xi32>
      %mul3A_2420 = arith.muli %iota3A, %mul3A_2419 : vector<16xi32>
      %add3A_2421 = arith.constant 7427 : i32
      %add3A_2422 = vector.broadcast %add3A_2421 : i32 to vector<16xi32>
      %add3A_2423 = arith.addi %mul3A_2420, %add3A_2422 : vector<16xi32>
      tpu.vector_store_idx %arg14[%add3A_2423], %get3A_2417 : memref<16384xf32, #tpu.memory_space<vmem>>[vector<16xi32>], vector<16xf32>,
      %get3A_2424 = arith.constant 3 : i32
      %get3A_2425 = arith.index_cast %get3A_2424 : i32 to index
      %get3A_2426 = arith.constant 480 : index
      %get3A_2427 = tpu.vector_load %arg13[%get3A_2425, %get3A_2426] {strides = array<i32>} : memref<4x1024xf32, #tpu.memory_space<vmem>>, vector<16xf32>,
      %mul3A_2428 = arith.constant 16 : i32
      %mul3A_2429 = vector.broadcast %mul3A_2428 : i32 to vector<16xi32>
      %mul3A_2430 = arith.muli %iota3A, %mul3A_2429 : vector<16xi32>
      %add3A_2431 = arith.constant 7683 : i32
      %add3A_2432 = vector.broadcast %add3A_2431 : i32 to vector<16xi32>
      %add3A_2433 = arith.addi %mul3A_2430, %add3A_2432 : vector<16xi32>
      tpu.vector_store_idx %arg14[%add3A_2433], %get3A_2427 : memref<16384xf32, #tpu.memory_space<vmem>>[vector<16xi32>], vector<16xf32>,
      %get3A_2434 = arith.constant 3 : i32
      %get3A_2435 = arith.index_cast %get3A_2434 : i32 to index
      %get3A_2436 = arith.constant 496 : index
      %get3A_2437 = tpu.vector_load %arg13[%get3A_2435, %get3A_2436] {strides = array<i32>} : memref<4x1024xf32, #tpu.memory_space<vmem>>, vector<16xf32>,
      %mul3A_2438 = arith.constant 16 : i32
      %mul3A_2439 = vector.broadcast %mul3A_2438 : i32 to vector<16xi32>
      %mul3A_2440 = arith.muli %iota3A, %mul3A_2439 : vector<16xi32>
      %add3A_2441 = arith.constant 7939 : i32
      %add3A_2442 = vector.broadcast %add3A_2441 : i32 to vector<16xi32>
      %add3A_2443 = arith.addi %mul3A_2440, %add3A_2442 : vector<16xi32>
      tpu.vector_store_idx %arg14[%add3A_2443], %get3A_2437 : memref<16384xf32, #tpu.memory_space<vmem>>[vector<16xi32>], vector<16xf32>,
      %get3A_2444 = arith.constant 3 : i32
      %get3A_2445 = arith.index_cast %get3A_2444 : i32 to index
      %get3A_2446 = arith.constant 512 : index
      %get3A_2447 = tpu.vector_load %arg13[%get3A_2445, %get3A_2446] {strides = array<i32>} : memref<4x1024xf32, #tpu.memory_space<vmem>>, vector<16xf32>,
      %mul3A_2448 = arith.constant 16 : i32
      %mul3A_2449 = vector.broadcast %mul3A_2448 : i32 to vector<16xi32>
      %mul3A_2450 = arith.muli %iota3A, %mul3A_2449 : vector<16xi32>
      %add3A_2451 = arith.constant 8195 : i32
      %add3A_2452 = vector.broadcast %add3A_2451 : i32 to vector<16xi32>
      %add3A_2453 = arith.addi %mul3A_2450, %add3A_2452 : vector<16xi32>
      tpu.vector_store_idx %arg14[%add3A_2453], %get3A_2447 : memref<16384xf32, #tpu.memory_space<vmem>>[vector<16xi32>], vector<16xf32>,
      %get3A_2454 = arith.constant 3 : i32
      %get3A_2455 = arith.index_cast %get3A_2454 : i32 to index
      %get3A_2456 = arith.constant 528 : index
      %get3A_2457 = tpu.vector_load %arg13[%get3A_2455, %get3A_2456] {strides = array<i32>} : memref<4x1024xf32, #tpu.memory_space<vmem>>, vector<16xf32>,
      %mul3A_2458 = arith.constant 16 : i32
      %mul3A_2459 = vector.broadcast %mul3A_2458 : i32 to vector<16xi32>
      %mul3A_2460 = arith.muli %iota3A, %mul3A_2459 : vector<16xi32>
      %add3A_2461 = arith.constant 8451 : i32
      %add3A_2462 = vector.broadcast %add3A_2461 : i32 to vector<16xi32>
      %add3A_2463 = arith.addi %mul3A_2460, %add3A_2462 : vector<16xi32>
      tpu.vector_store_idx %arg14[%add3A_2463], %get3A_2457 : memref<16384xf32, #tpu.memory_space<vmem>>[vector<16xi32>], vector<16xf32>,
      %get3A_2464 = arith.constant 3 : i32
      %get3A_2465 = arith.index_cast %get3A_2464 : i32 to index
      %get3A_2466 = arith.constant 544 : index
      %get3A_2467 = tpu.vector_load %arg13[%get3A_2465, %get3A_2466] {strides = array<i32>} : memref<4x1024xf32, #tpu.memory_space<vmem>>, vector<16xf32>,
      %mul3A_2468 = arith.constant 16 : i32
      %mul3A_2469 = vector.broadcast %mul3A_2468 : i32 to vector<16xi32>
      %mul3A_2470 = arith.muli %iota3A, %mul3A_2469 : vector<16xi32>
      %add3A_2471 = arith.constant 8707 : i32
      %add3A_2472 = vector.broadcast %add3A_2471 : i32 to vector<16xi32>
      %add3A_2473 = arith.addi %mul3A_2470, %add3A_2472 : vector<16xi32>
      tpu.vector_store_idx %arg14[%add3A_2473], %get3A_2467 : memref<16384xf32, #tpu.memory_space<vmem>>[vector<16xi32>], vector<16xf32>,
      %get3A_2474 = arith.constant 3 : i32
      %get3A_2475 = arith.index_cast %get3A_2474 : i32 to index
      %get3A_2476 = arith.constant 560 : index
      %get3A_2477 = tpu.vector_load %arg13[%get3A_2475, %get3A_2476] {strides = array<i32>} : memref<4x1024xf32, #tpu.memory_space<vmem>>, vector<16xf32>,
      %mul3A_2478 = arith.constant 16 : i32
      %mul3A_2479 = vector.broadcast %mul3A_2478 : i32 to vector<16xi32>
      %mul3A_2480 = arith.muli %iota3A, %mul3A_2479 : vector<16xi32>
      %add3A_2481 = arith.constant 8963 : i32
      %add3A_2482 = vector.broadcast %add3A_2481 : i32 to vector<16xi32>
      %add3A_2483 = arith.addi %mul3A_2480, %add3A_2482 : vector<16xi32>
      tpu.vector_store_idx %arg14[%add3A_2483], %get3A_2477 : memref<16384xf32, #tpu.memory_space<vmem>>[vector<16xi32>], vector<16xf32>,
      %get3A_2484 = arith.constant 3 : i32
      %get3A_2485 = arith.index_cast %get3A_2484 : i32 to index
      %get3A_2486 = arith.constant 576 : index
      %get3A_2487 = tpu.vector_load %arg13[%get3A_2485, %get3A_2486] {strides = array<i32>} : memref<4x1024xf32, #tpu.memory_space<vmem>>, vector<16xf32>,
      %mul3A_2488 = arith.constant 16 : i32
      %mul3A_2489 = vector.broadcast %mul3A_2488 : i32 to vector<16xi32>
      %mul3A_2490 = arith.muli %iota3A, %mul3A_2489 : vector<16xi32>
      %add3A_2491 = arith.constant 9219 : i32
      %add3A_2492 = vector.broadcast %add3A_2491 : i32 to vector<16xi32>
      %add3A_2493 = arith.addi %mul3A_2490, %add3A_2492 : vector<16xi32>
      tpu.vector_store_idx %arg14[%add3A_2493], %get3A_2487 : memref<16384xf32, #tpu.memory_space<vmem>>[vector<16xi32>], vector<16xf32>,
      %get3A_2494 = arith.constant 3 : i32
      %get3A_2495 = arith.index_cast %get3A_2494 : i32 to index
      %get3A_2496 = arith.constant 592 : index
      %get3A_2497 = tpu.vector_load %arg13[%get3A_2495, %get3A_2496] {strides = array<i32>} : memref<4x1024xf32, #tpu.memory_space<vmem>>, vector<16xf32>,
      %mul3A_2498 = arith.constant 16 : i32
      %mul3A_2499 = vector.broadcast %mul3A_2498 : i32 to vector<16xi32>
      %mul3A_2500 = arith.muli %iota3A, %mul3A_2499 : vector<16xi32>
      %add3A_2501 = arith.constant 9475 : i32
      %add3A_2502 = vector.broadcast %add3A_2501 : i32 to vector<16xi32>
      %add3A_2503 = arith.addi %mul3A_2500, %add3A_2502 : vector<16xi32>
      tpu.vector_store_idx %arg14[%add3A_2503], %get3A_2497 : memref<16384xf32, #tpu.memory_space<vmem>>[vector<16xi32>], vector<16xf32>,
      %get3A_2504 = arith.constant 3 : i32
      %get3A_2505 = arith.index_cast %get3A_2504 : i32 to index
      %get3A_2506 = arith.constant 608 : index
      %get3A_2507 = tpu.vector_load %arg13[%get3A_2505, %get3A_2506] {strides = array<i32>} : memref<4x1024xf32, #tpu.memory_space<vmem>>, vector<16xf32>,
      %mul3A_2508 = arith.constant 16 : i32
      %mul3A_2509 = vector.broadcast %mul3A_2508 : i32 to vector<16xi32>
      %mul3A_2510 = arith.muli %iota3A, %mul3A_2509 : vector<16xi32>
      %add3A_2511 = arith.constant 9731 : i32
      %add3A_2512 = vector.broadcast %add3A_2511 : i32 to vector<16xi32>
      %add3A_2513 = arith.addi %mul3A_2510, %add3A_2512 : vector<16xi32>
      tpu.vector_store_idx %arg14[%add3A_2513], %get3A_2507 : memref<16384xf32, #tpu.memory_space<vmem>>[vector<16xi32>], vector<16xf32>,
      %get3A_2514 = arith.constant 3 : i32
      %get3A_2515 = arith.index_cast %get3A_2514 : i32 to index
      %get3A_2516 = arith.constant 624 : index
      %get3A_2517 = tpu.vector_load %arg13[%get3A_2515, %get3A_2516] {strides = array<i32>} : memref<4x1024xf32, #tpu.memory_space<vmem>>, vector<16xf32>,
      %mul3A_2518 = arith.constant 16 : i32
      %mul3A_2519 = vector.broadcast %mul3A_2518 : i32 to vector<16xi32>
      %mul3A_2520 = arith.muli %iota3A, %mul3A_2519 : vector<16xi32>
      %add3A_2521 = arith.constant 9987 : i32
      %add3A_2522 = vector.broadcast %add3A_2521 : i32 to vector<16xi32>
      %add3A_2523 = arith.addi %mul3A_2520, %add3A_2522 : vector<16xi32>
      tpu.vector_store_idx %arg14[%add3A_2523], %get3A_2517 : memref<16384xf32, #tpu.memory_space<vmem>>[vector<16xi32>], vector<16xf32>,
      %get3A_2524 = arith.constant 3 : i32
      %get3A_2525 = arith.index_cast %get3A_2524 : i32 to index
      %get3A_2526 = arith.constant 640 : index
      %get3A_2527 = tpu.vector_load %arg13[%get3A_2525, %get3A_2526] {strides = array<i32>} : memref<4x1024xf32, #tpu.memory_space<vmem>>, vector<16xf32>,
      %mul3A_2528 = arith.constant 16 : i32
      %mul3A_2529 = vector.broadcast %mul3A_2528 : i32 to vector<16xi32>
      %mul3A_2530 = arith.muli %iota3A, %mul3A_2529 : vector<16xi32>
      %add3A_2531 = arith.constant 10243 : i32
      %add3A_2532 = vector.broadcast %add3A_2531 : i32 to vector<16xi32>
      %add3A_2533 = arith.addi %mul3A_2530, %add3A_2532 : vector<16xi32>
      tpu.vector_store_idx %arg14[%add3A_2533], %get3A_2527 : memref<16384xf32, #tpu.memory_space<vmem>>[vector<16xi32>], vector<16xf32>,
      %get3A_2534 = arith.constant 3 : i32
      %get3A_2535 = arith.index_cast %get3A_2534 : i32 to index
      %get3A_2536 = arith.constant 656 : index
      %get3A_2537 = tpu.vector_load %arg13[%get3A_2535, %get3A_2536] {strides = array<i32>} : memref<4x1024xf32, #tpu.memory_space<vmem>>, vector<16xf32>,
      %mul3A_2538 = arith.constant 16 : i32
      %mul3A_2539 = vector.broadcast %mul3A_2538 : i32 to vector<16xi32>
      %mul3A_2540 = arith.muli %iota3A, %mul3A_2539 : vector<16xi32>
      %add3A_2541 = arith.constant 10499 : i32
      %add3A_2542 = vector.broadcast %add3A_2541 : i32 to vector<16xi32>
      %add3A_2543 = arith.addi %mul3A_2540, %add3A_2542 : vector<16xi32>
      tpu.vector_store_idx %arg14[%add3A_2543], %get3A_2537 : memref<16384xf32, #tpu.memory_space<vmem>>[vector<16xi32>], vector<16xf32>,
      %get3A_2544 = arith.constant 3 : i32
      %get3A_2545 = arith.index_cast %get3A_2544 : i32 to index
      %get3A_2546 = arith.constant 672 : index
      %get3A_2547 = tpu.vector_load %arg13[%get3A_2545, %get3A_2546] {strides = array<i32>} : memref<4x1024xf32, #tpu.memory_space<vmem>>, vector<16xf32>,
      %mul3A_2548 = arith.constant 16 : i32
      %mul3A_2549 = vector.broadcast %mul3A_2548 : i32 to vector<16xi32>
      %mul3A_2550 = arith.muli %iota3A, %mul3A_2549 : vector<16xi32>
      %add3A_2551 = arith.constant 10755 : i32
      %add3A_2552 = vector.broadcast %add3A_2551 : i32 to vector<16xi32>
      %add3A_2553 = arith.addi %mul3A_2550, %add3A_2552 : vector<16xi32>
      tpu.vector_store_idx %arg14[%add3A_2553], %get3A_2547 : memref<16384xf32, #tpu.memory_space<vmem>>[vector<16xi32>], vector<16xf32>,
      %get3A_2554 = arith.constant 3 : i32
      %get3A_2555 = arith.index_cast %get3A_2554 : i32 to index
      %get3A_2556 = arith.constant 688 : index
      %get3A_2557 = tpu.vector_load %arg13[%get3A_2555, %get3A_2556] {strides = array<i32>} : memref<4x1024xf32, #tpu.memory_space<vmem>>, vector<16xf32>,
      %mul3A_2558 = arith.constant 16 : i32
      %mul3A_2559 = vector.broadcast %mul3A_2558 : i32 to vector<16xi32>
      %mul3A_2560 = arith.muli %iota3A, %mul3A_2559 : vector<16xi32>
      %add3A_2561 = arith.constant 11011 : i32
      %add3A_2562 = vector.broadcast %add3A_2561 : i32 to vector<16xi32>
      %add3A_2563 = arith.addi %mul3A_2560, %add3A_2562 : vector<16xi32>
      tpu.vector_store_idx %arg14[%add3A_2563], %get3A_2557 : memref<16384xf32, #tpu.memory_space<vmem>>[vector<16xi32>], vector<16xf32>,
      %get3A_2564 = arith.constant 3 : i32
      %get3A_2565 = arith.index_cast %get3A_2564 : i32 to index
      %get3A_2566 = arith.constant 704 : index
      %get3A_2567 = tpu.vector_load %arg13[%get3A_2565, %get3A_2566] {strides = array<i32>} : memref<4x1024xf32, #tpu.memory_space<vmem>>, vector<16xf32>,
      %mul3A_2568 = arith.constant 16 : i32
      %mul3A_2569 = vector.broadcast %mul3A_2568 : i32 to vector<16xi32>
      %mul3A_2570 = arith.muli %iota3A, %mul3A_2569 : vector<16xi32>
      %add3A_2571 = arith.constant 11267 : i32
      %add3A_2572 = vector.broadcast %add3A_2571 : i32 to vector<16xi32>
      %add3A_2573 = arith.addi %mul3A_2570, %add3A_2572 : vector<16xi32>
      tpu.vector_store_idx %arg14[%add3A_2573], %get3A_2567 : memref<16384xf32, #tpu.memory_space<vmem>>[vector<16xi32>], vector<16xf32>,
      %get3A_2574 = arith.constant 3 : i32
      %get3A_2575 = arith.index_cast %get3A_2574 : i32 to index
      %get3A_2576 = arith.constant 720 : index
      %get3A_2577 = tpu.vector_load %arg13[%get3A_2575, %get3A_2576] {strides = array<i32>} : memref<4x1024xf32, #tpu.memory_space<vmem>>, vector<16xf32>,
      %mul3A_2578 = arith.constant 16 : i32
      %mul3A_2579 = vector.broadcast %mul3A_2578 : i32 to vector<16xi32>
      %mul3A_2580 = arith.muli %iota3A, %mul3A_2579 : vector<16xi32>
      %add3A_2581 = arith.constant 11523 : i32
      %add3A_2582 = vector.broadcast %add3A_2581 : i32 to vector<16xi32>
      %add3A_2583 = arith.addi %mul3A_2580, %add3A_2582 : vector<16xi32>
      tpu.vector_store_idx %arg14[%add3A_2583], %get3A_2577 : memref<16384xf32, #tpu.memory_space<vmem>>[vector<16xi32>], vector<16xf32>,
      %get3A_2584 = arith.constant 3 : i32
      %get3A_2585 = arith.index_cast %get3A_2584 : i32 to index
      %get3A_2586 = arith.constant 736 : index
      %get3A_2587 = tpu.vector_load %arg13[%get3A_2585, %get3A_2586] {strides = array<i32>} : memref<4x1024xf32, #tpu.memory_space<vmem>>, vector<16xf32>,
      %mul3A_2588 = arith.constant 16 : i32
      %mul3A_2589 = vector.broadcast %mul3A_2588 : i32 to vector<16xi32>
      %mul3A_2590 = arith.muli %iota3A, %mul3A_2589 : vector<16xi32>
      %add3A_2591 = arith.constant 11779 : i32
      %add3A_2592 = vector.broadcast %add3A_2591 : i32 to vector<16xi32>
      %add3A_2593 = arith.addi %mul3A_2590, %add3A_2592 : vector<16xi32>
      tpu.vector_store_idx %arg14[%add3A_2593], %get3A_2587 : memref<16384xf32, #tpu.memory_space<vmem>>[vector<16xi32>], vector<16xf32>,
      %get3A_2594 = arith.constant 3 : i32
      %get3A_2595 = arith.index_cast %get3A_2594 : i32 to index
      %get3A_2596 = arith.constant 752 : index
      %get3A_2597 = tpu.vector_load %arg13[%get3A_2595, %get3A_2596] {strides = array<i32>} : memref<4x1024xf32, #tpu.memory_space<vmem>>, vector<16xf32>,
      %mul3A_2598 = arith.constant 16 : i32
      %mul3A_2599 = vector.broadcast %mul3A_2598 : i32 to vector<16xi32>
      %mul3A_2600 = arith.muli %iota3A, %mul3A_2599 : vector<16xi32>
      %add3A_2601 = arith.constant 12035 : i32
      %add3A_2602 = vector.broadcast %add3A_2601 : i32 to vector<16xi32>
      %add3A_2603 = arith.addi %mul3A_2600, %add3A_2602 : vector<16xi32>
      tpu.vector_store_idx %arg14[%add3A_2603], %get3A_2597 : memref<16384xf32, #tpu.memory_space<vmem>>[vector<16xi32>], vector<16xf32>,
      %get3A_2604 = arith.constant 3 : i32
      %get3A_2605 = arith.index_cast %get3A_2604 : i32 to index
      %get3A_2606 = arith.constant 768 : index
      %get3A_2607 = tpu.vector_load %arg13[%get3A_2605, %get3A_2606] {strides = array<i32>} : memref<4x1024xf32, #tpu.memory_space<vmem>>, vector<16xf32>,
      %mul3A_2608 = arith.constant 16 : i32
      %mul3A_2609 = vector.broadcast %mul3A_2608 : i32 to vector<16xi32>
      %mul3A_2610 = arith.muli %iota3A, %mul3A_2609 : vector<16xi32>
      %add3A_2611 = arith.constant 12291 : i32
      %add3A_2612 = vector.broadcast %add3A_2611 : i32 to vector<16xi32>
      %add3A_2613 = arith.addi %mul3A_2610, %add3A_2612 : vector<16xi32>
      tpu.vector_store_idx %arg14[%add3A_2613], %get3A_2607 : memref<16384xf32, #tpu.memory_space<vmem>>[vector<16xi32>], vector<16xf32>,
      %get3A_2614 = arith.constant 3 : i32
      %get3A_2615 = arith.index_cast %get3A_2614 : i32 to index
      %get3A_2616 = arith.constant 784 : index
      %get3A_2617 = tpu.vector_load %arg13[%get3A_2615, %get3A_2616] {strides = array<i32>} : memref<4x1024xf32, #tpu.memory_space<vmem>>, vector<16xf32>,
      %mul3A_2618 = arith.constant 16 : i32
      %mul3A_2619 = vector.broadcast %mul3A_2618 : i32 to vector<16xi32>
      %mul3A_2620 = arith.muli %iota3A, %mul3A_2619 : vector<16xi32>
      %add3A_2621 = arith.constant 12547 : i32
      %add3A_2622 = vector.broadcast %add3A_2621 : i32 to vector<16xi32>
      %add3A_2623 = arith.addi %mul3A_2620, %add3A_2622 : vector<16xi32>
      tpu.vector_store_idx %arg14[%add3A_2623], %get3A_2617 : memref<16384xf32, #tpu.memory_space<vmem>>[vector<16xi32>], vector<16xf32>,
      %get3A_2624 = arith.constant 3 : i32
      %get3A_2625 = arith.index_cast %get3A_2624 : i32 to index
      %get3A_2626 = arith.constant 800 : index
      %get3A_2627 = tpu.vector_load %arg13[%get3A_2625, %get3A_2626] {strides = array<i32>} : memref<4x1024xf32, #tpu.memory_space<vmem>>, vector<16xf32>,
      %mul3A_2628 = arith.constant 16 : i32
      %mul3A_2629 = vector.broadcast %mul3A_2628 : i32 to vector<16xi32>
      %mul3A_2630 = arith.muli %iota3A, %mul3A_2629 : vector<16xi32>
      %add3A_2631 = arith.constant 12803 : i32
      %add3A_2632 = vector.broadcast %add3A_2631 : i32 to vector<16xi32>
      %add3A_2633 = arith.addi %mul3A_2630, %add3A_2632 : vector<16xi32>
      tpu.vector_store_idx %arg14[%add3A_2633], %get3A_2627 : memref<16384xf32, #tpu.memory_space<vmem>>[vector<16xi32>], vector<16xf32>,
      %get3A_2634 = arith.constant 3 : i32
      %get3A_2635 = arith.index_cast %get3A_2634 : i32 to index
      %get3A_2636 = arith.constant 816 : index
      %get3A_2637 = tpu.vector_load %arg13[%get3A_2635, %get3A_2636] {strides = array<i32>} : memref<4x1024xf32, #tpu.memory_space<vmem>>, vector<16xf32>,
      %mul3A_2638 = arith.constant 16 : i32
      %mul3A_2639 = vector.broadcast %mul3A_2638 : i32 to vector<16xi32>
      %mul3A_2640 = arith.muli %iota3A, %mul3A_2639 : vector<16xi32>
      %add3A_2641 = arith.constant 13059 : i32
      %add3A_2642 = vector.broadcast %add3A_2641 : i32 to vector<16xi32>
      %add3A_2643 = arith.addi %mul3A_2640, %add3A_2642 : vector<16xi32>
      tpu.vector_store_idx %arg14[%add3A_2643], %get3A_2637 : memref<16384xf32, #tpu.memory_space<vmem>>[vector<16xi32>], vector<16xf32>,
      %get3A_2644 = arith.constant 3 : i32
      %get3A_2645 = arith.index_cast %get3A_2644 : i32 to index
      %get3A_2646 = arith.constant 832 : index
      %get3A_2647 = tpu.vector_load %arg13[%get3A_2645, %get3A_2646] {strides = array<i32>} : memref<4x1024xf32, #tpu.memory_space<vmem>>, vector<16xf32>,
      %mul3A_2648 = arith.constant 16 : i32
      %mul3A_2649 = vector.broadcast %mul3A_2648 : i32 to vector<16xi32>
      %mul3A_2650 = arith.muli %iota3A, %mul3A_2649 : vector<16xi32>
      %add3A_2651 = arith.constant 13315 : i32
      %add3A_2652 = vector.broadcast %add3A_2651 : i32 to vector<16xi32>
      %add3A_2653 = arith.addi %mul3A_2650, %add3A_2652 : vector<16xi32>
      tpu.vector_store_idx %arg14[%add3A_2653], %get3A_2647 : memref<16384xf32, #tpu.memory_space<vmem>>[vector<16xi32>], vector<16xf32>,
      %get3A_2654 = arith.constant 3 : i32
      %get3A_2655 = arith.index_cast %get3A_2654 : i32 to index
      %get3A_2656 = arith.constant 848 : index
      %get3A_2657 = tpu.vector_load %arg13[%get3A_2655, %get3A_2656] {strides = array<i32>} : memref<4x1024xf32, #tpu.memory_space<vmem>>, vector<16xf32>,
      %mul3A_2658 = arith.constant 16 : i32
      %mul3A_2659 = vector.broadcast %mul3A_2658 : i32 to vector<16xi32>
      %mul3A_2660 = arith.muli %iota3A, %mul3A_2659 : vector<16xi32>
      %add3A_2661 = arith.constant 13571 : i32
      %add3A_2662 = vector.broadcast %add3A_2661 : i32 to vector<16xi32>
      %add3A_2663 = arith.addi %mul3A_2660, %add3A_2662 : vector<16xi32>
      tpu.vector_store_idx %arg14[%add3A_2663], %get3A_2657 : memref<16384xf32, #tpu.memory_space<vmem>>[vector<16xi32>], vector<16xf32>,
      %get3A_2664 = arith.constant 3 : i32
      %get3A_2665 = arith.index_cast %get3A_2664 : i32 to index
      %get3A_2666 = arith.constant 864 : index
      %get3A_2667 = tpu.vector_load %arg13[%get3A_2665, %get3A_2666] {strides = array<i32>} : memref<4x1024xf32, #tpu.memory_space<vmem>>, vector<16xf32>,
      %mul3A_2668 = arith.constant 16 : i32
      %mul3A_2669 = vector.broadcast %mul3A_2668 : i32 to vector<16xi32>
      %mul3A_2670 = arith.muli %iota3A, %mul3A_2669 : vector<16xi32>
      %add3A_2671 = arith.constant 13827 : i32
      %add3A_2672 = vector.broadcast %add3A_2671 : i32 to vector<16xi32>
      %add3A_2673 = arith.addi %mul3A_2670, %add3A_2672 : vector<16xi32>
      tpu.vector_store_idx %arg14[%add3A_2673], %get3A_2667 : memref<16384xf32, #tpu.memory_space<vmem>>[vector<16xi32>], vector<16xf32>,
      %get3A_2674 = arith.constant 3 : i32
      %get3A_2675 = arith.index_cast %get3A_2674 : i32 to index
      %get3A_2676 = arith.constant 880 : index
      %get3A_2677 = tpu.vector_load %arg13[%get3A_2675, %get3A_2676] {strides = array<i32>} : memref<4x1024xf32, #tpu.memory_space<vmem>>, vector<16xf32>,
      %mul3A_2678 = arith.constant 16 : i32
      %mul3A_2679 = vector.broadcast %mul3A_2678 : i32 to vector<16xi32>
      %mul3A_2680 = arith.muli %iota3A, %mul3A_2679 : vector<16xi32>
      %add3A_2681 = arith.constant 14083 : i32
      %add3A_2682 = vector.broadcast %add3A_2681 : i32 to vector<16xi32>
      %add3A_2683 = arith.addi %mul3A_2680, %add3A_2682 : vector<16xi32>
      tpu.vector_store_idx %arg14[%add3A_2683], %get3A_2677 : memref<16384xf32, #tpu.memory_space<vmem>>[vector<16xi32>], vector<16xf32>,
      %get3A_2684 = arith.constant 3 : i32
      %get3A_2685 = arith.index_cast %get3A_2684 : i32 to index
      %get3A_2686 = arith.constant 896 : index
      %get3A_2687 = tpu.vector_load %arg13[%get3A_2685, %get3A_2686] {strides = array<i32>} : memref<4x1024xf32, #tpu.memory_space<vmem>>, vector<16xf32>,
      %mul3A_2688 = arith.constant 16 : i32
      %mul3A_2689 = vector.broadcast %mul3A_2688 : i32 to vector<16xi32>
      %mul3A_2690 = arith.muli %iota3A, %mul3A_2689 : vector<16xi32>
      %add3A_2691 = arith.constant 14339 : i32
      %add3A_2692 = vector.broadcast %add3A_2691 : i32 to vector<16xi32>
      %add3A_2693 = arith.addi %mul3A_2690, %add3A_2692 : vector<16xi32>
      tpu.vector_store_idx %arg14[%add3A_2693], %get3A_2687 : memref<16384xf32, #tpu.memory_space<vmem>>[vector<16xi32>], vector<16xf32>,
      %get3A_2694 = arith.constant 3 : i32
      %get3A_2695 = arith.index_cast %get3A_2694 : i32 to index
      %get3A_2696 = arith.constant 912 : index
      %get3A_2697 = tpu.vector_load %arg13[%get3A_2695, %get3A_2696] {strides = array<i32>} : memref<4x1024xf32, #tpu.memory_space<vmem>>, vector<16xf32>,
      %mul3A_2698 = arith.constant 16 : i32
      %mul3A_2699 = vector.broadcast %mul3A_2698 : i32 to vector<16xi32>
      %mul3A_2700 = arith.muli %iota3A, %mul3A_2699 : vector<16xi32>
      %add3A_2701 = arith.constant 14595 : i32
      %add3A_2702 = vector.broadcast %add3A_2701 : i32 to vector<16xi32>
      %add3A_2703 = arith.addi %mul3A_2700, %add3A_2702 : vector<16xi32>
      tpu.vector_store_idx %arg14[%add3A_2703], %get3A_2697 : memref<16384xf32, #tpu.memory_space<vmem>>[vector<16xi32>], vector<16xf32>,
      %get3A_2704 = arith.constant 3 : i32
      %get3A_2705 = arith.index_cast %get3A_2704 : i32 to index
      %get3A_2706 = arith.constant 928 : index
      %get3A_2707 = tpu.vector_load %arg13[%get3A_2705, %get3A_2706] {strides = array<i32>} : memref<4x1024xf32, #tpu.memory_space<vmem>>, vector<16xf32>,
      %mul3A_2708 = arith.constant 16 : i32
      %mul3A_2709 = vector.broadcast %mul3A_2708 : i32 to vector<16xi32>
      %mul3A_2710 = arith.muli %iota3A, %mul3A_2709 : vector<16xi32>
      %add3A_2711 = arith.constant 14851 : i32
      %add3A_2712 = vector.broadcast %add3A_2711 : i32 to vector<16xi32>
      %add3A_2713 = arith.addi %mul3A_2710, %add3A_2712 : vector<16xi32>
      tpu.vector_store_idx %arg14[%add3A_2713], %get3A_2707 : memref<16384xf32, #tpu.memory_space<vmem>>[vector<16xi32>], vector<16xf32>,
      %get3A_2714 = arith.constant 3 : i32
      %get3A_2715 = arith.index_cast %get3A_2714 : i32 to index
      %get3A_2716 = arith.constant 944 : index
      %get3A_2717 = tpu.vector_load %arg13[%get3A_2715, %get3A_2716] {strides = array<i32>} : memref<4x1024xf32, #tpu.memory_space<vmem>>, vector<16xf32>,
      %mul3A_2718 = arith.constant 16 : i32
      %mul3A_2719 = vector.broadcast %mul3A_2718 : i32 to vector<16xi32>
      %mul3A_2720 = arith.muli %iota3A, %mul3A_2719 : vector<16xi32>
      %add3A_2721 = arith.constant 15107 : i32
      %add3A_2722 = vector.broadcast %add3A_2721 : i32 to vector<16xi32>
      %add3A_2723 = arith.addi %mul3A_2720, %add3A_2722 : vector<16xi32>
      tpu.vector_store_idx %arg14[%add3A_2723], %get3A_2717 : memref<16384xf32, #tpu.memory_space<vmem>>[vector<16xi32>], vector<16xf32>,
      %get3A_2724 = arith.constant 3 : i32
      %get3A_2725 = arith.index_cast %get3A_2724 : i32 to index
      %get3A_2726 = arith.constant 960 : index
      %get3A_2727 = tpu.vector_load %arg13[%get3A_2725, %get3A_2726] {strides = array<i32>} : memref<4x1024xf32, #tpu.memory_space<vmem>>, vector<16xf32>,
      %mul3A_2728 = arith.constant 16 : i32
      %mul3A_2729 = vector.broadcast %mul3A_2728 : i32 to vector<16xi32>
      %mul3A_2730 = arith.muli %iota3A, %mul3A_2729 : vector<16xi32>
      %add3A_2731 = arith.constant 15363 : i32
      %add3A_2732 = vector.broadcast %add3A_2731 : i32 to vector<16xi32>
      %add3A_2733 = arith.addi %mul3A_2730, %add3A_2732 : vector<16xi32>
      tpu.vector_store_idx %arg14[%add3A_2733], %get3A_2727 : memref<16384xf32, #tpu.memory_space<vmem>>[vector<16xi32>], vector<16xf32>,
      %get3A_2734 = arith.constant 3 : i32
      %get3A_2735 = arith.index_cast %get3A_2734 : i32 to index
      %get3A_2736 = arith.constant 976 : index
      %get3A_2737 = tpu.vector_load %arg13[%get3A_2735, %get3A_2736] {strides = array<i32>} : memref<4x1024xf32, #tpu.memory_space<vmem>>, vector<16xf32>,
      %mul3A_2738 = arith.constant 16 : i32
      %mul3A_2739 = vector.broadcast %mul3A_2738 : i32 to vector<16xi32>
      %mul3A_2740 = arith.muli %iota3A, %mul3A_2739 : vector<16xi32>
      %add3A_2741 = arith.constant 15619 : i32
      %add3A_2742 = vector.broadcast %add3A_2741 : i32 to vector<16xi32>
      %add3A_2743 = arith.addi %mul3A_2740, %add3A_2742 : vector<16xi32>
      tpu.vector_store_idx %arg14[%add3A_2743], %get3A_2737 : memref<16384xf32, #tpu.memory_space<vmem>>[vector<16xi32>], vector<16xf32>,
      %get3A_2744 = arith.constant 3 : i32
      %get3A_2745 = arith.index_cast %get3A_2744 : i32 to index
      %get3A_2746 = arith.constant 992 : index
      %get3A_2747 = tpu.vector_load %arg13[%get3A_2745, %get3A_2746] {strides = array<i32>} : memref<4x1024xf32, #tpu.memory_space<vmem>>, vector<16xf32>,
      %mul3A_2748 = arith.constant 16 : i32
      %mul3A_2749 = vector.broadcast %mul3A_2748 : i32 to vector<16xi32>
      %mul3A_2750 = arith.muli %iota3A, %mul3A_2749 : vector<16xi32>
      %add3A_2751 = arith.constant 15875 : i32
      %add3A_2752 = vector.broadcast %add3A_2751 : i32 to vector<16xi32>
      %add3A_2753 = arith.addi %mul3A_2750, %add3A_2752 : vector<16xi32>
      tpu.vector_store_idx %arg14[%add3A_2753], %get3A_2747 : memref<16384xf32, #tpu.memory_space<vmem>>[vector<16xi32>], vector<16xf32>,
      %get3A_2754 = arith.constant 3 : i32
      %get3A_2755 = arith.index_cast %get3A_2754 : i32 to index
      %get3A_2756 = arith.constant 1008 : index
      %get3A_2757 = tpu.vector_load %arg13[%get3A_2755, %get3A_2756] {strides = array<i32>} : memref<4x1024xf32, #tpu.memory_space<vmem>>, vector<16xf32>,
      %mul3A_2758 = arith.constant 16 : i32
      %mul3A_2759 = vector.broadcast %mul3A_2758 : i32 to vector<16xi32>
      %mul3A_2760 = arith.muli %iota3A, %mul3A_2759 : vector<16xi32>
      %add3A_2761 = arith.constant 16131 : i32
      %add3A_2762 = vector.broadcast %add3A_2761 : i32 to vector<16xi32>
      %add3A_2763 = arith.addi %mul3A_2760, %add3A_2762 : vector<16xi32>
      tpu.vector_store_idx %arg14[%add3A_2763], %get3A_2757 : memref<16384xf32, #tpu.memory_space<vmem>>[vector<16xi32>], vector<16xf32>,
      %dma_wait3A = arith.constant 0 : i32
      %dma_wait3A_2764 = arith.constant 0 : i32
      %dma_wait3A_2765 = arith.constant 0 : i32
      %dma_wait3A_2766 = arith.constant 0 : i32
      %dma_wait3A_2767 = tpu.memref_slice %arg11[%dma_wait3A_2764, %dma_wait3A_2765, %dma_wait3A_2766] : memref<8x128x16xf32, #tpu.memory_space<vmem>> -> memref<1x128x16xf32, #tpu.memory_space<vmem>>
      %dma_wait3A_2768 = tpu.memref_squeeze %dma_wait3A_2767 : memref<1x128x16xf32, #tpu.memory_space<vmem>> -> memref<128x16xf32, #tpu.memory_space<vmem>>
      %dma_wait3A_2769 = arith.constant 0 : i32
      %dma_wait3A_2770 = tpu.memref_slice %arg9[%dma_wait3A, %dma_wait3A_2769] : memref<8x128xi32, #tpu.memory_space<vmem>> -> memref<1x128xi32, #tpu.memory_space<vmem>>
      %dma_wait3A_2771 = tpu.memref_squeeze %dma_wait3A_2770 : memref<1x128xi32, #tpu.memory_space<vmem>> -> memref<128xi32, #tpu.memory_space<vmem>>
      %dma_wait3A_2772 = arith.constant 0 : i32
      %dma_wait3A_2773 = arith.constant 0 : i32
      %dma_wait3A_2774 = tpu.memref_slice %arg2[%dma_wait3A_2772, %dma_wait3A_2773] : memref<100000x16xf32, #tpu.memory_space<hbm>> -> memref<100000x16xf32, #tpu.memory_space<hbm>>
      tpu.wait_indirect_dma semaphore(%arg15 : memref<!tpu.dma_semaphore, #tpu.memory_space<semaphore_mem>>) src(%dma_wait3A_2774 : memref<100000x16xf32, #tpu.memory_space<hbm>>) dst(%dma_wait3A_2768 : memref<128x16xf32, #tpu.memory_space<vmem>>)
      %dma_wait3A_2775 = arith.constant 0 : i32
      %dma_wait3A_2776 = arith.constant 0 : i32
      %dma_wait3A_2777 = arith.constant 0 : i32
      %dma_wait3A_2778 = arith.constant 0 : i32
      %dma_wait3A_2779 = tpu.memref_slice %arg12[%dma_wait3A_2776, %dma_wait3A_2777, %dma_wait3A_2778] : memref<8x128x16xf32, #tpu.memory_space<vmem>> -> memref<1x128x16xf32, #tpu.memory_space<vmem>>
      %dma_wait3A_2780 = tpu.memref_squeeze %dma_wait3A_2779 : memref<1x128x16xf32, #tpu.memory_space<vmem>> -> memref<128x16xf32, #tpu.memory_space<vmem>>
      %dma_wait3A_2781 = arith.constant 0 : i32
      %dma_wait3A_2782 = tpu.memref_slice %arg10[%dma_wait3A_2775, %dma_wait3A_2781] : memref<8x128xi32, #tpu.memory_space<vmem>> -> memref<1x128xi32, #tpu.memory_space<vmem>>
      %dma_wait3A_2783 = tpu.memref_squeeze %dma_wait3A_2782 : memref<1x128xi32, #tpu.memory_space<vmem>> -> memref<128xi32, #tpu.memory_space<vmem>>
      %dma_wait3A_2784 = arith.constant 0 : i32
      %dma_wait3A_2785 = arith.constant 0 : i32
      %dma_wait3A_2786 = tpu.memref_slice %arg2[%dma_wait3A_2784, %dma_wait3A_2785] : memref<100000x16xf32, #tpu.memory_space<hbm>> -> memref<100000x16xf32, #tpu.memory_space<hbm>>
      tpu.wait_indirect_dma semaphore(%arg15 : memref<!tpu.dma_semaphore, #tpu.memory_space<semaphore_mem>>) src(%dma_wait3A_2786 : memref<100000x16xf32, #tpu.memory_space<hbm>>) dst(%dma_wait3A_2780 : memref<128x16xf32, #tpu.memory_space<vmem>>)
      %dma_wait3A_2787 = arith.constant 1 : i32
      %dma_wait3A_2788 = arith.constant 1 : i32
      %dma_wait3A_2789 = arith.constant 0 : i32
      %dma_wait3A_2790 = arith.constant 0 : i32
      %dma_wait3A_2791 = tpu.memref_slice %arg11[%dma_wait3A_2788, %dma_wait3A_2789, %dma_wait3A_2790] : memref<8x128x16xf32, #tpu.memory_space<vmem>> -> memref<1x128x16xf32, #tpu.memory_space<vmem>>
      %dma_wait3A_2792 = tpu.memref_squeeze %dma_wait3A_2791 : memref<1x128x16xf32, #tpu.memory_space<vmem>> -> memref<128x16xf32, #tpu.memory_space<vmem>>
      %dma_wait3A_2793 = arith.constant 0 : i32
      %dma_wait3A_2794 = tpu.memref_slice %arg9[%dma_wait3A_2787, %dma_wait3A_2793] : memref<8x128xi32, #tpu.memory_space<vmem>> -> memref<1x128xi32, #tpu.memory_space<vmem>>
      %dma_wait3A_2795 = tpu.memref_squeeze %dma_wait3A_2794 : memref<1x128xi32, #tpu.memory_space<vmem>> -> memref<128xi32, #tpu.memory_space<vmem>>
      %dma_wait3A_2796 = arith.constant 0 : i32
      %dma_wait3A_2797 = arith.constant 0 : i32
      %dma_wait3A_2798 = tpu.memref_slice %arg2[%dma_wait3A_2796, %dma_wait3A_2797] : memref<100000x16xf32, #tpu.memory_space<hbm>> -> memref<100000x16xf32, #tpu.memory_space<hbm>>
      tpu.wait_indirect_dma semaphore(%arg15 : memref<!tpu.dma_semaphore, #tpu.memory_space<semaphore_mem>>) src(%dma_wait3A_2798 : memref<100000x16xf32, #tpu.memory_space<hbm>>) dst(%dma_wait3A_2792 : memref<128x16xf32, #tpu.memory_space<vmem>>)
      %dma_wait3A_2799 = arith.constant 1 : i32
      %dma_wait3A_2800 = arith.constant 1 : i32
      %dma_wait3A_2801 = arith.constant 0 : i32
      %dma_wait3A_2802 = arith.constant 0 : i32
      %dma_wait3A_2803 = tpu.memref_slice %arg12[%dma_wait3A_2800, %dma_wait3A_2801, %dma_wait3A_2802] : memref<8x128x16xf32, #tpu.memory_space<vmem>> -> memref<1x128x16xf32, #tpu.memory_space<vmem>>
      %dma_wait3A_2804 = tpu.memref_squeeze %dma_wait3A_2803 : memref<1x128x16xf32, #tpu.memory_space<vmem>> -> memref<128x16xf32, #tpu.memory_space<vmem>>
      %dma_wait3A_2805 = arith.constant 0 : i32
      %dma_wait3A_2806 = tpu.memref_slice %arg10[%dma_wait3A_2799, %dma_wait3A_2805] : memref<8x128xi32, #tpu.memory_space<vmem>> -> memref<1x128xi32, #tpu.memory_space<vmem>>
      %dma_wait3A_2807 = tpu.memref_squeeze %dma_wait3A_2806 : memref<1x128xi32, #tpu.memory_space<vmem>> -> memref<128xi32, #tpu.memory_space<vmem>>
      %dma_wait3A_2808 = arith.constant 0 : i32
      %dma_wait3A_2809 = arith.constant 0 : i32
      %dma_wait3A_2810 = tpu.memref_slice %arg2[%dma_wait3A_2808, %dma_wait3A_2809] : memref<100000x16xf32, #tpu.memory_space<hbm>> -> memref<100000x16xf32, #tpu.memory_space<hbm>>
      tpu.wait_indirect_dma semaphore(%arg15 : memref<!tpu.dma_semaphore, #tpu.memory_space<semaphore_mem>>) src(%dma_wait3A_2810 : memref<100000x16xf32, #tpu.memory_space<hbm>>) dst(%dma_wait3A_2804 : memref<128x16xf32, #tpu.memory_space<vmem>>)
      %dma_wait3A_2811 = arith.constant 2 : i32
      %dma_wait3A_2812 = arith.constant 2 : i32
      %dma_wait3A_2813 = arith.constant 0 : i32
      %dma_wait3A_2814 = arith.constant 0 : i32
      %dma_wait3A_2815 = tpu.memref_slice %arg11[%dma_wait3A_2812, %dma_wait3A_2813, %dma_wait3A_2814] : memref<8x128x16xf32, #tpu.memory_space<vmem>> -> memref<1x128x16xf32, #tpu.memory_space<vmem>>
      %dma_wait3A_2816 = tpu.memref_squeeze %dma_wait3A_2815 : memref<1x128x16xf32, #tpu.memory_space<vmem>> -> memref<128x16xf32, #tpu.memory_space<vmem>>
      %dma_wait3A_2817 = arith.constant 0 : i32
      %dma_wait3A_2818 = tpu.memref_slice %arg9[%dma_wait3A_2811, %dma_wait3A_2817] : memref<8x128xi32, #tpu.memory_space<vmem>> -> memref<1x128xi32, #tpu.memory_space<vmem>>
      %dma_wait3A_2819 = tpu.memref_squeeze %dma_wait3A_2818 : memref<1x128xi32, #tpu.memory_space<vmem>> -> memref<128xi32, #tpu.memory_space<vmem>>
      %dma_wait3A_2820 = arith.constant 0 : i32
      %dma_wait3A_2821 = arith.constant 0 : i32
      %dma_wait3A_2822 = tpu.memref_slice %arg2[%dma_wait3A_2820, %dma_wait3A_2821] : memref<100000x16xf32, #tpu.memory_space<hbm>> -> memref<100000x16xf32, #tpu.memory_space<hbm>>
      tpu.wait_indirect_dma semaphore(%arg15 : memref<!tpu.dma_semaphore, #tpu.memory_space<semaphore_mem>>) src(%dma_wait3A_2822 : memref<100000x16xf32, #tpu.memory_space<hbm>>) dst(%dma_wait3A_2816 : memref<128x16xf32, #tpu.memory_space<vmem>>)
      %dma_wait3A_2823 = arith.constant 2 : i32
      %dma_wait3A_2824 = arith.constant 2 : i32
      %dma_wait3A_2825 = arith.constant 0 : i32
      %dma_wait3A_2826 = arith.constant 0 : i32
      %dma_wait3A_2827 = tpu.memref_slice %arg12[%dma_wait3A_2824, %dma_wait3A_2825, %dma_wait3A_2826] : memref<8x128x16xf32, #tpu.memory_space<vmem>> -> memref<1x128x16xf32, #tpu.memory_space<vmem>>
      %dma_wait3A_2828 = tpu.memref_squeeze %dma_wait3A_2827 : memref<1x128x16xf32, #tpu.memory_space<vmem>> -> memref<128x16xf32, #tpu.memory_space<vmem>>
      %dma_wait3A_2829 = arith.constant 0 : i32
      %dma_wait3A_2830 = tpu.memref_slice %arg10[%dma_wait3A_2823, %dma_wait3A_2829] : memref<8x128xi32, #tpu.memory_space<vmem>> -> memref<1x128xi32, #tpu.memory_space<vmem>>
      %dma_wait3A_2831 = tpu.memref_squeeze %dma_wait3A_2830 : memref<1x128xi32, #tpu.memory_space<vmem>> -> memref<128xi32, #tpu.memory_space<vmem>>
      %dma_wait3A_2832 = arith.constant 0 : i32
      %dma_wait3A_2833 = arith.constant 0 : i32
      %dma_wait3A_2834 = tpu.memref_slice %arg2[%dma_wait3A_2832, %dma_wait3A_2833] : memref<100000x16xf32, #tpu.memory_space<hbm>> -> memref<100000x16xf32, #tpu.memory_space<hbm>>
      tpu.wait_indirect_dma semaphore(%arg15 : memref<!tpu.dma_semaphore, #tpu.memory_space<semaphore_mem>>) src(%dma_wait3A_2834 : memref<100000x16xf32, #tpu.memory_space<hbm>>) dst(%dma_wait3A_2828 : memref<128x16xf32, #tpu.memory_space<vmem>>)
      %dma_wait3A_2835 = arith.constant 3 : i32
      %dma_wait3A_2836 = arith.constant 3 : i32
      %dma_wait3A_2837 = arith.constant 0 : i32
      %dma_wait3A_2838 = arith.constant 0 : i32
      %dma_wait3A_2839 = tpu.memref_slice %arg11[%dma_wait3A_2836, %dma_wait3A_2837, %dma_wait3A_2838] : memref<8x128x16xf32, #tpu.memory_space<vmem>> -> memref<1x128x16xf32, #tpu.memory_space<vmem>>
      %dma_wait3A_2840 = tpu.memref_squeeze %dma_wait3A_2839 : memref<1x128x16xf32, #tpu.memory_space<vmem>> -> memref<128x16xf32, #tpu.memory_space<vmem>>
      %dma_wait3A_2841 = arith.constant 0 : i32
      %dma_wait3A_2842 = tpu.memref_slice %arg9[%dma_wait3A_2835, %dma_wait3A_2841] : memref<8x128xi32, #tpu.memory_space<vmem>> -> memref<1x128xi32, #tpu.memory_space<vmem>>
      %dma_wait3A_2843 = tpu.memref_squeeze %dma_wait3A_2842 : memref<1x128xi32, #tpu.memory_space<vmem>> -> memref<128xi32, #tpu.memory_space<vmem>>
      %dma_wait3A_2844 = arith.constant 0 : i32
      %dma_wait3A_2845 = arith.constant 0 : i32
      %dma_wait3A_2846 = tpu.memref_slice %arg2[%dma_wait3A_2844, %dma_wait3A_2845] : memref<100000x16xf32, #tpu.memory_space<hbm>> -> memref<100000x16xf32, #tpu.memory_space<hbm>>
      tpu.wait_indirect_dma semaphore(%arg15 : memref<!tpu.dma_semaphore, #tpu.memory_space<semaphore_mem>>) src(%dma_wait3A_2846 : memref<100000x16xf32, #tpu.memory_space<hbm>>) dst(%dma_wait3A_2840 : memref<128x16xf32, #tpu.memory_space<vmem>>)
      %dma_wait3A_2847 = arith.constant 3 : i32
      %dma_wait3A_2848 = arith.constant 3 : i32
      %dma_wait3A_2849 = arith.constant 0 : i32
      %dma_wait3A_2850 = arith.constant 0 : i32
      %dma_wait3A_2851 = tpu.memref_slice %arg12[%dma_wait3A_2848, %dma_wait3A_2849, %dma_wait3A_2850] : memref<8x128x16xf32, #tpu.memory_space<vmem>> -> memref<1x128x16xf32, #tpu.memory_space<vmem>>
      %dma_wait3A_2852 = tpu.memref_squeeze %dma_wait3A_2851 : memref<1x128x16xf32, #tpu.memory_space<vmem>> -> memref<128x16xf32, #tpu.memory_space<vmem>>
      %dma_wait3A_2853 = arith.constant 0 : i32
      %dma_wait3A_2854 = tpu.memref_slice %arg10[%dma_wait3A_2847, %dma_wait3A_2853] : memref<8x128xi32, #tpu.memory_space<vmem>> -> memref<1x128xi32, #tpu.memory_space<vmem>>
      %dma_wait3A_2855 = tpu.memref_squeeze %dma_wait3A_2854 : memref<1x128xi32, #tpu.memory_space<vmem>> -> memref<128xi32, #tpu.memory_space<vmem>>
      %dma_wait3A_2856 = arith.constant 0 : i32
      %dma_wait3A_2857 = arith.constant 0 : i32
      %dma_wait3A_2858 = tpu.memref_slice %arg2[%dma_wait3A_2856, %dma_wait3A_2857] : memref<100000x16xf32, #tpu.memory_space<hbm>> -> memref<100000x16xf32, #tpu.memory_space<hbm>>
      tpu.wait_indirect_dma semaphore(%arg15 : memref<!tpu.dma_semaphore, #tpu.memory_space<semaphore_mem>>) src(%dma_wait3A_2858 : memref<100000x16xf32, #tpu.memory_space<hbm>>) dst(%dma_wait3A_2852 : memref<128x16xf32, #tpu.memory_space<vmem>>)
      %dma_wait3A_2859 = arith.constant 4 : i32
      %dma_wait3A_2860 = arith.constant 4 : i32
      %dma_wait3A_2861 = arith.constant 0 : i32
      %dma_wait3A_2862 = arith.constant 0 : i32
      %dma_wait3A_2863 = tpu.memref_slice %arg11[%dma_wait3A_2860, %dma_wait3A_2861, %dma_wait3A_2862] : memref<8x128x16xf32, #tpu.memory_space<vmem>> -> memref<1x128x16xf32, #tpu.memory_space<vmem>>
      %dma_wait3A_2864 = tpu.memref_squeeze %dma_wait3A_2863 : memref<1x128x16xf32, #tpu.memory_space<vmem>> -> memref<128x16xf32, #tpu.memory_space<vmem>>
      %dma_wait3A_2865 = arith.constant 0 : i32
      %dma_wait3A_2866 = tpu.memref_slice %arg9[%dma_wait3A_2859, %dma_wait3A_2865] : memref<8x128xi32, #tpu.memory_space<vmem>> -> memref<1x128xi32, #tpu.memory_space<vmem>>
      %dma_wait3A_2867 = tpu.memref_squeeze %dma_wait3A_2866 : memref<1x128xi32, #tpu.memory_space<vmem>> -> memref<128xi32, #tpu.memory_space<vmem>>
      %dma_wait3A_2868 = arith.constant 0 : i32
      %dma_wait3A_2869 = arith.constant 0 : i32
      %dma_wait3A_2870 = tpu.memref_slice %arg2[%dma_wait3A_2868, %dma_wait3A_2869] : memref<100000x16xf32, #tpu.memory_space<hbm>> -> memref<100000x16xf32, #tpu.memory_space<hbm>>
      tpu.wait_indirect_dma semaphore(%arg15 : memref<!tpu.dma_semaphore, #tpu.memory_space<semaphore_mem>>) src(%dma_wait3A_2870 : memref<100000x16xf32, #tpu.memory_space<hbm>>) dst(%dma_wait3A_2864 : memref<128x16xf32, #tpu.memory_space<vmem>>)
      %dma_wait3A_2871 = arith.constant 4 : i32
      %dma_wait3A_2872 = arith.constant 4 : i32
      %dma_wait3A_2873 = arith.constant 0 : i32
      %dma_wait3A_2874 = arith.constant 0 : i32
      %dma_wait3A_2875 = tpu.memref_slice %arg12[%dma_wait3A_2872, %dma_wait3A_2873, %dma_wait3A_2874] : memref<8x128x16xf32, #tpu.memory_space<vmem>> -> memref<1x128x16xf32, #tpu.memory_space<vmem>>
      %dma_wait3A_2876 = tpu.memref_squeeze %dma_wait3A_2875 : memref<1x128x16xf32, #tpu.memory_space<vmem>> -> memref<128x16xf32, #tpu.memory_space<vmem>>
      %dma_wait3A_2877 = arith.constant 0 : i32
      %dma_wait3A_2878 = tpu.memref_slice %arg10[%dma_wait3A_2871, %dma_wait3A_2877] : memref<8x128xi32, #tpu.memory_space<vmem>> -> memref<1x128xi32, #tpu.memory_space<vmem>>
      %dma_wait3A_2879 = tpu.memref_squeeze %dma_wait3A_2878 : memref<1x128xi32, #tpu.memory_space<vmem>> -> memref<128xi32, #tpu.memory_space<vmem>>
      %dma_wait3A_2880 = arith.constant 0 : i32
      %dma_wait3A_2881 = arith.constant 0 : i32
      %dma_wait3A_2882 = tpu.memref_slice %arg2[%dma_wait3A_2880, %dma_wait3A_2881] : memref<100000x16xf32, #tpu.memory_space<hbm>> -> memref<100000x16xf32, #tpu.memory_space<hbm>>
      tpu.wait_indirect_dma semaphore(%arg15 : memref<!tpu.dma_semaphore, #tpu.memory_space<semaphore_mem>>) src(%dma_wait3A_2882 : memref<100000x16xf32, #tpu.memory_space<hbm>>) dst(%dma_wait3A_2876 : memref<128x16xf32, #tpu.memory_space<vmem>>)
      %dma_wait3A_2883 = arith.constant 5 : i32
      %dma_wait3A_2884 = arith.constant 5 : i32
      %dma_wait3A_2885 = arith.constant 0 : i32
      %dma_wait3A_2886 = arith.constant 0 : i32
      %dma_wait3A_2887 = tpu.memref_slice %arg11[%dma_wait3A_2884, %dma_wait3A_2885, %dma_wait3A_2886] : memref<8x128x16xf32, #tpu.memory_space<vmem>> -> memref<1x128x16xf32, #tpu.memory_space<vmem>>
      %dma_wait3A_2888 = tpu.memref_squeeze %dma_wait3A_2887 : memref<1x128x16xf32, #tpu.memory_space<vmem>> -> memref<128x16xf32, #tpu.memory_space<vmem>>
      %dma_wait3A_2889 = arith.constant 0 : i32
      %dma_wait3A_2890 = tpu.memref_slice %arg9[%dma_wait3A_2883, %dma_wait3A_2889] : memref<8x128xi32, #tpu.memory_space<vmem>> -> memref<1x128xi32, #tpu.memory_space<vmem>>
      %dma_wait3A_2891 = tpu.memref_squeeze %dma_wait3A_2890 : memref<1x128xi32, #tpu.memory_space<vmem>> -> memref<128xi32, #tpu.memory_space<vmem>>
      %dma_wait3A_2892 = arith.constant 0 : i32
      %dma_wait3A_2893 = arith.constant 0 : i32
      %dma_wait3A_2894 = tpu.memref_slice %arg2[%dma_wait3A_2892, %dma_wait3A_2893] : memref<100000x16xf32, #tpu.memory_space<hbm>> -> memref<100000x16xf32, #tpu.memory_space<hbm>>
      tpu.wait_indirect_dma semaphore(%arg15 : memref<!tpu.dma_semaphore, #tpu.memory_space<semaphore_mem>>) src(%dma_wait3A_2894 : memref<100000x16xf32, #tpu.memory_space<hbm>>) dst(%dma_wait3A_2888 : memref<128x16xf32, #tpu.memory_space<vmem>>)
      %dma_wait3A_2895 = arith.constant 5 : i32
      %dma_wait3A_2896 = arith.constant 5 : i32
      %dma_wait3A_2897 = arith.constant 0 : i32
      %dma_wait3A_2898 = arith.constant 0 : i32
      %dma_wait3A_2899 = tpu.memref_slice %arg12[%dma_wait3A_2896, %dma_wait3A_2897, %dma_wait3A_2898] : memref<8x128x16xf32, #tpu.memory_space<vmem>> -> memref<1x128x16xf32, #tpu.memory_space<vmem>>
      %dma_wait3A_2900 = tpu.memref_squeeze %dma_wait3A_2899 : memref<1x128x16xf32, #tpu.memory_space<vmem>> -> memref<128x16xf32, #tpu.memory_space<vmem>>
      %dma_wait3A_2901 = arith.constant 0 : i32
      %dma_wait3A_2902 = tpu.memref_slice %arg10[%dma_wait3A_2895, %dma_wait3A_2901] : memref<8x128xi32, #tpu.memory_space<vmem>> -> memref<1x128xi32, #tpu.memory_space<vmem>>
      %dma_wait3A_2903 = tpu.memref_squeeze %dma_wait3A_2902 : memref<1x128xi32, #tpu.memory_space<vmem>> -> memref<128xi32, #tpu.memory_space<vmem>>
      %dma_wait3A_2904 = arith.constant 0 : i32
      %dma_wait3A_2905 = arith.constant 0 : i32
      %dma_wait3A_2906 = tpu.memref_slice %arg2[%dma_wait3A_2904, %dma_wait3A_2905] : memref<100000x16xf32, #tpu.memory_space<hbm>> -> memref<100000x16xf32, #tpu.memory_space<hbm>>
      tpu.wait_indirect_dma semaphore(%arg15 : memref<!tpu.dma_semaphore, #tpu.memory_space<semaphore_mem>>) src(%dma_wait3A_2906 : memref<100000x16xf32, #tpu.memory_space<hbm>>) dst(%dma_wait3A_2900 : memref<128x16xf32, #tpu.memory_space<vmem>>)
      %dma_wait3A_2907 = arith.constant 6 : i32
      %dma_wait3A_2908 = arith.constant 6 : i32
      %dma_wait3A_2909 = arith.constant 0 : i32
      %dma_wait3A_2910 = arith.constant 0 : i32
      %dma_wait3A_2911 = tpu.memref_slice %arg11[%dma_wait3A_2908, %dma_wait3A_2909, %dma_wait3A_2910] : memref<8x128x16xf32, #tpu.memory_space<vmem>> -> memref<1x128x16xf32, #tpu.memory_space<vmem>>
      %dma_wait3A_2912 = tpu.memref_squeeze %dma_wait3A_2911 : memref<1x128x16xf32, #tpu.memory_space<vmem>> -> memref<128x16xf32, #tpu.memory_space<vmem>>
      %dma_wait3A_2913 = arith.constant 0 : i32
      %dma_wait3A_2914 = tpu.memref_slice %arg9[%dma_wait3A_2907, %dma_wait3A_2913] : memref<8x128xi32, #tpu.memory_space<vmem>> -> memref<1x128xi32, #tpu.memory_space<vmem>>
      %dma_wait3A_2915 = tpu.memref_squeeze %dma_wait3A_2914 : memref<1x128xi32, #tpu.memory_space<vmem>> -> memref<128xi32, #tpu.memory_space<vmem>>
      %dma_wait3A_2916 = arith.constant 0 : i32
      %dma_wait3A_2917 = arith.constant 0 : i32
      %dma_wait3A_2918 = tpu.memref_slice %arg2[%dma_wait3A_2916, %dma_wait3A_2917] : memref<100000x16xf32, #tpu.memory_space<hbm>> -> memref<100000x16xf32, #tpu.memory_space<hbm>>
      tpu.wait_indirect_dma semaphore(%arg15 : memref<!tpu.dma_semaphore, #tpu.memory_space<semaphore_mem>>) src(%dma_wait3A_2918 : memref<100000x16xf32, #tpu.memory_space<hbm>>) dst(%dma_wait3A_2912 : memref<128x16xf32, #tpu.memory_space<vmem>>)
      %dma_wait3A_2919 = arith.constant 6 : i32
      %dma_wait3A_2920 = arith.constant 6 : i32
      %dma_wait3A_2921 = arith.constant 0 : i32
      %dma_wait3A_2922 = arith.constant 0 : i32
      %dma_wait3A_2923 = tpu.memref_slice %arg12[%dma_wait3A_2920, %dma_wait3A_2921, %dma_wait3A_2922] : memref<8x128x16xf32, #tpu.memory_space<vmem>> -> memref<1x128x16xf32, #tpu.memory_space<vmem>>
      %dma_wait3A_2924 = tpu.memref_squeeze %dma_wait3A_2923 : memref<1x128x16xf32, #tpu.memory_space<vmem>> -> memref<128x16xf32, #tpu.memory_space<vmem>>
      %dma_wait3A_2925 = arith.constant 0 : i32
      %dma_wait3A_2926 = tpu.memref_slice %arg10[%dma_wait3A_2919, %dma_wait3A_2925] : memref<8x128xi32, #tpu.memory_space<vmem>> -> memref<1x128xi32, #tpu.memory_space<vmem>>
      %dma_wait3A_2927 = tpu.memref_squeeze %dma_wait3A_2926 : memref<1x128xi32, #tpu.memory_space<vmem>> -> memref<128xi32, #tpu.memory_space<vmem>>
      %dma_wait3A_2928 = arith.constant 0 : i32
      %dma_wait3A_2929 = arith.constant 0 : i32
      %dma_wait3A_2930 = tpu.memref_slice %arg2[%dma_wait3A_2928, %dma_wait3A_2929] : memref<100000x16xf32, #tpu.memory_space<hbm>> -> memref<100000x16xf32, #tpu.memory_space<hbm>>
      tpu.wait_indirect_dma semaphore(%arg15 : memref<!tpu.dma_semaphore, #tpu.memory_space<semaphore_mem>>) src(%dma_wait3A_2930 : memref<100000x16xf32, #tpu.memory_space<hbm>>) dst(%dma_wait3A_2924 : memref<128x16xf32, #tpu.memory_space<vmem>>)
      %dma_wait3A_2931 = arith.constant 7 : i32
      %dma_wait3A_2932 = arith.constant 7 : i32
      %dma_wait3A_2933 = arith.constant 0 : i32
      %dma_wait3A_2934 = arith.constant 0 : i32
      %dma_wait3A_2935 = tpu.memref_slice %arg11[%dma_wait3A_2932, %dma_wait3A_2933, %dma_wait3A_2934] : memref<8x128x16xf32, #tpu.memory_space<vmem>> -> memref<1x128x16xf32, #tpu.memory_space<vmem>>
      %dma_wait3A_2936 = tpu.memref_squeeze %dma_wait3A_2935 : memref<1x128x16xf32, #tpu.memory_space<vmem>> -> memref<128x16xf32, #tpu.memory_space<vmem>>
      %dma_wait3A_2937 = arith.constant 0 : i32
      %dma_wait3A_2938 = tpu.memref_slice %arg9[%dma_wait3A_2931, %dma_wait3A_2937] : memref<8x128xi32, #tpu.memory_space<vmem>> -> memref<1x128xi32, #tpu.memory_space<vmem>>
      %dma_wait3A_2939 = tpu.memref_squeeze %dma_wait3A_2938 : memref<1x128xi32, #tpu.memory_space<vmem>> -> memref<128xi32, #tpu.memory_space<vmem>>
      %dma_wait3A_2940 = arith.constant 0 : i32
      %dma_wait3A_2941 = arith.constant 0 : i32
      %dma_wait3A_2942 = tpu.memref_slice %arg2[%dma_wait3A_2940, %dma_wait3A_2941] : memref<100000x16xf32, #tpu.memory_space<hbm>> -> memref<100000x16xf32, #tpu.memory_space<hbm>>
      tpu.wait_indirect_dma semaphore(%arg15 : memref<!tpu.dma_semaphore, #tpu.memory_space<semaphore_mem>>) src(%dma_wait3A_2942 : memref<100000x16xf32, #tpu.memory_space<hbm>>) dst(%dma_wait3A_2936 : memref<128x16xf32, #tpu.memory_space<vmem>>)
      %dma_wait3A_2943 = arith.constant 7 : i32
      %dma_wait3A_2944 = arith.constant 7 : i32
      %dma_wait3A_2945 = arith.constant 0 : i32
      %dma_wait3A_2946 = arith.constant 0 : i32
      %dma_wait3A_2947 = tpu.memref_slice %arg12[%dma_wait3A_2944, %dma_wait3A_2945, %dma_wait3A_2946] : memref<8x128x16xf32, #tpu.memory_space<vmem>> -> memref<1x128x16xf32, #tpu.memory_space<vmem>>
      %dma_wait3A_2948 = tpu.memref_squeeze %dma_wait3A_2947 : memref<1x128x16xf32, #tpu.memory_space<vmem>> -> memref<128x16xf32, #tpu.memory_space<vmem>>
      %dma_wait3A_2949 = arith.constant 0 : i32
      %dma_wait3A_2950 = tpu.memref_slice %arg10[%dma_wait3A_2943, %dma_wait3A_2949] : memref<8x128xi32, #tpu.memory_space<vmem>> -> memref<1x128xi32, #tpu.memory_space<vmem>>
      %dma_wait3A_2951 = tpu.memref_squeeze %dma_wait3A_2950 : memref<1x128xi32, #tpu.memory_space<vmem>> -> memref<128xi32, #tpu.memory_space<vmem>>
      %dma_wait3A_2952 = arith.constant 0 : i32
      %dma_wait3A_2953 = arith.constant 0 : i32
      %dma_wait3A_2954 = tpu.memref_slice %arg2[%dma_wait3A_2952, %dma_wait3A_2953] : memref<100000x16xf32, #tpu.memory_space<hbm>> -> memref<100000x16xf32, #tpu.memory_space<hbm>>
      tpu.wait_indirect_dma semaphore(%arg15 : memref<!tpu.dma_semaphore, #tpu.memory_space<semaphore_mem>>) src(%dma_wait3A_2954 : memref<100000x16xf32, #tpu.memory_space<hbm>>) dst(%dma_wait3A_2948 : memref<128x16xf32, #tpu.memory_space<vmem>>)
      "tpu.region"() ({
        %run_scoped3A = tpu.sem_alloc : memref<!tpu.dma_semaphore, #tpu.memory_space<semaphore_mem>>
        %dma_start3A_2957 = arith.constant 0 : i32
        %dma_start3A_2958 = arith.constant 0 : i32
        %dma_start3A_2959 = tpu.memref_slice %arg6[%add3A_11, %dma_start3A_2957, %dma_start3A_2958] : memref<12544x128x16xf32, #tpu.memory_space<hbm>> -> memref<8x128x16xf32, #tpu.memory_space<hbm>>
        %dma_start3A_2960 = arith.constant 0 : i32
        %dma_start3A_2961 = arith.constant 0 : i32
        %dma_start3A_2962 = tpu.memref_slice %arg6[%add3A_11, %dma_start3A_2960, %dma_start3A_2961] : memref<12544x128x16xf32, #tpu.memory_space<hbm>> -> memref<8x128x16xf32, #tpu.memory_space<hbm>>
        tpu.enqueue_dma source(%arg11 : memref<8x128x16xf32, #tpu.memory_space<vmem>>) target(%dma_start3A_2962 : memref<8x128x16xf32, #tpu.memory_space<hbm>>) target_semaphore(%run_scoped3A : memref<!tpu.dma_semaphore, #tpu.memory_space<semaphore_mem>>)
        %dma_wait3A_2963 = arith.constant 0 : i32
        %dma_wait3A_2964 = arith.constant 0 : i32
        %dma_wait3A_2965 = tpu.memref_slice %arg6[%add3A_11, %dma_wait3A_2963, %dma_wait3A_2964] : memref<12544x128x16xf32, #tpu.memory_space<hbm>> -> memref<8x128x16xf32, #tpu.memory_space<hbm>>
        %dma_wait3A_2966 = arith.constant 0 : i32
        %dma_wait3A_2967 = arith.constant 0 : i32
        %dma_wait3A_2968 = tpu.memref_slice %arg6[%add3A_11, %dma_wait3A_2966, %dma_wait3A_2967] : memref<12544x128x16xf32, #tpu.memory_space<hbm>> -> memref<8x128x16xf32, #tpu.memory_space<hbm>>
        tpu.wait_dma2 semaphore(%run_scoped3A : memref<!tpu.dma_semaphore, #tpu.memory_space<semaphore_mem>>) src(%arg11 : memref<8x128x16xf32, #tpu.memory_space<vmem>>) dst(%dma_wait3A_2968 : memref<8x128x16xf32, #tpu.memory_space<hbm>>)
        tpu.yield
      }) : () -> ()
      "tpu.region"() ({
        %run_scoped3A = tpu.sem_alloc : memref<!tpu.dma_semaphore, #tpu.memory_space<semaphore_mem>>
        %dma_start3A_2957 = arith.constant 0 : i32
        %dma_start3A_2958 = arith.constant 0 : i32
        %dma_start3A_2959 = tpu.memref_slice %arg7[%add3A_11, %dma_start3A_2957, %dma_start3A_2958] : memref<12544x128x16xf32, #tpu.memory_space<hbm>> -> memref<8x128x16xf32, #tpu.memory_space<hbm>>
        %dma_start3A_2960 = arith.constant 0 : i32
        %dma_start3A_2961 = arith.constant 0 : i32
        %dma_start3A_2962 = tpu.memref_slice %arg7[%add3A_11, %dma_start3A_2960, %dma_start3A_2961] : memref<12544x128x16xf32, #tpu.memory_space<hbm>> -> memref<8x128x16xf32, #tpu.memory_space<hbm>>
        tpu.enqueue_dma source(%arg12 : memref<8x128x16xf32, #tpu.memory_space<vmem>>) target(%dma_start3A_2962 : memref<8x128x16xf32, #tpu.memory_space<hbm>>) target_semaphore(%run_scoped3A : memref<!tpu.dma_semaphore, #tpu.memory_space<semaphore_mem>>)
        %dma_wait3A_2963 = arith.constant 0 : i32
        %dma_wait3A_2964 = arith.constant 0 : i32
        %dma_wait3A_2965 = tpu.memref_slice %arg7[%add3A_11, %dma_wait3A_2963, %dma_wait3A_2964] : memref<12544x128x16xf32, #tpu.memory_space<hbm>> -> memref<8x128x16xf32, #tpu.memory_space<hbm>>
        %dma_wait3A_2966 = arith.constant 0 : i32
        %dma_wait3A_2967 = arith.constant 0 : i32
        %dma_wait3A_2968 = tpu.memref_slice %arg7[%add3A_11, %dma_wait3A_2966, %dma_wait3A_2967] : memref<12544x128x16xf32, #tpu.memory_space<hbm>> -> memref<8x128x16xf32, #tpu.memory_space<hbm>>
        tpu.wait_dma2 semaphore(%run_scoped3A : memref<!tpu.dma_semaphore, #tpu.memory_space<semaphore_mem>>) src(%arg12 : memref<8x128x16xf32, #tpu.memory_space<vmem>>) dst(%dma_wait3A_2968 : memref<8x128x16xf32, #tpu.memory_space<hbm>>)
        tpu.yield
      }) : () -> ()
      %mul3A_2955 = arith.constant 16 : i32
      %mul3A_2956 = arith.muli %mul3A_13, %mul3A_2955 : i32
      "tpu.region"() ({
        %run_scoped3A = tpu.sem_alloc : memref<!tpu.dma_semaphore, #tpu.memory_space<semaphore_mem>>
        %dma_start3A_2957 = tpu.memref_slice %arg8[%mul3A_2956] : memref<25690112xf32, #tpu.memory_space<hbm>> -> memref<16384xf32, #tpu.memory_space<hbm>>
        %dma_start3A_2958 = tpu.memref_slice %arg8[%mul3A_2956] : memref<25690112xf32, #tpu.memory_space<hbm>> -> memref<16384xf32, #tpu.memory_space<hbm>>
        tpu.enqueue_dma source(%arg14 : memref<16384xf32, #tpu.memory_space<vmem>>) target(%dma_start3A_2958 : memref<16384xf32, #tpu.memory_space<hbm>>) target_semaphore(%run_scoped3A : memref<!tpu.dma_semaphore, #tpu.memory_space<semaphore_mem>>)
        %dma_wait3A_2959 = tpu.memref_slice %arg8[%mul3A_2956] : memref<25690112xf32, #tpu.memory_space<hbm>> -> memref<16384xf32, #tpu.memory_space<hbm>>
        %dma_wait3A_2960 = tpu.memref_slice %arg8[%mul3A_2956] : memref<25690112xf32, #tpu.memory_space<hbm>> -> memref<16384xf32, #tpu.memory_space<hbm>>
        tpu.wait_dma2 semaphore(%run_scoped3A : memref<!tpu.dma_semaphore, #tpu.memory_space<semaphore_mem>>) src(%arg14 : memref<16384xf32, #tpu.memory_space<vmem>>) dst(%dma_wait3A_2960 : memref<16384xf32, #tpu.memory_space<hbm>>)
        tpu.yield
      }) : () -> ()
    }
    %scan3A_7 = arith.constant 49 : i32
    return
  }
}

module attributes {stable_mosaic.version = 14 : i64} {
  func.func @_edge_body(%arg0: i32, %arg1: memref<512x128xf32, #tpu.memory_space<vmem>>, %arg2: memref<512x128xf32, #tpu.memory_space<vmem>>, %arg3: memref<512x128xf32, #tpu.memory_space<vmem>>, %arg4: memref<128x320xf32, #tpu.memory_space<vmem>>, %arg5: memref<128x320xf32, #tpu.memory_space<vmem>>, %arg6: memref<128x320xf32, #tpu.memory_space<vmem>>, %arg7: memref<1x320xf32, #tpu.memory_space<vmem>>, %arg8: memref<320x8xf32, #tpu.memory_space<vmem>>, %arg9: memref<1x8xf32, #tpu.memory_space<vmem>>, %arg10: memref<320x128xf32, #tpu.memory_space<vmem>>, %arg11: memref<1x128xf32, #tpu.memory_space<vmem>>, %arg12: memref<128x320xf32, #tpu.memory_space<vmem>>, %arg13: memref<320x40xf32, #tpu.memory_space<vmem>>, %arg14: memref<128x320xf32, #tpu.memory_space<vmem>>, %arg15: memref<320x32xf32, #tpu.memory_space<vmem>>, %arg16: memref<40x320xf32, #tpu.memory_space<vmem>>, %arg17: memref<40x320xf32, #tpu.memory_space<vmem>>, %arg18: memref<32x320xf32, #tpu.memory_space<vmem>>, %arg19: memref<1x320xf32, #tpu.memory_space<vmem>>, %arg20: memref<320x128xf32, #tpu.memory_space<vmem>>, %arg21: memref<1x128xf32, #tpu.memory_space<vmem>>, %arg22: memref<512x8xf32, #tpu.memory_space<vmem>>, %arg23: memref<512x8xf32, #tpu.memory_space<vmem>>, %arg24: memref<512x128xf32, #tpu.memory_space<vmem>>) attributes {dimension_semantics = [#tpu.dimension_semantics<arbitrary>], iteration_bounds = array<i64: 392>, scalar_prefetch = 0 : i64, scratch_operands = 0 : i64, tpu.core_type = #tpu.core_type<tc>, window_params = [{transform_indices = @transform_0, window_bounds = array<i64: 512, 128>}, {transform_indices = @transform_1, window_bounds = array<i64: 512, 128>}, {transform_indices = @transform_2, window_bounds = array<i64: 512, 128>}, {pipeline_mode = #tpu.pipeline_mode<synchronous>, transform_indices = @transform_3, window_bounds = array<i64: 128, 320>}, {pipeline_mode = #tpu.pipeline_mode<synchronous>, transform_indices = @transform_4, window_bounds = array<i64: 128, 320>}, {pipeline_mode = #tpu.pipeline_mode<synchronous>, transform_indices = @transform_5, window_bounds = array<i64: 128, 320>}, {pipeline_mode = #tpu.pipeline_mode<synchronous>, transform_indices = @transform_6, window_bounds = array<i64: 1, 320>}, {pipeline_mode = #tpu.pipeline_mode<synchronous>, transform_indices = @transform_7, window_bounds = array<i64: 320, 8>}, {pipeline_mode = #tpu.pipeline_mode<synchronous>, transform_indices = @transform_8, window_bounds = array<i64: 1, 8>}, {pipeline_mode = #tpu.pipeline_mode<synchronous>, transform_indices = @transform_9, window_bounds = array<i64: 320, 128>}, {pipeline_mode = #tpu.pipeline_mode<synchronous>, transform_indices = @transform_10, window_bounds = array<i64: 1, 128>}, {pipeline_mode = #tpu.pipeline_mode<synchronous>, transform_indices = @transform_11, window_bounds = array<i64: 128, 320>}, {pipeline_mode = #tpu.pipeline_mode<synchronous>, transform_indices = @transform_12, window_bounds = array<i64: 320, 40>}, {pipeline_mode = #tpu.pipeline_mode<synchronous>, transform_indices = @transform_13, window_bounds = array<i64: 128, 320>}, {pipeline_mode = #tpu.pipeline_mode<synchronous>, transform_indices = @transform_14, window_bounds = array<i64: 320, 32>}, {pipeline_mode = #tpu.pipeline_mode<synchronous>, transform_indices = @transform_15, window_bounds = array<i64: 40, 320>}, {pipeline_mode = #tpu.pipeline_mode<synchronous>, transform_indices = @transform_16, window_bounds = array<i64: 40, 320>}, {pipeline_mode = #tpu.pipeline_mode<synchronous>, transform_indices = @transform_17, window_bounds = array<i64: 32, 320>}, {pipeline_mode = #tpu.pipeline_mode<synchronous>, transform_indices = @transform_18, window_bounds = array<i64: 1, 320>}, {pipeline_mode = #tpu.pipeline_mode<synchronous>, transform_indices = @transform_19, window_bounds = array<i64: 320, 128>}, {pipeline_mode = #tpu.pipeline_mode<synchronous>, transform_indices = @transform_20, window_bounds = array<i64: 1, 128>}, {transform_indices = @transform_21, window_bounds = array<i64: 512, 8>}, {transform_indices = @transform_22, window_bounds = array<i64: 512, 8>}, {transform_indices = @transform_23, window_bounds = array<i64: 512, 128>}]} {
    %get3A = arith.constant 0 : index
    %get3A_0 = arith.constant 0 : index
    %get3A_1 = vector.load %arg1[%get3A, %get3A_0] : memref<512x128xf32, #tpu.memory_space<vmem>>, vector<512x128xf32>
    %get3A_2 = arith.constant 0 : index
    %get3A_3 = arith.constant 0 : index
    %get3A_4 = vector.load %arg2[%get3A_2, %get3A_3] : memref<512x128xf32, #tpu.memory_space<vmem>>, vector<512x128xf32>
    %get3A_5 = arith.constant 0 : index
    %get3A_6 = arith.constant 0 : index
    %get3A_7 = vector.load %arg3[%get3A_5, %get3A_6] : memref<512x128xf32, #tpu.memory_space<vmem>>, vector<512x128xf32>
    %get3A_8 = arith.constant 0 : index
    %get3A_9 = arith.constant 0 : index
    %get3A_10 = vector.load %arg4[%get3A_8, %get3A_9] : memref<128x320xf32, #tpu.memory_space<vmem>>, vector<128x320xf32>
    %dot_general3A = arith.constant dense<0.000000e+00> : vector<512x320xf32>
    %dot_general3A_11 = tpu.matmul %get3A_1, %get3A_10, %dot_general3A {dimension_numbers = #tpu.dot_dimension_numbers<[1], [0], [0], [1], [0, 0, 1, 1], [], []>, transpose_lhs_hint = false} : vector<512x128xf32>, vector<128x320xf32>, vector<512x320xf32> -> vector<512x320xf32>
    %get3A_12 = arith.constant 0 : index
    %get3A_13 = arith.constant 0 : index
    %get3A_14 = vector.load %arg5[%get3A_12, %get3A_13] : memref<128x320xf32, #tpu.memory_space<vmem>>, vector<128x320xf32>
    %dot_general3A_15 = arith.constant dense<0.000000e+00> : vector<512x320xf32>
    %dot_general3A_16 = tpu.matmul %get3A_4, %get3A_14, %dot_general3A_15 {dimension_numbers = #tpu.dot_dimension_numbers<[1], [0], [0], [1], [0, 0, 1, 1], [], []>, transpose_lhs_hint = false} : vector<512x128xf32>, vector<128x320xf32>, vector<512x320xf32> -> vector<512x320xf32>
    %add3A = arith.addf %dot_general3A_11, %dot_general3A_16 : vector<512x320xf32>
    %get3A_17 = arith.constant 0 : index
    %get3A_18 = arith.constant 0 : index
    %get3A_19 = vector.load %arg6[%get3A_17, %get3A_18] : memref<128x320xf32, #tpu.memory_space<vmem>>, vector<128x320xf32>
    %dot_general3A_20 = arith.constant dense<0.000000e+00> : vector<512x320xf32>
    %dot_general3A_21 = tpu.matmul %get3A_7, %get3A_19, %dot_general3A_20 {dimension_numbers = #tpu.dot_dimension_numbers<[1], [0], [0], [1], [0, 0, 1, 1], [], []>, transpose_lhs_hint = false} : vector<512x128xf32>, vector<128x320xf32>, vector<512x320xf32> -> vector<512x320xf32>
    %add3A_22 = arith.addf %add3A, %dot_general3A_21 : vector<512x320xf32>
    %get3A_23 = arith.constant 0 : index
    %get3A_24 = arith.constant 0 : index
    %get3A_25 = vector.load %arg7[%get3A_23, %get3A_24] : memref<1x320xf32, #tpu.memory_space<vmem>>, vector<1x320xf32>
    %add3A_26 = vector.broadcast %get3A_25 : vector<1x320xf32> to vector<512x320xf32>
    %add3A_27 = arith.addf %add3A_22, %add3A_26 : vector<512x320xf32>
    %max3A = arith.constant 0.000000e+00 : f32
    %max3A_28 = vector.broadcast %max3A : f32 to vector<512x320xf32>
    %max3A_29 = arith.maximumf %add3A_27, %max3A_28 : vector<512x320xf32>
    %get3A_30 = arith.constant 0 : index
    %get3A_31 = arith.constant 0 : index
    %get3A_32 = vector.load %arg8[%get3A_30, %get3A_31] : memref<320x8xf32, #tpu.memory_space<vmem>>, vector<320x8xf32>
    %dot_general3A_33 = arith.constant dense<0.000000e+00> : vector<512x8xf32>
    %dot_general3A_34 = tpu.matmul %max3A_29, %get3A_32, %dot_general3A_33 {dimension_numbers = #tpu.dot_dimension_numbers<[1], [0], [0], [1], [0, 0, 1, 1], [], []>, transpose_lhs_hint = false} : vector<512x320xf32>, vector<320x8xf32>, vector<512x8xf32> -> vector<512x8xf32>
    %get3A_35 = arith.constant 0 : index
    %get3A_36 = arith.constant 0 : index
    %get3A_37 = vector.load %arg9[%get3A_35, %get3A_36] : memref<1x8xf32, #tpu.memory_space<vmem>>, vector<1x8xf32>
    %add3A_38 = vector.broadcast %get3A_37 : vector<1x8xf32> to vector<512x8xf32>
    %add3A_39 = arith.addf %dot_general3A_34, %add3A_38 : vector<512x8xf32>
    %logistic3A = arith.negf %add3A_39 : vector<512x8xf32>
    %logistic3A_40 = math.exp %logistic3A : vector<512x8xf32>
    %logistic3A_41 = arith.constant 1.000000e+00 : f32
    %logistic3A_42 = vector.broadcast %logistic3A_41 : f32 to vector<512x8xf32>
    %logistic3A_43 = arith.addf %logistic3A_42, %logistic3A_40 : vector<512x8xf32>
    %logistic3A_44 = arith.divf %logistic3A_42, %logistic3A_43 : vector<512x8xf32>
    %gt3A = arith.constant 5.000000e-01 : f32
    %gt3A_45 = vector.broadcast %gt3A : f32 to vector<512x8xf32>
    %gt3A_46 = arith.cmpf ogt, %logistic3A_44, %gt3A_45 : vector<512x8xf32>
    %convert_element_type3A = arith.extui %gt3A_46 : vector<512x8xi1> to vector<512x8xi32>
    %convert_element_type3A_47 = arith.sitofp %convert_element_type3A : vector<512x8xi32> to vector<512x8xf32>
    %get3A_48 = arith.constant 0 : index
    %get3A_49 = arith.constant 0 : index
    %get3A_50 = vector.load %arg10[%get3A_48, %get3A_49] : memref<320x128xf32, #tpu.memory_space<vmem>>, vector<320x128xf32>
    %dot_general3A_51 = arith.constant dense<0.000000e+00> : vector<512x128xf32>
    %dot_general3A_52 = tpu.matmul %max3A_29, %get3A_50, %dot_general3A_51 {dimension_numbers = #tpu.dot_dimension_numbers<[1], [0], [0], [1], [0, 0, 1, 1], [], []>, transpose_lhs_hint = false} : vector<512x320xf32>, vector<320x128xf32>, vector<512x128xf32> -> vector<512x128xf32>
    %get3A_53 = arith.constant 0 : index
    %get3A_54 = arith.constant 0 : index
    %get3A_55 = vector.load %arg11[%get3A_53, %get3A_54] : memref<1x128xf32, #tpu.memory_space<vmem>>, vector<1x128xf32>
    %add3A_56 = vector.broadcast %get3A_55 : vector<1x128xf32> to vector<512x128xf32>
    %add3A_57 = arith.addf %dot_general3A_52, %add3A_56 : vector<512x128xf32>
    %logistic3A_58 = arith.negf %add3A_57 : vector<512x128xf32>
    %logistic3A_59 = math.exp %logistic3A_58 : vector<512x128xf32>
    %logistic3A_60 = arith.constant 1.000000e+00 : f32
    %logistic3A_61 = vector.broadcast %logistic3A_60 : f32 to vector<512x128xf32>
    %logistic3A_62 = arith.addf %logistic3A_61, %logistic3A_59 : vector<512x128xf32>
    %logistic3A_63 = arith.divf %logistic3A_61, %logistic3A_62 : vector<512x128xf32>
    %gt3A_64 = arith.constant 5.000000e-01 : f32
    %gt3A_65 = vector.broadcast %gt3A_64 : f32 to vector<512x128xf32>
    %gt3A_66 = arith.cmpf ogt, %logistic3A_63, %gt3A_65 : vector<512x128xf32>
    %convert_element_type3A_67 = arith.extui %gt3A_66 : vector<512x128xi1> to vector<512x128xi32>
    %convert_element_type3A_68 = arith.sitofp %convert_element_type3A_67 : vector<512x128xi32> to vector<512x128xf32>
    %get3A_69 = arith.constant 0 : index
    %get3A_70 = arith.constant 0 : index
    %get3A_71 = vector.load %arg12[%get3A_69, %get3A_70] : memref<128x320xf32, #tpu.memory_space<vmem>>, vector<128x320xf32>
    %dot_general3A_72 = arith.constant dense<0.000000e+00> : vector<512x320xf32>
    %dot_general3A_73 = tpu.matmul %get3A_1, %get3A_71, %dot_general3A_72 {dimension_numbers = #tpu.dot_dimension_numbers<[1], [0], [0], [1], [0, 0, 1, 1], [], []>, transpose_lhs_hint = false} : vector<512x128xf32>, vector<128x320xf32>, vector<512x320xf32> -> vector<512x320xf32>
    %max3A_74 = arith.constant 0.000000e+00 : f32
    %max3A_75 = vector.broadcast %max3A_74 : f32 to vector<512x320xf32>
    %max3A_76 = arith.maximumf %dot_general3A_73, %max3A_75 : vector<512x320xf32>
    %get3A_77 = arith.constant 0 : index
    %get3A_78 = arith.constant 0 : index
    %get3A_79 = vector.load %arg13[%get3A_77, %get3A_78] : memref<320x40xf32, #tpu.memory_space<vmem>>, vector<320x40xf32>
    %dot_general3A_80 = arith.constant dense<0.000000e+00> : vector<512x40xf32>
    %dot_general3A_81 = tpu.matmul %max3A_76, %get3A_79, %dot_general3A_80 {dimension_numbers = #tpu.dot_dimension_numbers<[1], [0], [0], [1], [0, 0, 1, 1], [], []>, transpose_lhs_hint = false} : vector<512x320xf32>, vector<320x40xf32>, vector<512x40xf32> -> vector<512x40xf32>
    %max3A_82 = arith.constant 0.000000e+00 : f32
    %max3A_83 = vector.broadcast %max3A_82 : f32 to vector<512x40xf32>
    %max3A_84 = arith.maximumf %dot_general3A_81, %max3A_83 : vector<512x40xf32>
    %get3A_85 = arith.constant 0 : index
    %get3A_86 = arith.constant 0 : index
    %get3A_87 = vector.load %arg12[%get3A_85, %get3A_86] : memref<128x320xf32, #tpu.memory_space<vmem>>, vector<128x320xf32>
    %dot_general3A_88 = arith.constant dense<0.000000e+00> : vector<512x320xf32>
    %dot_general3A_89 = tpu.matmul %get3A_4, %get3A_87, %dot_general3A_88 {dimension_numbers = #tpu.dot_dimension_numbers<[1], [0], [0], [1], [0, 0, 1, 1], [], []>, transpose_lhs_hint = false} : vector<512x128xf32>, vector<128x320xf32>, vector<512x320xf32> -> vector<512x320xf32>
    %max3A_90 = arith.constant 0.000000e+00 : f32
    %max3A_91 = vector.broadcast %max3A_90 : f32 to vector<512x320xf32>
    %max3A_92 = arith.maximumf %dot_general3A_89, %max3A_91 : vector<512x320xf32>
    %get3A_93 = arith.constant 0 : index
    %get3A_94 = arith.constant 0 : index
    %get3A_95 = vector.load %arg13[%get3A_93, %get3A_94] : memref<320x40xf32, #tpu.memory_space<vmem>>, vector<320x40xf32>
    %dot_general3A_96 = arith.constant dense<0.000000e+00> : vector<512x40xf32>
    %dot_general3A_97 = tpu.matmul %max3A_92, %get3A_95, %dot_general3A_96 {dimension_numbers = #tpu.dot_dimension_numbers<[1], [0], [0], [1], [0, 0, 1, 1], [], []>, transpose_lhs_hint = false} : vector<512x320xf32>, vector<320x40xf32>, vector<512x40xf32> -> vector<512x40xf32>
    %max3A_98 = arith.constant 0.000000e+00 : f32
    %max3A_99 = vector.broadcast %max3A_98 : f32 to vector<512x40xf32>
    %max3A_100 = arith.maximumf %dot_general3A_97, %max3A_99 : vector<512x40xf32>
    %get3A_101 = arith.constant 0 : index
    %get3A_102 = arith.constant 0 : index
    %get3A_103 = vector.load %arg14[%get3A_101, %get3A_102] : memref<128x320xf32, #tpu.memory_space<vmem>>, vector<128x320xf32>
    %dot_general3A_104 = arith.constant dense<0.000000e+00> : vector<512x320xf32>
    %dot_general3A_105 = tpu.matmul %get3A_7, %get3A_103, %dot_general3A_104 {dimension_numbers = #tpu.dot_dimension_numbers<[1], [0], [0], [1], [0, 0, 1, 1], [], []>, transpose_lhs_hint = false} : vector<512x128xf32>, vector<128x320xf32>, vector<512x320xf32> -> vector<512x320xf32>
    %max3A_106 = arith.constant 0.000000e+00 : f32
    %max3A_107 = vector.broadcast %max3A_106 : f32 to vector<512x320xf32>
    %max3A_108 = arith.maximumf %dot_general3A_105, %max3A_107 : vector<512x320xf32>
    %get3A_109 = arith.constant 0 : index
    %get3A_110 = arith.constant 0 : index
    %get3A_111 = vector.load %arg15[%get3A_109, %get3A_110] : memref<320x32xf32, #tpu.memory_space<vmem>>, vector<320x32xf32>
    %dot_general3A_112 = arith.constant dense<0.000000e+00> : vector<512x32xf32>
    %dot_general3A_113 = tpu.matmul %max3A_108, %get3A_111, %dot_general3A_112 {dimension_numbers = #tpu.dot_dimension_numbers<[1], [0], [0], [1], [0, 0, 1, 1], [], []>, transpose_lhs_hint = false} : vector<512x320xf32>, vector<320x32xf32>, vector<512x32xf32> -> vector<512x32xf32>
    %max3A_114 = arith.constant 0.000000e+00 : f32
    %max3A_115 = vector.broadcast %max3A_114 : f32 to vector<512x32xf32>
    %max3A_116 = arith.maximumf %dot_general3A_113, %max3A_115 : vector<512x32xf32>
    %get3A_117 = arith.constant 0 : index
    %get3A_118 = arith.constant 0 : index
    %get3A_119 = vector.load %arg16[%get3A_117, %get3A_118] : memref<40x320xf32, #tpu.memory_space<vmem>>, vector<40x320xf32>
    %dot_general3A_120 = arith.constant dense<0.000000e+00> : vector<512x320xf32>
    %dot_general3A_121 = tpu.matmul %max3A_84, %get3A_119, %dot_general3A_120 {dimension_numbers = #tpu.dot_dimension_numbers<[1], [0], [0], [1], [0, 0, 1, 1], [], []>, transpose_lhs_hint = false} : vector<512x40xf32>, vector<40x320xf32>, vector<512x320xf32> -> vector<512x320xf32>
    %get3A_122 = arith.constant 0 : index
    %get3A_123 = arith.constant 0 : index
    %get3A_124 = vector.load %arg17[%get3A_122, %get3A_123] : memref<40x320xf32, #tpu.memory_space<vmem>>, vector<40x320xf32>
    %dot_general3A_125 = arith.constant dense<0.000000e+00> : vector<512x320xf32>
    %dot_general3A_126 = tpu.matmul %max3A_100, %get3A_124, %dot_general3A_125 {dimension_numbers = #tpu.dot_dimension_numbers<[1], [0], [0], [1], [0, 0, 1, 1], [], []>, transpose_lhs_hint = false} : vector<512x40xf32>, vector<40x320xf32>, vector<512x320xf32> -> vector<512x320xf32>
    %add3A_127 = arith.addf %dot_general3A_121, %dot_general3A_126 : vector<512x320xf32>
    %get3A_128 = arith.constant 0 : index
    %get3A_129 = arith.constant 0 : index
    %get3A_130 = vector.load %arg18[%get3A_128, %get3A_129] : memref<32x320xf32, #tpu.memory_space<vmem>>, vector<32x320xf32>
    %dot_general3A_131 = arith.constant dense<0.000000e+00> : vector<512x320xf32>
    %dot_general3A_132 = tpu.matmul %max3A_116, %get3A_130, %dot_general3A_131 {dimension_numbers = #tpu.dot_dimension_numbers<[1], [0], [0], [1], [0, 0, 1, 1], [], []>, transpose_lhs_hint = false} : vector<512x32xf32>, vector<32x320xf32>, vector<512x320xf32> -> vector<512x320xf32>
    %add3A_133 = arith.addf %add3A_127, %dot_general3A_132 : vector<512x320xf32>
    %get3A_134 = arith.constant 0 : index
    %get3A_135 = arith.constant 0 : index
    %get3A_136 = vector.load %arg19[%get3A_134, %get3A_135] : memref<1x320xf32, #tpu.memory_space<vmem>>, vector<1x320xf32>
    %add3A_137 = vector.broadcast %get3A_136 : vector<1x320xf32> to vector<512x320xf32>
    %add3A_138 = arith.addf %add3A_133, %add3A_137 : vector<512x320xf32>
    %max3A_139 = arith.constant 0.000000e+00 : f32
    %max3A_140 = vector.broadcast %max3A_139 : f32 to vector<512x320xf32>
    %max3A_141 = arith.maximumf %add3A_138, %max3A_140 : vector<512x320xf32>
    %get3A_142 = arith.constant 0 : index
    %get3A_143 = arith.constant 0 : index
    %get3A_144 = vector.load %arg20[%get3A_142, %get3A_143] : memref<320x128xf32, #tpu.memory_space<vmem>>, vector<320x128xf32>
    %dot_general3A_145 = arith.constant dense<0.000000e+00> : vector<512x128xf32>
    %dot_general3A_146 = tpu.matmul %max3A_141, %get3A_144, %dot_general3A_145 {dimension_numbers = #tpu.dot_dimension_numbers<[1], [0], [0], [1], [0, 0, 1, 1], [], []>, transpose_lhs_hint = false} : vector<512x320xf32>, vector<320x128xf32>, vector<512x128xf32> -> vector<512x128xf32>
    %get3A_147 = arith.constant 0 : index
    %get3A_148 = arith.constant 0 : index
    %get3A_149 = vector.load %arg21[%get3A_147, %get3A_148] : memref<1x128xf32, #tpu.memory_space<vmem>>, vector<1x128xf32>
    %add3A_150 = vector.broadcast %get3A_149 : vector<1x128xf32> to vector<512x128xf32>
    %add3A_151 = arith.addf %dot_general3A_146, %add3A_150 : vector<512x128xf32>
    %mul3A = arith.mulf %add3A_151, %convert_element_type3A_68 : vector<512x128xf32>
    %swap3A = arith.constant 0 : index
    %swap3A_152 = arith.constant 0 : index
    %swap3A_153 = vector.load %arg22[%swap3A, %swap3A_152] : memref<512x8xf32, #tpu.memory_space<vmem>>, vector<512x8xf32>
    tpu.vector_store %arg22[%swap3A, %swap3A_152], %logistic3A_44 {strides = array<i32>} : memref<512x8xf32, #tpu.memory_space<vmem>>, vector<512x8xf32>,
    %swap3A_154 = arith.constant 0 : index
    %swap3A_155 = arith.constant 0 : index
    %swap3A_156 = vector.load %arg23[%swap3A_154, %swap3A_155] : memref<512x8xf32, #tpu.memory_space<vmem>>, vector<512x8xf32>
    tpu.vector_store %arg23[%swap3A_154, %swap3A_155], %convert_element_type3A_47 {strides = array<i32>} : memref<512x8xf32, #tpu.memory_space<vmem>>, vector<512x8xf32>,
    %swap3A_157 = arith.constant 0 : index
    %swap3A_158 = arith.constant 0 : index
    %swap3A_159 = vector.load %arg24[%swap3A_157, %swap3A_158] : memref<512x128xf32, #tpu.memory_space<vmem>>, vector<512x128xf32>
    tpu.vector_store %arg24[%swap3A_157, %swap3A_158], %mul3A {strides = array<i32>} : memref<512x128xf32, #tpu.memory_space<vmem>>, vector<512x128xf32>,
    return
  }
  func.func @transform_0(%arg0: i32) -> (i32, i32) {
    %c0_i32 = arith.constant 0 : i32
    %c0_i32_0 = arith.constant 0 : i32
    return %arg0, %c0_i32 : i32, i32
  }
  func.func @transform_1(%arg0: i32) -> (i32, i32) {
    %c0_i32 = arith.constant 0 : i32
    %c0_i32_0 = arith.constant 0 : i32
    return %arg0, %c0_i32 : i32, i32
  }
  func.func @transform_2(%arg0: i32) -> (i32, i32) {
    %c0_i32 = arith.constant 0 : i32
    %c0_i32_0 = arith.constant 0 : i32
    return %arg0, %c0_i32 : i32, i32
  }
  func.func @transform_3(%arg0: i32) -> (i32, i32) {
    %c0_i32 = arith.constant 0 : i32
    %c0_i32_0 = arith.constant 0 : i32
    %c0_i32_1 = arith.constant 0 : i32
    return %c0_i32, %c0_i32_0 : i32, i32
  }
  func.func @transform_4(%arg0: i32) -> (i32, i32) {
    %c0_i32 = arith.constant 0 : i32
    %c0_i32_0 = arith.constant 0 : i32
    %c0_i32_1 = arith.constant 0 : i32
    return %c0_i32, %c0_i32_0 : i32, i32
  }
  func.func @transform_5(%arg0: i32) -> (i32, i32) {
    %c0_i32 = arith.constant 0 : i32
    %c0_i32_0 = arith.constant 0 : i32
    %c0_i32_1 = arith.constant 0 : i32
    return %c0_i32, %c0_i32_0 : i32, i32
  }
  func.func @transform_6(%arg0: i32) -> (i32, i32) {
    %c0_i32 = arith.constant 0 : i32
    %c0_i32_0 = arith.constant 0 : i32
    %c0_i32_1 = arith.constant 0 : i32
    return %c0_i32, %c0_i32_0 : i32, i32
  }
  func.func @transform_7(%arg0: i32) -> (i32, i32) {
    %c0_i32 = arith.constant 0 : i32
    %c0_i32_0 = arith.constant 0 : i32
    %c0_i32_1 = arith.constant 0 : i32
    return %c0_i32, %c0_i32_0 : i32, i32
  }
  func.func @transform_8(%arg0: i32) -> (i32, i32) {
    %c0_i32 = arith.constant 0 : i32
    %c0_i32_0 = arith.constant 0 : i32
    %c0_i32_1 = arith.constant 0 : i32
    return %c0_i32, %c0_i32_0 : i32, i32
  }
  func.func @transform_9(%arg0: i32) -> (i32, i32) {
    %c0_i32 = arith.constant 0 : i32
    %c0_i32_0 = arith.constant 0 : i32
    %c0_i32_1 = arith.constant 0 : i32
    return %c0_i32, %c0_i32_0 : i32, i32
  }
  func.func @transform_10(%arg0: i32) -> (i32, i32) {
    %c0_i32 = arith.constant 0 : i32
    %c0_i32_0 = arith.constant 0 : i32
    %c0_i32_1 = arith.constant 0 : i32
    return %c0_i32, %c0_i32_0 : i32, i32
  }
  func.func @transform_11(%arg0: i32) -> (i32, i32) {
    %c0_i32 = arith.constant 0 : i32
    %c0_i32_0 = arith.constant 0 : i32
    %c0_i32_1 = arith.constant 0 : i32
    return %c0_i32, %c0_i32_0 : i32, i32
  }
  func.func @transform_12(%arg0: i32) -> (i32, i32) {
    %c0_i32 = arith.constant 0 : i32
    %c0_i32_0 = arith.constant 0 : i32
    %c0_i32_1 = arith.constant 0 : i32
    return %c0_i32, %c0_i32_0 : i32, i32
  }
  func.func @transform_13(%arg0: i32) -> (i32, i32) {
    %c0_i32 = arith.constant 0 : i32
    %c0_i32_0 = arith.constant 0 : i32
    %c0_i32_1 = arith.constant 0 : i32
    return %c0_i32, %c0_i32_0 : i32, i32
  }
  func.func @transform_14(%arg0: i32) -> (i32, i32) {
    %c0_i32 = arith.constant 0 : i32
    %c0_i32_0 = arith.constant 0 : i32
    %c0_i32_1 = arith.constant 0 : i32
    return %c0_i32, %c0_i32_0 : i32, i32
  }
  func.func @transform_15(%arg0: i32) -> (i32, i32) {
    %c0_i32 = arith.constant 0 : i32
    %c0_i32_0 = arith.constant 0 : i32
    %c0_i32_1 = arith.constant 0 : i32
    return %c0_i32, %c0_i32_0 : i32, i32
  }
  func.func @transform_16(%arg0: i32) -> (i32, i32) {
    %c0_i32 = arith.constant 0 : i32
    %c0_i32_0 = arith.constant 0 : i32
    %c0_i32_1 = arith.constant 0 : i32
    return %c0_i32, %c0_i32_0 : i32, i32
  }
  func.func @transform_17(%arg0: i32) -> (i32, i32) {
    %c0_i32 = arith.constant 0 : i32
    %c0_i32_0 = arith.constant 0 : i32
    %c0_i32_1 = arith.constant 0 : i32
    return %c0_i32, %c0_i32_0 : i32, i32
  }
  func.func @transform_18(%arg0: i32) -> (i32, i32) {
    %c0_i32 = arith.constant 0 : i32
    %c0_i32_0 = arith.constant 0 : i32
    %c0_i32_1 = arith.constant 0 : i32
    return %c0_i32, %c0_i32_0 : i32, i32
  }
  func.func @transform_19(%arg0: i32) -> (i32, i32) {
    %c0_i32 = arith.constant 0 : i32
    %c0_i32_0 = arith.constant 0 : i32
    %c0_i32_1 = arith.constant 0 : i32
    return %c0_i32, %c0_i32_0 : i32, i32
  }
  func.func @transform_20(%arg0: i32) -> (i32, i32) {
    %c0_i32 = arith.constant 0 : i32
    %c0_i32_0 = arith.constant 0 : i32
    %c0_i32_1 = arith.constant 0 : i32
    return %c0_i32, %c0_i32_0 : i32, i32
  }
  func.func @transform_21(%arg0: i32) -> (i32, i32) {
    %c0_i32 = arith.constant 0 : i32
    %c0_i32_0 = arith.constant 0 : i32
    return %arg0, %c0_i32 : i32, i32
  }
  func.func @transform_22(%arg0: i32) -> (i32, i32) {
    %c0_i32 = arith.constant 0 : i32
    %c0_i32_0 = arith.constant 0 : i32
    return %arg0, %c0_i32 : i32, i32
  }
  func.func @transform_23(%arg0: i32) -> (i32, i32) {
    %c0_i32 = arith.constant 0 : i32
    %c0_i32_0 = arith.constant 0 : i32
    return %arg0, %c0_i32 : i32, i32
  }
}

module attributes {stable_mosaic.version = 14 : i64} {
  func.func @_node_body(%arg0: i32, %arg1: memref<4000x16xf32, #tpu.memory_space<vmem>>, %arg2: memref<2x4000x16xf32, #tpu.memory_space<vmem>>, %arg3: memref<16x40xf32, #tpu.memory_space<vmem>>, %arg4: memref<40x5xf32, #tpu.memory_space<vmem>>, %arg5: memref<5x40xf32, #tpu.memory_space<vmem>>, %arg6: memref<16x40xf32, #tpu.memory_space<vmem>>, %arg7: memref<1x40xf32, #tpu.memory_space<vmem>>, %arg8: memref<40x5xf32, #tpu.memory_space<vmem>>, %arg9: memref<1x5xf32, #tpu.memory_space<vmem>>, %arg10: memref<5x40xf32, #tpu.memory_space<vmem>>, %arg11: memref<1x40xf32, #tpu.memory_space<vmem>>, %arg12: memref<40x40xf32, #tpu.memory_space<vmem>>, %arg13: memref<1x40xf32, #tpu.memory_space<vmem>>, %arg14: memref<40x1xf32, #tpu.memory_space<vmem>>, %arg15: memref<1x1xf32, #tpu.memory_space<vmem>>, %arg16: memref<5x40xf32, #tpu.memory_space<vmem>>, %arg17: memref<1x40xf32, #tpu.memory_space<vmem>>, %arg18: memref<40x40xf32, #tpu.memory_space<vmem>>, %arg19: memref<1x40xf32, #tpu.memory_space<vmem>>, %arg20: memref<40x2xf32, #tpu.memory_space<vmem>>, %arg21: memref<1x2xf32, #tpu.memory_space<vmem>>, %arg22: memref<4000x1xf32, #tpu.memory_space<vmem>>, %arg23: memref<4000x2xf32, #tpu.memory_space<vmem>>) attributes {dimension_semantics = [#tpu.dimension_semantics<arbitrary>], iteration_bounds = array<i64: 25>, scalar_prefetch = 0 : i64, scratch_operands = 0 : i64, tpu.core_type = #tpu.core_type<tc>, window_params = [{transform_indices = @transform_0, window_bounds = array<i64: 4000, 16>}, {transform_indices = @transform_1, window_bounds = array<i64: 2, 4000, 16>}, {pipeline_mode = #tpu.pipeline_mode<synchronous>, transform_indices = @transform_2, window_bounds = array<i64: 16, 40>}, {pipeline_mode = #tpu.pipeline_mode<synchronous>, transform_indices = @transform_3, window_bounds = array<i64: 40, 5>}, {pipeline_mode = #tpu.pipeline_mode<synchronous>, transform_indices = @transform_4, window_bounds = array<i64: 5, 40>}, {pipeline_mode = #tpu.pipeline_mode<synchronous>, transform_indices = @transform_5, window_bounds = array<i64: 16, 40>}, {pipeline_mode = #tpu.pipeline_mode<synchronous>, transform_indices = @transform_6, window_bounds = array<i64: 1, 40>}, {pipeline_mode = #tpu.pipeline_mode<synchronous>, transform_indices = @transform_7, window_bounds = array<i64: 40, 5>}, {pipeline_mode = #tpu.pipeline_mode<synchronous>, transform_indices = @transform_8, window_bounds = array<i64: 1, 5>}, {pipeline_mode = #tpu.pipeline_mode<synchronous>, transform_indices = @transform_9, window_bounds = array<i64: 5, 40>}, {pipeline_mode = #tpu.pipeline_mode<synchronous>, transform_indices = @transform_10, window_bounds = array<i64: 1, 40>}, {pipeline_mode = #tpu.pipeline_mode<synchronous>, transform_indices = @transform_11, window_bounds = array<i64: 40, 40>}, {pipeline_mode = #tpu.pipeline_mode<synchronous>, transform_indices = @transform_12, window_bounds = array<i64: 1, 40>}, {pipeline_mode = #tpu.pipeline_mode<synchronous>, transform_indices = @transform_13, window_bounds = array<i64: 40, 1>}, {pipeline_mode = #tpu.pipeline_mode<synchronous>, transform_indices = @transform_14, window_bounds = array<i64: 1, 1>}, {pipeline_mode = #tpu.pipeline_mode<synchronous>, transform_indices = @transform_15, window_bounds = array<i64: 5, 40>}, {pipeline_mode = #tpu.pipeline_mode<synchronous>, transform_indices = @transform_16, window_bounds = array<i64: 1, 40>}, {pipeline_mode = #tpu.pipeline_mode<synchronous>, transform_indices = @transform_17, window_bounds = array<i64: 40, 40>}, {pipeline_mode = #tpu.pipeline_mode<synchronous>, transform_indices = @transform_18, window_bounds = array<i64: 1, 40>}, {pipeline_mode = #tpu.pipeline_mode<synchronous>, transform_indices = @transform_19, window_bounds = array<i64: 40, 2>}, {pipeline_mode = #tpu.pipeline_mode<synchronous>, transform_indices = @transform_20, window_bounds = array<i64: 1, 2>}, {transform_indices = @transform_21, window_bounds = array<i64: 4000, 1>}, {transform_indices = @transform_22, window_bounds = array<i64: 4000, 2>}]} {
    %get3A = arith.constant 0 : index
    %get3A_0 = arith.constant 0 : index
    %get3A_1 = vector.load %arg1[%get3A, %get3A_0] : memref<4000x16xf32, #tpu.memory_space<vmem>>, vector<4000x16xf32>
    %get3A_2 = arith.constant 0 : index
    %get3A_3 = arith.constant 0 : index
    %get3A_4 = arith.constant 0 : index
    %get3A_5 = vector.load %arg2[%get3A_2, %get3A_3, %get3A_4] : memref<2x4000x16xf32, #tpu.memory_space<vmem>>, vector<1x4000x16xf32>
    %get3A_6 = vector.shape_cast %get3A_5 : vector<1x4000x16xf32> to vector<4000x16xf32>
    %get3A_7 = arith.constant 1 : index
    %get3A_8 = arith.constant 0 : index
    %get3A_9 = arith.constant 0 : index
    %get3A_10 = vector.load %arg2[%get3A_7, %get3A_8, %get3A_9] : memref<2x4000x16xf32, #tpu.memory_space<vmem>>, vector<1x4000x16xf32>
    %get3A_11 = vector.shape_cast %get3A_10 : vector<1x4000x16xf32> to vector<4000x16xf32>
    %add3A = arith.addf %get3A_6, %get3A_11 : vector<4000x16xf32>
    %get3A_12 = arith.constant 0 : index
    %get3A_13 = arith.constant 0 : index
    %get3A_14 = vector.load %arg3[%get3A_12, %get3A_13] : memref<16x40xf32, #tpu.memory_space<vmem>>, vector<16x40xf32>
    %dot_general3A = arith.constant dense<0.000000e+00> : vector<4000x40xf32>
    %dot_general3A_15 = tpu.matmul %get3A_1, %get3A_14, %dot_general3A {dimension_numbers = #tpu.dot_dimension_numbers<[1], [0], [0], [1], [0, 0, 1, 1], [], []>, transpose_lhs_hint = false} : vector<4000x16xf32>, vector<16x40xf32>, vector<4000x40xf32> -> vector<4000x40xf32>
    %max3A = arith.constant 0.000000e+00 : f32
    %max3A_16 = vector.broadcast %max3A : f32 to vector<4000x40xf32>
    %max3A_17 = arith.maximumf %dot_general3A_15, %max3A_16 : vector<4000x40xf32>
    %get3A_18 = arith.constant 0 : index
    %get3A_19 = arith.constant 0 : index
    %get3A_20 = vector.load %arg4[%get3A_18, %get3A_19] : memref<40x5xf32, #tpu.memory_space<vmem>>, vector<40x5xf32>
    %dot_general3A_21 = arith.constant dense<0.000000e+00> : vector<4000x5xf32>
    %dot_general3A_22 = tpu.matmul %max3A_17, %get3A_20, %dot_general3A_21 {dimension_numbers = #tpu.dot_dimension_numbers<[1], [0], [0], [1], [0, 0, 1, 1], [], []>, transpose_lhs_hint = false} : vector<4000x40xf32>, vector<40x5xf32>, vector<4000x5xf32> -> vector<4000x5xf32>
    %max3A_23 = arith.constant 0.000000e+00 : f32
    %max3A_24 = vector.broadcast %max3A_23 : f32 to vector<4000x5xf32>
    %max3A_25 = arith.maximumf %dot_general3A_22, %max3A_24 : vector<4000x5xf32>
    %get3A_26 = arith.constant 0 : index
    %get3A_27 = arith.constant 0 : index
    %get3A_28 = vector.load %arg5[%get3A_26, %get3A_27] : memref<5x40xf32, #tpu.memory_space<vmem>>, vector<5x40xf32>
    %dot_general3A_29 = arith.constant dense<0.000000e+00> : vector<4000x40xf32>
    %dot_general3A_30 = tpu.matmul %max3A_25, %get3A_28, %dot_general3A_29 {dimension_numbers = #tpu.dot_dimension_numbers<[1], [0], [0], [1], [0, 0, 1, 1], [], []>, transpose_lhs_hint = false} : vector<4000x5xf32>, vector<5x40xf32>, vector<4000x40xf32> -> vector<4000x40xf32>
    %get3A_31 = arith.constant 0 : index
    %get3A_32 = arith.constant 0 : index
    %get3A_33 = vector.load %arg6[%get3A_31, %get3A_32] : memref<16x40xf32, #tpu.memory_space<vmem>>, vector<16x40xf32>
    %dot_general3A_34 = arith.constant dense<0.000000e+00> : vector<4000x40xf32>
    %dot_general3A_35 = tpu.matmul %add3A, %get3A_33, %dot_general3A_34 {dimension_numbers = #tpu.dot_dimension_numbers<[1], [0], [0], [1], [0, 0, 1, 1], [], []>, transpose_lhs_hint = false} : vector<4000x16xf32>, vector<16x40xf32>, vector<4000x40xf32> -> vector<4000x40xf32>
    %add3A_36 = arith.addf %dot_general3A_30, %dot_general3A_35 : vector<4000x40xf32>
    %get3A_37 = arith.constant 0 : index
    %get3A_38 = arith.constant 0 : index
    %get3A_39 = vector.load %arg7[%get3A_37, %get3A_38] : memref<1x40xf32, #tpu.memory_space<vmem>>, vector<1x40xf32>
    %add3A_40 = vector.broadcast %get3A_39 : vector<1x40xf32> to vector<4000x40xf32>
    %add3A_41 = arith.addf %add3A_36, %add3A_40 : vector<4000x40xf32>
    %max3A_42 = arith.constant 0.000000e+00 : f32
    %max3A_43 = vector.broadcast %max3A_42 : f32 to vector<4000x40xf32>
    %max3A_44 = arith.maximumf %add3A_41, %max3A_43 : vector<4000x40xf32>
    %get3A_45 = arith.constant 0 : index
    %get3A_46 = arith.constant 0 : index
    %get3A_47 = vector.load %arg8[%get3A_45, %get3A_46] : memref<40x5xf32, #tpu.memory_space<vmem>>, vector<40x5xf32>
    %dot_general3A_48 = arith.constant dense<0.000000e+00> : vector<4000x5xf32>
    %dot_general3A_49 = tpu.matmul %max3A_44, %get3A_47, %dot_general3A_48 {dimension_numbers = #tpu.dot_dimension_numbers<[1], [0], [0], [1], [0, 0, 1, 1], [], []>, transpose_lhs_hint = false} : vector<4000x40xf32>, vector<40x5xf32>, vector<4000x5xf32> -> vector<4000x5xf32>
    %get3A_50 = arith.constant 0 : index
    %get3A_51 = arith.constant 0 : index
    %get3A_52 = vector.load %arg9[%get3A_50, %get3A_51] : memref<1x5xf32, #tpu.memory_space<vmem>>, vector<1x5xf32>
    %add3A_53 = vector.broadcast %get3A_52 : vector<1x5xf32> to vector<4000x5xf32>
    %add3A_54 = arith.addf %dot_general3A_49, %add3A_53 : vector<4000x5xf32>
    %get3A_55 = arith.constant 0 : index
    %get3A_56 = arith.constant 0 : index
    %get3A_57 = vector.load %arg10[%get3A_55, %get3A_56] : memref<5x40xf32, #tpu.memory_space<vmem>>, vector<5x40xf32>
    %dot_general3A_58 = arith.constant dense<0.000000e+00> : vector<4000x40xf32>
    %dot_general3A_59 = tpu.matmul %add3A_54, %get3A_57, %dot_general3A_58 {dimension_numbers = #tpu.dot_dimension_numbers<[1], [0], [0], [1], [0, 0, 1, 1], [], []>, transpose_lhs_hint = false} : vector<4000x5xf32>, vector<5x40xf32>, vector<4000x40xf32> -> vector<4000x40xf32>
    %get3A_60 = arith.constant 0 : index
    %get3A_61 = arith.constant 0 : index
    %get3A_62 = vector.load %arg11[%get3A_60, %get3A_61] : memref<1x40xf32, #tpu.memory_space<vmem>>, vector<1x40xf32>
    %add3A_63 = vector.broadcast %get3A_62 : vector<1x40xf32> to vector<4000x40xf32>
    %add3A_64 = arith.addf %dot_general3A_59, %add3A_63 : vector<4000x40xf32>
    %max3A_65 = arith.constant 0.000000e+00 : f32
    %max3A_66 = vector.broadcast %max3A_65 : f32 to vector<4000x40xf32>
    %max3A_67 = arith.maximumf %add3A_64, %max3A_66 : vector<4000x40xf32>
    %get3A_68 = arith.constant 0 : index
    %get3A_69 = arith.constant 0 : index
    %get3A_70 = vector.load %arg12[%get3A_68, %get3A_69] : memref<40x40xf32, #tpu.memory_space<vmem>>, vector<40x40xf32>
    %dot_general3A_71 = arith.constant dense<0.000000e+00> : vector<4000x40xf32>
    %dot_general3A_72 = tpu.matmul %max3A_67, %get3A_70, %dot_general3A_71 {dimension_numbers = #tpu.dot_dimension_numbers<[1], [0], [0], [1], [0, 0, 1, 1], [], []>, transpose_lhs_hint = false} : vector<4000x40xf32>, vector<40x40xf32>, vector<4000x40xf32> -> vector<4000x40xf32>
    %get3A_73 = arith.constant 0 : index
    %get3A_74 = arith.constant 0 : index
    %get3A_75 = vector.load %arg13[%get3A_73, %get3A_74] : memref<1x40xf32, #tpu.memory_space<vmem>>, vector<1x40xf32>
    %add3A_76 = vector.broadcast %get3A_75 : vector<1x40xf32> to vector<4000x40xf32>
    %add3A_77 = arith.addf %dot_general3A_72, %add3A_76 : vector<4000x40xf32>
    %max3A_78 = arith.constant 0.000000e+00 : f32
    %max3A_79 = vector.broadcast %max3A_78 : f32 to vector<4000x40xf32>
    %max3A_80 = arith.maximumf %add3A_77, %max3A_79 : vector<4000x40xf32>
    %get3A_81 = arith.constant 0 : index
    %get3A_82 = arith.constant 0 : index
    %get3A_83 = vector.load %arg14[%get3A_81, %get3A_82] : memref<40x1xf32, #tpu.memory_space<vmem>>, vector<40x1xf32>
    %dot_general3A_84 = arith.constant dense<0.000000e+00> : vector<4000x1xf32>
    %dot_general3A_85 = tpu.matmul %max3A_80, %get3A_83, %dot_general3A_84 {dimension_numbers = #tpu.dot_dimension_numbers<[1], [0], [0], [1], [0, 0, 1, 1], [], []>, transpose_lhs_hint = false} : vector<4000x40xf32>, vector<40x1xf32>, vector<4000x1xf32> -> vector<4000x1xf32>
    %get3A_86 = arith.constant 0 : index
    %get3A_87 = arith.constant 0 : index
    %get3A_88 = vector.load %arg15[%get3A_86, %get3A_87] : memref<1x1xf32, #tpu.memory_space<vmem>>, vector<1x1xf32>
    %add3A_89 = vector.broadcast %get3A_88 : vector<1x1xf32> to vector<4000x1xf32>
    %add3A_90 = arith.addf %dot_general3A_85, %add3A_89 : vector<4000x1xf32>
    %logistic3A = arith.negf %add3A_90 : vector<4000x1xf32>
    %logistic3A_91 = math.exp %logistic3A : vector<4000x1xf32>
    %logistic3A_92 = arith.constant 1.000000e+00 : f32
    %logistic3A_93 = vector.broadcast %logistic3A_92 : f32 to vector<4000x1xf32>
    %logistic3A_94 = arith.addf %logistic3A_93, %logistic3A_91 : vector<4000x1xf32>
    %logistic3A_95 = arith.divf %logistic3A_93, %logistic3A_94 : vector<4000x1xf32>
    %add3A_96 = arith.constant 9.99999993E-9 : f32
    %add3A_97 = vector.broadcast %add3A_96 : f32 to vector<4000x1xf32>
    %add3A_98 = arith.addf %logistic3A_95, %add3A_97 : vector<4000x1xf32>
    %swap3A = arith.constant 0 : index
    %swap3A_99 = arith.constant 0 : index
    %swap3A_100 = vector.load %arg22[%swap3A, %swap3A_99] : memref<4000x1xf32, #tpu.memory_space<vmem>>, vector<4000x1xf32>
    tpu.vector_store %arg22[%swap3A, %swap3A_99], %add3A_98 {strides = array<i32>} : memref<4000x1xf32, #tpu.memory_space<vmem>>, vector<4000x1xf32>,
    %get3A_101 = arith.constant 0 : index
    %get3A_102 = arith.constant 0 : index
    %get3A_103 = vector.load %arg16[%get3A_101, %get3A_102] : memref<5x40xf32, #tpu.memory_space<vmem>>, vector<5x40xf32>
    %dot_general3A_104 = arith.constant dense<0.000000e+00> : vector<4000x40xf32>
    %dot_general3A_105 = tpu.matmul %add3A_54, %get3A_103, %dot_general3A_104 {dimension_numbers = #tpu.dot_dimension_numbers<[1], [0], [0], [1], [0, 0, 1, 1], [], []>, transpose_lhs_hint = false} : vector<4000x5xf32>, vector<5x40xf32>, vector<4000x40xf32> -> vector<4000x40xf32>
    %get3A_106 = arith.constant 0 : index
    %get3A_107 = arith.constant 0 : index
    %get3A_108 = vector.load %arg17[%get3A_106, %get3A_107] : memref<1x40xf32, #tpu.memory_space<vmem>>, vector<1x40xf32>
    %add3A_109 = vector.broadcast %get3A_108 : vector<1x40xf32> to vector<4000x40xf32>
    %add3A_110 = arith.addf %dot_general3A_105, %add3A_109 : vector<4000x40xf32>
    %max3A_111 = arith.constant 0.000000e+00 : f32
    %max3A_112 = vector.broadcast %max3A_111 : f32 to vector<4000x40xf32>
    %max3A_113 = arith.maximumf %add3A_110, %max3A_112 : vector<4000x40xf32>
    %get3A_114 = arith.constant 0 : index
    %get3A_115 = arith.constant 0 : index
    %get3A_116 = vector.load %arg18[%get3A_114, %get3A_115] : memref<40x40xf32, #tpu.memory_space<vmem>>, vector<40x40xf32>
    %dot_general3A_117 = arith.constant dense<0.000000e+00> : vector<4000x40xf32>
    %dot_general3A_118 = tpu.matmul %max3A_113, %get3A_116, %dot_general3A_117 {dimension_numbers = #tpu.dot_dimension_numbers<[1], [0], [0], [1], [0, 0, 1, 1], [], []>, transpose_lhs_hint = false} : vector<4000x40xf32>, vector<40x40xf32>, vector<4000x40xf32> -> vector<4000x40xf32>
    %get3A_119 = arith.constant 0 : index
    %get3A_120 = arith.constant 0 : index
    %get3A_121 = vector.load %arg19[%get3A_119, %get3A_120] : memref<1x40xf32, #tpu.memory_space<vmem>>, vector<1x40xf32>
    %add3A_122 = vector.broadcast %get3A_121 : vector<1x40xf32> to vector<4000x40xf32>
    %add3A_123 = arith.addf %dot_general3A_118, %add3A_122 : vector<4000x40xf32>
    %max3A_124 = arith.constant 0.000000e+00 : f32
    %max3A_125 = vector.broadcast %max3A_124 : f32 to vector<4000x40xf32>
    %max3A_126 = arith.maximumf %add3A_123, %max3A_125 : vector<4000x40xf32>
    %get3A_127 = arith.constant 0 : index
    %get3A_128 = arith.constant 0 : index
    %get3A_129 = vector.load %arg20[%get3A_127, %get3A_128] : memref<40x2xf32, #tpu.memory_space<vmem>>, vector<40x2xf32>
    %dot_general3A_130 = arith.constant dense<0.000000e+00> : vector<4000x2xf32>
    %dot_general3A_131 = tpu.matmul %max3A_126, %get3A_129, %dot_general3A_130 {dimension_numbers = #tpu.dot_dimension_numbers<[1], [0], [0], [1], [0, 0, 1, 1], [], []>, transpose_lhs_hint = false} : vector<4000x40xf32>, vector<40x2xf32>, vector<4000x2xf32> -> vector<4000x2xf32>
    %get3A_132 = arith.constant 0 : index
    %get3A_133 = arith.constant 0 : index
    %get3A_134 = vector.load %arg21[%get3A_132, %get3A_133] : memref<1x2xf32, #tpu.memory_space<vmem>>, vector<1x2xf32>
    %add3A_135 = vector.broadcast %get3A_134 : vector<1x2xf32> to vector<4000x2xf32>
    %add3A_136 = arith.addf %dot_general3A_131, %add3A_135 : vector<4000x2xf32>
    %swap3A_137 = arith.constant 0 : index
    %swap3A_138 = arith.constant 0 : index
    %swap3A_139 = vector.load %arg23[%swap3A_137, %swap3A_138] : memref<4000x2xf32, #tpu.memory_space<vmem>>, vector<4000x2xf32>
    tpu.vector_store %arg23[%swap3A_137, %swap3A_138], %add3A_136 {strides = array<i32>} : memref<4000x2xf32, #tpu.memory_space<vmem>>, vector<4000x2xf32>,
    return
  }
  func.func @transform_0(%arg0: i32) -> (i32, i32) {
    %c0_i32 = arith.constant 0 : i32
    %c0_i32_0 = arith.constant 0 : i32
    return %arg0, %c0_i32 : i32, i32
  }
  func.func @transform_1(%arg0: i32) -> (i32, i32, i32) {
    %c0_i32 = arith.constant 0 : i32
    %c0_i32_0 = arith.constant 0 : i32
    %c0_i32_1 = arith.constant 0 : i32
    return %c0_i32, %arg0, %c0_i32_0 : i32, i32, i32
  }
  func.func @transform_2(%arg0: i32) -> (i32, i32) {
    %c0_i32 = arith.constant 0 : i32
    %c0_i32_0 = arith.constant 0 : i32
    %c0_i32_1 = arith.constant 0 : i32
    return %c0_i32, %c0_i32_0 : i32, i32
  }
  func.func @transform_3(%arg0: i32) -> (i32, i32) {
    %c0_i32 = arith.constant 0 : i32
    %c0_i32_0 = arith.constant 0 : i32
    %c0_i32_1 = arith.constant 0 : i32
    return %c0_i32, %c0_i32_0 : i32, i32
  }
  func.func @transform_4(%arg0: i32) -> (i32, i32) {
    %c0_i32 = arith.constant 0 : i32
    %c0_i32_0 = arith.constant 0 : i32
    %c0_i32_1 = arith.constant 0 : i32
    return %c0_i32, %c0_i32_0 : i32, i32
  }
  func.func @transform_5(%arg0: i32) -> (i32, i32) {
    %c0_i32 = arith.constant 0 : i32
    %c0_i32_0 = arith.constant 0 : i32
    %c0_i32_1 = arith.constant 0 : i32
    return %c0_i32, %c0_i32_0 : i32, i32
  }
  func.func @transform_6(%arg0: i32) -> (i32, i32) {
    %c0_i32 = arith.constant 0 : i32
    %c0_i32_0 = arith.constant 0 : i32
    %c0_i32_1 = arith.constant 0 : i32
    return %c0_i32, %c0_i32_0 : i32, i32
  }
  func.func @transform_7(%arg0: i32) -> (i32, i32) {
    %c0_i32 = arith.constant 0 : i32
    %c0_i32_0 = arith.constant 0 : i32
    %c0_i32_1 = arith.constant 0 : i32
    return %c0_i32, %c0_i32_0 : i32, i32
  }
  func.func @transform_8(%arg0: i32) -> (i32, i32) {
    %c0_i32 = arith.constant 0 : i32
    %c0_i32_0 = arith.constant 0 : i32
    %c0_i32_1 = arith.constant 0 : i32
    return %c0_i32, %c0_i32_0 : i32, i32
  }
  func.func @transform_9(%arg0: i32) -> (i32, i32) {
    %c0_i32 = arith.constant 0 : i32
    %c0_i32_0 = arith.constant 0 : i32
    %c0_i32_1 = arith.constant 0 : i32
    return %c0_i32, %c0_i32_0 : i32, i32
  }
  func.func @transform_10(%arg0: i32) -> (i32, i32) {
    %c0_i32 = arith.constant 0 : i32
    %c0_i32_0 = arith.constant 0 : i32
    %c0_i32_1 = arith.constant 0 : i32
    return %c0_i32, %c0_i32_0 : i32, i32
  }
  func.func @transform_11(%arg0: i32) -> (i32, i32) {
    %c0_i32 = arith.constant 0 : i32
    %c0_i32_0 = arith.constant 0 : i32
    %c0_i32_1 = arith.constant 0 : i32
    return %c0_i32, %c0_i32_0 : i32, i32
  }
  func.func @transform_12(%arg0: i32) -> (i32, i32) {
    %c0_i32 = arith.constant 0 : i32
    %c0_i32_0 = arith.constant 0 : i32
    %c0_i32_1 = arith.constant 0 : i32
    return %c0_i32, %c0_i32_0 : i32, i32
  }
  func.func @transform_13(%arg0: i32) -> (i32, i32) {
    %c0_i32 = arith.constant 0 : i32
    %c0_i32_0 = arith.constant 0 : i32
    %c0_i32_1 = arith.constant 0 : i32
    return %c0_i32, %c0_i32_0 : i32, i32
  }
  func.func @transform_14(%arg0: i32) -> (i32, i32) {
    %c0_i32 = arith.constant 0 : i32
    %c0_i32_0 = arith.constant 0 : i32
    %c0_i32_1 = arith.constant 0 : i32
    return %c0_i32, %c0_i32_0 : i32, i32
  }
  func.func @transform_15(%arg0: i32) -> (i32, i32) {
    %c0_i32 = arith.constant 0 : i32
    %c0_i32_0 = arith.constant 0 : i32
    %c0_i32_1 = arith.constant 0 : i32
    return %c0_i32, %c0_i32_0 : i32, i32
  }
  func.func @transform_16(%arg0: i32) -> (i32, i32) {
    %c0_i32 = arith.constant 0 : i32
    %c0_i32_0 = arith.constant 0 : i32
    %c0_i32_1 = arith.constant 0 : i32
    return %c0_i32, %c0_i32_0 : i32, i32
  }
  func.func @transform_17(%arg0: i32) -> (i32, i32) {
    %c0_i32 = arith.constant 0 : i32
    %c0_i32_0 = arith.constant 0 : i32
    %c0_i32_1 = arith.constant 0 : i32
    return %c0_i32, %c0_i32_0 : i32, i32
  }
  func.func @transform_18(%arg0: i32) -> (i32, i32) {
    %c0_i32 = arith.constant 0 : i32
    %c0_i32_0 = arith.constant 0 : i32
    %c0_i32_1 = arith.constant 0 : i32
    return %c0_i32, %c0_i32_0 : i32, i32
  }
  func.func @transform_19(%arg0: i32) -> (i32, i32) {
    %c0_i32 = arith.constant 0 : i32
    %c0_i32_0 = arith.constant 0 : i32
    %c0_i32_1 = arith.constant 0 : i32
    return %c0_i32, %c0_i32_0 : i32, i32
  }
  func.func @transform_20(%arg0: i32) -> (i32, i32) {
    %c0_i32 = arith.constant 0 : i32
    %c0_i32_0 = arith.constant 0 : i32
    %c0_i32_1 = arith.constant 0 : i32
    return %c0_i32, %c0_i32_0 : i32, i32
  }
  func.func @transform_21(%arg0: i32) -> (i32, i32) {
    %c0_i32 = arith.constant 0 : i32
    %c0_i32_0 = arith.constant 0 : i32
    return %arg0, %c0_i32 : i32, i32
  }
  func.func @transform_22(%arg0: i32) -> (i32, i32) {
    %c0_i32 = arith.constant 0 : i32
    %c0_i32_0 = arith.constant 0 : i32
    return %arg0, %c0_i32 : i32, i32
  }
}

</mosaic_0001>

<sc_bundles>
// kernel: kernel.6.cloned.1.call-start
scs
__scs_entry_jumppad:
0x0: {  	(pc) =	sbr.rel $0x88, $3  }
0x1: {  	(tag) =	ssettag $0x0;
	lr =	simm.s32 $0x1  }
0x2: {  	[smem:$0x3F82] =	sst lr;
	_ =	strace $0xD0000000  }
0x3: {  	_ = 	snop  }
0x4: {  	_ = 	snop  }
0x5: {  	_ = 	snop  }
0x6: {  	_ = 	snop  }
0x7: {  	_ = 	snop  }
__scs_overlays_trampoline_lowered:
0x8: {  	[smem:$0x3F91] =	sst s0  }
0x9: {  	[smem:$0x3F92] =	sst s1  }
0xa: {  	[smem:$0x3F93] =	sst s2  }
0xb: {  	[smem:$0x3F94] =	sst s3  }
0xc: {  	[smem:$0x3F95] =	sst s4  }
0xd: {  	[smem:$0x3F96] =	sst s5  }
0xe: {  	[smem:$0x3F97] =	sst s6  }
0xf: {  	[smem:$0x3F98] =	sst s7  }
0x10: {  	[smem:$0x3F99] =	sst s8  }
0x11: {  	[smem:$0x3F9A] =	sst s9;
	s0 =	simm.s32 @!p0 $0x0  }
0x12: {  	s1 =	sld [smem:$0x3F80];
	s0 =	simm.s32 @p0 $0x1  }
0x13: {  	[smem:$0x3F9B] =	sst s0;
	s0 =	simm.s32 @!p1 $0x0  }
0x14: {  	s2 =	sld [smem:$0x3F7F];
	s0 =	simm.s32 @p1 $0x1  }
0x15: {  	[smem:$0x3F9C] =	sst s0;
	s0 =	simm.s32 @!p2 $0x0  }
0x16: {  	s3 =	sld [smem:$0x3FDB];
	s0 =	simm.s32 @p2 $0x1  }
0x17: {  	s4 =	simm.s32 $0x1BF5;
	[smem:$0x3F9E] =	sst s0  }
0x18: {  	s0 =	sld [smem:$0x3F81];
	_ =	swait.ge [sflag:s4], $0x0  }
0x19: {  	s7 =	sld [smem:$0x3F82]  }
0x1a: {  	s8 =	sadd.s32 $0xFFFFE003, lr  }
0x1b: {  	s9 =	sadd.s32 $0xFFFFFEF7, lr;
	s5 =	simm.s32 $0xFFFFFFFF;
	p2 =	slt.u32 s8, $0xFFFFF086  }
0x1c: {  	p1 =	slt.u32 s9, $0xF7A;
	s5 =	simm.s32 @!p2 $0x0  }
0x1d: {  	s5 =	simm.s32 @p1 $0x1;
	p0 =	seq.s32 s7, s2  }
0x1e: {  	s7 =	smul.u32 @!p0 $0xF7A, s2;
	p2 =	seq.s32 @!p0 s5, $0x0  }
0x1f: {  	s9 =	smul.u32 $0xF7A, s1;
	s8 =	simm.s32 @!p0 $0x1BF5;
	p2 =	por !p2, p0  }
0x20: {  	[sflag:s8] =	ssyncset.s32 @!p0 $0xFFFFF086;
	s6 =	sadd.s32 @!p0 s3, s7;
	s7 =	simm.s32 @!p0 $0x108  }
0x21: {  	s3 =	sadd.s32 s3, s9;
	s6 =	sadd.s32 @!p0 $0x88, s6;
	s7 =	simm.s32 @p2 $0x1082  }
0x22: {  	[simem:s7], [sflag:s8] =	dma.local @!p0 [hbm:s6], $0xF7A  }
0x23: {  	s9 =	sor.u32 $0xD0000000, s2;
	s6 =	simm.s32 $0x108;
	_ =	swait.ge @!p0 [sflag:s8], $0x0  }
0x24: {  	s3 =	sadd.s32 $0x88, s3;
	s6 =	simm.s32 @!p1 $0x1082;
	[sflag:s4] =	ssyncset.s32 $0xFFFFF086  }
0x25: {  	[simem:s6], [sflag:s4] =	dma.local [hbm:s3], $0xF7A  }
0x26: {  	[smem:$0x3F82] =	sst s1;
	(tag) =	ssettag s2;
	_ =	strace s9  }
0x27: {  	s1 =	sld [smem:$0x3F92]  }
0x28: {  	s2 =	sld [smem:$0x3F93]  }
0x29: {  	s4 =	sld [smem:$0x3F95]  }
0x2a: {  	p0 =	seq.s32 s5, $0x0;
	s5 =	sld [smem:$0x3F96]  }
0x2b: {  	s6 =	sld [smem:$0x3F97]  }
0x2c: {  	s7 =	sld [smem:$0x3F98]  }
0x2d: {  	s3 =	simm.s32 $0x108;
	s8 =	sld [smem:$0x3F99]  }
0x2e: {  	s3 =	simm.s32 @!p0 $0x1082;
	s9 =	sld [smem:$0x3F9A]  }
0x2f: {  	lr =	sadd.s32 s0, s3;
	s0 =	sld [smem:$0x3F91]  }
0x30: {  	s3 =	sld [smem:$0x3F94]  }
0x31: {  	[smem:$0x3F9D] =	sst s10  }
0x32: {  	s10 =	sld [smem:$0x3F9B];
	_ =	sdelay $0x3  }
0x33: {  	p0 =	seq.s32 s10, $0x1;
	s10 =	sld [smem:$0x3F9D];
	_ =	sdelay $0x3  }
0x34: {  	[smem:$0x3F9D] =	sst s10  }
0x35: {  	s10 =	sld [smem:$0x3F9C];
	_ =	sdelay $0x3  }
0x36: {  	p1 =	seq.s32 s10, $0x1;
	s10 =	sld [smem:$0x3F9D];
	_ =	sdelay $0x3  }
0x37: {  	[smem:$0x3F9D] =	sst s10  }
0x38: {  	s10 =	sld [smem:$0x3F9E]  }
0x39: {  	_ = 	snop;
	(pc) =	sbr.ind lr, $3  }
0x3a: {  	_ = 	snop  }
0x3b: {  	_ = 	snop  }
0x3c: {  	p2 =	seq.s32 s10, $0x1;
	s10 =	sld [smem:$0x3F9D]  }
0x3d: {  	_ =	shalt  }
0x3e: {  	_ =	shalt  }
0x3f: {  	_ =	shalt  }
0x40: {  	_ =	shalt  }
0x41: {  	_ =	shalt  }
0x42: {  	_ =	shalt  }
0x43: {  	_ =	shalt  }
0x44: {  	_ =	shalt  }
0x45: {  	_ =	shalt  }
0x46: {  	_ =	shalt  }
0x47: {  	_ =	shalt  }
0x48: {  	_ =	shalt  }
0x49: {  	_ =	shalt  }
0x4a: {  	_ =	shalt  }
0x4b: {  	_ =	shalt  }
0x4c: {  	_ =	shalt  }
0x4d: {  	_ =	shalt  }
0x4e: {  	_ =	shalt  }
0x4f: {  	_ =	shalt  }
0x50: {  	_ =	shalt  }
0x51: {  	_ =	shalt  }
0x52: {  	_ =	shalt  }
0x53: {  	_ =	shalt  }
0x54: {  	_ =	shalt  }
0x55: {  	_ =	shalt  }
0x56: {  	_ =	shalt  }
0x57: {  	_ =	shalt  }
0x58: {  	_ =	shalt  }
0x59: {  	_ =	shalt  }
0x5a: {  	_ =	shalt  }
0x5b: {  	_ =	shalt  }
0x5c: {  	_ =	shalt  }
0x5d: {  	_ =	shalt  }
0x5e: {  	_ =	shalt  }
0x5f: {  	_ =	shalt  }
0x60: {  	_ =	shalt  }
0x61: {  	_ =	shalt  }
0x62: {  	_ =	shalt  }
0x63: {  	_ =	shalt  }
0x64: {  	_ =	shalt  }
0x65: {  	_ =	shalt  }
0x66: {  	_ =	shalt  }
0x67: {  	_ =	shalt  }
0x68: {  	_ =	shalt  }
0x69: {  	_ =	shalt  }
0x6a: {  	_ =	shalt  }
0x6b: {  	_ =	shalt  }
0x6c: {  	_ =	shalt  }
0x6d: {  	_ =	shalt  }
0x6e: {  	_ =	shalt  }
0x6f: {  	_ =	shalt  }
0x70: {  	_ =	shalt  }
0x71: {  	_ =	shalt  }
0x72: {  	_ =	shalt  }
0x73: {  	_ =	shalt  }
0x74: {  	_ =	shalt  }
0x75: {  	_ =	shalt  }
0x76: {  	_ =	shalt  }
0x77: {  	_ =	shalt  }
0x78: {  	_ =	shalt  }
0x79: {  	_ =	shalt  }
0x7a: {  	_ =	shalt  }
0x7b: {  	_ =	shalt  }
0x7c: {  	_ =	shalt  }
0x7d: {  	_ =	shalt  }
0x7e: {  	_ =	shalt  }
0x7f: {  	_ =	shalt  }
0x80: {  	_ =	shalt  }
0x81: {  	_ =	shalt  }
0x82: {  	_ =	shalt  }
0x83: {  	_ =	shalt  }
0x84: {  	_ =	shalt  }
0x85: {  	_ =	shalt  }
0x86: {  	_ =	shalt  }
0x87: {  	_ =	shalt  }
.Lfunc_end0:
.L_simem_size_0:
called_computation_lowered:
.L_overlay_start_0:
0x88: {  	s2 =	sld [smem:$0x3FD9]  }
0x89: {  	s3 =	sld [smem:$0x3FFE];
	_ =	sdelay $0x1  }
0x8a: {  	s1 =	srdreg.scid  }
0x8b: {  	s0 =	sand.u32 $0x1, s1  }
0x8c: {  	s16 =	sshll.u32 s0, $0xA;
	s2 =	sadd.s32 s3, s2  }
0x8d: {  	s2 =	sadd.s32 s2, s16  }
0x8e: {  	[smem:$0x3FA9] =	sst s2  }
0x8f: {  	_ = 	snop  }
0x90: {  	(tm) =	ssettm $0x1  }
0x91: {  	s17 =	sld [smem:$0x3FFB];
	_ =	sdelay $0x3  }
0x92: {  	_ =	strace s17  }
0x93: {  	s2 =	sld [smem:$0x3FFC];
	_ =	sdelay $0x3  }
0x94: {  	_ =	strace s2  }
0x95: {  	s2 =	sld [smem:$0x3FFD];
	_ =	sdelay $0x3  }
0x96: {  	_ =	strace s2  }
0x97: {  	_ =	strace $0x8FFFFFFF  }
0x98: {  	s18 =	sld [smem:$0x3FDB];
	_ =	sdelay $0x1  }
0x99: {  	s19 =	simm.s32 $_scs_section_size  }
0x9a: {  	s4 =	simm.s32 $_size__tile_overlayer_lowered;
	s5 =	simm.s32 $_tile_overlayer_lowered  }
0x9b: {  	s22 =	simm.s32 $0x1BFF;
	s21 =	sshll.u32 s5, $0x1;
	s2 =	sadd.s32 s19, s18  }
0x9c: {  	s6 =	simm.s32 $0x0;
	s20 =	sshll.u32 s4, $0x1;
	s4 =	sadd.s32 s21, s2  }
0x9d: {  	[timem:s6], [sflag:s22] =	dma.local [hbm:s4], s20  }
0x9e: {  	_ =	swait.ge [sflag:s22], s20  }
0x9f: {  	s3 =	ssub.s32 $0x0, s20;
	[sflag:s22] =	ssyncset.done $0x0  }
0xa0: {  	[sflag:s22] =	ssyncadd.s32 s3;
	_ =	sdelay $0x1  }
0xa1: {  	s23 =	simm.s32 $0x1B8B  }
0xa2: {  	_ =	swait.ge [sflag:s23], $0x1  }
0xa3: {  	[sflag:s23] =	ssyncset.done $0x0  }
0xa4: {  	s25 =	simm.s32 $0x1B8E;
	s24 =	sld [smem:$0x3FFE];
	[sflag:s23] =	ssyncadd.s32 $0xFFFFFFFF  }
0xa5: {  	s26 =	simm.s32 $execute0_lowered;
	[smem:$0x3FD2] =	sst s25  }
0xa6: {  	s4 =	sshll.u32 s26, $0x1;
	_ =	strace $0x80000046;
	[dreg:$0x1] =	wrdreg $0xFFFFFFFF  }
0xa7: {  	s28 =	simm.s32 $_size_execute0_lowered;
	s2 =	sadd.s32 s2, s4;
	[dreg:$0x0] =	wrdreg $0x0  }
0xa8: {  	s4 =	sshll.u32 s28, $0x1;
	[dreg:$0x2] =	wrdreg s2  }
0xa9: {  	[dreg:$0x3] =	wrdreg s4  }
0xaa: {  	[dreg:$0x4] =	wrdreg $0xC0  }
0xab: {  	_ =	task [dreg:s6], $0x5FFFF  }
0xac: {  	[dreg:$0x1] =	wrdreg $0xFFFFFFFF  }
0xad: {  	[dreg:$0x0] =	wrdreg $0x60  }
0xae: {  	[dreg:$0x2] =	wrdreg s24  }
0xaf: {  	[dreg:$0x3] =	wrdreg $0x9  }
0xb0: {  	_ =	task.clear_ibuf [dreg:s6], $0x4FFFF;
	_ =	strace $0x90000046  }
0xb1: {  	s29 =	simm.s32 $0x9;
	_ =	strace $0x80000048  }
0xb2: {  	_ =	swait.ge [sflag:s29], $0x1  }
0xb3: {  	[sflag:s29] =	ssyncadd.s32 $0xFFFFFFFF  }
0xb4: {  	_ =	strace $0x90000048  }
0xb5: {  	_ =	sfence  }
0xb6: {  	s30 =	sld [smem:$0x0];
	_ =	sdelay $0x2  }
0xb7: {  	s31 =	sshll.u32 s1, $0xD;
	s1 =	sshrl.u32 s1, $0x2  }
0xb8: {  	s3 =	sand.u32 $0x4000, s31;
	s1 =	sadd.s32 s1, s30  }
0xb9: {  	s0 =	sor.u32 s3, s0;
	s1 =	sshll.u32 s1, $0x11  }
0xba: {  	s0 =	sor.u32 s1, s0  }
0xbb: {  	s0 =	sadd.s32 $0x8F2B, s0  }
0xbc: {  	[sflag:s0] =	ssyncadd.remote.s32 $0x1  }
0xbd: {  	_ =	sfence.sel $0xFFFF  }
0xbe: {  	[dreg:$0x0] =	wrdreg $0xFFFFFFFF;
	(pc) =	sbr.abs _section_cstart, $3  }
0xbf: {  	[dreg:$0x1] =	wrdreg $0xFFFFFFFF  }
0xc0: {  	_ =	task.clear_ibuf [dreg:s6], $0x2FFFF;
	_ =	strace $0x9FFFFFFF  }
0xc1: {  	(tm) =	ssettm $0x7FFFFFFF  }
tec
execute0_lowered:
.L_overlay_start_1:
0x0: {  	(tag) =	ssettag $0x1  }
0x1: {  	s4 =	rddreg [dreg:$0x0];
	s2 =	simm.s32 $0x0  }
0x2: {  	s10 =	simm.s32 $0x188000;
	[smem:$0x7FF] =	sst s2  }
0x3: {  	s11 =	simm.s32 $0x8800;
	_ =	strace $0x80000047;
	[dreg:$0x5] =	wrdreg s10  }
0x4: {  	s6 =	simm.s32 $0x1000;
	[dreg:$0x6] =	wrdreg s11  }
0x5: {  	s13 =	simm.s32 $0x480;
	[dreg:$0x7] =	wrdreg s6  }
0x6: {  	s14 =	simm.s32 $0x5000;
	[dreg:$0x8] =	wrdreg s13  }
0x7: {  	v0 =	vlaneseq.u32;
	s16 =	simm.s32 $0x100;
	[dreg:$0x9] =	wrdreg s14  }
0x8: {  	s17 =	simm.s32 $0x1800;
	v0 =	vmul.u32 $0x10, v0;
	[dreg:$0xa] =	wrdreg s16  }
0x9: {  	s0 =	stileid.u32;
	s18 =	simm.s32 $0x500;
	[dreg:$0xb] =	wrdreg s17  }
0xa: {  	s1 =	srdreg.scid;
	s19 =	simm.s32 $0x5800;
	[dreg:$0xc] =	wrdreg s18;
	v2 =	vor.u32 $0x100, v0  }
0xb: {  	s21 =	simm.s32 $0x180;
	s22 =	simm.s32 $0x2000;
	[dreg:$0xd] =	wrdreg s19;
	v4 =	vor.u32 $0x200, v0;
	v5 =	vor.u32 $0x300, v0;
	v6 =	vor.u32 $0x400, v0  }
0xc: {  	s24 =	simm.s32 $0x580;
	s8 =	simm.s32 $0x6000;
	[dreg:$0xe] =	wrdreg s21;
	v7 =	vor.u32 $0x500, v0;
	v8 =	vor.u32 $0x600, v0;
	v9 =	vor.u32 $0x700, v0  }
0xd: {  	s26 =	simm.s32 $0x200;
	s29 =	simm.s32 $0x2800;
	[dreg:$0xf] =	wrdreg s22;
	v10 =	vor.u32 $0x800, v0;
	v11 =	vor.u32 $0x900, v0;
	v12 =	vor.u32 $0xA00, v0  }
0xe: {  	s30 =	simm.s32 $0x600;
	s31 =	simm.s32 $0x6800;
	[dreg:$0x10] =	wrdreg s24;
	v13 =	vor.u32 $0xB00, v0;
	v14 =	vor.u32 $0xC00, v0;
	v15 =	vor.u32 $0xD00, v0  }
0xf: {  	s28 =	simm.s32 $0x0;
	s3 =	smul.u32 $0x31000, s0;
	[dreg:$0x11] =	wrdreg s8;
	v16 =	vor.u32 $0xE00, v0;
	v17 =	vor.u32 $0xF00, v0;
	v18 =	vor.u32 $0x1000, v0  }
0x10: {  	s1 =	sand.u32 $0x1, s1;
	s12 =	smul.u32 $0x3100, s0;
	[dreg:$0x12] =	wrdreg s26;
	v19 =	vor.u32 $0x1100, v0;
	v20 =	vor.u32 $0x1200, v0;
	v21 =	vor.u32 $0x1300, v0  }
0x11: {  	s5 =	smul.u32 $0x18800, s1;
	s15 =	ssub.s32 $0x2, s1;
	[dreg:$0x13] =	wrdreg s29;
	v22 =	vor.u32 $0x1400, v0;
	v23 =	vor.u32 $0x1500, v0;
	v24 =	vor.u32 $0x1600, v0  }
0x12: {  	s1 =	smul.u32 $0x1880, s1;
	s8 =	simm.s32 $0x2;
	[dreg:$0x14] =	wrdreg s30;
	v25 =	vor.u32 $0x1700, v0;
	v26 =	vor.u32 $0x1800, v0;
	v27 =	vor.u32 $0x1900, v0  }
0x13: {  	s10 =	simm.s32 $0x80;
	s11 =	simm.s32 $0x800;
	[dreg:$0x15] =	wrdreg s31;
	v28 =	vor.u32 $0x1A00, v0;
	v29 =	vor.u32 $0x1B00, v0;
	v30 =	vor.u32 $0x1C00, v0  }
0x14: {  	s13 =	simm.s32 $0x280;
	s14 =	simm.s32 $0x3000;
	s16 =	simm.s32 $0x7000;
	v31 =	vor.u32 $0x1D00, v0;
	v32 =	vor.u32 $0x1E00, v0;
	v33 =	vor.u32 $0x1F00, v0  }
0x15: {  	s17 =	simm.s32 $0x300;
	s18 =	simm.s32 $0x3800;
	s19 =	simm.s32 $0x700;
	v34 =	vor.u32 $0x2000, v0;
	v35 =	vor.u32 $0x2100, v0;
	v36 =	vor.u32 $0x2200, v0  }
0x16: {  	s21 =	simm.s32 $0x380;
	s22 =	simm.s32 $0x4000;
	s3 =	sadd.s32 s3, s4;
	v37 =	vor.u32 $0x2300, v0;
	v38 =	vor.u32 $0x2400, v0;
	v39 =	vor.u32 $0x2500, v0  }
0x17: {  	s24 =	simm.s32 $0x8000;
	s7 =	sshrl.u32 s15, $0x1;
	v40 =	vor.u32 $0x2600, v0;
	v41 =	vor.u32 $0x2700, v0;
	v42 =	vor.u32 $0x2800, v0;
	s3 =	sadd.s32 s5, s3  }
0x18: {  	s26 =	simm.s32 $0x1;
	v43 =	vor.u32 $0x2900, v0;
	v44 =	vor.u32 $0x2A00, v0;
	v45 =	vor.u32 $0x2B00, v0;
	s6 =	ssub.s32 s15, s7;
	s5 =	sadd.s32 $0x685000, s3  }
0x19: {  	v46 =	vor.u32 $0x2C00, v0;
	v47 =	vor.u32 $0x2D00, v0;
	v48 =	vor.u32 $0x2E00, v0;
	s15 =	simm.s32 $0x680;
	s9 =	sadd.s32 $0x375000, s3;
	[dreg:$0x2] =	wrdreg s5  }
0x1a: {  	v49 =	vor.u32 $0x2F00, v0;
	v50 =	vor.u32 $0x3000, v0;
	v51 =	vor.u32 $0x3100, v0;
	s3 =	sadd.s32 $0x995000, s3;
	s20 =	smax.u32 s6, $0x1;
	[dreg:$0x3] =	wrdreg s9  }
0x1b: {  	v52 =	vor.u32 $0x3200, v0;
	v53 =	vor.u32 $0x3300, v0;
	v54 =	vor.u32 $0x3400, v0;
	[dreg:$0x4] =	wrdreg s3;
	s3 =	sadd.s32 $0x67C00, s4;
	s5 =	sadd.s32 s12, s4  }
0x1c: {  	v55 =	vor.u32 $0x3500, v0;
	v56 =	vor.u32 $0x3600, v0;
	v57 =	vor.u32 $0x3700, v0;
	[dreg:$0x16] =	wrdreg s20;
	s9 =	simm.s32 $0x400;
	s1 =	sadd.s32 s1, s5  }
0x1d: {  	v58 =	vor.u32 $0x3800, v0;
	v59 =	vor.u32 $0x3900, v0;
	v1 =	vor.u32 $0x3F00, v0;
	s12 =	simm.s32 $0x4800;
	s20 =	simm.s32 $0x7800;
	s23 =	sadd.s32 $0x5C00, s1  }
0x1e: {  	v60 =	vor.u32 $0x3A00, v0;
	v61 =	vor.u32 $0x3B00, v0;
	[tilespmem:$0x1FFE0] =	vst v1;
	s25 =	sadd.s32 $0x15CA00, s1;
	s7 =	sadd.s32 $0x98A00, s1;
	[dreg:$0x17] =	wrdreg s23  }
0x1f: {  	v62 =	vor.u32 $0x3C00, v0;
	v63 =	vor.u32 $0x3D00, v0;
	v3 =	vor.u32 $0x3E00, v0;
	[tilespmem:$0x1FFF0] =	vst v2;
	[dreg:$0x18] =	wrdreg s25;
	s23 =	simm.s32 $0x780;
	s25 =	simm.s32 $0x9800  }
.LBB2_1:
0x20: {  	s30 =	rddreg [dreg:$0x18]  }
0x21: {  	s29 =	smov.u32 s7;
	s31 =	rddreg [dreg:$0x17];
	s1 =	simm.s32 $0x0  }
.LBB2_2:
0x22: {  	[tilespmem:s2], [sflag:$0x2] =	stream.linear.gather [hbm4b:s30+s2], $0x400, $0x38;
	[tilespmem:$0xD800] =	vst v63  }
0x23: {  	_ =	swait.ge [sflag:s8], $0x400  }
0x24: {  	[sflag:s8] =	ssyncset.done $0x0  }
0x25: {  	[sflag:s8] =	ssyncadd.s32 $0xFFFFFC00  }
0x26: {  	[tilespmem:s9], [sflag:$0x2] =	stream.linear.gather [hbm4b:s31+s2], $0x400, $0x38;
	[tilespmem:$0xD800] =	vst v63  }
0x27: {  	_ =	swait.ge [sflag:s8], $0x400  }
0x28: {  	s0 =	rddreg [dreg:$0x5];
	[sflag:s8] =	ssyncset.done $0x0  }
0x29: {  	s4 =	rddreg [dreg:$0x6];
	[sflag:s8] =	ssyncadd.s32 $0xFFFFFC00  }
0x2a: {  	[tilespmem:s4], [sflag:$0x2] =	stream.strided.gather [hbm4b:s29+s9], $0x1000, s0, s9, $0x38;
	[tilespmem:$0xD800] =	vst v63  }
0x2b: {  	_ =	swait.ge [sflag:s8], $0x1000  }
0x2c: {  	[sflag:s8] =	ssyncset.done $0x0;
	s4 =	rddreg [dreg:$0x7]  }
0x2d: {  	s6 =	rddreg [dreg:$0x8];
	[sflag:s8] =	ssyncadd.s32 $0xFFFFF000  }
0x2e: {  	[tilespmem:s11], [sflag:$0x1] =	stream.indirect.gather [hbm4b:s3+s10], $0x10, s2, s10, $0xb8;
	[tilespmem:$0xD800] =	vst v63  }
0x2f: {  	s5 =	rddreg [dreg:$0x9]  }
0x30: {  	[tilespmem:s12], [sflag:$0x1] =	stream.indirect.gather [hbm4b:s3+s10], $0x10, s9, s10, $0xb8;
	[tilespmem:$0xD800] =	vst v63  }
0x31: {  	s0 =	rddreg [dreg:$0xa]  }
0x32: {  	[tilespmem:s4], [sflag:$0x1] =	stream.indirect.gather [hbm4b:s3+s10], $0x10, s10, s10, $0xb8;
	[tilespmem:$0xD800] =	vst v63  }
0x33: {  	s4 =	rddreg [dreg:$0xb]  }
0x34: {  	[tilespmem:s5], [sflag:$0x1] =	stream.indirect.gather [hbm4b:s3+s10], $0x10, s6, s10, $0xb8;
	[tilespmem:$0xD800] =	vst v63  }
0x35: {  	s5 =	rddreg [dreg:$0xc]  }
0x36: {  	s6 =	rddreg [dreg:$0xd]  }
0x37: {  	[tilespmem:s4], [sflag:$0x1] =	stream.indirect.gather [hbm4b:s3+s10], $0x10, s0, s10, $0xb8;
	[tilespmem:$0xD800] =	vst v63  }
0x38: {  	s0 =	rddreg [dreg:$0xe]  }
0x39: {  	s4 =	rddreg [dreg:$0xf]  }
0x3a: {  	[tilespmem:s6], [sflag:$0x1] =	stream.indirect.gather [hbm4b:s3+s10], $0x10, s5, s10, $0xb8;
	[tilespmem:$0xD800] =	vst v63  }
0x3b: {  	s5 =	rddreg [dreg:$0x10]  }
0x3c: {  	s6 =	rddreg [dreg:$0x11]  }
0x3d: {  	[tilespmem:s4], [sflag:$0x1] =	stream.indirect.gather [hbm4b:s3+s10], $0x10, s0, s10, $0xb8;
	[tilespmem:$0xD800] =	vst v63  }
0x3e: {  	s0 =	rddreg [dreg:$0x12]  }
0x3f: {  	s4 =	rddreg [dreg:$0x13]  }
0x40: {  	[tilespmem:s6], [sflag:$0x1] =	stream.indirect.gather [hbm4b:s3+s10], $0x10, s5, s10, $0xb8;
	[tilespmem:$0xD800] =	vst v63  }
0x41: {  	s5 =	rddreg [dreg:$0x14]  }
0x42: {  	[tilespmem:s4], [sflag:$0x1] =	stream.indirect.gather [hbm4b:s3+s10], $0x10, s0, s10, $0xb8;
	[tilespmem:$0xD800] =	vst v63  }
0x43: {  	s6 =	rddreg [dreg:$0x15]  }
0x44: {  	[tilespmem:s6], [sflag:$0x1] =	stream.indirect.gather [hbm4b:s3+s10], $0x10, s5, s10, $0xb8;
	[tilespmem:$0xD800] =	vst v63  }
0x45: {  	_ = 	snop  }
0x46: {  	[tilespmem:s14], [sflag:$0x1] =	stream.indirect.gather [hbm4b:s3+s10], $0x10, s13, s10, $0xb8;
	[tilespmem:$0xD800] =	vst v63  }
0x47: {  	_ = 	snop  }
0x48: {  	[tilespmem:s16], [sflag:$0x1] =	stream.indirect.gather [hbm4b:s3+s10], $0x10, s15, s10, $0xb8;
	[tilespmem:$0xD800] =	vst v63  }
0x49: {  	_ = 	snop  }
0x4a: {  	[tilespmem:s18], [sflag:$0x1] =	stream.indirect.gather [hbm4b:s3+s10], $0x10, s17, s10, $0xb8;
	[tilespmem:$0xD800] =	vst v63  }
0x4b: {  	_ = 	snop  }
0x4c: {  	[tilespmem:s20], [sflag:$0x1] =	stream.indirect.gather [hbm4b:s3+s10], $0x10, s19, s10, $0xb8;
	[tilespmem:$0xD800] =	vst v63  }
0x4d: {  	_ = 	snop  }
0x4e: {  	[tilespmem:s22], [sflag:$0x1] =	stream.indirect.gather [hbm4b:s3+s10], $0x10, s21, s10, $0xb8;
	[tilespmem:$0xD800] =	vst v63  }
0x4f: {  	_ = 	snop  }
0x50: {  	[tilespmem:s24], [sflag:$0x1] =	stream.indirect.gather [hbm4b:s3+s10], $0x10, s23, s10, $0xb8;
	[tilespmem:$0xD800] =	vst v63  }
0x51: {  	v1 =	vld [tilespmem:$0x8800];
	_ =	sdelay $0x4  }
0x52: {  	[tilespmem:v0+s25+$0x0] =	vst.idx.msk $0xffff, v1  }
0x53: {  	v1 =	vld [tilespmem:$0x8810];
	_ =	sdelay $0x4  }
0x54: {  	[tilespmem:v2+s25+$0x0] =	vst.idx.msk $0xffff, v1  }
0x55: {  	v1 =	vld [tilespmem:$0x8820];
	_ =	sdelay $0x4  }
0x56: {  	[tilespmem:v4+s25+$0x0] =	vst.idx.msk $0xffff, v1  }
0x57: {  	v1 =	vld [tilespmem:$0x8830];
	_ =	sdelay $0x4  }
0x58: {  	[tilespmem:v5+s25+$0x0] =	vst.idx.msk $0xffff, v1  }
0x59: {  	v1 =	vld [tilespmem:$0x8840];
	_ =	sdelay $0x4  }
0x5a: {  	[tilespmem:v6+s25+$0x0] =	vst.idx.msk $0xffff, v1  }
0x5b: {  	v1 =	vld [tilespmem:$0x8850];
	_ =	sdelay $0x4  }
0x5c: {  	[tilespmem:v7+s25+$0x0] =	vst.idx.msk $0xffff, v1  }
0x5d: {  	v1 =	vld [tilespmem:$0x8860];
	_ =	sdelay $0x4  }
0x5e: {  	[tilespmem:v8+s25+$0x0] =	vst.idx.msk $0xffff, v1  }
0x5f: {  	v1 =	vld [tilespmem:$0x8870];
	_ =	sdelay $0x4  }
0x60: {  	[tilespmem:v9+s25+$0x0] =	vst.idx.msk $0xffff, v1  }
0x61: {  	v1 =	vld [tilespmem:$0x8880];
	_ =	sdelay $0x4  }
0x62: {  	[tilespmem:v10+s25+$0x0] =	vst.idx.msk $0xffff, v1  }
0x63: {  	v1 =	vld [tilespmem:$0x8890];
	_ =	sdelay $0x4  }
0x64: {  	[tilespmem:v11+s25+$0x0] =	vst.idx.msk $0xffff, v1  }
0x65: {  	v1 =	vld [tilespmem:$0x88A0];
	_ =	sdelay $0x4  }
0x66: {  	[tilespmem:v12+s25+$0x0] =	vst.idx.msk $0xffff, v1  }
0x67: {  	v1 =	vld [tilespmem:$0x88B0];
	_ =	sdelay $0x4  }
0x68: {  	[tilespmem:v13+s25+$0x0] =	vst.idx.msk $0xffff, v1  }
0x69: {  	v1 =	vld [tilespmem:$0x88C0];
	_ =	sdelay $0x4  }
0x6a: {  	[tilespmem:v14+s25+$0x0] =	vst.idx.msk $0xffff, v1  }
0x6b: {  	v1 =	vld [tilespmem:$0x88D0];
	_ =	sdelay $0x4  }
0x6c: {  	[tilespmem:v15+s25+$0x0] =	vst.idx.msk $0xffff, v1  }
0x6d: {  	v1 =	vld [tilespmem:$0x88E0];
	_ =	sdelay $0x4  }
0x6e: {  	[tilespmem:v16+s25+$0x0] =	vst.idx.msk $0xffff, v1  }
0x6f: {  	v1 =	vld [tilespmem:$0x88F0];
	_ =	sdelay $0x4  }
0x70: {  	[tilespmem:v17+s25+$0x0] =	vst.idx.msk $0xffff, v1  }
0x71: {  	v1 =	vld [tilespmem:$0x8900];
	_ =	sdelay $0x4  }
0x72: {  	[tilespmem:v18+s25+$0x0] =	vst.idx.msk $0xffff, v1  }
0x73: {  	v1 =	vld [tilespmem:$0x8910];
	_ =	sdelay $0x4  }
0x74: {  	[tilespmem:v19+s25+$0x0] =	vst.idx.msk $0xffff, v1  }
0x75: {  	v1 =	vld [tilespmem:$0x8920];
	_ =	sdelay $0x4  }
0x76: {  	[tilespmem:v20+s25+$0x0] =	vst.idx.msk $0xffff, v1  }
0x77: {  	v1 =	vld [tilespmem:$0x8930];
	_ =	sdelay $0x4  }
0x78: {  	[tilespmem:v21+s25+$0x0] =	vst.idx.msk $0xffff, v1  }
0x79: {  	v1 =	vld [tilespmem:$0x8940];
	_ =	sdelay $0x4  }
0x7a: {  	[tilespmem:v22+s25+$0x0] =	vst.idx.msk $0xffff, v1  }
0x7b: {  	v1 =	vld [tilespmem:$0x8950];
	_ =	sdelay $0x4  }
0x7c: {  	[tilespmem:v23+s25+$0x0] =	vst.idx.msk $0xffff, v1  }
0x7d: {  	v1 =	vld [tilespmem:$0x8960];
	_ =	sdelay $0x4  }
0x7e: {  	[tilespmem:v24+s25+$0x0] =	vst.idx.msk $0xffff, v1  }
0x7f: {  	v1 =	vld [tilespmem:$0x8970];
	_ =	sdelay $0x4  }
0x80: {  	[tilespmem:v25+s25+$0x0] =	vst.idx.msk $0xffff, v1  }
0x81: {  	v1 =	vld [tilespmem:$0x8980];
	_ =	sdelay $0x4  }
0x82: {  	[tilespmem:v26+s25+$0x0] =	vst.idx.msk $0xffff, v1  }
0x83: {  	v1 =	vld [tilespmem:$0x8990];
	_ =	sdelay $0x4  }
0x84: {  	[tilespmem:v27+s25+$0x0] =	vst.idx.msk $0xffff, v1  }
0x85: {  	v1 =	vld [tilespmem:$0x89A0];
	_ =	sdelay $0x4  }
0x86: {  	[tilespmem:v28+s25+$0x0] =	vst.idx.msk $0xffff, v1  }
0x87: {  	v1 =	vld [tilespmem:$0x89B0];
	_ =	sdelay $0x4  }
0x88: {  	[tilespmem:v29+s25+$0x0] =	vst.idx.msk $0xffff, v1  }
0x89: {  	v1 =	vld [tilespmem:$0x89C0];
	_ =	sdelay $0x4  }
0x8a: {  	[tilespmem:v30+s25+$0x0] =	vst.idx.msk $0xffff, v1  }
0x8b: {  	v1 =	vld [tilespmem:$0x89D0];
	_ =	sdelay $0x4  }
0x8c: {  	[tilespmem:v31+s25+$0x0] =	vst.idx.msk $0xffff, v1  }
0x8d: {  	v1 =	vld [tilespmem:$0x89E0];
	_ =	sdelay $0x4  }
0x8e: {  	[tilespmem:v32+s25+$0x0] =	vst.idx.msk $0xffff, v1  }
0x8f: {  	v1 =	vld [tilespmem:$0x89F0];
	_ =	sdelay $0x4  }
0x90: {  	[tilespmem:v33+s25+$0x0] =	vst.idx.msk $0xffff, v1  }
0x91: {  	v1 =	vld [tilespmem:$0x8A00];
	_ =	sdelay $0x4  }
0x92: {  	[tilespmem:v34+s25+$0x0] =	vst.idx.msk $0xffff, v1  }
0x93: {  	v1 =	vld [tilespmem:$0x8A10];
	_ =	sdelay $0x4  }
0x94: {  	[tilespmem:v35+s25+$0x0] =	vst.idx.msk $0xffff, v1  }
0x95: {  	v1 =	vld [tilespmem:$0x8A20];
	_ =	sdelay $0x4  }
0x96: {  	[tilespmem:v36+s25+$0x0] =	vst.idx.msk $0xffff, v1  }
0x97: {  	v1 =	vld [tilespmem:$0x8A30];
	_ =	sdelay $0x4  }
0x98: {  	[tilespmem:v37+s25+$0x0] =	vst.idx.msk $0xffff, v1  }
0x99: {  	v1 =	vld [tilespmem:$0x8A40];
	_ =	sdelay $0x4  }
0x9a: {  	[tilespmem:v38+s25+$0x0] =	vst.idx.msk $0xffff, v1  }
0x9b: {  	v1 =	vld [tilespmem:$0x8A50];
	_ =	sdelay $0x4  }
0x9c: {  	[tilespmem:v39+s25+$0x0] =	vst.idx.msk $0xffff, v1  }
0x9d: {  	v1 =	vld [tilespmem:$0x8A60];
	_ =	sdelay $0x4  }
0x9e: {  	[tilespmem:v40+s25+$0x0] =	vst.idx.msk $0xffff, v1  }
0x9f: {  	v1 =	vld [tilespmem:$0x8A70];
	_ =	sdelay $0x4  }
0xa0: {  	[tilespmem:v41+s25+$0x0] =	vst.idx.msk $0xffff, v1  }
0xa1: {  	v1 =	vld [tilespmem:$0x8A80];
	_ =	sdelay $0x4  }
0xa2: {  	[tilespmem:v42+s25+$0x0] =	vst.idx.msk $0xffff, v1  }
0xa3: {  	v1 =	vld [tilespmem:$0x8A90];
	_ =	sdelay $0x4  }
0xa4: {  	[tilespmem:v43+s25+$0x0] =	vst.idx.msk $0xffff, v1  }
0xa5: {  	v1 =	vld [tilespmem:$0x8AA0];
	_ =	sdelay $0x4  }
0xa6: {  	[tilespmem:v44+s25+$0x0] =	vst.idx.msk $0xffff, v1  }
0xa7: {  	v1 =	vld [tilespmem:$0x8AB0];
	_ =	sdelay $0x4  }
0xa8: {  	[tilespmem:v45+s25+$0x0] =	vst.idx.msk $0xffff, v1  }
0xa9: {  	v1 =	vld [tilespmem:$0x8AC0];
	_ =	sdelay $0x4  }
0xaa: {  	[tilespmem:v46+s25+$0x0] =	vst.idx.msk $0xffff, v1  }
0xab: {  	v1 =	vld [tilespmem:$0x8AD0];
	_ =	sdelay $0x4  }
0xac: {  	[tilespmem:v47+s25+$0x0] =	vst.idx.msk $0xffff, v1  }
0xad: {  	v1 =	vld [tilespmem:$0x8AE0];
	_ =	sdelay $0x4  }
0xae: {  	[tilespmem:v48+s25+$0x0] =	vst.idx.msk $0xffff, v1  }
0xaf: {  	v1 =	vld [tilespmem:$0x8AF0];
	_ =	sdelay $0x4  }
0xb0: {  	[tilespmem:v49+s25+$0x0] =	vst.idx.msk $0xffff, v1  }
0xb1: {  	v1 =	vld [tilespmem:$0x8B00];
	_ =	sdelay $0x4  }
0xb2: {  	[tilespmem:v50+s25+$0x0] =	vst.idx.msk $0xffff, v1  }
0xb3: {  	v1 =	vld [tilespmem:$0x8B10];
	_ =	sdelay $0x4  }
0xb4: {  	[tilespmem:v51+s25+$0x0] =	vst.idx.msk $0xffff, v1  }
0xb5: {  	v1 =	vld [tilespmem:$0x8B20];
	_ =	sdelay $0x4  }
0xb6: {  	[tilespmem:v52+s25+$0x0] =	vst.idx.msk $0xffff, v1  }
0xb7: {  	v1 =	vld [tilespmem:$0x8B30];
	_ =	sdelay $0x4  }
0xb8: {  	[tilespmem:v53+s25+$0x0] =	vst.idx.msk $0xffff, v1  }
0xb9: {  	v1 =	vld [tilespmem:$0x8B40];
	_ =	sdelay $0x4  }
0xba: {  	[tilespmem:v54+s25+$0x0] =	vst.idx.msk $0xffff, v1  }
0xbb: {  	v1 =	vld [tilespmem:$0x8B50];
	_ =	sdelay $0x4  }
0xbc: {  	[tilespmem:v55+s25+$0x0] =	vst.idx.msk $0xffff, v1  }
0xbd: {  	v1 =	vld [tilespmem:$0x8B60];
	_ =	sdelay $0x4  }
0xbe: {  	[tilespmem:v56+s25+$0x0] =	vst.idx.msk $0xffff, v1  }
0xbf: {  	v1 =	vld [tilespmem:$0x8B70];
	_ =	sdelay $0x4  }
0xc0: {  	[tilespmem:v57+s25+$0x0] =	vst.idx.msk $0xffff, v1  }
0xc1: {  	v1 =	vld [tilespmem:$0x8B80];
	_ =	sdelay $0x4  }
0xc2: {  	[tilespmem:v58+s25+$0x0] =	vst.idx.msk $0xffff, v1  }
0xc3: {  	v1 =	vld [tilespmem:$0x8B90];
	_ =	sdelay $0x4  }
0xc4: {  	[tilespmem:v59+s25+$0x0] =	vst.idx.msk $0xffff, v1  }
0xc5: {  	v1 =	vld [tilespmem:$0x8BA0];
	_ =	sdelay $0x4  }
0xc6: {  	[tilespmem:v60+s25+$0x0] =	vst.idx.msk $0xffff, v1  }
0xc7: {  	v1 =	vld [tilespmem:$0x8BB0];
	_ =	sdelay $0x4  }
0xc8: {  	[tilespmem:v61+s25+$0x0] =	vst.idx.msk $0xffff, v1  }
0xc9: {  	v1 =	vld [tilespmem:$0x8BC0];
	_ =	sdelay $0x4  }
0xca: {  	[tilespmem:v62+s25+$0x0] =	vst.idx.msk $0xffff, v1  }
0xcb: {  	v1 =	vld [tilespmem:$0x8BD0];
	_ =	sdelay $0x4  }
0xcc: {  	[tilespmem:v63+s25+$0x0] =	vst.idx.msk $0xffff, v1  }
0xcd: {  	v1 =	vld [tilespmem:$0x8BE0];
	_ =	sdelay $0x2  }
0xce: {  	v2 =	vld [tilespmem:$0x1FFE0];
	_ =	sdelay $0x1  }
0xcf: {  	[tilespmem:v3+s25+$0x0] =	vst.idx.msk $0xffff, v1  }
0xd0: {  	v1 =	vld [tilespmem:$0x8BF0];
	_ =	sdelay $0x4  }
0xd1: {  	[tilespmem:v2+s25+$0x0] =	vst.idx.msk $0xffff, v1  }
0xd2: {  	v2 =	vor.u32 $0x1, v0;
	v1 =	vld [tilespmem:$0x8C00];
	_ =	sdelay $0x4  }
0xd3: {  	[tilespmem:v2+s25+$0x0] =	vst.idx.msk $0xffff, v1  }
0xd4: {  	v2 =	vor.u32 $0x101, v0;
	v1 =	vld [tilespmem:$0x8C10];
	_ =	sdelay $0x4  }
0xd5: {  	[tilespmem:v2+s25+$0x0] =	vst.idx.msk $0xffff, v1  }
0xd6: {  	v2 =	vor.u32 $0x201, v0;
	v1 =	vld [tilespmem:$0x8C20];
	_ =	sdelay $0x4  }
0xd7: {  	[tilespmem:v2+s25+$0x0] =	vst.idx.msk $0xffff, v1  }
0xd8: {  	v2 =	vor.u32 $0x301, v0;
	v1 =	vld [tilespmem:$0x8C30];
	_ =	sdelay $0x4  }
0xd9: {  	[tilespmem:v2+s25+$0x0] =	vst.idx.msk $0xffff, v1  }
0xda: {  	v2 =	vor.u32 $0x401, v0;
	v1 =	vld [tilespmem:$0x8C40];
	_ =	sdelay $0x4  }
0xdb: {  	[tilespmem:v2+s25+$0x0] =	vst.idx.msk $0xffff, v1  }
0xdc: {  	v2 =	vor.u32 $0x501, v0;
	v1 =	vld [tilespmem:$0x8C50];
	_ =	sdelay $0x4  }
0xdd: {  	[tilespmem:v2+s25+$0x0] =	vst.idx.msk $0xffff, v1  }
0xde: {  	v2 =	vor.u32 $0x601, v0;
	v1 =	vld [tilespmem:$0x8C60];
	_ =	sdelay $0x4  }
0xdf: {  	[tilespmem:v2+s25+$0x0] =	vst.idx.msk $0xffff, v1  }
0xe0: {  	v2 =	vor.u32 $0x701, v0;
	v1 =	vld [tilespmem:$0x8C70];
	_ =	sdelay $0x4  }
0xe1: {  	[tilespmem:v2+s25+$0x0] =	vst.idx.msk $0xffff, v1  }
0xe2: {  	v2 =	vor.u32 $0x801, v0;
	v1 =	vld [tilespmem:$0x8C80];
	_ =	sdelay $0x4  }
0xe3: {  	[tilespmem:v2+s25+$0x0] =	vst.idx.msk $0xffff, v1  }
0xe4: {  	v2 =	vor.u32 $0x901, v0;
	v1 =	vld [tilespmem:$0x8C90];
	_ =	sdelay $0x4  }
0xe5: {  	[tilespmem:v2+s25+$0x0] =	vst.idx.msk $0xffff, v1  }
0xe6: {  	v2 =	vor.u32 $0xA01, v0;
	v1 =	vld [tilespmem:$0x8CA0];
	_ =	sdelay $0x4  }
0xe7: {  	[tilespmem:v2+s25+$0x0] =	vst.idx.msk $0xffff, v1  }
0xe8: {  	v2 =	vor.u32 $0xB01, v0;
	v1 =	vld [tilespmem:$0x8CB0];
	_ =	sdelay $0x4  }
0xe9: {  	[tilespmem:v2+s25+$0x0] =	vst.idx.msk $0xffff, v1  }
0xea: {  	v2 =	vor.u32 $0xC01, v0;
	v1 =	vld [tilespmem:$0x8CC0];
	_ =	sdelay $0x4  }
0xeb: {  	[tilespmem:v2+s25+$0x0] =	vst.idx.msk $0xffff, v1  }
0xec: {  	v2 =	vor.u32 $0xD01, v0;
	v1 =	vld [tilespmem:$0x8CD0];
	_ =	sdelay $0x4  }
0xed: {  	[tilespmem:v2+s25+$0x0] =	vst.idx.msk $0xffff, v1  }
0xee: {  	v2 =	vor.u32 $0xE01, v0;
	v1 =	vld [tilespmem:$0x8CE0];
	_ =	sdelay $0x4  }
0xef: {  	[tilespmem:v2+s25+$0x0] =	vst.idx.msk $0xffff, v1  }
0xf0: {  	v2 =	vor.u32 $0xF01, v0;
	v1 =	vld [tilespmem:$0x8CF0];
	_ =	sdelay $0x4  }
0xf1: {  	[tilespmem:v2+s25+$0x0] =	vst.idx.msk $0xffff, v1  }
0xf2: {  	v2 =	vor.u32 $0x1001, v0;
	v1 =	vld [tilespmem:$0x8D00];
	_ =	sdelay $0x4  }
0xf3: {  	[tilespmem:v2+s25+$0x0] =	vst.idx.msk $0xffff, v1  }
0xf4: {  	v2 =	vor.u32 $0x1101, v0;
	v1 =	vld [tilespmem:$0x8D10];
	_ =	sdelay $0x4  }
0xf5: {  	[tilespmem:v2+s25+$0x0] =	vst.idx.msk $0xffff, v1  }
0xf6: {  	v2 =	vor.u32 $0x1201, v0;
	v1 =	vld [tilespmem:$0x8D20];
	_ =	sdelay $0x4  }
0xf7: {  	[tilespmem:v2+s25+$0x0] =	vst.idx.msk $0xffff, v1  }
0xf8: {  	v2 =	vor.u32 $0x1301, v0;
	v1 =	vld [tilespmem:$0x8D30];
	_ =	sdelay $0x4  }
0xf9: {  	[tilespmem:v2+s25+$0x0] =	vst.idx.msk $0xffff, v1  }
0xfa: {  	v2 =	vor.u32 $0x1401, v0;
	v1 =	vld [tilespmem:$0x8D40];
	_ =	sdelay $0x4  }
0xfb: {  	[tilespmem:v2+s25+$0x0] =	vst.idx.msk $0xffff, v1  }
0xfc: {  	v2 =	vor.u32 $0x1501, v0;
	v1 =	vld [tilespmem:$0x8D50];
	_ =	sdelay $0x4  }
0xfd: {  	[tilespmem:v2+s25+$0x0] =	vst.idx.msk $0xffff, v1  }
0xfe: {  	v2 =	vor.u32 $0x1601, v0;
	v1 =	vld [tilespmem:$0x8D60];
	_ =	sdelay $0x4  }
0xff: {  	[tilespmem:v2+s25+$0x0] =	vst.idx.msk $0xffff, v1  }
0x100: {  	v2 =	vor.u32 $0x1701, v0;
	v1 =	vld [tilespmem:$0x8D70];
	_ =	sdelay $0x4  }
0x101: {  	[tilespmem:v2+s25+$0x0] =	vst.idx.msk $0xffff, v1  }
0x102: {  	v2 =	vor.u32 $0x1801, v0;
	v1 =	vld [tilespmem:$0x8D80];
	_ =	sdelay $0x4  }
0x103: {  	[tilespmem:v2+s25+$0x0] =	vst.idx.msk $0xffff, v1  }
0x104: {  	v2 =	vor.u32 $0x1901, v0;
	v1 =	vld [tilespmem:$0x8D90];
	_ =	sdelay $0x4  }
0x105: {  	[tilespmem:v2+s25+$0x0] =	vst.idx.msk $0xffff, v1  }
0x106: {  	v2 =	vor.u32 $0x1A01, v0;
	v1 =	vld [tilespmem:$0x8DA0];
	_ =	sdelay $0x4  }
0x107: {  	[tilespmem:v2+s25+$0x0] =	vst.idx.msk $0xffff, v1  }
0x108: {  	v2 =	vor.u32 $0x1B01, v0;
	v1 =	vld [tilespmem:$0x8DB0];
	_ =	sdelay $0x4  }
0x109: {  	[tilespmem:v2+s25+$0x0] =	vst.idx.msk $0xffff, v1  }
0x10a: {  	v2 =	vor.u32 $0x1C01, v0;
	v1 =	vld [tilespmem:$0x8DC0];
	_ =	sdelay $0x4  }
0x10b: {  	[tilespmem:v2+s25+$0x0] =	vst.idx.msk $0xffff, v1  }
0x10c: {  	v2 =	vor.u32 $0x1D01, v0;
	v1 =	vld [tilespmem:$0x8DD0];
	_ =	sdelay $0x4  }
0x10d: {  	[tilespmem:v2+s25+$0x0] =	vst.idx.msk $0xffff, v1  }
0x10e: {  	v2 =	vor.u32 $0x1E01, v0;
	v1 =	vld [tilespmem:$0x8DE0];
	_ =	sdelay $0x4  }
0x10f: {  	[tilespmem:v2+s25+$0x0] =	vst.idx.msk $0xffff, v1  }
0x110: {  	v2 =	vor.u32 $0x1F01, v0;
	v1 =	vld [tilespmem:$0x8DF0];
	_ =	sdelay $0x4  }
0x111: {  	[tilespmem:v2+s25+$0x0] =	vst.idx.msk $0xffff, v1  }
0x112: {  	v2 =	vor.u32 $0x2001, v0;
	v1 =	vld [tilespmem:$0x8E00];
	_ =	sdelay $0x4  }
0x113: {  	[tilespmem:v2+s25+$0x0] =	vst.idx.msk $0xffff, v1  }
0x114: {  	v2 =	vor.u32 $0x2101, v0;
	v1 =	vld [tilespmem:$0x8E10];
	_ =	sdelay $0x4  }
0x115: {  	[tilespmem:v2+s25+$0x0] =	vst.idx.msk $0xffff, v1  }
0x116: {  	v2 =	vor.u32 $0x2201, v0;
	v1 =	vld [tilespmem:$0x8E20];
	_ =	sdelay $0x4  }
0x117: {  	[tilespmem:v2+s25+$0x0] =	vst.idx.msk $0xffff, v1  }
0x118: {  	v2 =	vor.u32 $0x2301, v0;
	v1 =	vld [tilespmem:$0x8E30];
	_ =	sdelay $0x4  }
0x119: {  	[tilespmem:v2+s25+$0x0] =	vst.idx.msk $0xffff, v1  }
0x11a: {  	v2 =	vor.u32 $0x2401, v0;
	v1 =	vld [tilespmem:$0x8E40];
	_ =	sdelay $0x4  }
0x11b: {  	[tilespmem:v2+s25+$0x0] =	vst.idx.msk $0xffff, v1  }
0x11c: {  	v2 =	vor.u32 $0x2501, v0;
	v1 =	vld [tilespmem:$0x8E50];
	_ =	sdelay $0x4  }
0x11d: {  	[tilespmem:v2+s25+$0x0] =	vst.idx.msk $0xffff, v1  }
0x11e: {  	v2 =	vor.u32 $0x2601, v0;
	v1 =	vld [tilespmem:$0x8E60];
	_ =	sdelay $0x4  }
0x11f: {  	[tilespmem:v2+s25+$0x0] =	vst.idx.msk $0xffff, v1  }
0x120: {  	v2 =	vor.u32 $0x2701, v0;
	v1 =	vld [tilespmem:$0x8E70];
	_ =	sdelay $0x4  }
0x121: {  	[tilespmem:v2+s25+$0x0] =	vst.idx.msk $0xffff, v1  }
0x122: {  	v2 =	vor.u32 $0x2801, v0;
	v1 =	vld [tilespmem:$0x8E80];
	_ =	sdelay $0x4  }
0x123: {  	[tilespmem:v2+s25+$0x0] =	vst.idx.msk $0xffff, v1  }
0x124: {  	v2 =	vor.u32 $0x2901, v0;
	v1 =	vld [tilespmem:$0x8E90];
	_ =	sdelay $0x4  }
0x125: {  	[tilespmem:v2+s25+$0x0] =	vst.idx.msk $0xffff, v1  }
0x126: {  	v2 =	vor.u32 $0x2A01, v0;
	v1 =	vld [tilespmem:$0x8EA0];
	_ =	sdelay $0x4  }
0x127: {  	[tilespmem:v2+s25+$0x0] =	vst.idx.msk $0xffff, v1  }
0x128: {  	v2 =	vor.u32 $0x2B01, v0;
	v1 =	vld [tilespmem:$0x8EB0];
	_ =	sdelay $0x4  }
0x129: {  	[tilespmem:v2+s25+$0x0] =	vst.idx.msk $0xffff, v1  }
0x12a: {  	v2 =	vor.u32 $0x2C01, v0;
	v1 =	vld [tilespmem:$0x8EC0];
	_ =	sdelay $0x4  }
0x12b: {  	[tilespmem:v2+s25+$0x0] =	vst.idx.msk $0xffff, v1  }
0x12c: {  	v2 =	vor.u32 $0x2D01, v0;
	v1 =	vld [tilespmem:$0x8ED0];
	_ =	sdelay $0x4  }
0x12d: {  	[tilespmem:v2+s25+$0x0] =	vst.idx.msk $0xffff, v1  }
0x12e: {  	v2 =	vor.u32 $0x2E01, v0;
	v1 =	vld [tilespmem:$0x8EE0];
	_ =	sdelay $0x4  }
0x12f: {  	[tilespmem:v2+s25+$0x0] =	vst.idx.msk $0xffff, v1  }
0x130: {  	v2 =	vor.u32 $0x2F01, v0;
	v1 =	vld [tilespmem:$0x8EF0];
	_ =	sdelay $0x4  }
0x131: {  	[tilespmem:v2+s25+$0x0] =	vst.idx.msk $0xffff, v1  }
0x132: {  	v2 =	vor.u32 $0x3001, v0;
	v1 =	vld [tilespmem:$0x8F00];
	_ =	sdelay $0x4  }
0x133: {  	[tilespmem:v2+s25+$0x0] =	vst.idx.msk $0xffff, v1  }
0x134: {  	v2 =	vor.u32 $0x3101, v0;
	v1 =	vld [tilespmem:$0x8F10];
	_ =	sdelay $0x4  }
0x135: {  	[tilespmem:v2+s25+$0x0] =	vst.idx.msk $0xffff, v1  }
0x136: {  	v2 =	vor.u32 $0x3201, v0;
	v1 =	vld [tilespmem:$0x8F20];
	_ =	sdelay $0x4  }
0x137: {  	[tilespmem:v2+s25+$0x0] =	vst.idx.msk $0xffff, v1  }
0x138: {  	v2 =	vor.u32 $0x3301, v0;
	v1 =	vld [tilespmem:$0x8F30];
	_ =	sdelay $0x4  }
0x139: {  	[tilespmem:v2+s25+$0x0] =	vst.idx.msk $0xffff, v1  }
0x13a: {  	v2 =	vor.u32 $0x3401, v0;
	v1 =	vld [tilespmem:$0x8F40];
	_ =	sdelay $0x4  }
0x13b: {  	[tilespmem:v2+s25+$0x0] =	vst.idx.msk $0xffff, v1  }
0x13c: {  	v2 =	vor.u32 $0x3501, v0;
	v1 =	vld [tilespmem:$0x8F50];
	_ =	sdelay $0x4  }
0x13d: {  	[tilespmem:v2+s25+$0x0] =	vst.idx.msk $0xffff, v1  }
0x13e: {  	v2 =	vor.u32 $0x3601, v0;
	v1 =	vld [tilespmem:$0x8F60];
	_ =	sdelay $0x4  }
0x13f: {  	[tilespmem:v2+s25+$0x0] =	vst.idx.msk $0xffff, v1  }
0x140: {  	v2 =	vor.u32 $0x3701, v0;
	v1 =	vld [tilespmem:$0x8F70];
	_ =	sdelay $0x4  }
0x141: {  	[tilespmem:v2+s25+$0x0] =	vst.idx.msk $0xffff, v1  }
0x142: {  	v2 =	vor.u32 $0x3801, v0;
	v1 =	vld [tilespmem:$0x8F80];
	_ =	sdelay $0x4  }
0x143: {  	[tilespmem:v2+s25+$0x0] =	vst.idx.msk $0xffff, v1  }
0x144: {  	v2 =	vor.u32 $0x3901, v0;
	v1 =	vld [tilespmem:$0x8F90];
	_ =	sdelay $0x4  }
0x145: {  	[tilespmem:v2+s25+$0x0] =	vst.idx.msk $0xffff, v1  }
0x146: {  	v2 =	vor.u32 $0x3A01, v0;
	v1 =	vld [tilespmem:$0x8FA0];
	_ =	sdelay $0x4  }
0x147: {  	[tilespmem:v2+s25+$0x0] =	vst.idx.msk $0xffff, v1  }
0x148: {  	v2 =	vor.u32 $0x3B01, v0;
	v1 =	vld [tilespmem:$0x8FB0];
	_ =	sdelay $0x4  }
0x149: {  	[tilespmem:v2+s25+$0x0] =	vst.idx.msk $0xffff, v1  }
0x14a: {  	v2 =	vor.u32 $0x3C01, v0;
	v1 =	vld [tilespmem:$0x8FC0];
	_ =	sdelay $0x4  }
0x14b: {  	[tilespmem:v2+s25+$0x0] =	vst.idx.msk $0xffff, v1  }
0x14c: {  	v2 =	vor.u32 $0x3D01, v0;
	v1 =	vld [tilespmem:$0x8FD0];
	_ =	sdelay $0x4  }
0x14d: {  	[tilespmem:v2+s25+$0x0] =	vst.idx.msk $0xffff, v1  }
0x14e: {  	v2 =	vor.u32 $0x3E01, v0;
	v1 =	vld [tilespmem:$0x8FE0];
	_ =	sdelay $0x4  }
0x14f: {  	[tilespmem:v2+s25+$0x0] =	vst.idx.msk $0xffff, v1  }
0x150: {  	v2 =	vor.u32 $0x3F01, v0;
	v1 =	vld [tilespmem:$0x8FF0];
	_ =	sdelay $0x4  }
0x151: {  	[tilespmem:v2+s25+$0x0] =	vst.idx.msk $0xffff, v1  }
0x152: {  	v2 =	vor.u32 $0x2, v0;
	v1 =	vld [tilespmem:$0x9000];
	_ =	sdelay $0x4  }
0x153: {  	[tilespmem:v2+s25+$0x0] =	vst.idx.msk $0xffff, v1  }
0x154: {  	v2 =	vor.u32 $0x102, v0;
	v1 =	vld [tilespmem:$0x9010];
	_ =	sdelay $0x4  }
0x155: {  	[tilespmem:v2+s25+$0x0] =	vst.idx.msk $0xffff, v1  }
0x156: {  	v2 =	vor.u32 $0x202, v0;
	v1 =	vld [tilespmem:$0x9020];
	_ =	sdelay $0x4  }
0x157: {  	[tilespmem:v2+s25+$0x0] =	vst.idx.msk $0xffff, v1  }
0x158: {  	v2 =	vor.u32 $0x302, v0;
	v1 =	vld [tilespmem:$0x9030];
	_ =	sdelay $0x4  }
0x159: {  	[tilespmem:v2+s25+$0x0] =	vst.idx.msk $0xffff, v1  }
0x15a: {  	v2 =	vor.u32 $0x402, v0;
	v1 =	vld [tilespmem:$0x9040];
	_ =	sdelay $0x4  }
0x15b: {  	[tilespmem:v2+s25+$0x0] =	vst.idx.msk $0xffff, v1  }
0x15c: {  	v2 =	vor.u32 $0x502, v0;
	v1 =	vld [tilespmem:$0x9050];
	_ =	sdelay $0x4  }
0x15d: {  	[tilespmem:v2+s25+$0x0] =	vst.idx.msk $0xffff, v1  }
0x15e: {  	v2 =	vor.u32 $0x602, v0;
	v1 =	vld [tilespmem:$0x9060];
	_ =	sdelay $0x4  }
0x15f: {  	[tilespmem:v2+s25+$0x0] =	vst.idx.msk $0xffff, v1  }
0x160: {  	v2 =	vor.u32 $0x702, v0;
	v1 =	vld [tilespmem:$0x9070];
	_ =	sdelay $0x4  }
0x161: {  	[tilespmem:v2+s25+$0x0] =	vst.idx.msk $0xffff, v1  }
0x162: {  	v2 =	vor.u32 $0x802, v0;
	v1 =	vld [tilespmem:$0x9080];
	_ =	sdelay $0x4  }
0x163: {  	[tilespmem:v2+s25+$0x0] =	vst.idx.msk $0xffff, v1  }
0x164: {  	v2 =	vor.u32 $0x902, v0;
	v1 =	vld [tilespmem:$0x9090];
	_ =	sdelay $0x4  }
0x165: {  	[tilespmem:v2+s25+$0x0] =	vst.idx.msk $0xffff, v1  }
0x166: {  	v2 =	vor.u32 $0xA02, v0;
	v1 =	vld [tilespmem:$0x90A0];
	_ =	sdelay $0x4  }
0x167: {  	[tilespmem:v2+s25+$0x0] =	vst.idx.msk $0xffff, v1  }
0x168: {  	v2 =	vor.u32 $0xB02, v0;
	v1 =	vld [tilespmem:$0x90B0];
	_ =	sdelay $0x4  }
0x169: {  	[tilespmem:v2+s25+$0x0] =	vst.idx.msk $0xffff, v1  }
0x16a: {  	v2 =	vor.u32 $0xC02, v0;
	v1 =	vld [tilespmem:$0x90C0];
	_ =	sdelay $0x4  }
0x16b: {  	[tilespmem:v2+s25+$0x0] =	vst.idx.msk $0xffff, v1  }
0x16c: {  	v2 =	vor.u32 $0xD02, v0;
	v1 =	vld [tilespmem:$0x90D0];
	_ =	sdelay $0x4  }
0x16d: {  	[tilespmem:v2+s25+$0x0] =	vst.idx.msk $0xffff, v1  }
0x16e: {  	v2 =	vor.u32 $0xE02, v0;
	v1 =	vld [tilespmem:$0x90E0];
	_ =	sdelay $0x4  }
0x16f: {  	[tilespmem:v2+s25+$0x0] =	vst.idx.msk $0xffff, v1  }
0x170: {  	v2 =	vor.u32 $0xF02, v0;
	v1 =	vld [tilespmem:$0x90F0];
	_ =	sdelay $0x4  }
0x171: {  	[tilespmem:v2+s25+$0x0] =	vst.idx.msk $0xffff, v1  }
0x172: {  	v2 =	vor.u32 $0x1002, v0;
	v1 =	vld [tilespmem:$0x9100];
	_ =	sdelay $0x4  }
0x173: {  	[tilespmem:v2+s25+$0x0] =	vst.idx.msk $0xffff, v1  }
0x174: {  	v2 =	vor.u32 $0x1102, v0;
	v1 =	vld [tilespmem:$0x9110];
	_ =	sdelay $0x4  }
0x175: {  	[tilespmem:v2+s25+$0x0] =	vst.idx.msk $0xffff, v1  }
0x176: {  	v2 =	vor.u32 $0x1202, v0;
	v1 =	vld [tilespmem:$0x9120];
	_ =	sdelay $0x4  }
0x177: {  	[tilespmem:v2+s25+$0x0] =	vst.idx.msk $0xffff, v1  }
0x178: {  	v2 =	vor.u32 $0x1302, v0;
	v1 =	vld [tilespmem:$0x9130];
	_ =	sdelay $0x4  }
0x179: {  	[tilespmem:v2+s25+$0x0] =	vst.idx.msk $0xffff, v1  }
0x17a: {  	v2 =	vor.u32 $0x1402, v0;
	v1 =	vld [tilespmem:$0x9140];
	_ =	sdelay $0x4  }
0x17b: {  	[tilespmem:v2+s25+$0x0] =	vst.idx.msk $0xffff, v1  }
0x17c: {  	v2 =	vor.u32 $0x1502, v0;
	v1 =	vld [tilespmem:$0x9150];
	_ =	sdelay $0x4  }
0x17d: {  	[tilespmem:v2+s25+$0x0] =	vst.idx.msk $0xffff, v1  }
0x17e: {  	v2 =	vor.u32 $0x1602, v0;
	v1 =	vld [tilespmem:$0x9160];
	_ =	sdelay $0x4  }
0x17f: {  	[tilespmem:v2+s25+$0x0] =	vst.idx.msk $0xffff, v1  }
0x180: {  	v2 =	vor.u32 $0x1702, v0;
	v1 =	vld [tilespmem:$0x9170];
	_ =	sdelay $0x4  }
0x181: {  	[tilespmem:v2+s25+$0x0] =	vst.idx.msk $0xffff, v1  }
0x182: {  	v2 =	vor.u32 $0x1802, v0;
	v1 =	vld [tilespmem:$0x9180];
	_ =	sdelay $0x4  }
0x183: {  	[tilespmem:v2+s25+$0x0] =	vst.idx.msk $0xffff, v1  }
0x184: {  	v2 =	vor.u32 $0x1902, v0;
	v1 =	vld [tilespmem:$0x9190];
	_ =	sdelay $0x4  }
0x185: {  	[tilespmem:v2+s25+$0x0] =	vst.idx.msk $0xffff, v1  }
0x186: {  	v2 =	vor.u32 $0x1A02, v0;
	v1 =	vld [tilespmem:$0x91A0];
	_ =	sdelay $0x4  }
0x187: {  	[tilespmem:v2+s25+$0x0] =	vst.idx.msk $0xffff, v1  }
0x188: {  	v2 =	vor.u32 $0x1B02, v0;
	v1 =	vld [tilespmem:$0x91B0];
	_ =	sdelay $0x4  }
0x189: {  	[tilespmem:v2+s25+$0x0] =	vst.idx.msk $0xffff, v1  }
0x18a: {  	v2 =	vor.u32 $0x1C02, v0;
	v1 =	vld [tilespmem:$0x91C0];
	_ =	sdelay $0x4  }
0x18b: {  	[tilespmem:v2+s25+$0x0] =	vst.idx.msk $0xffff, v1  }
0x18c: {  	v2 =	vor.u32 $0x1D02, v0;
	v1 =	vld [tilespmem:$0x91D0];
	_ =	sdelay $0x4  }
0x18d: {  	[tilespmem:v2+s25+$0x0] =	vst.idx.msk $0xffff, v1  }
0x18e: {  	v2 =	vor.u32 $0x1E02, v0;
	v1 =	vld [tilespmem:$0x91E0];
	_ =	sdelay $0x4  }
0x18f: {  	[tilespmem:v2+s25+$0x0] =	vst.idx.msk $0xffff, v1  }
0x190: {  	v2 =	vor.u32 $0x1F02, v0;
	v1 =	vld [tilespmem:$0x91F0];
	_ =	sdelay $0x4  }
0x191: {  	[tilespmem:v2+s25+$0x0] =	vst.idx.msk $0xffff, v1  }
0x192: {  	v2 =	vor.u32 $0x2002, v0;
	v1 =	vld [tilespmem:$0x9200];
	_ =	sdelay $0x4  }
0x193: {  	[tilespmem:v2+s25+$0x0] =	vst.idx.msk $0xffff, v1  }
0x194: {  	v2 =	vor.u32 $0x2102, v0;
	v1 =	vld [tilespmem:$0x9210];
	_ =	sdelay $0x4  }
0x195: {  	[tilespmem:v2+s25+$0x0] =	vst.idx.msk $0xffff, v1  }
0x196: {  	v2 =	vor.u32 $0x2202, v0;
	v1 =	vld [tilespmem:$0x9220];
	_ =	sdelay $0x4  }
0x197: {  	[tilespmem:v2+s25+$0x0] =	vst.idx.msk $0xffff, v1  }
0x198: {  	v2 =	vor.u32 $0x2302, v0;
	v1 =	vld [tilespmem:$0x9230];
	_ =	sdelay $0x4  }
0x199: {  	[tilespmem:v2+s25+$0x0] =	vst.idx.msk $0xffff, v1  }
0x19a: {  	v2 =	vor.u32 $0x2402, v0;
	v1 =	vld [tilespmem:$0x9240];
	_ =	sdelay $0x4  }
0x19b: {  	[tilespmem:v2+s25+$0x0] =	vst.idx.msk $0xffff, v1  }
0x19c: {  	v2 =	vor.u32 $0x2502, v0;
	v1 =	vld [tilespmem:$0x9250];
	_ =	sdelay $0x4  }
0x19d: {  	[tilespmem:v2+s25+$0x0] =	vst.idx.msk $0xffff, v1  }
0x19e: {  	v2 =	vor.u32 $0x2602, v0;
	v1 =	vld [tilespmem:$0x9260];
	_ =	sdelay $0x4  }
0x19f: {  	[tilespmem:v2+s25+$0x0] =	vst.idx.msk $0xffff, v1  }
0x1a0: {  	v2 =	vor.u32 $0x2702, v0;
	v1 =	vld [tilespmem:$0x9270];
	_ =	sdelay $0x4  }
0x1a1: {  	[tilespmem:v2+s25+$0x0] =	vst.idx.msk $0xffff, v1  }
0x1a2: {  	v2 =	vor.u32 $0x2802, v0;
	v1 =	vld [tilespmem:$0x9280];
	_ =	sdelay $0x4  }
0x1a3: {  	[tilespmem:v2+s25+$0x0] =	vst.idx.msk $0xffff, v1  }
0x1a4: {  	v2 =	vor.u32 $0x2902, v0;
	v1 =	vld [tilespmem:$0x9290];
	_ =	sdelay $0x4  }
0x1a5: {  	[tilespmem:v2+s25+$0x0] =	vst.idx.msk $0xffff, v1  }
0x1a6: {  	v2 =	vor.u32 $0x2A02, v0;
	v1 =	vld [tilespmem:$0x92A0];
	_ =	sdelay $0x4  }
0x1a7: {  	[tilespmem:v2+s25+$0x0] =	vst.idx.msk $0xffff, v1  }
0x1a8: {  	v2 =	vor.u32 $0x2B02, v0;
	v1 =	vld [tilespmem:$0x92B0];
	_ =	sdelay $0x4  }
0x1a9: {  	[tilespmem:v2+s25+$0x0] =	vst.idx.msk $0xffff, v1  }
0x1aa: {  	v2 =	vor.u32 $0x2C02, v0;
	v1 =	vld [tilespmem:$0x92C0];
	_ =	sdelay $0x4  }
0x1ab: {  	[tilespmem:v2+s25+$0x0] =	vst.idx.msk $0xffff, v1  }
0x1ac: {  	v2 =	vor.u32 $0x2D02, v0;
	v1 =	vld [tilespmem:$0x92D0];
	_ =	sdelay $0x4  }
0x1ad: {  	[tilespmem:v2+s25+$0x0] =	vst.idx.msk $0xffff, v1  }
0x1ae: {  	v2 =	vor.u32 $0x2E02, v0;
	v1 =	vld [tilespmem:$0x92E0];
	_ =	sdelay $0x4  }
0x1af: {  	[tilespmem:v2+s25+$0x0] =	vst.idx.msk $0xffff, v1  }
0x1b0: {  	v2 =	vor.u32 $0x2F02, v0;
	v1 =	vld [tilespmem:$0x92F0];
	_ =	sdelay $0x4  }
0x1b1: {  	[tilespmem:v2+s25+$0x0] =	vst.idx.msk $0xffff, v1  }
0x1b2: {  	v2 =	vor.u32 $0x3002, v0;
	v1 =	vld [tilespmem:$0x9300];
	_ =	sdelay $0x4  }
0x1b3: {  	[tilespmem:v2+s25+$0x0] =	vst.idx.msk $0xffff, v1  }
0x1b4: {  	v2 =	vor.u32 $0x3102, v0;
	v1 =	vld [tilespmem:$0x9310];
	_ =	sdelay $0x4  }
0x1b5: {  	[tilespmem:v2+s25+$0x0] =	vst.idx.msk $0xffff, v1  }
0x1b6: {  	v2 =	vor.u32 $0x3202, v0;
	v1 =	vld [tilespmem:$0x9320];
	_ =	sdelay $0x4  }
0x1b7: {  	[tilespmem:v2+s25+$0x0] =	vst.idx.msk $0xffff, v1  }
0x1b8: {  	v2 =	vor.u32 $0x3302, v0;
	v1 =	vld [tilespmem:$0x9330];
	_ =	sdelay $0x4  }
0x1b9: {  	[tilespmem:v2+s25+$0x0] =	vst.idx.msk $0xffff, v1  }
0x1ba: {  	v2 =	vor.u32 $0x3402, v0;
	v1 =	vld [tilespmem:$0x9340];
	_ =	sdelay $0x4  }
0x1bb: {  	[tilespmem:v2+s25+$0x0] =	vst.idx.msk $0xffff, v1  }
0x1bc: {  	v2 =	vor.u32 $0x3502, v0;
	v1 =	vld [tilespmem:$0x9350];
	_ =	sdelay $0x4  }
0x1bd: {  	[tilespmem:v2+s25+$0x0] =	vst.idx.msk $0xffff, v1  }
0x1be: {  	v2 =	vor.u32 $0x3602, v0;
	v1 =	vld [tilespmem:$0x9360];
	_ =	sdelay $0x4  }
0x1bf: {  	[tilespmem:v2+s25+$0x0] =	vst.idx.msk $0xffff, v1  }
0x1c0: {  	v2 =	vor.u32 $0x3702, v0;
	v1 =	vld [tilespmem:$0x9370];
	_ =	sdelay $0x4  }
0x1c1: {  	[tilespmem:v2+s25+$0x0] =	vst.idx.msk $0xffff, v1  }
0x1c2: {  	v2 =	vor.u32 $0x3802, v0;
	v1 =	vld [tilespmem:$0x9380];
	_ =	sdelay $0x4  }
0x1c3: {  	[tilespmem:v2+s25+$0x0] =	vst.idx.msk $0xffff, v1  }
0x1c4: {  	v2 =	vor.u32 $0x3902, v0;
	v1 =	vld [tilespmem:$0x9390];
	_ =	sdelay $0x4  }
0x1c5: {  	[tilespmem:v2+s25+$0x0] =	vst.idx.msk $0xffff, v1  }
0x1c6: {  	v2 =	vor.u32 $0x3A02, v0;
	v1 =	vld [tilespmem:$0x93A0];
	_ =	sdelay $0x4  }
0x1c7: {  	[tilespmem:v2+s25+$0x0] =	vst.idx.msk $0xffff, v1  }
0x1c8: {  	v2 =	vor.u32 $0x3B02, v0;
	v1 =	vld [tilespmem:$0x93B0];
	_ =	sdelay $0x4  }
0x1c9: {  	[tilespmem:v2+s25+$0x0] =	vst.idx.msk $0xffff, v1  }
0x1ca: {  	v2 =	vor.u32 $0x3C02, v0;
	v1 =	vld [tilespmem:$0x93C0];
	_ =	sdelay $0x4  }
0x1cb: {  	[tilespmem:v2+s25+$0x0] =	vst.idx.msk $0xffff, v1  }
0x1cc: {  	v2 =	vor.u32 $0x3D02, v0;
	v1 =	vld [tilespmem:$0x93D0];
	_ =	sdelay $0x4  }
0x1cd: {  	[tilespmem:v2+s25+$0x0] =	vst.idx.msk $0xffff, v1  }
0x1ce: {  	v2 =	vor.u32 $0x3E02, v0;
	v1 =	vld [tilespmem:$0x93E0];
	_ =	sdelay $0x4  }
0x1cf: {  	[tilespmem:v2+s25+$0x0] =	vst.idx.msk $0xffff, v1  }
0x1d0: {  	v2 =	vor.u32 $0x3F02, v0;
	v1 =	vld [tilespmem:$0x93F0];
	_ =	sdelay $0x4  }
0x1d1: {  	[tilespmem:v2+s25+$0x0] =	vst.idx.msk $0xffff, v1  }
0x1d2: {  	v2 =	vor.u32 $0x3, v0;
	v1 =	vld [tilespmem:$0x9400];
	_ =	sdelay $0x4  }
0x1d3: {  	[tilespmem:v2+s25+$0x0] =	vst.idx.msk $0xffff, v1  }
0x1d4: {  	v2 =	vor.u32 $0x103, v0;
	v1 =	vld [tilespmem:$0x9410];
	_ =	sdelay $0x4  }
0x1d5: {  	[tilespmem:v2+s25+$0x0] =	vst.idx.msk $0xffff, v1  }
0x1d6: {  	v2 =	vor.u32 $0x203, v0;
	v1 =	vld [tilespmem:$0x9420];
	_ =	sdelay $0x4  }
0x1d7: {  	[tilespmem:v2+s25+$0x0] =	vst.idx.msk $0xffff, v1  }
0x1d8: {  	v2 =	vor.u32 $0x303, v0;
	v1 =	vld [tilespmem:$0x9430];
	_ =	sdelay $0x4  }
0x1d9: {  	[tilespmem:v2+s25+$0x0] =	vst.idx.msk $0xffff, v1  }
0x1da: {  	v2 =	vor.u32 $0x403, v0;
	v1 =	vld [tilespmem:$0x9440];
	_ =	sdelay $0x4  }
0x1db: {  	[tilespmem:v2+s25+$0x0] =	vst.idx.msk $0xffff, v1  }
0x1dc: {  	v2 =	vor.u32 $0x503, v0;
	v1 =	vld [tilespmem:$0x9450];
	_ =	sdelay $0x4  }
0x1dd: {  	[tilespmem:v2+s25+$0x0] =	vst.idx.msk $0xffff, v1  }
0x1de: {  	v2 =	vor.u32 $0x603, v0;
	v1 =	vld [tilespmem:$0x9460];
	_ =	sdelay $0x4  }
0x1df: {  	[tilespmem:v2+s25+$0x0] =	vst.idx.msk $0xffff, v1  }
0x1e0: {  	v2 =	vor.u32 $0x703, v0;
	v1 =	vld [tilespmem:$0x9470];
	_ =	sdelay $0x4  }
0x1e1: {  	[tilespmem:v2+s25+$0x0] =	vst.idx.msk $0xffff, v1  }
0x1e2: {  	v2 =	vor.u32 $0x803, v0;
	v1 =	vld [tilespmem:$0x9480];
	_ =	sdelay $0x4  }
0x1e3: {  	[tilespmem:v2+s25+$0x0] =	vst.idx.msk $0xffff, v1  }
0x1e4: {  	v2 =	vor.u32 $0x903, v0;
	v1 =	vld [tilespmem:$0x9490];
	_ =	sdelay $0x4  }
0x1e5: {  	[tilespmem:v2+s25+$0x0] =	vst.idx.msk $0xffff, v1  }
0x1e6: {  	v2 =	vor.u32 $0xA03, v0;
	v1 =	vld [tilespmem:$0x94A0];
	_ =	sdelay $0x4  }
0x1e7: {  	[tilespmem:v2+s25+$0x0] =	vst.idx.msk $0xffff, v1  }
0x1e8: {  	v2 =	vor.u32 $0xB03, v0;
	v1 =	vld [tilespmem:$0x94B0];
	_ =	sdelay $0x4  }
0x1e9: {  	[tilespmem:v2+s25+$0x0] =	vst.idx.msk $0xffff, v1  }
0x1ea: {  	v2 =	vor.u32 $0xC03, v0;
	v1 =	vld [tilespmem:$0x94C0];
	_ =	sdelay $0x4  }
0x1eb: {  	[tilespmem:v2+s25+$0x0] =	vst.idx.msk $0xffff, v1  }
0x1ec: {  	v2 =	vor.u32 $0xD03, v0;
	v1 =	vld [tilespmem:$0x94D0];
	_ =	sdelay $0x4  }
0x1ed: {  	[tilespmem:v2+s25+$0x0] =	vst.idx.msk $0xffff, v1  }
0x1ee: {  	v2 =	vor.u32 $0xE03, v0;
	v1 =	vld [tilespmem:$0x94E0];
	_ =	sdelay $0x4  }
0x1ef: {  	[tilespmem:v2+s25+$0x0] =	vst.idx.msk $0xffff, v1  }
0x1f0: {  	v2 =	vor.u32 $0xF03, v0;
	v1 =	vld [tilespmem:$0x94F0];
	_ =	sdelay $0x4  }
0x1f1: {  	[tilespmem:v2+s25+$0x0] =	vst.idx.msk $0xffff, v1  }
0x1f2: {  	v2 =	vor.u32 $0x1003, v0;
	v1 =	vld [tilespmem:$0x9500];
	_ =	sdelay $0x4  }
0x1f3: {  	[tilespmem:v2+s25+$0x0] =	vst.idx.msk $0xffff, v1  }
0x1f4: {  	v2 =	vor.u32 $0x1103, v0;
	v1 =	vld [tilespmem:$0x9510];
	_ =	sdelay $0x4  }
0x1f5: {  	[tilespmem:v2+s25+$0x0] =	vst.idx.msk $0xffff, v1  }
0x1f6: {  	v2 =	vor.u32 $0x1203, v0;
	v1 =	vld [tilespmem:$0x9520];
	_ =	sdelay $0x4  }
0x1f7: {  	[tilespmem:v2+s25+$0x0] =	vst.idx.msk $0xffff, v1  }
0x1f8: {  	v2 =	vor.u32 $0x1303, v0;
	v1 =	vld [tilespmem:$0x9530];
	_ =	sdelay $0x4  }
0x1f9: {  	[tilespmem:v2+s25+$0x0] =	vst.idx.msk $0xffff, v1  }
0x1fa: {  	v2 =	vor.u32 $0x1403, v0;
	v1 =	vld [tilespmem:$0x9540];
	_ =	sdelay $0x4  }
0x1fb: {  	[tilespmem:v2+s25+$0x0] =	vst.idx.msk $0xffff, v1  }
0x1fc: {  	v2 =	vor.u32 $0x1503, v0;
	v1 =	vld [tilespmem:$0x9550];
	_ =	sdelay $0x4  }
0x1fd: {  	[tilespmem:v2+s25+$0x0] =	vst.idx.msk $0xffff, v1  }
0x1fe: {  	v2 =	vor.u32 $0x1603, v0;
	v1 =	vld [tilespmem:$0x9560];
	_ =	sdelay $0x4  }
0x1ff: {  	[tilespmem:v2+s25+$0x0] =	vst.idx.msk $0xffff, v1  }
0x200: {  	v2 =	vor.u32 $0x1703, v0;
	v1 =	vld [tilespmem:$0x9570];
	_ =	sdelay $0x4  }
0x201: {  	[tilespmem:v2+s25+$0x0] =	vst.idx.msk $0xffff, v1  }
0x202: {  	v2 =	vor.u32 $0x1803, v0;
	v1 =	vld [tilespmem:$0x9580];
	_ =	sdelay $0x4  }
0x203: {  	[tilespmem:v2+s25+$0x0] =	vst.idx.msk $0xffff, v1  }
0x204: {  	v2 =	vor.u32 $0x1903, v0;
	v1 =	vld [tilespmem:$0x9590];
	_ =	sdelay $0x4  }
0x205: {  	[tilespmem:v2+s25+$0x0] =	vst.idx.msk $0xffff, v1  }
0x206: {  	v2 =	vor.u32 $0x1A03, v0;
	v1 =	vld [tilespmem:$0x95A0];
	_ =	sdelay $0x4  }
0x207: {  	[tilespmem:v2+s25+$0x0] =	vst.idx.msk $0xffff, v1  }
0x208: {  	v2 =	vor.u32 $0x1B03, v0;
	v1 =	vld [tilespmem:$0x95B0];
	_ =	sdelay $0x4  }
0x209: {  	[tilespmem:v2+s25+$0x0] =	vst.idx.msk $0xffff, v1  }
0x20a: {  	v2 =	vor.u32 $0x1C03, v0;
	v1 =	vld [tilespmem:$0x95C0];
	_ =	sdelay $0x4  }
0x20b: {  	[tilespmem:v2+s25+$0x0] =	vst.idx.msk $0xffff, v1  }
0x20c: {  	v2 =	vor.u32 $0x1D03, v0;
	v1 =	vld [tilespmem:$0x95D0];
	_ =	sdelay $0x4  }
0x20d: {  	[tilespmem:v2+s25+$0x0] =	vst.idx.msk $0xffff, v1  }
0x20e: {  	v2 =	vor.u32 $0x1E03, v0;
	v1 =	vld [tilespmem:$0x95E0];
	_ =	sdelay $0x4  }
0x20f: {  	[tilespmem:v2+s25+$0x0] =	vst.idx.msk $0xffff, v1  }
0x210: {  	v2 =	vor.u32 $0x1F03, v0;
	v1 =	vld [tilespmem:$0x95F0];
	_ =	sdelay $0x4  }
0x211: {  	[tilespmem:v2+s25+$0x0] =	vst.idx.msk $0xffff, v1  }
0x212: {  	v2 =	vor.u32 $0x2003, v0;
	v1 =	vld [tilespmem:$0x9600];
	_ =	sdelay $0x4  }
0x213: {  	[tilespmem:v2+s25+$0x0] =	vst.idx.msk $0xffff, v1  }
0x214: {  	v2 =	vor.u32 $0x2103, v0;
	v1 =	vld [tilespmem:$0x9610];
	_ =	sdelay $0x4  }
0x215: {  	[tilespmem:v2+s25+$0x0] =	vst.idx.msk $0xffff, v1  }
0x216: {  	v2 =	vor.u32 $0x2203, v0;
	v1 =	vld [tilespmem:$0x9620];
	_ =	sdelay $0x4  }
0x217: {  	[tilespmem:v2+s25+$0x0] =	vst.idx.msk $0xffff, v1  }
0x218: {  	v2 =	vor.u32 $0x2303, v0;
	v1 =	vld [tilespmem:$0x9630];
	_ =	sdelay $0x4  }
0x219: {  	[tilespmem:v2+s25+$0x0] =	vst.idx.msk $0xffff, v1  }
0x21a: {  	v2 =	vor.u32 $0x2403, v0;
	v1 =	vld [tilespmem:$0x9640];
	_ =	sdelay $0x4  }
0x21b: {  	[tilespmem:v2+s25+$0x0] =	vst.idx.msk $0xffff, v1  }
0x21c: {  	v2 =	vor.u32 $0x2503, v0;
	v1 =	vld [tilespmem:$0x9650];
	_ =	sdelay $0x4  }
0x21d: {  	[tilespmem:v2+s25+$0x0] =	vst.idx.msk $0xffff, v1  }
0x21e: {  	v2 =	vor.u32 $0x2603, v0;
	v1 =	vld [tilespmem:$0x9660];
	_ =	sdelay $0x4  }
0x21f: {  	[tilespmem:v2+s25+$0x0] =	vst.idx.msk $0xffff, v1  }
0x220: {  	v2 =	vor.u32 $0x2703, v0;
	v1 =	vld [tilespmem:$0x9670];
	_ =	sdelay $0x4  }
0x221: {  	[tilespmem:v2+s25+$0x0] =	vst.idx.msk $0xffff, v1  }
0x222: {  	v2 =	vor.u32 $0x2803, v0;
	v1 =	vld [tilespmem:$0x9680];
	_ =	sdelay $0x4  }
0x223: {  	[tilespmem:v2+s25+$0x0] =	vst.idx.msk $0xffff, v1  }
0x224: {  	v2 =	vor.u32 $0x2903, v0;
	v1 =	vld [tilespmem:$0x9690];
	_ =	sdelay $0x4  }
0x225: {  	[tilespmem:v2+s25+$0x0] =	vst.idx.msk $0xffff, v1  }
0x226: {  	v2 =	vor.u32 $0x2A03, v0;
	v1 =	vld [tilespmem:$0x96A0];
	_ =	sdelay $0x4  }
0x227: {  	[tilespmem:v2+s25+$0x0] =	vst.idx.msk $0xffff, v1  }
0x228: {  	v2 =	vor.u32 $0x2B03, v0;
	v1 =	vld [tilespmem:$0x96B0];
	_ =	sdelay $0x4  }
0x229: {  	[tilespmem:v2+s25+$0x0] =	vst.idx.msk $0xffff, v1  }
0x22a: {  	v2 =	vor.u32 $0x2C03, v0;
	v1 =	vld [tilespmem:$0x96C0];
	_ =	sdelay $0x4  }
0x22b: {  	[tilespmem:v2+s25+$0x0] =	vst.idx.msk $0xffff, v1  }
0x22c: {  	v2 =	vor.u32 $0x2D03, v0;
	v1 =	vld [tilespmem:$0x96D0];
	_ =	sdelay $0x4  }
0x22d: {  	[tilespmem:v2+s25+$0x0] =	vst.idx.msk $0xffff, v1  }
0x22e: {  	v2 =	vor.u32 $0x2E03, v0;
	v1 =	vld [tilespmem:$0x96E0];
	_ =	sdelay $0x4  }
0x22f: {  	[tilespmem:v2+s25+$0x0] =	vst.idx.msk $0xffff, v1  }
0x230: {  	v2 =	vor.u32 $0x2F03, v0;
	v1 =	vld [tilespmem:$0x96F0];
	_ =	sdelay $0x4  }
0x231: {  	[tilespmem:v2+s25+$0x0] =	vst.idx.msk $0xffff, v1  }
0x232: {  	v2 =	vor.u32 $0x3003, v0;
	v1 =	vld [tilespmem:$0x9700];
	_ =	sdelay $0x4  }
0x233: {  	[tilespmem:v2+s25+$0x0] =	vst.idx.msk $0xffff, v1  }
0x234: {  	v2 =	vor.u32 $0x3103, v0;
	v1 =	vld [tilespmem:$0x9710];
	_ =	sdelay $0x4  }
0x235: {  	[tilespmem:v2+s25+$0x0] =	vst.idx.msk $0xffff, v1  }
0x236: {  	v2 =	vor.u32 $0x3203, v0;
	v1 =	vld [tilespmem:$0x9720];
	_ =	sdelay $0x4  }
0x237: {  	[tilespmem:v2+s25+$0x0] =	vst.idx.msk $0xffff, v1  }
0x238: {  	v2 =	vor.u32 $0x3303, v0;
	v1 =	vld [tilespmem:$0x9730];
	_ =	sdelay $0x4  }
0x239: {  	[tilespmem:v2+s25+$0x0] =	vst.idx.msk $0xffff, v1  }
0x23a: {  	v2 =	vor.u32 $0x3403, v0;
	v1 =	vld [tilespmem:$0x9740];
	_ =	sdelay $0x4  }
0x23b: {  	[tilespmem:v2+s25+$0x0] =	vst.idx.msk $0xffff, v1  }
0x23c: {  	v2 =	vor.u32 $0x3503, v0;
	v1 =	vld [tilespmem:$0x9750];
	_ =	sdelay $0x4  }
0x23d: {  	[tilespmem:v2+s25+$0x0] =	vst.idx.msk $0xffff, v1  }
0x23e: {  	v2 =	vor.u32 $0x3603, v0;
	v1 =	vld [tilespmem:$0x9760];
	_ =	sdelay $0x4  }
0x23f: {  	[tilespmem:v2+s25+$0x0] =	vst.idx.msk $0xffff, v1  }
0x240: {  	v2 =	vor.u32 $0x3703, v0;
	v1 =	vld [tilespmem:$0x9770];
	_ =	sdelay $0x4  }
0x241: {  	[tilespmem:v2+s25+$0x0] =	vst.idx.msk $0xffff, v1  }
0x242: {  	v2 =	vor.u32 $0x3803, v0;
	v1 =	vld [tilespmem:$0x9780];
	_ =	sdelay $0x4  }
0x243: {  	[tilespmem:v2+s25+$0x0] =	vst.idx.msk $0xffff, v1  }
0x244: {  	v2 =	vor.u32 $0x3903, v0;
	v1 =	vld [tilespmem:$0x9790];
	_ =	sdelay $0x4  }
0x245: {  	[tilespmem:v2+s25+$0x0] =	vst.idx.msk $0xffff, v1  }
0x246: {  	v2 =	vor.u32 $0x3A03, v0;
	v1 =	vld [tilespmem:$0x97A0];
	_ =	sdelay $0x4  }
0x247: {  	[tilespmem:v2+s25+$0x0] =	vst.idx.msk $0xffff, v1  }
0x248: {  	v2 =	vor.u32 $0x3B03, v0;
	v1 =	vld [tilespmem:$0x97B0];
	_ =	sdelay $0x4  }
0x249: {  	[tilespmem:v2+s25+$0x0] =	vst.idx.msk $0xffff, v1  }
0x24a: {  	v2 =	vor.u32 $0x3C03, v0;
	v1 =	vld [tilespmem:$0x97C0];
	_ =	sdelay $0x4  }
0x24b: {  	[tilespmem:v2+s25+$0x0] =	vst.idx.msk $0xffff, v1  }
0x24c: {  	v2 =	vor.u32 $0x3D03, v0;
	v1 =	vld [tilespmem:$0x97D0];
	_ =	sdelay $0x4  }
0x24d: {  	[tilespmem:v2+s25+$0x0] =	vst.idx.msk $0xffff, v1  }
0x24e: {  	v2 =	vor.u32 $0x3E03, v0;
	v1 =	vld [tilespmem:$0x97E0];
	_ =	sdelay $0x4  }
0x24f: {  	[tilespmem:v2+s25+$0x0] =	vst.idx.msk $0xffff, v1  }
0x250: {  	v2 =	vor.u32 $0x3F03, v0;
	v1 =	vld [tilespmem:$0x97F0];
	_ =	sdelay $0x4  }
0x251: {  	[tilespmem:v2+s25+$0x0] =	vst.idx.msk $0xffff, v1  }
0x252: {  	v2 =	vld [tilespmem:$0x1FFF0];
	_ =	swait.ge [sflag:s26], $0x800  }
0x253: {  	[sflag:s26] =	ssyncset.done $0x0  }
0x254: {  	[sflag:s26] =	ssyncadd.s32 $0xFFFFF800  }
0x255: {  	_ =	swait.ge [sflag:s26], $0x800  }
0x256: {  	[sflag:s26] =	ssyncset.done $0x0  }
0x257: {  	[sflag:s26] =	ssyncadd.s32 $0xFFFFF800  }
0x258: {  	_ =	swait.ge [sflag:s26], $0x800  }
0x259: {  	[sflag:s26] =	ssyncset.done $0x0  }
0x25a: {  	[sflag:s26] =	ssyncadd.s32 $0xFFFFF800  }
0x25b: {  	_ =	swait.ge [sflag:s26], $0x800  }
0x25c: {  	[sflag:s26] =	ssyncset.done $0x0  }
0x25d: {  	[sflag:s26] =	ssyncadd.s32 $0xFFFFF800  }
0x25e: {  	_ =	swait.ge [sflag:s26], $0x800  }
0x25f: {  	[sflag:s26] =	ssyncset.done $0x0  }
0x260: {  	[sflag:s26] =	ssyncadd.s32 $0xFFFFF800  }
0x261: {  	_ =	swait.ge [sflag:s26], $0x800  }
0x262: {  	[sflag:s26] =	ssyncset.done $0x0  }
0x263: {  	[sflag:s26] =	ssyncadd.s32 $0xFFFFF800  }
0x264: {  	_ =	swait.ge [sflag:s26], $0x800  }
0x265: {  	[sflag:s26] =	ssyncset.done $0x0  }
0x266: {  	[sflag:s26] =	ssyncadd.s32 $0xFFFFF800  }
0x267: {  	_ =	swait.ge [sflag:s26], $0x800  }
0x268: {  	[sflag:s26] =	ssyncset.done $0x0  }
0x269: {  	[sflag:s26] =	ssyncadd.s32 $0xFFFFF800  }
0x26a: {  	_ =	swait.ge [sflag:s26], $0x800  }
0x26b: {  	[sflag:s26] =	ssyncset.done $0x0  }
0x26c: {  	[sflag:s26] =	ssyncadd.s32 $0xFFFFF800  }
0x26d: {  	_ =	swait.ge [sflag:s26], $0x800  }
0x26e: {  	[sflag:s26] =	ssyncset.done $0x0  }
0x26f: {  	[sflag:s26] =	ssyncadd.s32 $0xFFFFF800  }
0x270: {  	_ =	swait.ge [sflag:s26], $0x800  }
0x271: {  	[sflag:s26] =	ssyncset.done $0x0  }
0x272: {  	[sflag:s26] =	ssyncadd.s32 $0xFFFFF800  }
0x273: {  	_ =	swait.ge [sflag:s26], $0x800  }
0x274: {  	[sflag:s26] =	ssyncset.done $0x0  }
0x275: {  	[sflag:s26] =	ssyncadd.s32 $0xFFFFF800  }
0x276: {  	_ =	swait.ge [sflag:s26], $0x800  }
0x277: {  	[sflag:s26] =	ssyncset.done $0x0  }
0x278: {  	[sflag:s26] =	ssyncadd.s32 $0xFFFFF800  }
0x279: {  	_ =	swait.ge [sflag:s26], $0x800  }
0x27a: {  	[sflag:s26] =	ssyncset.done $0x0  }
0x27b: {  	[sflag:s26] =	ssyncadd.s32 $0xFFFFF800  }
0x27c: {  	_ =	swait.ge [sflag:s26], $0x800  }
0x27d: {  	[sflag:s26] =	ssyncset.done $0x0  }
0x27e: {  	[sflag:s26] =	ssyncadd.s32 $0xFFFFF800  }
0x27f: {  	_ =	swait.ge [sflag:s26], $0x800  }
0x280: {  	s4 =	rddreg [dreg:$0x3];
	[sflag:s26] =	ssyncset.done $0x0  }
0x281: {  	[sflag:s26] =	ssyncadd.s32 $0xFFFFF800;
	s0 =	sadd.s32 s1, s4  }
0x282: {  	[hbm4b:s0+s2] =	stream.linear.scatter [tilespmem:s11], [sflag:$0x2], $0x4000, $0x38;
	[tilespmem:$0xD800] =	vst v63  }
0x283: {  	_ =	swait.ge [sflag:s8], $0x4000  }
0x284: {  	s5 =	rddreg [dreg:$0x2];
	[sflag:s8] =	ssyncset.done $0x0  }
0x285: {  	[sflag:s8] =	ssyncadd.s32 $0xFFFFC000;
	s0 =	sadd.s32 s1, s5  }
0x286: {  	[hbm4b:s0+s2] =	stream.linear.scatter [tilespmem:s12], [sflag:$0x2], $0x4000, $0x38;
	[tilespmem:$0xD800] =	vst v63  }
0x287: {  	_ =	swait.ge [sflag:s8], $0x4000  }
0x288: {  	p0 =	sne.s32 s1, $0x18000;
	s6 =	rddreg [dreg:$0x4];
	[sflag:s8] =	ssyncset.done $0x0  }
.Ltmp0:
0x289: {  	[sflag:s8] =	ssyncadd.s32 $0xFFFFC000;
	s0 =	sadd.s32 s1, s6;
	(pc) =	sbr.rel @p0 .LBB2_2-.Ltmp0, $4  }
0x28a: {  	[hbm4b:s0+s2] =	stream.linear.scatter [tilespmem:s25], [sflag:$0x2], $0x4000, $0x38;
	[tilespmem:$0xD800] =	vst v63  }
0x28b: {  	_ =	swait.ge [sflag:s8], $0x4000  }
0x28c: {  	s30 =	sadd.s32 $0x80, s30;
	s31 =	sadd.s32 $0x80, s31;
	[sflag:s8] =	ssyncset.done $0x0  }
0x28d: {  	s29 =	sadd.s32 $0x80, s29;
	s1 =	sadd.s32 $0x800, s1;
	[sflag:s8] =	ssyncadd.s32 $0xFFFFC000  }
0x28e: {  	s28 =	sadd.s32 $0x1, s28;
	s0 =	rddreg [dreg:$0x16]  }
0x28f: {  	p0 =	sne.s32 s28, s0  }
.Ltmp1:
0x290: {  	_ = 	snop;
	(pc) =	sbr.rel @p0 .LBB2_1-.Ltmp1, $1  }
0x291: {  	_ =	sdelay $0x3  }
0x292: {  	_ =	sfence.sel $0x180000  }
0x293: {  	[bflag:$0x0] =	sbarrier.arrive $0xFFFF  }
0x294: {  	_ =	strace $0x90000047  }
0x295: {  	s0 =	stileid.u32;
	[bflag:$0x2] =	sbarrier.arrive $0xFFFF  }
0x296: {  	p0 =	sne.s32 s0, $0x0;
	s0 =	rddreg [dreg:$0x1]  }
0x297: {  	s0 =	sadd.s32 @!p0 $0x100000, s0  }
0x298: {  	[sflag:s0] =	ssyncadd.tile.s32 @!p0 $0x1;
	_ =	shalt  }
.Lfunc_end2:
_tile_overlayer_lowered:
.L_overlay_start_2:
0x299: {  	(tag) =	ssettag $0x2  }
0x29a: {  	s0 =	rddreg [dreg:$0x0];
	s2 =	stileid.u32  }
0x29b: {  	s1 =	rddreg [dreg:$0x1];
	p0 =	sne.s32 s2, $0x0  }
0x29c: {  	s3 =	rddreg [dreg:$0x2];
	[bflag:$0x3] =	sbarrier.arrive $0xFFFF;
	s2 =	simm.s32 @!p0 $0x1C02  }
0x29d: {  	[timem:s3], [sflag:s2] =	dma.local @!p0 [hbm:s0], s1  }
0x29e: {  	s0 =	simm.s32 @!p0 $0x2  }
0x29f: {  	_ =	swait.ge @!p0 [sflag:s0], s1  }
0x2a0: {  	s1 =	ssub.s32 @!p0 $0x0, s1;
	[sflag:s0] =	ssyncset.done @!p0 $0x0  }
0x2a1: {  	[sflag:s0] =	ssyncadd.s32 @!p0 s1  }
0x2a2: {  	[bflag:$0x3] =	sbarrier.arrive $0xFFFF  }
0x2a3: {  	_ =	shalt  }

// kernel: kernel.9.cloned.1.call-start
scs
__scs_entry_jumppad:
0x0: {  	(pc) =	sbr.rel $0x88, $3  }
0x1: {  	(tag) =	ssettag $0x0;
	lr =	simm.s32 $0x1  }
0x2: {  	[smem:$0x3F82] =	sst lr;
	_ =	strace $0xD0000000  }
0x3: {  	_ = 	snop  }
0x4: {  	_ = 	snop  }
0x5: {  	_ = 	snop  }
0x6: {  	_ = 	snop  }
0x7: {  	_ = 	snop  }
__scs_overlays_trampoline_lowered:
0x8: {  	[smem:$0x3F91] =	sst s0  }
0x9: {  	[smem:$0x3F92] =	sst s1  }
0xa: {  	[smem:$0x3F93] =	sst s2  }
0xb: {  	[smem:$0x3F94] =	sst s3  }
0xc: {  	[smem:$0x3F95] =	sst s4  }
0xd: {  	[smem:$0x3F96] =	sst s5  }
0xe: {  	[smem:$0x3F97] =	sst s6  }
0xf: {  	[smem:$0x3F98] =	sst s7  }
0x10: {  	[smem:$0x3F99] =	sst s8  }
0x11: {  	[smem:$0x3F9A] =	sst s9;
	s0 =	simm.s32 @!p0 $0x0  }
0x12: {  	s1 =	sld [smem:$0x3F80];
	s0 =	simm.s32 @p0 $0x1  }
0x13: {  	[smem:$0x3F9B] =	sst s0;
	s0 =	simm.s32 @!p1 $0x0  }
0x14: {  	s2 =	sld [smem:$0x3F7F];
	s0 =	simm.s32 @p1 $0x1  }
0x15: {  	[smem:$0x3F9C] =	sst s0;
	s0 =	simm.s32 @!p2 $0x0  }
0x16: {  	s3 =	sld [smem:$0x3FDB];
	s0 =	simm.s32 @p2 $0x1  }
0x17: {  	s4 =	simm.s32 $0x1BF5;
	[smem:$0x3F9E] =	sst s0  }
0x18: {  	s0 =	sld [smem:$0x3F81];
	_ =	swait.ge [sflag:s4], $0x0  }
0x19: {  	s7 =	sld [smem:$0x3F82]  }
0x1a: {  	s8 =	sadd.s32 $0xFFFFE003, lr  }
0x1b: {  	s9 =	sadd.s32 $0xFFFFFEF7, lr;
	s5 =	simm.s32 $0xFFFFFFFF;
	p2 =	slt.u32 s8, $0xFFFFF086  }
0x1c: {  	p1 =	slt.u32 s9, $0xF7A;
	s5 =	simm.s32 @!p2 $0x0  }
0x1d: {  	s5 =	simm.s32 @p1 $0x1;
	p0 =	seq.s32 s7, s2  }
0x1e: {  	s7 =	smul.u32 @!p0 $0xF7A, s2;
	p2 =	seq.s32 @!p0 s5, $0x0  }
0x1f: {  	s9 =	smul.u32 $0xF7A, s1;
	s8 =	simm.s32 @!p0 $0x1BF5;
	p2 =	por !p2, p0  }
0x20: {  	[sflag:s8] =	ssyncset.s32 @!p0 $0xFFFFF086;
	s6 =	sadd.s32 @!p0 s3, s7;
	s7 =	simm.s32 @!p0 $0x108  }
0x21: {  	s3 =	sadd.s32 s3, s9;
	s6 =	sadd.s32 @!p0 $0x88, s6;
	s7 =	simm.s32 @p2 $0x1082  }
0x22: {  	[simem:s7], [sflag:s8] =	dma.local @!p0 [hbm:s6], $0xF7A  }
0x23: {  	s9 =	sor.u32 $0xD0000000, s2;
	s6 =	simm.s32 $0x108;
	_ =	swait.ge @!p0 [sflag:s8], $0x0  }
0x24: {  	s3 =	sadd.s32 $0x88, s3;
	s6 =	simm.s32 @!p1 $0x1082;
	[sflag:s4] =	ssyncset.s32 $0xFFFFF086  }
0x25: {  	[simem:s6], [sflag:s4] =	dma.local [hbm:s3], $0xF7A  }
0x26: {  	[smem:$0x3F82] =	sst s1;
	(tag) =	ssettag s2;
	_ =	strace s9  }
0x27: {  	s1 =	sld [smem:$0x3F92]  }
0x28: {  	s2 =	sld [smem:$0x3F93]  }
0x29: {  	s4 =	sld [smem:$0x3F95]  }
0x2a: {  	p0 =	seq.s32 s5, $0x0;
	s5 =	sld [smem:$0x3F96]  }
0x2b: {  	s6 =	sld [smem:$0x3F97]  }
0x2c: {  	s7 =	sld [smem:$0x3F98]  }
0x2d: {  	s3 =	simm.s32 $0x108;
	s8 =	sld [smem:$0x3F99]  }
0x2e: {  	s3 =	simm.s32 @!p0 $0x1082;
	s9 =	sld [smem:$0x3F9A]  }
0x2f: {  	lr =	sadd.s32 s0, s3;
	s0 =	sld [smem:$0x3F91]  }
0x30: {  	s3 =	sld [smem:$0x3F94]  }
0x31: {  	[smem:$0x3F9D] =	sst s10  }
0x32: {  	s10 =	sld [smem:$0x3F9B];
	_ =	sdelay $0x3  }
0x33: {  	p0 =	seq.s32 s10, $0x1;
	s10 =	sld [smem:$0x3F9D];
	_ =	sdelay $0x3  }
0x34: {  	[smem:$0x3F9D] =	sst s10  }
0x35: {  	s10 =	sld [smem:$0x3F9C];
	_ =	sdelay $0x3  }
0x36: {  	p1 =	seq.s32 s10, $0x1;
	s10 =	sld [smem:$0x3F9D];
	_ =	sdelay $0x3  }
0x37: {  	[smem:$0x3F9D] =	sst s10  }
0x38: {  	s10 =	sld [smem:$0x3F9E]  }
0x39: {  	_ = 	snop;
	(pc) =	sbr.ind lr, $3  }
0x3a: {  	_ = 	snop  }
0x3b: {  	_ = 	snop  }
0x3c: {  	p2 =	seq.s32 s10, $0x1;
	s10 =	sld [smem:$0x3F9D]  }
0x3d: {  	_ =	shalt  }
0x3e: {  	_ =	shalt  }
0x3f: {  	_ =	shalt  }
0x40: {  	_ =	shalt  }
0x41: {  	_ =	shalt  }
0x42: {  	_ =	shalt  }
0x43: {  	_ =	shalt  }
0x44: {  	_ =	shalt  }
0x45: {  	_ =	shalt  }
0x46: {  	_ =	shalt  }
0x47: {  	_ =	shalt  }
0x48: {  	_ =	shalt  }
0x49: {  	_ =	shalt  }
0x4a: {  	_ =	shalt  }
0x4b: {  	_ =	shalt  }
0x4c: {  	_ =	shalt  }
0x4d: {  	_ =	shalt  }
0x4e: {  	_ =	shalt  }
0x4f: {  	_ =	shalt  }
0x50: {  	_ =	shalt  }
0x51: {  	_ =	shalt  }
0x52: {  	_ =	shalt  }
0x53: {  	_ =	shalt  }
0x54: {  	_ =	shalt  }
0x55: {  	_ =	shalt  }
0x56: {  	_ =	shalt  }
0x57: {  	_ =	shalt  }
0x58: {  	_ =	shalt  }
0x59: {  	_ =	shalt  }
0x5a: {  	_ =	shalt  }
0x5b: {  	_ =	shalt  }
0x5c: {  	_ =	shalt  }
0x5d: {  	_ =	shalt  }
0x5e: {  	_ =	shalt  }
0x5f: {  	_ =	shalt  }
0x60: {  	_ =	shalt  }
0x61: {  	_ =	shalt  }
0x62: {  	_ =	shalt  }
0x63: {  	_ =	shalt  }
0x64: {  	_ =	shalt  }
0x65: {  	_ =	shalt  }
0x66: {  	_ =	shalt  }
0x67: {  	_ =	shalt  }
0x68: {  	_ =	shalt  }
0x69: {  	_ =	shalt  }
0x6a: {  	_ =	shalt  }
0x6b: {  	_ =	shalt  }
0x6c: {  	_ =	shalt  }
0x6d: {  	_ =	shalt  }
0x6e: {  	_ =	shalt  }
0x6f: {  	_ =	shalt  }
0x70: {  	_ =	shalt  }
0x71: {  	_ =	shalt  }
0x72: {  	_ =	shalt  }
0x73: {  	_ =	shalt  }
0x74: {  	_ =	shalt  }
0x75: {  	_ =	shalt  }
0x76: {  	_ =	shalt  }
0x77: {  	_ =	shalt  }
0x78: {  	_ =	shalt  }
0x79: {  	_ =	shalt  }
0x7a: {  	_ =	shalt  }
0x7b: {  	_ =	shalt  }
0x7c: {  	_ =	shalt  }
0x7d: {  	_ =	shalt  }
0x7e: {  	_ =	shalt  }
0x7f: {  	_ =	shalt  }
0x80: {  	_ =	shalt  }
0x81: {  	_ =	shalt  }
0x82: {  	_ =	shalt  }
0x83: {  	_ =	shalt  }
0x84: {  	_ =	shalt  }
0x85: {  	_ =	shalt  }
0x86: {  	_ =	shalt  }
0x87: {  	_ =	shalt  }
.Lfunc_end0:
.L_simem_size_0:
called_computation.1_lowered:
.L_overlay_start_0:
0x88: {  	s2 =	sld [smem:$0x3FD9]  }
0x89: {  	s3 =	sld [smem:$0x3FFE];
	_ =	sdelay $0x1  }
0x8a: {  	s1 =	srdreg.scid  }
0x8b: {  	s0 =	sand.u32 $0x1, s1  }
0x8c: {  	s16 =	sshll.u32 s0, $0xA;
	s2 =	sadd.s32 s3, s2  }
0x8d: {  	s2 =	sadd.s32 s2, s16  }
0x8e: {  	[smem:$0x3FA9] =	sst s2  }
0x8f: {  	_ = 	snop  }
0x90: {  	(tm) =	ssettm $0x1  }
0x91: {  	s17 =	sld [smem:$0x3FFB];
	_ =	sdelay $0x3  }
0x92: {  	_ =	strace s17  }
0x93: {  	s2 =	sld [smem:$0x3FFC];
	_ =	sdelay $0x3  }
0x94: {  	_ =	strace s2  }
0x95: {  	s2 =	sld [smem:$0x3FFD];
	_ =	sdelay $0x3  }
0x96: {  	_ =	strace s2  }
0x97: {  	_ =	strace $0x8FFFFFFF  }
0x98: {  	s18 =	sld [smem:$0x3FDB];
	_ =	sdelay $0x1  }
0x99: {  	s19 =	simm.s32 $_scs_section_size  }
0x9a: {  	s4 =	simm.s32 $_size__tile_overlayer_lowered;
	s5 =	simm.s32 $_tile_overlayer_lowered  }
0x9b: {  	s22 =	simm.s32 $0x1BFF;
	s21 =	sshll.u32 s5, $0x1;
	s2 =	sadd.s32 s19, s18  }
0x9c: {  	s6 =	simm.s32 $0x0;
	s20 =	sshll.u32 s4, $0x1;
	s4 =	sadd.s32 s21, s2  }
0x9d: {  	[timem:s6], [sflag:s22] =	dma.local [hbm:s4], s20  }
0x9e: {  	_ =	swait.ge [sflag:s22], s20  }
0x9f: {  	s3 =	ssub.s32 $0x0, s20;
	[sflag:s22] =	ssyncset.done $0x0  }
0xa0: {  	[sflag:s22] =	ssyncadd.s32 s3;
	_ =	sdelay $0x1  }
0xa1: {  	s23 =	simm.s32 $0x1B8B  }
0xa2: {  	_ =	swait.ge [sflag:s23], $0x1  }
0xa3: {  	[sflag:s23] =	ssyncset.done $0x0  }
0xa4: {  	s25 =	simm.s32 $0x1B8E;
	s24 =	sld [smem:$0x3FFE];
	[sflag:s23] =	ssyncadd.s32 $0xFFFFFFFF  }
0xa5: {  	s26 =	simm.s32 $execute0_lowered;
	[smem:$0x3FD2] =	sst s25  }
0xa6: {  	s4 =	sshll.u32 s26, $0x1;
	_ =	strace $0x80000049;
	[dreg:$0x1] =	wrdreg $0xFFFFFFFF  }
0xa7: {  	s28 =	simm.s32 $_size_execute0_lowered;
	s2 =	sadd.s32 s2, s4;
	[dreg:$0x0] =	wrdreg $0x0  }
0xa8: {  	s4 =	sshll.u32 s28, $0x1;
	[dreg:$0x2] =	wrdreg s2  }
0xa9: {  	[dreg:$0x3] =	wrdreg s4  }
0xaa: {  	[dreg:$0x4] =	wrdreg $0xC0  }
0xab: {  	_ =	task [dreg:s6], $0x5FFFF  }
0xac: {  	[dreg:$0x1] =	wrdreg $0xFFFFFFFF  }
0xad: {  	[dreg:$0x0] =	wrdreg $0x60  }
0xae: {  	[dreg:$0x2] =	wrdreg s24  }
0xaf: {  	[dreg:$0x3] =	wrdreg $0x44000  }
0xb0: {  	[dreg:$0x4] =	wrdreg $0x9  }
0xb1: {  	_ =	task.clear_ibuf [dreg:s6], $0x5FFFF;
	_ =	strace $0x90000049  }
0xb2: {  	s29 =	simm.s32 $0x9;
	_ =	strace $0x8000004B  }
0xb3: {  	_ =	swait.ge [sflag:s29], $0x1  }
0xb4: {  	[sflag:s29] =	ssyncadd.s32 $0xFFFFFFFF  }
0xb5: {  	_ =	strace $0x9000004B  }
0xb6: {  	_ =	sfence  }
0xb7: {  	s30 =	sld [smem:$0x0];
	_ =	sdelay $0x2  }
0xb8: {  	s31 =	sshll.u32 s1, $0xD;
	s1 =	sshrl.u32 s1, $0x2  }
0xb9: {  	s3 =	sand.u32 $0x4000, s31;
	s1 =	sadd.s32 s1, s30  }
0xba: {  	s0 =	sor.u32 s3, s0;
	s1 =	sshll.u32 s1, $0x11  }
0xbb: {  	s0 =	sor.u32 s1, s0  }
0xbc: {  	s0 =	sadd.s32 $0x8F2B, s0  }
0xbd: {  	[sflag:s0] =	ssyncadd.remote.s32 $0x1  }
0xbe: {  	_ =	sfence.sel $0xFFFF  }
0xbf: {  	[dreg:$0x0] =	wrdreg $0xFFFFFFFF;
	(pc) =	sbr.abs _section_cstart, $3  }
0xc0: {  	[dreg:$0x1] =	wrdreg $0xFFFFFFFF  }
0xc1: {  	_ =	task.clear_ibuf [dreg:s6], $0x2FFFF;
	_ =	strace $0x9FFFFFFF  }
0xc2: {  	(tm) =	ssettm $0x7FFFFFFF  }
0xc3: {  	_ =	shalt  }
tec
execute0_lowered:
.L_overlay_start_1:
0x0: {  	(tag) =	ssettag $0x1  }
0x1: {  	s0 =	rddreg [dreg:$0x0];
	s12 =	stileid.u32  }
0x2: {  	s3 =	srdreg.scid;
	s2 =	rddreg [dreg:$0x1];
	s13 =	simm.s32 $0x80  }
0x3: {  	s14 =	simm.s32 $0xC00;
	s15 =	simm.s32 $0x100;
	s16 =	simm.s32 $0x1400  }
0x4: {  	s17 =	simm.s32 $0x180;
	s18 =	simm.s32 $0x1C00;
	s1 =	smul.u32 $0x31000, s12  }
0x5: {  	s19 =	simm.s32 $0x200;
	s20 =	simm.s32 $0x2400;
	s4 =	smul.u32 $0x3100, s12  }
0x6: {  	s28 =	simm.s32 $0x3C00;
	s29 =	simm.s32 $0x0;
	s7 =	smul.u32 $0x186A0, s12  }
0x7: {  	s5 =	sand.u32 $0x1, s3;
	s3 =	simm.s32 $0x0;
	s8 =	smul.u32 $0x18780, s12  }
0x8: {  	s26 =	sshll.u32 s12, $0x6;
	s12 =	simm.s32 $0x400;
	s6 =	smul.u32 $0x186A00, s5  }
0x9: {  	[smem:$0x7FF] =	sst s3;
	s10 =	ssub.s32 $0x2, s5;
	s24 =	smul.u32 $0x18800, s5  }
0xa: {  	s30 =	smul.u32 $0x1880, s5;
	s5 =	sor.u32 $0x1C01, s26;
	s26 =	simm.s32 $0x380  }
0xb: {  	_ =	strace $0x8000004A;
	s1 =	sadd.s32 s1, s0;
	s9 =	sadd.s32 s4, s0  }
0xc: {  	s22 =	sshrl.u32 s8, $0x3;
	s23 =	sshrl.u32 s10, $0x1;
	s11 =	sadd.s32 s8, s2  }
0xd: {  	s31 =	sadd.s32 s7, s2;
	s21 =	sadd.s32 s7, s6;
	s6 =	sadd.s32 s22, s0  }
0xe: {  	s10 =	ssub.s32 s10, s23;
	s1 =	sadd.s32 s24, s1;
	s9 =	sadd.s32 s30, s9  }
0xf: {  	s22 =	simm.s32 $0x2C00;
	s23 =	simm.s32 $0x300;
	s24 =	simm.s32 $0x3400  }
0x10: {  	s4 =	sshrl.u32 s21, $0x3;
	s25 =	sadd.s32 $0x5C00, s6;
	s7 =	smax.u32 s10, $0x1  }
0x11: {  	s8 =	sadd.s32 $0x12C5000, s1;
	s9 =	sadd.s32 $0x36C00, s9;
	s10 =	sshrl.u32 s11, $0x3  }
0x12: {  	s11 =	simm.s32 $0x1;
	s21 =	simm.s32 $0x280;
	s0 =	sadd.s32 s4, s0  }
0x13: {  	[dreg:$0x3] =	wrdreg s25;
	s25 =	sshrl.u32 s31, $0x3;
	s6 =	sadd.s32 $0x67C00, s0  }
.LBB2_1:
0x14: {  	s0 =	rddreg [dreg:$0x3]  }
0x15: {  	[spmem:s10], [sflag:s5] =	dma.local [hbm:s0], $0x30F0  }
0x16: {  	_ =	swait.ge [sflag:s11], $0x30F0  }
0x17: {  	[sflag:s11] =	ssyncset.done $0x0  }
0x18: {  	[sflag:s11] =	ssyncadd.s32 $0xFFFFCF10  }
0x19: {  	s4 =	sadd.s32 $0x0, s9;
	[bflag:$0x0] =	sbarrier.arrive $0xFFFF  }
0x1a: {  	[tilespmem:s3], [sflag:$0x1] =	stream.linear.gather [hbm4b:s4+s3], $0x400, $0x38;
	[tilespmem:$0x1CB80] =	vst v63  }
0x1b: {  	_ =	swait.ge [sflag:s11], $0x400  }
0x1c: {  	[sflag:s11] =	ssyncset.done $0x0  }
0x1d: {  	[sflag:s11] =	ssyncadd.s32 $0xFFFFFC00  }
0x1e: {  	[tilespmem:s12], [sflag:$0x1] =	stream.linear.gather [hbm4b:s8+s3], $0x4000, $0x38;
	[tilespmem:$0x1CB80] =	vst v63  }
0x1f: {  	_ =	swait.ge [sflag:s11], $0x4000  }
0x20: {  	[sflag:s11] =	ssyncset.done $0x0  }
0x21: {  	[sflag:s11] =	ssyncadd.s32 $0xFFFFC000  }
0x22: {  	[spmem:s2] =	stream.indirect.scatter.add.f32 [tilespmem:s12], [sflag:$0x1], $0x10, s3, s13, $0xb8;
	[tilespmem:$0x1CB80] =	vst v63  }
0x23: {  	_ =	swait.ge [sflag:s11], $0x800  }
0x24: {  	[sflag:s11] =	ssyncset.done $0x0  }
0x25: {  	[sflag:s11] =	ssyncadd.s32 $0xFFFFF800  }
0x26: {  	[spmem:s2] =	stream.indirect.scatter.add.f32 [tilespmem:s14], [sflag:$0x1], $0x10, s13, s13, $0xb8;
	[tilespmem:$0x1CB80] =	vst v63  }
0x27: {  	_ =	swait.ge [sflag:s11], $0x800  }
0x28: {  	[sflag:s11] =	ssyncset.done $0x0  }
0x29: {  	[sflag:s11] =	ssyncadd.s32 $0xFFFFF800  }
0x2a: {  	[spmem:s2] =	stream.indirect.scatter.add.f32 [tilespmem:s16], [sflag:$0x1], $0x10, s15, s13, $0xb8;
	[tilespmem:$0x1CB80] =	vst v63  }
0x2b: {  	_ =	swait.ge [sflag:s11], $0x800  }
0x2c: {  	[sflag:s11] =	ssyncset.done $0x0  }
0x2d: {  	[sflag:s11] =	ssyncadd.s32 $0xFFFFF800  }
0x2e: {  	[spmem:s2] =	stream.indirect.scatter.add.f32 [tilespmem:s18], [sflag:$0x1], $0x10, s17, s13, $0xb8;
	[tilespmem:$0x1CB80] =	vst v63  }
0x2f: {  	_ =	swait.ge [sflag:s11], $0x800  }
0x30: {  	[sflag:s11] =	ssyncset.done $0x0  }
0x31: {  	[sflag:s11] =	ssyncadd.s32 $0xFFFFF800  }
0x32: {  	[spmem:s2] =	stream.indirect.scatter.add.f32 [tilespmem:s20], [sflag:$0x1], $0x10, s19, s13, $0xb8;
	[tilespmem:$0x1CB80] =	vst v63  }
0x33: {  	_ =	swait.ge [sflag:s11], $0x800  }
0x34: {  	[sflag:s11] =	ssyncset.done $0x0  }
0x35: {  	[sflag:s11] =	ssyncadd.s32 $0xFFFFF800  }
0x36: {  	[spmem:s2] =	stream.indirect.scatter.add.f32 [tilespmem:s22], [sflag:$0x1], $0x10, s21, s13, $0xb8;
	[tilespmem:$0x1CB80] =	vst v63  }
0x37: {  	_ =	swait.ge [sflag:s11], $0x800  }
0x38: {  	[sflag:s11] =	ssyncset.done $0x0  }
0x39: {  	[sflag:s11] =	ssyncadd.s32 $0xFFFFF800  }
0x3a: {  	[spmem:s2] =	stream.indirect.scatter.add.f32 [tilespmem:s24], [sflag:$0x1], $0x10, s23, s13, $0xb8;
	[tilespmem:$0x1CB80] =	vst v63  }
0x3b: {  	_ =	swait.ge [sflag:s11], $0x800  }
0x3c: {  	[sflag:s11] =	ssyncset.done $0x0  }
0x3d: {  	[sflag:s11] =	ssyncadd.s32 $0xFFFFF800  }
0x3e: {  	[spmem:s2] =	stream.indirect.scatter.add.f32 [tilespmem:s28], [sflag:$0x1], $0x10, s26, s13, $0xb8;
	[tilespmem:$0x1CB80] =	vst v63  }
0x3f: {  	s31 =	simm.s32 $0x80;
	_ =	swait.ge [sflag:s11], $0x800  }
0x40: {  	s1 =	simm.s32 $0x100;
	s30 =	sadd.s32 $0x800, s8;
	[sflag:s11] =	ssyncset.done $0x0  }
.LBB2_2:
0x41: {  	s4 =	sadd.s32 s31, s9  }
0x42: {  	[sflag:s11] =	ssyncadd.s32 $0xFFFFF800;
	s31 =	smov.u32 s1;
	s0 =	sadd.s32 $0x80, s1  }
0x43: {  	[tilespmem:s3], [sflag:$0x1] =	stream.linear.gather [hbm4b:s4+s3], $0x400, $0x38;
	[tilespmem:$0x1CB80] =	vst v63  }
0x44: {  	p0 =	sne.s32 s1, $0x1800;
	_ =	swait.ge [sflag:s11], $0x400  }
0x45: {  	[sflag:s11] =	ssyncset.done $0x0  }
0x46: {  	[sflag:s11] =	ssyncadd.s32 $0xFFFFFC00  }
0x47: {  	[tilespmem:s12], [sflag:$0x1] =	stream.linear.gather [hbm4b:s30+s3], $0x4000, $0x38;
	[tilespmem:$0x1CB80] =	vst v63  }
0x48: {  	_ =	swait.ge [sflag:s11], $0x4000  }
0x49: {  	[sflag:s11] =	ssyncset.done $0x0  }
0x4a: {  	[sflag:s11] =	ssyncadd.s32 $0xFFFFC000  }
0x4b: {  	[spmem:s2] =	stream.indirect.scatter.add.f32 [tilespmem:s12], [sflag:$0x1], $0x10, s3, s13, $0xb8;
	[tilespmem:$0x1CB80] =	vst v63  }
0x4c: {  	_ =	swait.ge [sflag:s11], $0x800  }
0x4d: {  	[sflag:s11] =	ssyncset.done $0x0  }
0x4e: {  	[sflag:s11] =	ssyncadd.s32 $0xFFFFF800  }
0x4f: {  	[spmem:s2] =	stream.indirect.scatter.add.f32 [tilespmem:s14], [sflag:$0x1], $0x10, s13, s13, $0xb8;
	[tilespmem:$0x1CB80] =	vst v63  }
0x50: {  	_ =	swait.ge [sflag:s11], $0x800  }
0x51: {  	[sflag:s11] =	ssyncset.done $0x0  }
0x52: {  	[sflag:s11] =	ssyncadd.s32 $0xFFFFF800  }
0x53: {  	[spmem:s2] =	stream.indirect.scatter.add.f32 [tilespmem:s16], [sflag:$0x1], $0x10, s15, s13, $0xb8;
	[tilespmem:$0x1CB80] =	vst v63  }
0x54: {  	_ =	swait.ge [sflag:s11], $0x800  }
0x55: {  	[sflag:s11] =	ssyncset.done $0x0  }
0x56: {  	[sflag:s11] =	ssyncadd.s32 $0xFFFFF800  }
0x57: {  	[spmem:s2] =	stream.indirect.scatter.add.f32 [tilespmem:s18], [sflag:$0x1], $0x10, s17, s13, $0xb8;
	[tilespmem:$0x1CB80] =	vst v63  }
0x58: {  	_ =	swait.ge [sflag:s11], $0x800  }
0x59: {  	[sflag:s11] =	ssyncset.done $0x0  }
0x5a: {  	[sflag:s11] =	ssyncadd.s32 $0xFFFFF800  }
0x5b: {  	[spmem:s2] =	stream.indirect.scatter.add.f32 [tilespmem:s20], [sflag:$0x1], $0x10, s19, s13, $0xb8;
	[tilespmem:$0x1CB80] =	vst v63  }
0x5c: {  	_ =	swait.ge [sflag:s11], $0x800  }
0x5d: {  	[sflag:s11] =	ssyncset.done $0x0  }
0x5e: {  	[sflag:s11] =	ssyncadd.s32 $0xFFFFF800  }
0x5f: {  	[spmem:s2] =	stream.indirect.scatter.add.f32 [tilespmem:s22], [sflag:$0x1], $0x10, s21, s13, $0xb8;
	[tilespmem:$0x1CB80] =	vst v63  }
0x60: {  	_ =	swait.ge [sflag:s11], $0x800  }
0x61: {  	[sflag:s11] =	ssyncset.done $0x0  }
0x62: {  	[sflag:s11] =	ssyncadd.s32 $0xFFFFF800  }
0x63: {  	[spmem:s2] =	stream.indirect.scatter.add.f32 [tilespmem:s24], [sflag:$0x1], $0x10, s23, s13, $0xb8;
	[tilespmem:$0x1CB80] =	vst v63  }
0x64: {  	_ =	swait.ge [sflag:s11], $0x800  }
.Ltmp0:
0x65: {  	[sflag:s11] =	ssyncset.done $0x0;
	(pc) =	sbr.rel @p0 .LBB2_2-.Ltmp0, $4  }
0x66: {  	[sflag:s11] =	ssyncadd.s32 $0xFFFFF800  }
0x67: {  	[spmem:s2] =	stream.indirect.scatter.add.f32 [tilespmem:s28], [sflag:$0x1], $0x10, s26, s13, $0xb8;
	[tilespmem:$0x1CB80] =	vst v63  }
0x68: {  	_ =	swait.ge [sflag:s11], $0x800  }
0x69: {  	s1 =	smov.u32 s0;
	s30 =	sadd.s32 $0x800, s30;
	[sflag:s11] =	ssyncset.done $0x0  }
0x6a: {  	s0 =	sadd.s32 s31, s9;
	[sflag:s11] =	ssyncadd.s32 $0xFFFFF800  }
0x6b: {  	[tilespmem:s3], [sflag:$0x1] =	stream.linear.gather [hbm4b:s0+s3], $0x400, $0x38;
	[tilespmem:$0x1CB80] =	vst v63  }
0x6c: {  	_ =	swait.ge [sflag:s11], $0x400  }
0x6d: {  	[sflag:s11] =	ssyncset.done $0x0  }
0x6e: {  	[sflag:s11] =	ssyncadd.s32 $0xFFFFFC00  }
0x6f: {  	[tilespmem:s12], [sflag:$0x1] =	stream.linear.gather [hbm4b:s30+s3], $0x4000, $0x38;
	[tilespmem:$0x1CB80] =	vst v63  }
0x70: {  	_ =	swait.ge [sflag:s11], $0x4000  }
0x71: {  	[sflag:s11] =	ssyncset.done $0x0  }
0x72: {  	[sflag:s11] =	ssyncadd.s32 $0xFFFFC000  }
0x73: {  	[spmem:s2] =	stream.indirect.scatter.add.f32 [tilespmem:s12], [sflag:$0x1], $0x10, s3, s13, $0xb8;
	[tilespmem:$0x1CB80] =	vst v63  }
0x74: {  	_ =	swait.ge [sflag:s11], $0x800  }
0x75: {  	[sflag:s11] =	ssyncset.done $0x0  }
0x76: {  	[sflag:s11] =	ssyncadd.s32 $0xFFFFF800  }
0x77: {  	[spmem:s2] =	stream.indirect.scatter.add.f32 [tilespmem:s14], [sflag:$0x1], $0x10, s13, s13, $0xb8;
	[tilespmem:$0x1CB80] =	vst v63  }
0x78: {  	_ =	swait.ge [sflag:s11], $0x800  }
0x79: {  	[sflag:s11] =	ssyncset.done $0x0  }
0x7a: {  	[sflag:s11] =	ssyncadd.s32 $0xFFFFF800  }
0x7b: {  	[spmem:s2] =	stream.indirect.scatter.add.f32 [tilespmem:s16], [sflag:$0x1], $0x10, s15, s13, $0xb8;
	[tilespmem:$0x1CB80] =	vst v63  }
0x7c: {  	_ =	swait.ge [sflag:s11], $0x800  }
0x7d: {  	[sflag:s11] =	ssyncset.done $0x0  }
0x7e: {  	[sflag:s11] =	ssyncadd.s32 $0xFFFFF800  }
0x7f: {  	[spmem:s2] =	stream.indirect.scatter.add.f32 [tilespmem:s18], [sflag:$0x1], $0x10, s17, s13, $0xb8;
	[tilespmem:$0x1CB80] =	vst v63  }
0x80: {  	_ =	swait.ge [sflag:s11], $0x800  }
0x81: {  	[sflag:s11] =	ssyncset.done $0x0  }
0x82: {  	[sflag:s11] =	ssyncadd.s32 $0xFFFFF800  }
0x83: {  	[spmem:s2] =	stream.indirect.scatter.add.f32 [tilespmem:s20], [sflag:$0x1], $0x10, s19, s13, $0xb8;
	[tilespmem:$0x1CB80] =	vst v63  }
0x84: {  	_ =	swait.ge [sflag:s11], $0x800  }
0x85: {  	[sflag:s11] =	ssyncset.done $0x0  }
0x86: {  	[sflag:s11] =	ssyncadd.s32 $0xFFFFF800  }
0x87: {  	[spmem:s2] =	stream.indirect.scatter.add.f32 [tilespmem:s22], [sflag:$0x1], $0x10, s21, s13, $0xb8;
	[tilespmem:$0x1CB80] =	vst v63  }
0x88: {  	_ =	swait.ge [sflag:s11], $0x800  }
0x89: {  	[sflag:s11] =	ssyncset.done $0x0  }
0x8a: {  	[sflag:s11] =	ssyncadd.s32 $0xFFFFF800  }
0x8b: {  	[spmem:s2] =	stream.indirect.scatter.add.f32 [tilespmem:s24], [sflag:$0x1], $0x10, s23, s13, $0xb8;
	[tilespmem:$0x1CB80] =	vst v63  }
0x8c: {  	_ =	swait.ge [sflag:s11], $0x800  }
0x8d: {  	[sflag:s11] =	ssyncset.done $0x0  }
0x8e: {  	[sflag:s11] =	ssyncadd.s32 $0xFFFFF800  }
0x8f: {  	[spmem:s2] =	stream.indirect.scatter.add.f32 [tilespmem:s28], [sflag:$0x1], $0x10, s26, s13, $0xb8;
	[tilespmem:$0x1CB80] =	vst v63  }
0x90: {  	_ =	swait.ge [sflag:s11], $0x800  }
0x91: {  	s29 =	sadd.s32 $0x1, s29;
	[sflag:s11] =	ssyncset.done $0x0  }
0x92: {  	p0 =	sne.s32 s29, s7;
	[sflag:s11] =	ssyncadd.s32 $0xFFFFF800  }
.Ltmp1:
0x93: {  	[bflag:$0x0] =	sbarrier.arrive $0xFFFF;
	(pc) =	sbr.rel @p0 .LBB2_1-.Ltmp1, $4  }
0x94: {  	[hbm:s6], [sflag:s5] =	dma.local [spmem:s25], $0x30D4  }
0x95: {  	_ =	swait.ge [sflag:s11], $0x30D4  }
0x96: {  	[sflag:s11] =	ssyncset.done $0x0  }
0x97: {  	[sflag:s11] =	ssyncadd.s32 $0xFFFFCF2C  }
0x98: {  	_ =	sfence.sel $0x180000  }
0x99: {  	[bflag:$0x0] =	sbarrier.arrive $0xFFFF  }
0x9a: {  	_ =	strace $0x9000004A  }
0x9b: {  	s0 =	stileid.u32;
	[bflag:$0x2] =	sbarrier.arrive $0xFFFF  }
0x9c: {  	p0 =	sne.s32 s0, $0x0;
	s0 =	rddreg [dreg:$0x2]  }
0x9d: {  	s0 =	sadd.s32 @!p0 $0x100000, s0  }
0x9e: {  	[sflag:s0] =	ssyncadd.tile.s32 @!p0 $0x1;
	_ =	shalt  }
.Lfunc_end2:
_tile_overlayer_lowered:
.L_overlay_start_2:
0x9f: {  	(tag) =	ssettag $0x2  }
0xa0: {  	s0 =	rddreg [dreg:$0x0];
	s2 =	stileid.u32  }
0xa1: {  	s1 =	rddreg [dreg:$0x1];
	p0 =	sne.s32 s2, $0x0  }
0xa2: {  	s3 =	rddreg [dreg:$0x2];
	[bflag:$0x3] =	sbarrier.arrive $0xFFFF;
	s2 =	simm.s32 @!p0 $0x1C01  }
0xa3: {  	[timem:s3], [sflag:s2] =	dma.local @!p0 [hbm:s0], s1  }
0xa4: {  	s0 =	simm.s32 @!p0 $0x1  }
0xa5: {  	_ =	swait.ge @!p0 [sflag:s0], s1  }
0xa6: {  	s1 =	ssub.s32 @!p0 $0x0, s1;
	[sflag:s0] =	ssyncset.done @!p0 $0x0  }
0xa7: {  	[sflag:s0] =	ssyncadd.s32 @!p0 s1  }
0xa8: {  	[bflag:$0x3] =	sbarrier.arrive $0xFFFF  }
0xa9: {  	_ =	shalt  }

</sc_bundles>
